<compile_context>
chip_gen: v7x
topology: tpu7x:2x2x1
jax: 0.10.2.dev20260603
libtpu: 0.0.44.dev20260713+nightly
codegen_flags: <defaults>
</compile_context>

<pallas_src>
import math

import jax
import jax.numpy as jnp
from jax.experimental import pallas as pl
from jax.experimental.pallas import tpu as pltpu
from jax.experimental.pallas import tpu_sc as plsc

D = 8
F = 16
H = 512
E = 8
G = 16
T = 8
BA = 512
PT = 64

_CC = (0.99999999229, -19.739205554, 64.939172233, -85.451165793,
       60.176230339, -26.000527874, 6.5756116427)
_SC = (6.2831852819, -41.341698214, 81.60506498, -76.702153785,
       42.02050104, -14.883472456, 3.2191699118)


def _gate_kernel(gate_ref, task_ref, xin_ref, wg_ref, ltri_ref,
                 srcs_ref, pos_ref, pos4_ref, offs_ref, tlo_ref, thi_ref,
                 counts_ref, carry_ref):
    p = pl.program_id(0)
    i = pl.program_id(1)
    nt = pl.num_programs(1) * 2 * BA // PT
    gate_in = gate_ref[...]
    task = task_ref[...]

    tids = jax.lax.broadcasted_iota(jnp.int32, (BA, T), 1)
    onehot = (task == tids).astype(jnp.float32)
    logits = jnp.zeros((BA, E), jnp.float32)
    for t in range(T):
        lt = jnp.dot(gate_in, wg_ref[t], preferred_element_type=jnp.float32,
                     precision=jax.lax.Precision.HIGHEST)
        logits = logits + onehot[:, t:t + 1] * lt

    eids = jax.lax.broadcasted_iota(jnp.int32, (BA, E), 1)
    m1 = jnp.max(logits, axis=1, keepdims=True)
    i1 = jnp.min(jnp.where(logits == m1, eids, E), axis=1, keepdims=True)
    masked = jnp.where(eids == i1, -jnp.inf, logits)
    m2 = jnp.max(masked, axis=1, keepdims=True)
    i2 = jnp.min(jnp.where(masked == m2, eids, E), axis=1, keepdims=True)
    ed = jnp.exp(m2 - m1)
    g1 = 1.0 / (1.0 + ed)
    g2 = ed / (1.0 + ed)
    oh1 = (eids == i1).astype(jnp.float32)
    oh2 = (eids == i2).astype(jnp.float32)
    m = oh1 + oh2

    @pl.when(jnp.logical_and(p == 0, i == 0))
    def _():
        counts_ref[...] = jnp.zeros_like(counts_ref)

    @pl.when(p == 0)
    def _():
        counts_ref[...] = counts_ref[...] + jnp.sum(m, axis=0, keepdims=True)

    @pl.when(p == 1)
    def _():
        @pl.when(i == 0)
        def _():
            carry_ref[...] = jnp.zeros_like(carry_ref)
        counts = counts_ref[...]
        eu = (jax.lax.broadcasted_iota(jnp.int32, (E, E), 0)
              < jax.lax.broadcasted_iota(jnp.int32, (E, E), 1)).astype(jnp.float32)
        offs = jnp.dot(counts, eu, preferred_element_type=jnp.float32,
                       precision=jax.lax.Precision.HIGHEST)
        offs_end = offs + counts
        rank = jnp.dot(ltri_ref[...], m,
                       preferred_element_type=jnp.float32)
        posmat = offs + carry_ref[...] + rank
        carry_ref[...] = carry_ref[...] + jnp.sum(m, axis=0, keepdims=True)
        pos0 = jnp.sum(oh1 * posmat, axis=1, keepdims=True)
        pos1 = jnp.sum(oh2 * posmat, axis=1, keepdims=True)
        pos_ref[0] = pos0.astype(jnp.int32)
        pos_ref[1] = pos1.astype(jnp.int32)
        q = jax.lax.broadcasted_iota(jnp.int32, (BA, 4), 1).astype(jnp.float32)
        pos4_ref[0] = (pos0 * 4.0 + q).astype(jnp.int32)
        pos4_ref[1] = (pos1 * 4.0 + q).astype(jnp.int32)
        xin_t = xin_ref[...]
        pad = jnp.zeros((BA, 128 - D - 1), jnp.float32)
        srcs_ref[0] = jnp.concatenate([xin_t, g1, pad], axis=1)
        srcs_ref[1] = jnp.concatenate([xin_t, g2, pad], axis=1)
        offs_ref[...] = jnp.concatenate([offs, offs_end], axis=1).astype(jnp.int32)
        tv = (jax.lax.broadcasted_iota(jnp.int32, (nt, 1), 0) * PT).astype(jnp.float32)
        tlo_ref[...] = jnp.sum((offs_end <= tv).astype(jnp.int32),
                               axis=1, keepdims=True)
        thi_ref[...] = jnp.sum((offs_end <= tv + float(PT - 1)).astype(jnp.int32),
                               axis=1, keepdims=True)


def _expert_kernel(offs_ref, tlo_ref, thi_ref, xinp_ref,
                   freqs_ref, w1_ref, b1_ref, lng_ref, lnb_ref,
                   wout_ref, bout_ref, y_ref):
    t = pl.program_id(0)
    xin_t = xinp_ref[:, 0:D]
    gwcol = xinp_ref[:, D:D + 1]
    rowid = jax.lax.broadcasted_iota(jnp.int32, (PT, 1), 0) + t * PT

    def body(e, acc):
        lo = offs_ref[e]
        hi = offs_ref[e + E]
        maskf = jnp.logical_and(rowid >= lo, rowid < hi)
        s = jnp.zeros((PT, H), jnp.float32)
        for d in range(D):
            xd = xin_t[:, d:d + 1]
            t_turn = xd * freqs_ref[e, d]
            n = jnp.floor(t_turn + 0.5)
            u = t_turn - n
            u2 = u * u
            cosv = _CC[6]
            sinv = _SC[6]
            for k in range(5, -1, -1):
                cosv = cosv * u2 + _CC[k]
                sinv = sinv * u2 + _SC[k]
            sinv = sinv * u
            feat = jnp.concatenate([cosv, sinv, xd], axis=1)
            h = jnp.dot(feat, w1_ref[e, d],
                        preferred_element_type=jnp.float32) + b1_ref[e, d]
            mu = jnp.mean(h, axis=1, keepdims=True)
            var = jnp.mean(h * h, axis=1, keepdims=True) - mu * mu
            hn = (h - mu) * jax.lax.rsqrt(var + 1e-5) * lng_ref[e, d] + lnb_ref[e, d]
            s = s + 0.5 * hn * (1.0 + jax.lax.erf(hn * (1.0 / math.sqrt(2.0))))
        y = jnp.dot(s, wout_ref[e],
                    preferred_element_type=jnp.float32) + bout_ref[e]
        return acc + jnp.where(maskf, gwcol * y, 0.0)

    acc = jax.lax.fori_loop(tlo_ref[t], thi_ref[t] + 1, body,
                            jnp.zeros((PT, H), jnp.float32))
    y_ref[...] = acc


def _sc_dispatch(srcs, posflat):
    n, w = srcs.shape[0], 128
    mesh = plsc.VectorSubcoreMesh(core_axis_name="core",
                                  subcore_axis_name="subcore")

    @pl.kernel(out_type=jax.ShapeDtypeStruct(srcs.shape, srcs.dtype), mesh=mesh)
    def k(src_hbm, idx_hbm, o_hbm):
        def inner(x_vmem, i_vmem):
            pltpu.sync_copy(x_vmem, o_hbm.at[i_vmem.at[0]])

        pltpu.emit_pipeline(
            inner,
            grid=(n // w,),
            in_specs=[pl.BlockSpec((w, 128), index_map=lambda i: (i, 0)),
                      pl.BlockSpec((1, w), index_map=lambda i: (0, i))],
            out_specs=[],
            core_axis_name=("core", "subcore"),
            dimension_semantics=(pltpu.PARALLEL,),
        )(src_hbm, idx_hbm)

    return k(srcs, posflat)


def _sc_combine(yw, pos42):
    n4 = pos42.shape[1]
    y4 = yw.reshape(yw.shape[0] * 4, 128)
    wc = 128
    mesh = plsc.VectorSubcoreMesh(core_axis_name="core",
                                  subcore_axis_name="subcore")

    @pl.kernel(out_type=jax.ShapeDtypeStruct((n4, 128), jnp.float32), mesh=mesh,
               scratch_types=[pltpu.VMEM((wc, 128), jnp.float32)])
    def k(y_hbm, idx_hbm, o_hbm, tmp):
        def inner(i0_vmem, i1_vmem, o_vmem):
            pltpu.sync_copy(y_hbm.at[i0_vmem.at[0]], o_vmem)
            pltpu.sync_copy(y_hbm.at[i1_vmem.at[0]], tmp)

            @pl.loop(0, wc)
            def _(r):
                @pl.loop(0, 128, step=16)
                def _(c):
                    slc = (pl.ds(r, 1), pl.ds(c, 16))
                    o_vmem.at[slc[0], slc[1]][...] = (
                        o_vmem.at[slc[0], slc[1]][...]
                        + tmp.at[slc[0], slc[1]][...])

        pltpu.emit_pipeline(
            inner,
            grid=(n4 // wc,),
            in_specs=[pl.BlockSpec((1, wc), index_map=lambda i: (0, i)),
                      pl.BlockSpec((1, wc), index_map=lambda i: (1, i))],
            out_specs=[pl.BlockSpec((wc, 128), index_map=lambda i: (i, 0))],
            core_axis_name=("core", "subcore"),
            dimension_semantics=(pltpu.PARALLEL,),
        )(idx_hbm, idx_hbm, o_hbm)

    return k(y4, pos42)


def kernel(gate_input, expert_input, task_bh, w_gate, freqs, W1, b1,
           ln_g, ln_b, Wout, bout):
    B = gate_input.shape[0]
    NB = B // BA
    NT = 2 * B // PT
    task2 = task_bh.astype(jnp.int32).reshape(B, 1)
    ltri = jnp.tril(jnp.ones((BA, BA), jnp.float32), -1)
    c3 = lambda p, i: (0, 0, 0)

    srcs3, pos3, pos43, offs2, tlo2, thi2 = pl.pallas_call(
        _gate_kernel,
        grid=(2, NB),
        in_specs=[
            pl.BlockSpec((BA, G), lambda p, i: (i, 0)),
            pl.BlockSpec((BA, 1), lambda p, i: (i, 0)),
            pl.BlockSpec((BA, D), lambda p, i: (i, 0)),
            pl.BlockSpec((T, G, E), c3),
            pl.BlockSpec((BA, BA), lambda p, i: (0, 0)),
        ],
        out_specs=[
            pl.BlockSpec((2, BA, 128), lambda p, i: (0, i, 0)),
            pl.BlockSpec((2, BA, 1), lambda p, i: (0, i, 0)),
            pl.BlockSpec((2, BA, 4), lambda p, i: (0, i, 0)),
            pl.BlockSpec((1, 2 * E), lambda p, i: (0, 0)),
            pl.BlockSpec((NT, 1), lambda p, i: (0, 0)),
            pl.BlockSpec((NT, 1), lambda p, i: (0, 0)),
        ],
        out_shape=[
            jax.ShapeDtypeStruct((2, B, 128), jnp.float32),
            jax.ShapeDtypeStruct((2, B, 1), jnp.int32),
            jax.ShapeDtypeStruct((2, B, 4), jnp.int32),
            jax.ShapeDtypeStruct((1, 2 * E), jnp.int32),
            jax.ShapeDtypeStruct((NT, 1), jnp.int32),
            jax.ShapeDtypeStruct((NT, 1), jnp.int32),
        ],
        scratch_shapes=[pltpu.VMEM((1, E), jnp.float32),
                        pltpu.VMEM((1, E), jnp.float32)],
    )(gate_input, task2, expert_input, w_gate, ltri)

    srcs = srcs3.reshape(2 * B, 128)
    posflat = pos3.reshape(1, 2 * B)
    pos42 = pos43.reshape(2, 4 * B)
    offs = offs2.reshape(2 * E)
    tlo = tlo2.reshape(NT)
    thi = thi2.reshape(NT)

    xinp = _sc_dispatch(srcs, posflat)

    grid_spec = pltpu.PrefetchScalarGridSpec(
        num_scalar_prefetch=3,
        grid=(NT,),
        in_specs=[
            pl.BlockSpec((PT, 128), lambda t, *_: (t, 0)),
            pl.BlockSpec((E, D, F), lambda t, *_: (0, 0, 0)),
            pl.BlockSpec((E, D, 2 * F + 1, H), lambda t, *_: (0, 0, 0, 0)),
            pl.BlockSpec((E, D, H), lambda t, *_: (0, 0, 0)),
            pl.BlockSpec((E, D, H), lambda t, *_: (0, 0, 0)),
            pl.BlockSpec((E, D, H), lambda t, *_: (0, 0, 0)),
            pl.BlockSpec((E, H, H), lambda t, *_: (0, 0, 0)),
            pl.BlockSpec((E, H), lambda t, *_: (0, 0)),
        ],
        out_specs=pl.BlockSpec((PT, H), lambda t, *_: (t, 0)),
    )
    yw = pl.pallas_call(
        _expert_kernel,
        grid_spec=grid_spec,
        out_shape=jax.ShapeDtypeStruct((2 * B, H), jnp.float32),
    )(offs, tlo, thi, xinp, freqs, W1, b1, ln_g, ln_b, Wout, bout)

    out4 = _sc_combine(yw, pos42)
    out = out4.reshape(B, H)
    return out, jnp.zeros((), jnp.float32)

# --- scband reference (transcript-rebuilt; emitter-appended) ---
"""Pipeline reference for scband-robot-encoder-83777632076511 (READ-ONLY COPY).

The authoritative reference and input builder live on the scoring server;
editing this copy changes nothing except your own understanding.
"""

import jax, jax.numpy as jnp
import numpy as np
import math

B = 4096      # batch
D = 8         # robot_state_size (expert input_dim)
F = 16        # num_freq_bands
H = 512       # n_emb / hidden_dim
E = 8         # num_experts
K = 2         # top-k
G = 16        # gate_input_size
T = 8         # task_num


def setup_inputs(seed: int = 0) -> dict:
    key = jax.random.key(seed)
    ks = jax.random.split(key, 8)
    gate_input = jax.random.normal(ks[0], (B, G), dtype=jnp.float32)
    expert_input = jax.random.normal(ks[1], (B, D), dtype=jnp.float32)
    task_bh = jax.random.randint(ks[2], (B,), 0, T)
    # per-task gating weights: [T, G, E]
    w_gate = jax.random.normal(ks[3], (T, G, E), dtype=jnp.float32) * 0.02
    # FourierEmbedding expert params, stacked over experts E and input dims D
    freqs = jax.random.normal(ks[4], (E, D, F), dtype=jnp.float32)
    W1 = jax.random.normal(ks[5], (E, D, 2 * F + 1, H), dtype=jnp.float32) * (1.0 / math.sqrt(2 * F + 1))
    b1 = jnp.zeros((E, D, H), dtype=jnp.float32)
    ln_g = jnp.ones((E, D, H), dtype=jnp.float32)
    ln_b = jnp.zeros((E, D, H), dtype=jnp.float32)
    Wout = jax.random.normal(ks[6], (E, H, H), dtype=jnp.float32) * (1.0 / math.sqrt(H))
    bout = jnp.zeros((E, H), dtype=jnp.float32)
    return {"gate_input": gate_input, "expert_input": expert_input, "task_bh": task_bh,
            "w_gate": w_gate, "freqs": freqs, "W1": W1, "b1": b1,
            "ln_g": ln_g, "ln_b": ln_b, "Wout": Wout, "bout": bout}


def reference(gate_input, expert_input, task_bh, w_gate, freqs, W1, b1, ln_g, ln_b, Wout, bout):
    b = gate_input.shape[0]
    # per-task gating: logits[b] = gate_input[b] @ w_gate[task_bh[b]]  (gather over task ids)
    gw = jnp.take(w_gate, task_bh, axis=0)              # [B, G, E]
    logits = jnp.einsum('bg,bge->be', gate_input, gw)   # [B, E]
    top_vals, top_idx = jax.lax.top_k(logits, K)        # [B, K]
    top_gates = jax.nn.softmax(top_vals, axis=-1)       # renormalize over selected experts
    gates = jnp.zeros_like(logits).at[jnp.arange(b)[:, None], top_idx].set(top_gates)  # [B, E]

    def expert_fwd(fr, w1, bb1, g, bt, wo, bo):
        # FourierEmbedding forward on [B, D] input
        x = expert_input[:, :, None] * fr[None] * 2.0 * math.pi          # [B, D, F]
        feat = jnp.concatenate([jnp.cos(x), jnp.sin(x), expert_input[:, :, None]], axis=-1)  # [B, D, 2F+1]
        h = jnp.einsum('bdi,dih->bdh', feat, w1) + bb1                   # [B, D, H]
        mu = jnp.mean(h, axis=-1, keepdims=True)
        var = jnp.var(h, axis=-1, keepdims=True)
        h = (h - mu) / jnp.sqrt(var + 1e-5) * g + bt                     # LayerNorm per dim-MLP
        h = jax.nn.gelu(h, approximate=False)
        s = jnp.sum(h, axis=1)                                           # sum over input dims -> [B, H]
        return s @ wo + bo                                               # to_out -> [B, H]

    expert_outs = jax.vmap(expert_fwd)(freqs, W1, b1, ln_g, ln_b, Wout, bout)  # [E, B, H]
    out = jnp.einsum('be,ebh->bh', gates, expert_outs)                   # sparse combine (gate weights are 0 off top-k)
    # all aux-loss weights (w_MI, w_H, w_finetune_MI, w_topk_loss) are 0 -> loss = 0
    loss = jnp.zeros((), dtype=jnp.float32)
    return (out, loss)

if __name__ == "__main__":
    import jax
    _d = setup_inputs()
    print(jax.jit(kernel)(*tuple(_d.values())))

</pallas_src>

<mosaic_0001>
#map = affine_map<(d0, d1) -> (0, 0)>
module attributes {stable_mosaic.version = 14 : i64} {
  func.func @k(%arg0: i32, %arg1: i32, %arg2: memref<32768x128xf32, #tpu.memory_space<hbm>>, %arg3: memref<2x16384xi32, #tpu.memory_space<hbm>>, %arg4: memref<16384x128xf32, #tpu.memory_space<hbm>>, %arg5: memref<128x128xf32, #tpu.memory_space<vmem>>) attributes {dimension_semantics = [#tpu.dimension_semantics<core_parallel>, #tpu.dimension_semantics<subcore_parallel>], iteration_bounds = array<i64: 2, 16>, scalar_prefetch = 0 : i64, scratch_operands = 1 : i64, tpu.core_type = #tpu.core_type<sc_vector_subcore>, window_params = [{transform_indices = #map}, {transform_indices = #map}, {transform_indices = #map}]} {
    %mul3A = arith.constant 1 : i32
    %mul3A_0 = arith.muli %arg1, %mul3A : i32
    %add3A = arith.constant 0 : i32
    %add3A_1 = arith.addi %add3A, %mul3A_0 : i32
    %mul3A_2 = arith.constant 16 : i32
    %mul3A_3 = arith.muli %arg0, %mul3A_2 : i32
    %add3A_4 = arith.addi %add3A_1, %mul3A_3 : i32
    %mul3A_5 = arith.constant 4 : i32
    %mul3A_6 = arith.muli %add3A_4, %mul3A_5 : i32
    "tpu.region"() ({
      %run_scoped3A = memref.alloca() : memref<2x1x128xi32, #tpu.memory_space<vmem>>
      %run_scoped3A_7 = tpu.sem_alloc : memref<2x!tpu.dma_semaphore, #tpu.memory_space<semaphore_mem>>
      %run_scoped3A_8 = memref.alloca() : memref<2x1x128xi32, #tpu.memory_space<vmem>>
      %run_scoped3A_9 = tpu.sem_alloc : memref<2x!tpu.dma_semaphore, #tpu.memory_space<semaphore_mem>>
      %run_scoped3A_10 = memref.alloca() : memref<2x128x128xf32, #tpu.memory_space<vmem>>
      %run_scoped3A_11 = tpu.sem_alloc : memref<2x!tpu.dma_semaphore, #tpu.memory_space<semaphore_mem>>
      %add3A_12 = arith.constant 0 : i32
      %add3A_13 = arith.addi %add3A_12, %mul3A_6 : i32
      %select_n3A = arith.constant true
      %select_n3A_14 = arith.constant 0 : i32
      %select_n3A_15 = arith.constant -1 : i32
      %select_n3A_16 = arith.select %select_n3A, %select_n3A_15, %select_n3A_14 : i32
      %eq3A = arith.constant -1 : i32
      %eq3A_17 = arith.cmpi eq, %select_n3A_16, %eq3A : i32
      %select_n3A_18 = arith.constant 3 : i32
      %select_n3A_19 = arith.select %eq3A_17, %select_n3A_18, %select_n3A_16 : i32
      %add3A_20 = arith.addi %select_n3A_19, %mul3A_6 : i32
      %select_n3A_21 = arith.constant true
      %select_n3A_22 = arith.constant 0 : i32
      %select_n3A_23 = arith.constant 1 : i32
      %select_n3A_24 = arith.select %select_n3A_21, %select_n3A_23, %select_n3A_22 : i32
      %eq3A_25 = arith.constant 4 : i32
      %eq3A_26 = arith.cmpi eq, %select_n3A_24, %eq3A_25 : i32
      %select_n3A_27 = arith.constant 0 : i32
      %select_n3A_28 = arith.select %eq3A_26, %select_n3A_27, %select_n3A_24 : i32
      %add3A_29 = arith.addi %select_n3A_28, %mul3A_6 : i32
      %add3A_30 = arith.constant 1 : i32
      %add3A_31 = arith.addi %select_n3A_28, %add3A_30 : i32
      %select_n3A_32 = arith.constant true
      %select_n3A_33 = arith.select %select_n3A_32, %add3A_31, %select_n3A_28 : i32
      %eq3A_34 = arith.constant 4 : i32
      %eq3A_35 = arith.cmpi eq, %select_n3A_33, %eq3A_34 : i32
      %select_n3A_36 = arith.constant 0 : i32
      %select_n3A_37 = arith.select %eq3A_35, %select_n3A_36, %select_n3A_33 : i32
      %add3A_38 = arith.addi %select_n3A_37, %mul3A_6 : i32
      "tpu.trace_start"() <{level = 10 : i32, message = "ep_initialize_0"}> : () -> ()
      %rem3A = arith.constant 0 : i32
      %rem3A_39 = arith.constant 2 : i32
      %rem3A_40 = arith.remui %rem3A, %rem3A_39 : i32
      %mul3A_41 = arith.constant 128 : i32
      %mul3A_42 = arith.muli %mul3A_41, %add3A_13 : i32
      %dma_start3A = arith.constant 0 : i32
      %dma_start3A_43 = arith.constant 0 : i32
      %dma_start3A_44 = tpu.memref_slice %run_scoped3A[%rem3A_40, %dma_start3A, %dma_start3A_43] : memref<2x1x128xi32, #tpu.memory_space<vmem>> -> memref<1x1x128xi32, #tpu.memory_space<vmem>>
      %dma_start3A_45 = tpu.memref_squeeze %dma_start3A_44 : memref<1x1x128xi32, #tpu.memory_space<vmem>> -> memref<1x128xi32, #tpu.memory_space<vmem>>
      %dma_start3A_46 = arith.constant 0 : i32
      %dma_start3A_47 = tpu.memref_slice %arg3[%dma_start3A_46, %mul3A_42] : memref<2x16384xi32, #tpu.memory_space<hbm>> -> memref<1x128xi32, #tpu.memory_space<hbm>>
      %dma_start3A_48 = tpu.memref_slice %run_scoped3A_7[%rem3A_40] : memref<2x!tpu.dma_semaphore, #tpu.memory_space<semaphore_mem>> -> memref<1x!tpu.dma_semaphore, #tpu.memory_space<semaphore_mem>>
      %dma_start3A_49 = tpu.memref_squeeze %dma_start3A_48 : memref<1x!tpu.dma_semaphore, #tpu.memory_space<semaphore_mem>> -> memref<!tpu.dma_semaphore, #tpu.memory_space<semaphore_mem>>
      %dma_start3A_50 = arith.constant 0 : i32
      %dma_start3A_51 = arith.constant 0 : i32
      %dma_start3A_52 = tpu.memref_slice %run_scoped3A[%rem3A_40, %dma_start3A_50, %dma_start3A_51] : memref<2x1x128xi32, #tpu.memory_space<vmem>> -> memref<1x1x128xi32, #tpu.memory_space<vmem>>
      %dma_start3A_53 = tpu.memref_squeeze %dma_start3A_52 : memref<1x1x128xi32, #tpu.memory_space<vmem>> -> memref<1x128xi32, #tpu.memory_space<vmem>>
      %dma_start3A_54 = arith.constant 0 : i32
      %dma_start3A_55 = tpu.memref_slice %arg3[%dma_start3A_54, %mul3A_42] : memref<2x16384xi32, #tpu.memory_space<hbm>> -> memref<1x128xi32, #tpu.memory_space<hbm>>
      tpu.enqueue_dma source(%dma_start3A_55 : memref<1x128xi32, #tpu.memory_space<hbm>>) target(%dma_start3A_53 : memref<1x128xi32, #tpu.memory_space<vmem>>) target_semaphore(%dma_start3A_49 : memref<!tpu.dma_semaphore, #tpu.memory_space<semaphore_mem>>)
      %add3A_56 = arith.constant 0 : i32
      %add3A_57 = arith.constant 1 : i32
      %add3A_58 = arith.addi %add3A_56, %add3A_57 : i32
      %select_n3A_59 = arith.constant true
      %select_n3A_60 = arith.constant 0 : i32
      %select_n3A_61 = arith.select %select_n3A_59, %add3A_58, %select_n3A_60 : i32
      %rem3A_62 = arith.constant 0 : i32
      %rem3A_63 = arith.constant 2 : i32
      %rem3A_64 = arith.remui %rem3A_62, %rem3A_63 : i32
      %mul3A_65 = arith.constant 128 : i32
      %mul3A_66 = arith.muli %mul3A_65, %add3A_13 : i32
      %dma_start3A_67 = arith.constant 0 : i32
      %dma_start3A_68 = arith.constant 0 : i32
      %dma_start3A_69 = tpu.memref_slice %run_scoped3A_8[%rem3A_64, %dma_start3A_67, %dma_start3A_68] : memref<2x1x128xi32, #tpu.memory_space<vmem>> -> memref<1x1x128xi32, #tpu.memory_space<vmem>>
      %dma_start3A_70 = tpu.memref_squeeze %dma_start3A_69 : memref<1x1x128xi32, #tpu.memory_space<vmem>> -> memref<1x128xi32, #tpu.memory_space<vmem>>
      %dma_start3A_71 = arith.constant 1 : i32
      %dma_start3A_72 = tpu.memref_slice %arg3[%dma_start3A_71, %mul3A_66] : memref<2x16384xi32, #tpu.memory_space<hbm>> -> memref<1x128xi32, #tpu.memory_space<hbm>>
      %dma_start3A_73 = tpu.memref_slice %run_scoped3A_9[%rem3A_64] : memref<2x!tpu.dma_semaphore, #tpu.memory_space<semaphore_mem>> -> memref<1x!tpu.dma_semaphore, #tpu.memory_space<semaphore_mem>>
      %dma_start3A_74 = tpu.memref_squeeze %dma_start3A_73 : memref<1x!tpu.dma_semaphore, #tpu.memory_space<semaphore_mem>> -> memref<!tpu.dma_semaphore, #tpu.memory_space<semaphore_mem>>
      %dma_start3A_75 = arith.constant 0 : i32
      %dma_start3A_76 = arith.constant 0 : i32
      %dma_start3A_77 = tpu.memref_slice %run_scoped3A_8[%rem3A_64, %dma_start3A_75, %dma_start3A_76] : memref<2x1x128xi32, #tpu.memory_space<vmem>> -> memref<1x1x128xi32, #tpu.memory_space<vmem>>
      %dma_start3A_78 = tpu.memref_squeeze %dma_start3A_77 : memref<1x1x128xi32, #tpu.memory_space<vmem>> -> memref<1x128xi32, #tpu.memory_space<vmem>>
      %dma_start3A_79 = arith.constant 1 : i32
      %dma_start3A_80 = tpu.memref_slice %arg3[%dma_start3A_79, %mul3A_66] : memref<2x16384xi32, #tpu.memory_space<hbm>> -> memref<1x128xi32, #tpu.memory_space<hbm>>
      tpu.enqueue_dma source(%dma_start3A_80 : memref<1x128xi32, #tpu.memory_space<hbm>>) target(%dma_start3A_78 : memref<1x128xi32, #tpu.memory_space<vmem>>) target_semaphore(%dma_start3A_74 : memref<!tpu.dma_semaphore, #tpu.memory_space<semaphore_mem>>)
      %add3A_81 = arith.constant 0 : i32
      %add3A_82 = arith.constant 1 : i32
      %add3A_83 = arith.addi %add3A_81, %add3A_82 : i32
      %select_n3A_84 = arith.constant true
      %select_n3A_85 = arith.constant 0 : i32
      %select_n3A_86 = arith.select %select_n3A_84, %add3A_83, %select_n3A_85 : i32
      "tpu.trace_stop"() : () -> ()
      %scan3A = arith.constant 0 : i32
      %scan3A_87 = arith.constant 0 : i32
      %scan3A_88 = arith.constant 0 : i32
      %scan3A_89 = arith.constant 0 : i32
      %scan3A_90 = arith.constant 0 : i32
      %scan3A_91 = arith.constant 0 : i32
      %scan3A_92 = arith.constant 4 : i32
      %scan3A_93 = arith.addi %scan3A_91, %scan3A_92 : i32
      %scan3A_94 = arith.constant 1 : i32
      %scan3A_95:7 = scf.for %scan3A_149 = %scan3A_91 to %scan3A_93 step %scan3A_94 iter_args(%scan3A_150 = %select_n3A_61, %scan3A_151 = %scan3A, %scan3A_152 = %select_n3A_86, %scan3A_153 = %scan3A_87, %scan3A_154 = %scan3A_88, %scan3A_155 = %scan3A_89, %scan3A_156 = %scan3A_90) -> (i32, i32, i32, i32, i32, i32, i32)  : i32 {
        %eq3A_157 = arith.constant 0 : i32
        %eq3A_158 = arith.cmpi eq, %scan3A_149, %eq3A_157 : i32
        %eq3A_159 = arith.constant 3 : i32
        %eq3A_160 = arith.cmpi eq, %scan3A_149, %eq3A_159 : i32
        %add3A_161 = arith.addi %scan3A_156, %mul3A_6 : i32
        %sub3A_162 = arith.constant 1 : i32
        %sub3A_163 = arith.subi %scan3A_156, %sub3A_162 : i32
        %select_n3A_164 = arith.constant true
        %select_n3A_165 = arith.select %select_n3A_164, %sub3A_163, %scan3A_156 : i32
        %eq3A_166 = arith.constant -1 : i32
        %eq3A_167 = arith.cmpi eq, %select_n3A_165, %eq3A_166 : i32
        %select_n3A_168 = arith.constant 3 : i32
        %select_n3A_169 = arith.select %eq3A_167, %select_n3A_168, %select_n3A_165 : i32
        %add3A_170 = arith.addi %select_n3A_169, %mul3A_6 : i32
        %add3A_171 = arith.constant 1 : i32
        %add3A_172 = arith.addi %scan3A_156, %add3A_171 : i32
        %select_n3A_173 = arith.constant true
        %select_n3A_174 = arith.select %select_n3A_173, %add3A_172, %scan3A_156 : i32
        %eq3A_175 = arith.constant 4 : i32
        %eq3A_176 = arith.cmpi eq, %select_n3A_174, %eq3A_175 : i32
        %select_n3A_177 = arith.constant 0 : i32
        %select_n3A_178 = arith.select %eq3A_176, %select_n3A_177, %select_n3A_174 : i32
        %add3A_179 = arith.addi %select_n3A_178, %mul3A_6 : i32
        %add3A_180 = arith.constant 1 : i32
        %add3A_181 = arith.addi %select_n3A_178, %add3A_180 : i32
        %select_n3A_182 = arith.constant true
        %select_n3A_183 = arith.select %select_n3A_182, %add3A_181, %select_n3A_178 : i32
        %eq3A_184 = arith.constant 4 : i32
        %eq3A_185 = arith.cmpi eq, %select_n3A_183, %eq3A_184 : i32
        %select_n3A_186 = arith.constant 0 : i32
        %select_n3A_187 = arith.select %eq3A_185, %select_n3A_186, %select_n3A_183 : i32
        %add3A_188 = arith.addi %select_n3A_187, %mul3A_6 : i32
        %ne3A = arith.cmpi ne, %add3A_161, %add3A_179 : i32
        %or3A = arith.constant false
        %or3A_189 = arith.ori %or3A, %ne3A : i1
        %ge3A = arith.constant 3 : i32
        %ge3A_190 = arith.cmpi sge, %scan3A_149, %ge3A : i32
        %not3A = arith.constant true
        %not3A_191 = arith.xori %ge3A_190, %not3A : i1
        %and3A = arith.andi %or3A_189, %not3A_191 : i1
        %convert_element_type3A = arith.extui %and3A : i1 to i32
        %cond3A = arith.constant 0 : i32
        %cond3A_192 = arith.cmpi ne, %convert_element_type3A, %cond3A : i32
        scf.if %cond3A_192 {
          "tpu.trace_start"() <{level = 10 : i32, message = "ep_copy_in"}> : () -> ()
          %rem3A_352 = arith.constant 2 : i32
          %rem3A_353 = arith.remui %scan3A_150, %rem3A_352 : i32
          %mul3A_354 = arith.constant 128 : i32
          %mul3A_355 = arith.muli %mul3A_354, %add3A_179 : i32
          %dma_start3A_356 = arith.constant 0 : i32
          %dma_start3A_357 = arith.constant 0 : i32
          %dma_start3A_358 = tpu.memref_slice %run_scoped3A[%rem3A_353, %dma_start3A_356, %dma_start3A_357] : memref<2x1x128xi32, #tpu.memory_space<vmem>> -> memref<1x1x128xi32, #tpu.memory_space<vmem>>
          %dma_start3A_359 = tpu.memref_squeeze %dma_start3A_358 : memref<1x1x128xi32, #tpu.memory_space<vmem>> -> memref<1x128xi32, #tpu.memory_space<vmem>>
          %dma_start3A_360 = arith.constant 0 : i32
          %dma_start3A_361 = tpu.memref_slice %arg3[%dma_start3A_360, %mul3A_355] : memref<2x16384xi32, #tpu.memory_space<hbm>> -> memref<1x128xi32, #tpu.memory_space<hbm>>
          %dma_start3A_362 = tpu.memref_slice %run_scoped3A_7[%rem3A_353] : memref<2x!tpu.dma_semaphore, #tpu.memory_space<semaphore_mem>> -> memref<1x!tpu.dma_semaphore, #tpu.memory_space<semaphore_mem>>
          %dma_start3A_363 = tpu.memref_squeeze %dma_start3A_362 : memref<1x!tpu.dma_semaphore, #tpu.memory_space<semaphore_mem>> -> memref<!tpu.dma_semaphore, #tpu.memory_space<semaphore_mem>>
          %dma_start3A_364 = arith.constant 0 : i32
          %dma_start3A_365 = arith.constant 0 : i32
          %dma_start3A_366 = tpu.memref_slice %run_scoped3A[%rem3A_353, %dma_start3A_364, %dma_start3A_365] : memref<2x1x128xi32, #tpu.memory_space<vmem>> -> memref<1x1x128xi32, #tpu.memory_space<vmem>>
          %dma_start3A_367 = tpu.memref_squeeze %dma_start3A_366 : memref<1x1x128xi32, #tpu.memory_space<vmem>> -> memref<1x128xi32, #tpu.memory_space<vmem>>
          %dma_start3A_368 = arith.constant 0 : i32
          %dma_start3A_369 = tpu.memref_slice %arg3[%dma_start3A_368, %mul3A_355] : memref<2x16384xi32, #tpu.memory_space<hbm>> -> memref<1x128xi32, #tpu.memory_space<hbm>>
          tpu.enqueue_dma source(%dma_start3A_369 : memref<1x128xi32, #tpu.memory_space<hbm>>) target(%dma_start3A_367 : memref<1x128xi32, #tpu.memory_space<vmem>>) target_semaphore(%dma_start3A_363 : memref<!tpu.dma_semaphore, #tpu.memory_space<semaphore_mem>>)
          "tpu.trace_stop"() : () -> ()
        } else {
        }
        %and3A_193 = arith.constant true
        %and3A_194 = arith.andi %and3A, %and3A_193 : i1
        %add3A_195 = arith.constant 1 : i32
        %add3A_196 = arith.addi %scan3A_150, %add3A_195 : i32
        %select_n3A_197 = arith.select %and3A_194, %add3A_196, %scan3A_150 : i32
        %ne3A_198 = arith.cmpi ne, %add3A_161, %add3A_179 : i32
        %or3A_199 = arith.constant false
        %or3A_200 = arith.ori %or3A_199, %ne3A_198 : i1
        %ge3A_201 = arith.constant 3 : i32
        %ge3A_202 = arith.cmpi sge, %scan3A_149, %ge3A_201 : i32
        %not3A_203 = arith.constant true
        %not3A_204 = arith.xori %ge3A_202, %not3A_203 : i1
        %and3A_205 = arith.andi %or3A_200, %not3A_204 : i1
        %convert_element_type3A_206 = arith.extui %and3A_205 : i1 to i32
        %cond3A_207 = arith.constant 0 : i32
        %cond3A_208 = arith.cmpi ne, %convert_element_type3A_206, %cond3A_207 : i32
        scf.if %cond3A_208 {
          "tpu.trace_start"() <{level = 10 : i32, message = "ep_copy_in"}> : () -> ()
          %rem3A_352 = arith.constant 2 : i32
          %rem3A_353 = arith.remui %scan3A_152, %rem3A_352 : i32
          %mul3A_354 = arith.constant 128 : i32
          %mul3A_355 = arith.muli %mul3A_354, %add3A_179 : i32
          %dma_start3A_356 = arith.constant 0 : i32
          %dma_start3A_357 = arith.constant 0 : i32
          %dma_start3A_358 = tpu.memref_slice %run_scoped3A_8[%rem3A_353, %dma_start3A_356, %dma_start3A_357] : memref<2x1x128xi32, #tpu.memory_space<vmem>> -> memref<1x1x128xi32, #tpu.memory_space<vmem>>
          %dma_start3A_359 = tpu.memref_squeeze %dma_start3A_358 : memref<1x1x128xi32, #tpu.memory_space<vmem>> -> memref<1x128xi32, #tpu.memory_space<vmem>>
          %dma_start3A_360 = arith.constant 1 : i32
          %dma_start3A_361 = tpu.memref_slice %arg3[%dma_start3A_360, %mul3A_355] : memref<2x16384xi32, #tpu.memory_space<hbm>> -> memref<1x128xi32, #tpu.memory_space<hbm>>
          %dma_start3A_362 = tpu.memref_slice %run_scoped3A_9[%rem3A_353] : memref<2x!tpu.dma_semaphore, #tpu.memory_space<semaphore_mem>> -> memref<1x!tpu.dma_semaphore, #tpu.memory_space<semaphore_mem>>
          %dma_start3A_363 = tpu.memref_squeeze %dma_start3A_362 : memref<1x!tpu.dma_semaphore, #tpu.memory_space<semaphore_mem>> -> memref<!tpu.dma_semaphore, #tpu.memory_space<semaphore_mem>>
          %dma_start3A_364 = arith.constant 0 : i32
          %dma_start3A_365 = arith.constant 0 : i32
          %dma_start3A_366 = tpu.memref_slice %run_scoped3A_8[%rem3A_353, %dma_start3A_364, %dma_start3A_365] : memref<2x1x128xi32, #tpu.memory_space<vmem>> -> memref<1x1x128xi32, #tpu.memory_space<vmem>>
          %dma_start3A_367 = tpu.memref_squeeze %dma_start3A_366 : memref<1x1x128xi32, #tpu.memory_space<vmem>> -> memref<1x128xi32, #tpu.memory_space<vmem>>
          %dma_start3A_368 = arith.constant 1 : i32
          %dma_start3A_369 = tpu.memref_slice %arg3[%dma_start3A_368, %mul3A_355] : memref<2x16384xi32, #tpu.memory_space<hbm>> -> memref<1x128xi32, #tpu.memory_space<hbm>>
          tpu.enqueue_dma source(%dma_start3A_369 : memref<1x128xi32, #tpu.memory_space<hbm>>) target(%dma_start3A_367 : memref<1x128xi32, #tpu.memory_space<vmem>>) target_semaphore(%dma_start3A_363 : memref<!tpu.dma_semaphore, #tpu.memory_space<semaphore_mem>>)
          "tpu.trace_stop"() : () -> ()
        } else {
        }
        %and3A_209 = arith.constant true
        %and3A_210 = arith.andi %and3A_205, %and3A_209 : i1
        %add3A_211 = arith.constant 1 : i32
        %add3A_212 = arith.addi %scan3A_152, %add3A_211 : i32
        %select_n3A_213 = arith.select %and3A_210, %add3A_212, %scan3A_152 : i32
        %ne3A_214 = arith.cmpi ne, %add3A_161, %add3A_179 : i32
        %or3A_215 = arith.constant false
        %or3A_216 = arith.ori %or3A_215, %ne3A_214 : i1
        %or3A_217 = arith.constant false
        %or3A_218 = arith.ori %or3A_216, %or3A_217 : i1
        %ge3A_219 = arith.constant 3 : i32
        %ge3A_220 = arith.cmpi sge, %scan3A_149, %ge3A_219 : i32
        %not3A_221 = arith.constant true
        %not3A_222 = arith.xori %ge3A_220, %not3A_221 : i1
        %and3A_223 = arith.andi %or3A_218, %not3A_222 : i1
        %ne3A_224 = arith.cmpi ne, %add3A_161, %add3A_170 : i32
        %or3A_225 = arith.constant false
        %or3A_226 = arith.ori %or3A_225, %ne3A_224 : i1
        %or3A_227 = arith.ori %or3A_226, %eq3A_158 : i1
        %convert_element_type3A_228 = arith.extui %or3A_227 : i1 to i32
        %cond3A_229 = arith.constant 0 : i32
        %cond3A_230 = arith.cmpi ne, %convert_element_type3A_228, %cond3A_229 : i32
        scf.if %cond3A_230 {
          "tpu.trace_start"() <{level = 10 : i32, message = "ep_wait_in"}> : () -> ()
          %mul3A_352 = arith.constant 128 : i32
          %mul3A_353 = arith.muli %mul3A_352, %add3A_161 : i32
          %rem3A_354 = arith.constant 2 : i32
          %rem3A_355 = arith.remui %scan3A_151, %rem3A_354 : i32
          %dma_wait3A_356 = arith.constant 0 : i32
          %dma_wait3A_357 = arith.constant 0 : i32
          %dma_wait3A_358 = tpu.memref_slice %run_scoped3A[%rem3A_355, %dma_wait3A_356, %dma_wait3A_357] : memref<2x1x128xi32, #tpu.memory_space<vmem>> -> memref<1x1x128xi32, #tpu.memory_space<vmem>>
          %dma_wait3A_359 = tpu.memref_squeeze %dma_wait3A_358 : memref<1x1x128xi32, #tpu.memory_space<vmem>> -> memref<1x128xi32, #tpu.memory_space<vmem>>
          %dma_wait3A_360 = arith.constant 0 : i32
          %dma_wait3A_361 = tpu.memref_slice %arg3[%dma_wait3A_360, %mul3A_353] : memref<2x16384xi32, #tpu.memory_space<hbm>> -> memref<1x128xi32, #tpu.memory_space<hbm>>
          %dma_wait3A_362 = tpu.memref_slice %run_scoped3A_7[%rem3A_355] : memref<2x!tpu.dma_semaphore, #tpu.memory_space<semaphore_mem>> -> memref<1x!tpu.dma_semaphore, #tpu.memory_space<semaphore_mem>>
          %dma_wait3A_363 = tpu.memref_squeeze %dma_wait3A_362 : memref<1x!tpu.dma_semaphore, #tpu.memory_space<semaphore_mem>> -> memref<!tpu.dma_semaphore, #tpu.memory_space<semaphore_mem>>
          %dma_wait3A_364 = arith.constant 0 : i32
          %dma_wait3A_365 = arith.constant 0 : i32
          %dma_wait3A_366 = tpu.memref_slice %run_scoped3A[%rem3A_355, %dma_wait3A_364, %dma_wait3A_365] : memref<2x1x128xi32, #tpu.memory_space<vmem>> -> memref<1x1x128xi32, #tpu.memory_space<vmem>>
          %dma_wait3A_367 = tpu.memref_squeeze %dma_wait3A_366 : memref<1x1x128xi32, #tpu.memory_space<vmem>> -> memref<1x128xi32, #tpu.memory_space<vmem>>
          %dma_wait3A_368 = arith.constant 0 : i32
          %dma_wait3A_369 = tpu.memref_slice %arg3[%dma_wait3A_368, %mul3A_353] : memref<2x16384xi32, #tpu.memory_space<hbm>> -> memref<1x128xi32, #tpu.memory_space<hbm>>
          tpu.wait_dma2 semaphore(%dma_wait3A_363 : memref<!tpu.dma_semaphore, #tpu.memory_space<semaphore_mem>>) src(%dma_wait3A_369 : memref<1x128xi32, #tpu.memory_space<hbm>>) dst(%dma_wait3A_367 : memref<1x128xi32, #tpu.memory_space<vmem>>)
          "tpu.trace_stop"() : () -> ()
        } else {
        }
        %ne3A_231 = arith.cmpi ne, %add3A_161, %add3A_170 : i32
        %or3A_232 = arith.constant false
        %or3A_233 = arith.ori %or3A_232, %ne3A_231 : i1
        %or3A_234 = arith.ori %or3A_233, %eq3A_158 : i1
        %convert_element_type3A_235 = arith.extui %or3A_234 : i1 to i32
        %cond3A_236 = arith.constant 0 : i32
        %cond3A_237 = arith.cmpi ne, %convert_element_type3A_235, %cond3A_236 : i32
        scf.if %cond3A_237 {
          "tpu.trace_start"() <{level = 10 : i32, message = "ep_wait_in"}> : () -> ()
          %mul3A_352 = arith.constant 128 : i32
          %mul3A_353 = arith.muli %mul3A_352, %add3A_161 : i32
          %rem3A_354 = arith.constant 2 : i32
          %rem3A_355 = arith.remui %scan3A_153, %rem3A_354 : i32
          %dma_wait3A_356 = arith.constant 0 : i32
          %dma_wait3A_357 = arith.constant 0 : i32
          %dma_wait3A_358 = tpu.memref_slice %run_scoped3A_8[%rem3A_355, %dma_wait3A_356, %dma_wait3A_357] : memref<2x1x128xi32, #tpu.memory_space<vmem>> -> memref<1x1x128xi32, #tpu.memory_space<vmem>>
          %dma_wait3A_359 = tpu.memref_squeeze %dma_wait3A_358 : memref<1x1x128xi32, #tpu.memory_space<vmem>> -> memref<1x128xi32, #tpu.memory_space<vmem>>
          %dma_wait3A_360 = arith.constant 1 : i32
          %dma_wait3A_361 = tpu.memref_slice %arg3[%dma_wait3A_360, %mul3A_353] : memref<2x16384xi32, #tpu.memory_space<hbm>> -> memref<1x128xi32, #tpu.memory_space<hbm>>
          %dma_wait3A_362 = tpu.memref_slice %run_scoped3A_9[%rem3A_355] : memref<2x!tpu.dma_semaphore, #tpu.memory_space<semaphore_mem>> -> memref<1x!tpu.dma_semaphore, #tpu.memory_space<semaphore_mem>>
          %dma_wait3A_363 = tpu.memref_squeeze %dma_wait3A_362 : memref<1x!tpu.dma_semaphore, #tpu.memory_space<semaphore_mem>> -> memref<!tpu.dma_semaphore, #tpu.memory_space<semaphore_mem>>
          %dma_wait3A_364 = arith.constant 0 : i32
          %dma_wait3A_365 = arith.constant 0 : i32
          %dma_wait3A_366 = tpu.memref_slice %run_scoped3A_8[%rem3A_355, %dma_wait3A_364, %dma_wait3A_365] : memref<2x1x128xi32, #tpu.memory_space<vmem>> -> memref<1x1x128xi32, #tpu.memory_space<vmem>>
          %dma_wait3A_367 = tpu.memref_squeeze %dma_wait3A_366 : memref<1x1x128xi32, #tpu.memory_space<vmem>> -> memref<1x128xi32, #tpu.memory_space<vmem>>
          %dma_wait3A_368 = arith.constant 1 : i32
          %dma_wait3A_369 = tpu.memref_slice %arg3[%dma_wait3A_368, %mul3A_353] : memref<2x16384xi32, #tpu.memory_space<hbm>> -> memref<1x128xi32, #tpu.memory_space<hbm>>
          tpu.wait_dma2 semaphore(%dma_wait3A_363 : memref<!tpu.dma_semaphore, #tpu.memory_space<semaphore_mem>>) src(%dma_wait3A_369 : memref<1x128xi32, #tpu.memory_space<hbm>>) dst(%dma_wait3A_367 : memref<1x128xi32, #tpu.memory_space<vmem>>)
          "tpu.trace_stop"() : () -> ()
        } else {
        }
        %ne3A_238 = arith.cmpi ne, %add3A_161, %add3A_170 : i32
        %or3A_239 = arith.constant false
        %or3A_240 = arith.ori %or3A_239, %ne3A_238 : i1
        %or3A_241 = arith.constant false
        %or3A_242 = arith.ori %or3A_240, %or3A_241 : i1
        %or3A_243 = arith.ori %or3A_242, %eq3A_158 : i1
        %convert_element_type3A_244 = arith.extui %or3A_243 : i1 to i32
        %cond3A_245 = arith.constant 0 : i32
        %cond3A_246 = arith.cmpi ne, %convert_element_type3A_244, %cond3A_245 : i32
        scf.if %cond3A_246 {
        } else {
        }
        %rem3A_247 = arith.constant 2 : i32
        %rem3A_248 = arith.remui %scan3A_151, %rem3A_247 : i32
        %rem3A_249 = arith.constant 2 : i32
        %rem3A_250 = arith.remui %scan3A_153, %rem3A_249 : i32
        %rem3A_251 = arith.constant 2 : i32
        %rem3A_252 = arith.remui %scan3A_154, %rem3A_251 : i32
        %run_scoped3A_253 = arith.constant 0 : i32
        "tpu.trace_start"() <{level = 10 : i32, message = "ep_run_kernel"}> : () -> ()
        "tpu.region"() ({
          %run_scoped3A_352 = tpu.sem_alloc : memref<!tpu.dma_semaphore, #tpu.memory_space<semaphore_mem>>
          %dma_start3A_353 = arith.constant 0 : i32
          %dma_start3A_354 = arith.constant 0 : i32
          %dma_start3A_355 = tpu.memref_slice %run_scoped3A_10[%rem3A_252, %dma_start3A_353, %dma_start3A_354] : memref<2x128x128xf32, #tpu.memory_space<vmem>> -> memref<1x128x128xf32, #tpu.memory_space<vmem>>
          %dma_start3A_356 = tpu.memref_squeeze %dma_start3A_355 : memref<1x128x128xf32, #tpu.memory_space<vmem>> -> memref<128x128xf32, #tpu.memory_space<vmem>>
          %dma_start3A_357 = arith.constant 0 : i32
          %dma_start3A_358 = arith.constant 0 : i32
          %dma_start3A_359 = tpu.memref_slice %run_scoped3A[%rem3A_248, %dma_start3A_357, %dma_start3A_358] : memref<2x1x128xi32, #tpu.memory_space<vmem>> -> memref<1x1x128xi32, #tpu.memory_space<vmem>>
          %dma_start3A_360 = tpu.memref_squeeze %dma_start3A_359 : memref<1x1x128xi32, #tpu.memory_space<vmem>> -> memref<1x128xi32, #tpu.memory_space<vmem>>
          %dma_start3A_361 = arith.constant 0 : i32
          %dma_start3A_362 = tpu.memref_slice %dma_start3A_360[%run_scoped3A_253, %dma_start3A_361] : memref<1x128xi32, #tpu.memory_space<vmem>> -> memref<1x128xi32, #tpu.memory_space<vmem>>
          %dma_start3A_363 = tpu.memref_squeeze %dma_start3A_362 : memref<1x128xi32, #tpu.memory_space<vmem>> -> memref<128xi32, #tpu.memory_space<vmem>>
          %dma_start3A_364 = arith.constant 0 : i32
          %dma_start3A_365 = arith.constant 0 : i32
          %dma_start3A_366 = tpu.memref_slice %arg2[%dma_start3A_364, %dma_start3A_365] : memref<32768x128xf32, #tpu.memory_space<hbm>> -> memref<32768x128xf32, #tpu.memory_space<hbm>>
          tpu.enqueue_indirect_dma source(%dma_start3A_366 : memref<32768x128xf32, #tpu.memory_space<hbm>>) target(%dma_start3A_356 : memref<128x128xf32, #tpu.memory_space<vmem>>) offsets(%dma_start3A_363 : memref<128xi32, #tpu.memory_space<vmem>>) semaphore(%run_scoped3A_352 : memref<!tpu.dma_semaphore, #tpu.memory_space<semaphore_mem>>)
          %dma_wait3A_367 = arith.constant 0 : i32
          %dma_wait3A_368 = arith.constant 0 : i32
          %dma_wait3A_369 = tpu.memref_slice %run_scoped3A_10[%rem3A_252, %dma_wait3A_367, %dma_wait3A_368] : memref<2x128x128xf32, #tpu.memory_space<vmem>> -> memref<1x128x128xf32, #tpu.memory_space<vmem>>
          %dma_wait3A_370 = tpu.memref_squeeze %dma_wait3A_369 : memref<1x128x128xf32, #tpu.memory_space<vmem>> -> memref<128x128xf32, #tpu.memory_space<vmem>>
          %dma_wait3A_371 = arith.constant 0 : i32
          %dma_wait3A_372 = arith.constant 0 : i32
          %dma_wait3A_373 = tpu.memref_slice %run_scoped3A[%rem3A_248, %dma_wait3A_371, %dma_wait3A_372] : memref<2x1x128xi32, #tpu.memory_space<vmem>> -> memref<1x1x128xi32, #tpu.memory_space<vmem>>
          %dma_wait3A_374 = tpu.memref_squeeze %dma_wait3A_373 : memref<1x1x128xi32, #tpu.memory_space<vmem>> -> memref<1x128xi32, #tpu.memory_space<vmem>>
          %dma_wait3A_375 = arith.constant 0 : i32
          %dma_wait3A_376 = tpu.memref_slice %dma_wait3A_374[%run_scoped3A_253, %dma_wait3A_375] : memref<1x128xi32, #tpu.memory_space<vmem>> -> memref<1x128xi32, #tpu.memory_space<vmem>>
          %dma_wait3A_377 = tpu.memref_squeeze %dma_wait3A_376 : memref<1x128xi32, #tpu.memory_space<vmem>> -> memref<128xi32, #tpu.memory_space<vmem>>
          %dma_wait3A_378 = arith.constant 0 : i32
          %dma_wait3A_379 = arith.constant 0 : i32
          %dma_wait3A_380 = tpu.memref_slice %arg2[%dma_wait3A_378, %dma_wait3A_379] : memref<32768x128xf32, #tpu.memory_space<hbm>> -> memref<32768x128xf32, #tpu.memory_space<hbm>>
          tpu.wait_indirect_dma semaphore(%run_scoped3A_352 : memref<!tpu.dma_semaphore, #tpu.memory_space<semaphore_mem>>) src(%dma_wait3A_380 : memref<32768x128xf32, #tpu.memory_space<hbm>>) dst(%dma_wait3A_370 : memref<128x128xf32, #tpu.memory_space<vmem>>)
          tpu.yield
        }) : () -> ()
        %run_scoped3A_254 = arith.constant 0 : i32
        "tpu.region"() ({
          %run_scoped3A_352 = tpu.sem_alloc : memref<!tpu.dma_semaphore, #tpu.memory_space<semaphore_mem>>
          %dma_start3A_353 = arith.constant 0 : i32
          %dma_start3A_354 = arith.constant 0 : i32
          %dma_start3A_355 = tpu.memref_slice %run_scoped3A_8[%rem3A_250, %dma_start3A_353, %dma_start3A_354] : memref<2x1x128xi32, #tpu.memory_space<vmem>> -> memref<1x1x128xi32, #tpu.memory_space<vmem>>
          %dma_start3A_356 = tpu.memref_squeeze %dma_start3A_355 : memref<1x1x128xi32, #tpu.memory_space<vmem>> -> memref<1x128xi32, #tpu.memory_space<vmem>>
          %dma_start3A_357 = arith.constant 0 : i32
          %dma_start3A_358 = tpu.memref_slice %dma_start3A_356[%run_scoped3A_254, %dma_start3A_357] : memref<1x128xi32, #tpu.memory_space<vmem>> -> memref<1x128xi32, #tpu.memory_space<vmem>>
          %dma_start3A_359 = tpu.memref_squeeze %dma_start3A_358 : memref<1x128xi32, #tpu.memory_space<vmem>> -> memref<128xi32, #tpu.memory_space<vmem>>
          %dma_start3A_360 = arith.constant 0 : i32
          %dma_start3A_361 = arith.constant 0 : i32
          %dma_start3A_362 = tpu.memref_slice %arg2[%dma_start3A_360, %dma_start3A_361] : memref<32768x128xf32, #tpu.memory_space<hbm>> -> memref<32768x128xf32, #tpu.memory_space<hbm>>
          tpu.enqueue_indirect_dma source(%dma_start3A_362 : memref<32768x128xf32, #tpu.memory_space<hbm>>) target(%arg5 : memref<128x128xf32, #tpu.memory_space<vmem>>) offsets(%dma_start3A_359 : memref<128xi32, #tpu.memory_space<vmem>>) semaphore(%run_scoped3A_352 : memref<!tpu.dma_semaphore, #tpu.memory_space<semaphore_mem>>)
          %dma_wait3A_363 = arith.constant 0 : i32
          %dma_wait3A_364 = arith.constant 0 : i32
          %dma_wait3A_365 = tpu.memref_slice %run_scoped3A_8[%rem3A_250, %dma_wait3A_363, %dma_wait3A_364] : memref<2x1x128xi32, #tpu.memory_space<vmem>> -> memref<1x1x128xi32, #tpu.memory_space<vmem>>
          %dma_wait3A_366 = tpu.memref_squeeze %dma_wait3A_365 : memref<1x1x128xi32, #tpu.memory_space<vmem>> -> memref<1x128xi32, #tpu.memory_space<vmem>>
          %dma_wait3A_367 = arith.constant 0 : i32
          %dma_wait3A_368 = tpu.memref_slice %dma_wait3A_366[%run_scoped3A_254, %dma_wait3A_367] : memref<1x128xi32, #tpu.memory_space<vmem>> -> memref<1x128xi32, #tpu.memory_space<vmem>>
          %dma_wait3A_369 = tpu.memref_squeeze %dma_wait3A_368 : memref<1x128xi32, #tpu.memory_space<vmem>> -> memref<128xi32, #tpu.memory_space<vmem>>
          %dma_wait3A_370 = arith.constant 0 : i32
          %dma_wait3A_371 = arith.constant 0 : i32
          %dma_wait3A_372 = tpu.memref_slice %arg2[%dma_wait3A_370, %dma_wait3A_371] : memref<32768x128xf32, #tpu.memory_space<hbm>> -> memref<32768x128xf32, #tpu.memory_space<hbm>>
          tpu.wait_indirect_dma semaphore(%run_scoped3A_352 : memref<!tpu.dma_semaphore, #tpu.memory_space<semaphore_mem>>) src(%dma_wait3A_372 : memref<32768x128xf32, #tpu.memory_space<hbm>>) dst(%arg5 : memref<128x128xf32, #tpu.memory_space<vmem>>)
          tpu.yield
        }) : () -> ()
        %scan3A_255 = arith.constant 0 : i32
        %scan3A_256 = arith.constant 128 : i32
        %scan3A_257 = arith.addi %scan3A_255, %scan3A_256 : i32
        %scan3A_258 = arith.constant 1 : i32
        scf.for %scan3A_352 = %scan3A_255 to %scan3A_257 step %scan3A_258  : i32 {
          %mul3A_353 = arith.constant 1 : i32
          %mul3A_354 = arith.muli %scan3A_352, %mul3A_353 : i32
          %add3A_355 = arith.constant 0 : i32
          %add3A_356 = arith.addi %add3A_355, %mul3A_354 : i32
          %scan3A_357 = arith.constant 0 : i32
          %scan3A_358 = arith.constant 8 : i32
          %scan3A_359 = arith.addi %scan3A_357, %scan3A_358 : i32
          %scan3A_360 = arith.constant 1 : i32
          scf.for %scan3A_362 = %scan3A_357 to %scan3A_359 step %scan3A_360  : i32 {
            %mul3A_363 = arith.constant 16 : i32
            %mul3A_364 = arith.muli %scan3A_362, %mul3A_363 : i32
            %add3A_365 = arith.constant 0 : i32
            %add3A_366 = arith.addi %add3A_365, %mul3A_364 : i32
            %get3A = arith.constant 0 : i32
            %get3A_367 = arith.constant 0 : i32
            %get3A_368 = tpu.memref_slice %run_scoped3A_10[%rem3A_252, %get3A, %get3A_367] : memref<2x128x128xf32, #tpu.memory_space<vmem>> -> memref<1x128x128xf32, #tpu.memory_space<vmem>>
            %get3A_369 = tpu.memref_squeeze %get3A_368 : memref<1x128x128xf32, #tpu.memory_space<vmem>> -> memref<128x128xf32, #tpu.memory_space<vmem>>
            %get3A_370 = arith.index_cast %add3A_356 : i32 to index
            %get3A_371 = arith.index_cast %add3A_366 : i32 to index
            %get3A_372 = tpu.vector_load %get3A_369[%get3A_370, %get3A_371] {strides = array<i32>} : memref<128x128xf32, #tpu.memory_space<vmem>>, vector<1x16xf32>,
            %get3A_373 = vector.shape_cast %get3A_372 : vector<1x16xf32> to vector<1x16xf32>
            %get3A_374 = arith.index_cast %add3A_356 : i32 to index
            %get3A_375 = arith.index_cast %add3A_366 : i32 to index
            %get3A_376 = tpu.vector_load %arg5[%get3A_374, %get3A_375] {strides = array<i32>} : memref<128x128xf32, #tpu.memory_space<vmem>>, vector<1x16xf32>,
            %get3A_377 = vector.shape_cast %get3A_376 : vector<1x16xf32> to vector<1x16xf32>
            %add3A_378 = arith.addf %get3A_373, %get3A_377 : vector<1x16xf32>
            %swap3A = arith.constant 0 : i32
            %swap3A_379 = arith.constant 0 : i32
            %swap3A_380 = tpu.memref_slice %run_scoped3A_10[%rem3A_252, %swap3A, %swap3A_379] : memref<2x128x128xf32, #tpu.memory_space<vmem>> -> memref<1x128x128xf32, #tpu.memory_space<vmem>>
            %swap3A_381 = tpu.memref_squeeze %swap3A_380 : memref<1x128x128xf32, #tpu.memory_space<vmem>> -> memref<128x128xf32, #tpu.memory_space<vmem>>
            %swap3A_382 = arith.index_cast %add3A_356 : i32 to index
            %swap3A_383 = arith.index_cast %add3A_366 : i32 to index
            %swap3A_384 = tpu.vector_load %swap3A_381[%swap3A_382, %swap3A_383] {strides = array<i32>} : memref<128x128xf32, #tpu.memory_space<vmem>>, vector<1x16xf32>,
            %swap3A_385 = vector.shape_cast %swap3A_384 : vector<1x16xf32> to vector<1x16xf32>
            %swap3A_386 = vector.shape_cast %add3A_378 : vector<1x16xf32> to vector<1x16xf32>
            tpu.vector_store %swap3A_381[%swap3A_382, %swap3A_383], %swap3A_386 {strides = array<i32>} : memref<128x128xf32, #tpu.memory_space<vmem>>, vector<1x16xf32>,
          }
          %scan3A_361 = arith.constant 8 : i32
        }
        %scan3A_259 = arith.constant 128 : i32
        "tpu.trace_stop"() : () -> ()
        %ne3A_260 = arith.cmpi ne, %add3A_161, %add3A_179 : i32
        %or3A_261 = arith.constant false
        %or3A_262 = arith.ori %or3A_261, %ne3A_260 : i1
        %or3A_263 = arith.ori %or3A_262, %eq3A_160 : i1
        %convert_element_type3A_264 = arith.extui %or3A_263 : i1 to i32
        %cond3A_265 = arith.constant 0 : i32
        %cond3A_266 = arith.cmpi ne, %convert_element_type3A_264, %cond3A_265 : i32
        scf.if %cond3A_266 {
        } else {
        }
        %and3A_267 = arith.constant false
        %and3A_268 = arith.andi %or3A_263, %and3A_267 : i1
        %ne3A_269 = arith.cmpi ne, %add3A_161, %add3A_179 : i32
        %or3A_270 = arith.constant false
        %or3A_271 = arith.ori %or3A_270, %ne3A_269 : i1
        %or3A_272 = arith.ori %or3A_271, %eq3A_160 : i1
        %convert_element_type3A_273 = arith.extui %or3A_272 : i1 to i32
        %cond3A_274 = arith.constant 0 : i32
        %cond3A_275 = arith.cmpi ne, %convert_element_type3A_273, %cond3A_274 : i32
        scf.if %cond3A_275 {
        } else {
        }
        %and3A_276 = arith.constant false
        %and3A_277 = arith.andi %or3A_272, %and3A_276 : i1
        %ne3A_278 = arith.cmpi ne, %add3A_161, %add3A_179 : i32
        %or3A_279 = arith.constant false
        %or3A_280 = arith.ori %or3A_279, %ne3A_278 : i1
        %or3A_281 = arith.constant false
        %or3A_282 = arith.ori %or3A_280, %or3A_281 : i1
        %or3A_283 = arith.ori %or3A_282, %eq3A_160 : i1
        %convert_element_type3A_284 = arith.extui %or3A_283 : i1 to i32
        %cond3A_285 = arith.constant 0 : i32
        %cond3A_286 = arith.cmpi ne, %convert_element_type3A_284, %cond3A_285 : i32
        scf.if %cond3A_286 {
          "tpu.trace_start"() <{level = 10 : i32, message = "ep_copy_out"}> : () -> ()
          %rem3A_352 = arith.constant 2 : i32
          %rem3A_353 = arith.remui %scan3A_154, %rem3A_352 : i32
          %mul3A_354 = arith.constant 128 : i32
          %mul3A_355 = arith.muli %mul3A_354, %add3A_161 : i32
          %dma_start3A_356 = arith.constant 0 : i32
          %dma_start3A_357 = arith.constant 0 : i32
          %dma_start3A_358 = tpu.memref_slice %run_scoped3A_10[%rem3A_353, %dma_start3A_356, %dma_start3A_357] : memref<2x128x128xf32, #tpu.memory_space<vmem>> -> memref<1x128x128xf32, #tpu.memory_space<vmem>>
          %dma_start3A_359 = tpu.memref_squeeze %dma_start3A_358 : memref<1x128x128xf32, #tpu.memory_space<vmem>> -> memref<128x128xf32, #tpu.memory_space<vmem>>
          %dma_start3A_360 = arith.constant 0 : i32
          %dma_start3A_361 = tpu.memref_slice %arg4[%mul3A_355, %dma_start3A_360] : memref<16384x128xf32, #tpu.memory_space<hbm>> -> memref<128x128xf32, #tpu.memory_space<hbm>>
          %dma_start3A_362 = tpu.memref_slice %run_scoped3A_11[%rem3A_353] : memref<2x!tpu.dma_semaphore, #tpu.memory_space<semaphore_mem>> -> memref<1x!tpu.dma_semaphore, #tpu.memory_space<semaphore_mem>>
          %dma_start3A_363 = tpu.memref_squeeze %dma_start3A_362 : memref<1x!tpu.dma_semaphore, #tpu.memory_space<semaphore_mem>> -> memref<!tpu.dma_semaphore, #tpu.memory_space<semaphore_mem>>
          %dma_start3A_364 = arith.constant 0 : i32
          %dma_start3A_365 = tpu.memref_slice %arg4[%mul3A_355, %dma_start3A_364] : memref<16384x128xf32, #tpu.memory_space<hbm>> -> memref<128x128xf32, #tpu.memory_space<hbm>>
          %dma_start3A_366 = arith.constant 0 : i32
          %dma_start3A_367 = arith.constant 0 : i32
          %dma_start3A_368 = tpu.memref_slice %run_scoped3A_10[%rem3A_353, %dma_start3A_366, %dma_start3A_367] : memref<2x128x128xf32, #tpu.memory_space<vmem>> -> memref<1x128x128xf32, #tpu.memory_space<vmem>>
          %dma_start3A_369 = tpu.memref_squeeze %dma_start3A_368 : memref<1x128x128xf32, #tpu.memory_space<vmem>> -> memref<128x128xf32, #tpu.memory_space<vmem>>
          tpu.enqueue_dma source(%dma_start3A_369 : memref<128x128xf32, #tpu.memory_space<vmem>>) target(%dma_start3A_365 : memref<128x128xf32, #tpu.memory_space<hbm>>) target_semaphore(%dma_start3A_363 : memref<!tpu.dma_semaphore, #tpu.memory_space<semaphore_mem>>)
          "tpu.trace_stop"() : () -> ()
        } else {
        }
        %and3A_287 = arith.constant true
        %and3A_288 = arith.andi %or3A_283, %and3A_287 : i1
        %add3A_289 = arith.constant 1 : i32
        %add3A_290 = arith.addi %scan3A_154, %add3A_289 : i32
        %select_n3A_291 = arith.select %and3A_288, %add3A_290, %scan3A_154 : i32
        %ne3A_292 = arith.cmpi ne, %add3A_161, %add3A_170 : i32
        %or3A_293 = arith.constant false
        %or3A_294 = arith.ori %or3A_293, %ne3A_292 : i1
        %not3A_295 = arith.constant true
        %not3A_296 = arith.xori %eq3A_158, %not3A_295 : i1
        %and3A_297 = arith.andi %or3A_294, %not3A_296 : i1
        %convert_element_type3A_298 = arith.extui %and3A_297 : i1 to i32
        %cond3A_299 = arith.constant 0 : i32
        %cond3A_300 = arith.cmpi ne, %convert_element_type3A_298, %cond3A_299 : i32
        scf.if %cond3A_300 {
        } else {
        }
        %and3A_301 = arith.constant false
        %and3A_302 = arith.andi %and3A_297, %and3A_301 : i1
        %ne3A_303 = arith.cmpi ne, %add3A_161, %add3A_170 : i32
        %or3A_304 = arith.constant false
        %or3A_305 = arith.ori %or3A_304, %ne3A_303 : i1
        %not3A_306 = arith.constant true
        %not3A_307 = arith.xori %eq3A_158, %not3A_306 : i1
        %and3A_308 = arith.andi %or3A_305, %not3A_307 : i1
        %convert_element_type3A_309 = arith.extui %and3A_308 : i1 to i32
        %cond3A_310 = arith.constant 0 : i32
        %cond3A_311 = arith.cmpi ne, %convert_element_type3A_309, %cond3A_310 : i32
        scf.if %cond3A_311 {
        } else {
        }
        %and3A_312 = arith.constant false
        %and3A_313 = arith.andi %and3A_308, %and3A_312 : i1
        %ne3A_314 = arith.cmpi ne, %add3A_161, %add3A_170 : i32
        %or3A_315 = arith.constant false
        %or3A_316 = arith.ori %or3A_315, %ne3A_314 : i1
        %or3A_317 = arith.constant false
        %or3A_318 = arith.ori %or3A_316, %or3A_317 : i1
        %not3A_319 = arith.constant true
        %not3A_320 = arith.xori %eq3A_158, %not3A_319 : i1
        %and3A_321 = arith.andi %or3A_318, %not3A_320 : i1
        %convert_element_type3A_322 = arith.extui %and3A_321 : i1 to i32
        %cond3A_323 = arith.constant 0 : i32
        %cond3A_324 = arith.cmpi ne, %convert_element_type3A_322, %cond3A_323 : i32
        scf.if %cond3A_324 {
          "tpu.trace_start"() <{level = 10 : i32, message = "ep_wait_out"}> : () -> ()
          %rem3A_352 = arith.constant 2 : i32
          %rem3A_353 = arith.remui %scan3A_155, %rem3A_352 : i32
          %mul3A_354 = arith.constant 128 : i32
          %mul3A_355 = arith.muli %mul3A_354, %add3A_170 : i32
          %dma_wait3A_356 = arith.constant 0 : i32
          %dma_wait3A_357 = arith.constant 0 : i32
          %dma_wait3A_358 = tpu.memref_slice %run_scoped3A_10[%rem3A_353, %dma_wait3A_356, %dma_wait3A_357] : memref<2x128x128xf32, #tpu.memory_space<vmem>> -> memref<1x128x128xf32, #tpu.memory_space<vmem>>
          %dma_wait3A_359 = tpu.memref_squeeze %dma_wait3A_358 : memref<1x128x128xf32, #tpu.memory_space<vmem>> -> memref<128x128xf32, #tpu.memory_space<vmem>>
          %dma_wait3A_360 = arith.constant 0 : i32
          %dma_wait3A_361 = tpu.memref_slice %arg4[%mul3A_355, %dma_wait3A_360] : memref<16384x128xf32, #tpu.memory_space<hbm>> -> memref<128x128xf32, #tpu.memory_space<hbm>>
          %dma_wait3A_362 = tpu.memref_slice %run_scoped3A_11[%rem3A_353] : memref<2x!tpu.dma_semaphore, #tpu.memory_space<semaphore_mem>> -> memref<1x!tpu.dma_semaphore, #tpu.memory_space<semaphore_mem>>
          %dma_wait3A_363 = tpu.memref_squeeze %dma_wait3A_362 : memref<1x!tpu.dma_semaphore, #tpu.memory_space<semaphore_mem>> -> memref<!tpu.dma_semaphore, #tpu.memory_space<semaphore_mem>>
          %dma_wait3A_364 = arith.constant 0 : i32
          %dma_wait3A_365 = tpu.memref_slice %arg4[%mul3A_355, %dma_wait3A_364] : memref<16384x128xf32, #tpu.memory_space<hbm>> -> memref<128x128xf32, #tpu.memory_space<hbm>>
          %dma_wait3A_366 = arith.constant 0 : i32
          %dma_wait3A_367 = arith.constant 0 : i32
          %dma_wait3A_368 = tpu.memref_slice %run_scoped3A_10[%rem3A_353, %dma_wait3A_366, %dma_wait3A_367] : memref<2x128x128xf32, #tpu.memory_space<vmem>> -> memref<1x128x128xf32, #tpu.memory_space<vmem>>
          %dma_wait3A_369 = tpu.memref_squeeze %dma_wait3A_368 : memref<1x128x128xf32, #tpu.memory_space<vmem>> -> memref<128x128xf32, #tpu.memory_space<vmem>>
          tpu.wait_dma2 semaphore(%dma_wait3A_363 : memref<!tpu.dma_semaphore, #tpu.memory_space<semaphore_mem>>) src(%dma_wait3A_369 : memref<128x128xf32, #tpu.memory_space<vmem>>) dst(%dma_wait3A_365 : memref<128x128xf32, #tpu.memory_space<hbm>>)
          "tpu.trace_stop"() : () -> ()
        } else {
        }
        %and3A_325 = arith.constant true
        %and3A_326 = arith.andi %and3A_321, %and3A_325 : i1
        %add3A_327 = arith.constant 1 : i32
        %add3A_328 = arith.addi %scan3A_155, %add3A_327 : i32
        %select_n3A_329 = arith.select %and3A_326, %add3A_328, %scan3A_155 : i32
        %ne3A_330 = arith.cmpi ne, %add3A_161, %add3A_179 : i32
        %or3A_331 = arith.constant false
        %or3A_332 = arith.ori %or3A_331, %ne3A_330 : i1
        %or3A_333 = arith.ori %or3A_332, %eq3A_160 : i1
        %add3A_334 = arith.constant 1 : i32
        %add3A_335 = arith.addi %scan3A_151, %add3A_334 : i32
        %select_n3A_336 = arith.select %or3A_333, %add3A_335, %scan3A_151 : i32
        %ne3A_337 = arith.cmpi ne, %add3A_161, %add3A_179 : i32
        %or3A_338 = arith.constant false
        %or3A_339 = arith.ori %or3A_338, %ne3A_337 : i1
        %or3A_340 = arith.ori %or3A_339, %eq3A_160 : i1
        %add3A_341 = arith.constant 1 : i32
        %add3A_342 = arith.addi %scan3A_153, %add3A_341 : i32
        %select_n3A_343 = arith.select %or3A_340, %add3A_342, %scan3A_153 : i32
        %add3A_344 = arith.constant 1 : i32
        %add3A_345 = arith.addi %scan3A_156, %add3A_344 : i32
        %select_n3A_346 = arith.constant true
        %select_n3A_347 = arith.select %select_n3A_346, %add3A_345, %scan3A_156 : i32
        %eq3A_348 = arith.constant 4 : i32
        %eq3A_349 = arith.cmpi eq, %select_n3A_347, %eq3A_348 : i32
        %select_n3A_350 = arith.constant 0 : i32
        %select_n3A_351 = arith.select %eq3A_349, %select_n3A_350, %select_n3A_347 : i32
        scf.yield %select_n3A_197, %select_n3A_336, %select_n3A_213, %select_n3A_343, %select_n3A_291, %select_n3A_329, %select_n3A_351 : i32, i32, i32, i32, i32, i32, i32
      }
      %scan3A_96 = arith.constant 4 : i32
      %sub3A = arith.constant 1 : i32
      %sub3A_97 = arith.subi %scan3A_95#6, %sub3A : i32
      %select_n3A_98 = arith.constant true
      %select_n3A_99 = arith.select %select_n3A_98, %sub3A_97, %scan3A_95#6 : i32
      %eq3A_100 = arith.constant -1 : i32
      %eq3A_101 = arith.cmpi eq, %select_n3A_99, %eq3A_100 : i32
      %select_n3A_102 = arith.constant 3 : i32
      %select_n3A_103 = arith.select %eq3A_101, %select_n3A_102, %select_n3A_99 : i32
      %add3A_104 = arith.addi %select_n3A_103, %mul3A_6 : i32
      %sub3A_105 = arith.constant 1 : i32
      %sub3A_106 = arith.subi %select_n3A_103, %sub3A_105 : i32
      %select_n3A_107 = arith.constant true
      %select_n3A_108 = arith.select %select_n3A_107, %sub3A_106, %select_n3A_103 : i32
      %eq3A_109 = arith.constant -1 : i32
      %eq3A_110 = arith.cmpi eq, %select_n3A_108, %eq3A_109 : i32
      %select_n3A_111 = arith.constant 3 : i32
      %select_n3A_112 = arith.select %eq3A_110, %select_n3A_111, %select_n3A_108 : i32
      %add3A_113 = arith.addi %select_n3A_112, %mul3A_6 : i32
      %add3A_114 = arith.constant 1 : i32
      %add3A_115 = arith.addi %select_n3A_103, %add3A_114 : i32
      %select_n3A_116 = arith.constant true
      %select_n3A_117 = arith.select %select_n3A_116, %add3A_115, %select_n3A_103 : i32
      %eq3A_118 = arith.constant 4 : i32
      %eq3A_119 = arith.cmpi eq, %select_n3A_117, %eq3A_118 : i32
      %select_n3A_120 = arith.constant 0 : i32
      %select_n3A_121 = arith.select %eq3A_119, %select_n3A_120, %select_n3A_117 : i32
      %add3A_122 = arith.addi %select_n3A_121, %mul3A_6 : i32
      %add3A_123 = arith.constant 1 : i32
      %add3A_124 = arith.addi %select_n3A_121, %add3A_123 : i32
      %select_n3A_125 = arith.constant true
      %select_n3A_126 = arith.select %select_n3A_125, %add3A_124, %select_n3A_121 : i32
      %eq3A_127 = arith.constant 4 : i32
      %eq3A_128 = arith.cmpi eq, %select_n3A_126, %eq3A_127 : i32
      %select_n3A_129 = arith.constant 0 : i32
      %select_n3A_130 = arith.select %eq3A_128, %select_n3A_129, %select_n3A_126 : i32
      %add3A_131 = arith.addi %select_n3A_130, %mul3A_6 : i32
      "tpu.trace_start"() <{level = 10 : i32, message = "ep_finalize"}> : () -> ()
      %rem3A_132 = arith.constant 2 : i32
      %rem3A_133 = arith.remui %scan3A_95#5, %rem3A_132 : i32
      %mul3A_134 = arith.constant 128 : i32
      %mul3A_135 = arith.muli %mul3A_134, %add3A_104 : i32
      %dma_wait3A = arith.constant 0 : i32
      %dma_wait3A_136 = arith.constant 0 : i32
      %dma_wait3A_137 = tpu.memref_slice %run_scoped3A_10[%rem3A_133, %dma_wait3A, %dma_wait3A_136] : memref<2x128x128xf32, #tpu.memory_space<vmem>> -> memref<1x128x128xf32, #tpu.memory_space<vmem>>
      %dma_wait3A_138 = tpu.memref_squeeze %dma_wait3A_137 : memref<1x128x128xf32, #tpu.memory_space<vmem>> -> memref<128x128xf32, #tpu.memory_space<vmem>>
      %dma_wait3A_139 = arith.constant 0 : i32
      %dma_wait3A_140 = tpu.memref_slice %arg4[%mul3A_135, %dma_wait3A_139] : memref<16384x128xf32, #tpu.memory_space<hbm>> -> memref<128x128xf32, #tpu.memory_space<hbm>>
      %dma_wait3A_141 = tpu.memref_slice %run_scoped3A_11[%rem3A_133] : memref<2x!tpu.dma_semaphore, #tpu.memory_space<semaphore_mem>> -> memref<1x!tpu.dma_semaphore, #tpu.memory_space<semaphore_mem>>
      %dma_wait3A_142 = tpu.memref_squeeze %dma_wait3A_141 : memref<1x!tpu.dma_semaphore, #tpu.memory_space<semaphore_mem>> -> memref<!tpu.dma_semaphore, #tpu.memory_space<semaphore_mem>>
      %dma_wait3A_143 = arith.constant 0 : i32
      %dma_wait3A_144 = tpu.memref_slice %arg4[%mul3A_135, %dma_wait3A_143] : memref<16384x128xf32, #tpu.memory_space<hbm>> -> memref<128x128xf32, #tpu.memory_space<hbm>>
      %dma_wait3A_145 = arith.constant 0 : i32
      %dma_wait3A_146 = arith.constant 0 : i32
      %dma_wait3A_147 = tpu.memref_slice %run_scoped3A_10[%rem3A_133, %dma_wait3A_145, %dma_wait3A_146] : memref<2x128x128xf32, #tpu.memory_space<vmem>> -> memref<1x128x128xf32, #tpu.memory_space<vmem>>
      %dma_wait3A_148 = tpu.memref_squeeze %dma_wait3A_147 : memref<1x128x128xf32, #tpu.memory_space<vmem>> -> memref<128x128xf32, #tpu.memory_space<vmem>>
      tpu.wait_dma2 semaphore(%dma_wait3A_142 : memref<!tpu.dma_semaphore, #tpu.memory_space<semaphore_mem>>) src(%dma_wait3A_148 : memref<128x128xf32, #tpu.memory_space<vmem>>) dst(%dma_wait3A_144 : memref<128x128xf32, #tpu.memory_space<hbm>>)
      "tpu.trace_stop"() : () -> ()
      tpu.yield
    }) : () -> ()
    return
  }
}

#map = affine_map<(d0, d1) -> (0, 0)>
module attributes {stable_mosaic.version = 14 : i64} {
  func.func @k(%arg0: i32, %arg1: i32, %arg2: memref<8192x128xf32, #tpu.memory_space<hbm>>, %arg3: memref<1x8192xi32, #tpu.memory_space<hbm>>, %arg4: memref<8192x128xf32, #tpu.memory_space<hbm>>) attributes {dimension_semantics = [#tpu.dimension_semantics<core_parallel>, #tpu.dimension_semantics<subcore_parallel>], iteration_bounds = array<i64: 2, 16>, scalar_prefetch = 0 : i64, scratch_operands = 0 : i64, tpu.core_type = #tpu.core_type<sc_vector_subcore>, window_params = [{transform_indices = #map}, {transform_indices = #map}, {transform_indices = #map}]} {
    %mul3A = arith.constant 1 : i32
    %mul3A_0 = arith.muli %arg1, %mul3A : i32
    %add3A = arith.constant 0 : i32
    %add3A_1 = arith.addi %add3A, %mul3A_0 : i32
    %mul3A_2 = arith.constant 16 : i32
    %mul3A_3 = arith.muli %arg0, %mul3A_2 : i32
    %add3A_4 = arith.addi %add3A_1, %mul3A_3 : i32
    %mul3A_5 = arith.constant 2 : i32
    %mul3A_6 = arith.muli %add3A_4, %mul3A_5 : i32
    "tpu.region"() ({
      %run_scoped3A = memref.alloca() : memref<2x128x128xf32, #tpu.memory_space<vmem>>
      %run_scoped3A_7 = tpu.sem_alloc : memref<2x!tpu.dma_semaphore, #tpu.memory_space<semaphore_mem>>
      %run_scoped3A_8 = memref.alloca() : memref<2x1x128xi32, #tpu.memory_space<vmem>>
      %run_scoped3A_9 = tpu.sem_alloc : memref<2x!tpu.dma_semaphore, #tpu.memory_space<semaphore_mem>>
      %add3A_10 = arith.constant 0 : i32
      %add3A_11 = arith.addi %add3A_10, %mul3A_6 : i32
      %select_n3A = arith.constant true
      %select_n3A_12 = arith.constant 0 : i32
      %select_n3A_13 = arith.constant -1 : i32
      %select_n3A_14 = arith.select %select_n3A, %select_n3A_13, %select_n3A_12 : i32
      %eq3A = arith.constant -1 : i32
      %eq3A_15 = arith.cmpi eq, %select_n3A_14, %eq3A : i32
      %select_n3A_16 = arith.constant 1 : i32
      %select_n3A_17 = arith.select %eq3A_15, %select_n3A_16, %select_n3A_14 : i32
      %add3A_18 = arith.addi %select_n3A_17, %mul3A_6 : i32
      %select_n3A_19 = arith.constant true
      %select_n3A_20 = arith.constant 0 : i32
      %select_n3A_21 = arith.constant 1 : i32
      %select_n3A_22 = arith.select %select_n3A_19, %select_n3A_21, %select_n3A_20 : i32
      %eq3A_23 = arith.constant 2 : i32
      %eq3A_24 = arith.cmpi eq, %select_n3A_22, %eq3A_23 : i32
      %select_n3A_25 = arith.constant 0 : i32
      %select_n3A_26 = arith.select %eq3A_24, %select_n3A_25, %select_n3A_22 : i32
      %add3A_27 = arith.addi %select_n3A_26, %mul3A_6 : i32
      %add3A_28 = arith.constant 1 : i32
      %add3A_29 = arith.addi %select_n3A_26, %add3A_28 : i32
      %select_n3A_30 = arith.constant true
      %select_n3A_31 = arith.select %select_n3A_30, %add3A_29, %select_n3A_26 : i32
      %eq3A_32 = arith.constant 2 : i32
      %eq3A_33 = arith.cmpi eq, %select_n3A_31, %eq3A_32 : i32
      %select_n3A_34 = arith.constant 0 : i32
      %select_n3A_35 = arith.select %eq3A_33, %select_n3A_34, %select_n3A_31 : i32
      %add3A_36 = arith.addi %select_n3A_35, %mul3A_6 : i32
      "tpu.trace_start"() <{level = 10 : i32, message = "ep_initialize_0"}> : () -> ()
      %rem3A = arith.constant 0 : i32
      %rem3A_37 = arith.constant 2 : i32
      %rem3A_38 = arith.remui %rem3A, %rem3A_37 : i32
      %mul3A_39 = arith.constant 128 : i32
      %mul3A_40 = arith.muli %mul3A_39, %add3A_11 : i32
      %dma_start3A = arith.constant 0 : i32
      %dma_start3A_41 = arith.constant 0 : i32
      %dma_start3A_42 = tpu.memref_slice %run_scoped3A[%rem3A_38, %dma_start3A, %dma_start3A_41] : memref<2x128x128xf32, #tpu.memory_space<vmem>> -> memref<1x128x128xf32, #tpu.memory_space<vmem>>
      %dma_start3A_43 = tpu.memref_squeeze %dma_start3A_42 : memref<1x128x128xf32, #tpu.memory_space<vmem>> -> memref<128x128xf32, #tpu.memory_space<vmem>>
      %dma_start3A_44 = arith.constant 0 : i32
      %dma_start3A_45 = tpu.memref_slice %arg2[%mul3A_40, %dma_start3A_44] : memref<8192x128xf32, #tpu.memory_space<hbm>> -> memref<128x128xf32, #tpu.memory_space<hbm>>
      %dma_start3A_46 = tpu.memref_slice %run_scoped3A_7[%rem3A_38] : memref<2x!tpu.dma_semaphore, #tpu.memory_space<semaphore_mem>> -> memref<1x!tpu.dma_semaphore, #tpu.memory_space<semaphore_mem>>
      %dma_start3A_47 = tpu.memref_squeeze %dma_start3A_46 : memref<1x!tpu.dma_semaphore, #tpu.memory_space<semaphore_mem>> -> memref<!tpu.dma_semaphore, #tpu.memory_space<semaphore_mem>>
      %dma_start3A_48 = arith.constant 0 : i32
      %dma_start3A_49 = arith.constant 0 : i32
      %dma_start3A_50 = tpu.memref_slice %run_scoped3A[%rem3A_38, %dma_start3A_48, %dma_start3A_49] : memref<2x128x128xf32, #tpu.memory_space<vmem>> -> memref<1x128x128xf32, #tpu.memory_space<vmem>>
      %dma_start3A_51 = tpu.memref_squeeze %dma_start3A_50 : memref<1x128x128xf32, #tpu.memory_space<vmem>> -> memref<128x128xf32, #tpu.memory_space<vmem>>
      %dma_start3A_52 = arith.constant 0 : i32
      %dma_start3A_53 = tpu.memref_slice %arg2[%mul3A_40, %dma_start3A_52] : memref<8192x128xf32, #tpu.memory_space<hbm>> -> memref<128x128xf32, #tpu.memory_space<hbm>>
      tpu.enqueue_dma source(%dma_start3A_53 : memref<128x128xf32, #tpu.memory_space<hbm>>) target(%dma_start3A_51 : memref<128x128xf32, #tpu.memory_space<vmem>>) target_semaphore(%dma_start3A_47 : memref<!tpu.dma_semaphore, #tpu.memory_space<semaphore_mem>>)
      %add3A_54 = arith.constant 0 : i32
      %add3A_55 = arith.constant 1 : i32
      %add3A_56 = arith.addi %add3A_54, %add3A_55 : i32
      %select_n3A_57 = arith.constant true
      %select_n3A_58 = arith.constant 0 : i32
      %select_n3A_59 = arith.select %select_n3A_57, %add3A_56, %select_n3A_58 : i32
      %rem3A_60 = arith.constant 0 : i32
      %rem3A_61 = arith.constant 2 : i32
      %rem3A_62 = arith.remui %rem3A_60, %rem3A_61 : i32
      %mul3A_63 = arith.constant 128 : i32
      %mul3A_64 = arith.muli %mul3A_63, %add3A_11 : i32
      %dma_start3A_65 = arith.constant 0 : i32
      %dma_start3A_66 = arith.constant 0 : i32
      %dma_start3A_67 = tpu.memref_slice %run_scoped3A_8[%rem3A_62, %dma_start3A_65, %dma_start3A_66] : memref<2x1x128xi32, #tpu.memory_space<vmem>> -> memref<1x1x128xi32, #tpu.memory_space<vmem>>
      %dma_start3A_68 = tpu.memref_squeeze %dma_start3A_67 : memref<1x1x128xi32, #tpu.memory_space<vmem>> -> memref<1x128xi32, #tpu.memory_space<vmem>>
      %dma_start3A_69 = arith.constant 0 : i32
      %dma_start3A_70 = tpu.memref_slice %arg3[%dma_start3A_69, %mul3A_64] : memref<1x8192xi32, #tpu.memory_space<hbm>> -> memref<1x128xi32, #tpu.memory_space<hbm>>
      %dma_start3A_71 = tpu.memref_slice %run_scoped3A_9[%rem3A_62] : memref<2x!tpu.dma_semaphore, #tpu.memory_space<semaphore_mem>> -> memref<1x!tpu.dma_semaphore, #tpu.memory_space<semaphore_mem>>
      %dma_start3A_72 = tpu.memref_squeeze %dma_start3A_71 : memref<1x!tpu.dma_semaphore, #tpu.memory_space<semaphore_mem>> -> memref<!tpu.dma_semaphore, #tpu.memory_space<semaphore_mem>>
      %dma_start3A_73 = arith.constant 0 : i32
      %dma_start3A_74 = arith.constant 0 : i32
      %dma_start3A_75 = tpu.memref_slice %run_scoped3A_8[%rem3A_62, %dma_start3A_73, %dma_start3A_74] : memref<2x1x128xi32, #tpu.memory_space<vmem>> -> memref<1x1x128xi32, #tpu.memory_space<vmem>>
      %dma_start3A_76 = tpu.memref_squeeze %dma_start3A_75 : memref<1x1x128xi32, #tpu.memory_space<vmem>> -> memref<1x128xi32, #tpu.memory_space<vmem>>
      %dma_start3A_77 = arith.constant 0 : i32
      %dma_start3A_78 = tpu.memref_slice %arg3[%dma_start3A_77, %mul3A_64] : memref<1x8192xi32, #tpu.memory_space<hbm>> -> memref<1x128xi32, #tpu.memory_space<hbm>>
      tpu.enqueue_dma source(%dma_start3A_78 : memref<1x128xi32, #tpu.memory_space<hbm>>) target(%dma_start3A_76 : memref<1x128xi32, #tpu.memory_space<vmem>>) target_semaphore(%dma_start3A_72 : memref<!tpu.dma_semaphore, #tpu.memory_space<semaphore_mem>>)
      %add3A_79 = arith.constant 0 : i32
      %add3A_80 = arith.constant 1 : i32
      %add3A_81 = arith.addi %add3A_79, %add3A_80 : i32
      %select_n3A_82 = arith.constant true
      %select_n3A_83 = arith.constant 0 : i32
      %select_n3A_84 = arith.select %select_n3A_82, %add3A_81, %select_n3A_83 : i32
      "tpu.trace_stop"() : () -> ()
      %scan3A = arith.constant 0 : i32
      %scan3A_85 = arith.constant 0 : i32
      %scan3A_86 = arith.constant 0 : i32
      %scan3A_87 = arith.constant 0 : i32
      %scan3A_88 = arith.constant 2 : i32
      %scan3A_89 = arith.addi %scan3A_87, %scan3A_88 : i32
      %scan3A_90 = arith.constant 1 : i32
      %scan3A_91:5 = scf.for %scan3A_128 = %scan3A_87 to %scan3A_89 step %scan3A_90 iter_args(%scan3A_129 = %select_n3A_59, %scan3A_130 = %scan3A, %scan3A_131 = %select_n3A_84, %scan3A_132 = %scan3A_85, %scan3A_133 = %scan3A_86) -> (i32, i32, i32, i32, i32)  : i32 {
        %eq3A_134 = arith.constant 0 : i32
        %eq3A_135 = arith.cmpi eq, %scan3A_128, %eq3A_134 : i32
        %eq3A_136 = arith.constant 1 : i32
        %eq3A_137 = arith.cmpi eq, %scan3A_128, %eq3A_136 : i32
        %add3A_138 = arith.addi %scan3A_133, %mul3A_6 : i32
        %sub3A_139 = arith.constant 1 : i32
        %sub3A_140 = arith.subi %scan3A_133, %sub3A_139 : i32
        %select_n3A_141 = arith.constant true
        %select_n3A_142 = arith.select %select_n3A_141, %sub3A_140, %scan3A_133 : i32
        %eq3A_143 = arith.constant -1 : i32
        %eq3A_144 = arith.cmpi eq, %select_n3A_142, %eq3A_143 : i32
        %select_n3A_145 = arith.constant 1 : i32
        %select_n3A_146 = arith.select %eq3A_144, %select_n3A_145, %select_n3A_142 : i32
        %add3A_147 = arith.addi %select_n3A_146, %mul3A_6 : i32
        %add3A_148 = arith.constant 1 : i32
        %add3A_149 = arith.addi %scan3A_133, %add3A_148 : i32
        %select_n3A_150 = arith.constant true
        %select_n3A_151 = arith.select %select_n3A_150, %add3A_149, %scan3A_133 : i32
        %eq3A_152 = arith.constant 2 : i32
        %eq3A_153 = arith.cmpi eq, %select_n3A_151, %eq3A_152 : i32
        %select_n3A_154 = arith.constant 0 : i32
        %select_n3A_155 = arith.select %eq3A_153, %select_n3A_154, %select_n3A_151 : i32
        %add3A_156 = arith.addi %select_n3A_155, %mul3A_6 : i32
        %add3A_157 = arith.constant 1 : i32
        %add3A_158 = arith.addi %select_n3A_155, %add3A_157 : i32
        %select_n3A_159 = arith.constant true
        %select_n3A_160 = arith.select %select_n3A_159, %add3A_158, %select_n3A_155 : i32
        %eq3A_161 = arith.constant 2 : i32
        %eq3A_162 = arith.cmpi eq, %select_n3A_160, %eq3A_161 : i32
        %select_n3A_163 = arith.constant 0 : i32
        %select_n3A_164 = arith.select %eq3A_162, %select_n3A_163, %select_n3A_160 : i32
        %add3A_165 = arith.addi %select_n3A_164, %mul3A_6 : i32
        %ne3A = arith.cmpi ne, %add3A_138, %add3A_156 : i32
        %or3A = arith.constant false
        %or3A_166 = arith.ori %or3A, %ne3A : i1
        %or3A_167 = arith.constant false
        %or3A_168 = arith.ori %or3A_166, %or3A_167 : i1
        %ge3A = arith.constant 1 : i32
        %ge3A_169 = arith.cmpi sge, %scan3A_128, %ge3A : i32
        %not3A = arith.constant true
        %not3A_170 = arith.xori %ge3A_169, %not3A : i1
        %and3A = arith.andi %or3A_168, %not3A_170 : i1
        %convert_element_type3A = arith.extui %and3A : i1 to i32
        %cond3A = arith.constant 0 : i32
        %cond3A_171 = arith.cmpi ne, %convert_element_type3A, %cond3A : i32
        scf.if %cond3A_171 {
          "tpu.trace_start"() <{level = 10 : i32, message = "ep_copy_in"}> : () -> ()
          %rem3A_282 = arith.constant 2 : i32
          %rem3A_283 = arith.remui %scan3A_129, %rem3A_282 : i32
          %mul3A_284 = arith.constant 128 : i32
          %mul3A_285 = arith.muli %mul3A_284, %add3A_156 : i32
          %dma_start3A_286 = arith.constant 0 : i32
          %dma_start3A_287 = arith.constant 0 : i32
          %dma_start3A_288 = tpu.memref_slice %run_scoped3A[%rem3A_283, %dma_start3A_286, %dma_start3A_287] : memref<2x128x128xf32, #tpu.memory_space<vmem>> -> memref<1x128x128xf32, #tpu.memory_space<vmem>>
          %dma_start3A_289 = tpu.memref_squeeze %dma_start3A_288 : memref<1x128x128xf32, #tpu.memory_space<vmem>> -> memref<128x128xf32, #tpu.memory_space<vmem>>
          %dma_start3A_290 = arith.constant 0 : i32
          %dma_start3A_291 = tpu.memref_slice %arg2[%mul3A_285, %dma_start3A_290] : memref<8192x128xf32, #tpu.memory_space<hbm>> -> memref<128x128xf32, #tpu.memory_space<hbm>>
          %dma_start3A_292 = tpu.memref_slice %run_scoped3A_7[%rem3A_283] : memref<2x!tpu.dma_semaphore, #tpu.memory_space<semaphore_mem>> -> memref<1x!tpu.dma_semaphore, #tpu.memory_space<semaphore_mem>>
          %dma_start3A_293 = tpu.memref_squeeze %dma_start3A_292 : memref<1x!tpu.dma_semaphore, #tpu.memory_space<semaphore_mem>> -> memref<!tpu.dma_semaphore, #tpu.memory_space<semaphore_mem>>
          %dma_start3A_294 = arith.constant 0 : i32
          %dma_start3A_295 = arith.constant 0 : i32
          %dma_start3A_296 = tpu.memref_slice %run_scoped3A[%rem3A_283, %dma_start3A_294, %dma_start3A_295] : memref<2x128x128xf32, #tpu.memory_space<vmem>> -> memref<1x128x128xf32, #tpu.memory_space<vmem>>
          %dma_start3A_297 = tpu.memref_squeeze %dma_start3A_296 : memref<1x128x128xf32, #tpu.memory_space<vmem>> -> memref<128x128xf32, #tpu.memory_space<vmem>>
          %dma_start3A_298 = arith.constant 0 : i32
          %dma_start3A_299 = tpu.memref_slice %arg2[%mul3A_285, %dma_start3A_298] : memref<8192x128xf32, #tpu.memory_space<hbm>> -> memref<128x128xf32, #tpu.memory_space<hbm>>
          tpu.enqueue_dma source(%dma_start3A_299 : memref<128x128xf32, #tpu.memory_space<hbm>>) target(%dma_start3A_297 : memref<128x128xf32, #tpu.memory_space<vmem>>) target_semaphore(%dma_start3A_293 : memref<!tpu.dma_semaphore, #tpu.memory_space<semaphore_mem>>)
          "tpu.trace_stop"() : () -> ()
        } else {
        }
        %and3A_172 = arith.constant true
        %and3A_173 = arith.andi %and3A, %and3A_172 : i1
        %add3A_174 = arith.constant 1 : i32
        %add3A_175 = arith.addi %scan3A_129, %add3A_174 : i32
        %select_n3A_176 = arith.select %and3A_173, %add3A_175, %scan3A_129 : i32
        %ne3A_177 = arith.cmpi ne, %add3A_138, %add3A_156 : i32
        %or3A_178 = arith.constant false
        %or3A_179 = arith.ori %or3A_178, %ne3A_177 : i1
        %ge3A_180 = arith.constant 1 : i32
        %ge3A_181 = arith.cmpi sge, %scan3A_128, %ge3A_180 : i32
        %not3A_182 = arith.constant true
        %not3A_183 = arith.xori %ge3A_181, %not3A_182 : i1
        %and3A_184 = arith.andi %or3A_179, %not3A_183 : i1
        %convert_element_type3A_185 = arith.extui %and3A_184 : i1 to i32
        %cond3A_186 = arith.constant 0 : i32
        %cond3A_187 = arith.cmpi ne, %convert_element_type3A_185, %cond3A_186 : i32
        scf.if %cond3A_187 {
          "tpu.trace_start"() <{level = 10 : i32, message = "ep_copy_in"}> : () -> ()
          %rem3A_282 = arith.constant 2 : i32
          %rem3A_283 = arith.remui %scan3A_131, %rem3A_282 : i32
          %mul3A_284 = arith.constant 128 : i32
          %mul3A_285 = arith.muli %mul3A_284, %add3A_156 : i32
          %dma_start3A_286 = arith.constant 0 : i32
          %dma_start3A_287 = arith.constant 0 : i32
          %dma_start3A_288 = tpu.memref_slice %run_scoped3A_8[%rem3A_283, %dma_start3A_286, %dma_start3A_287] : memref<2x1x128xi32, #tpu.memory_space<vmem>> -> memref<1x1x128xi32, #tpu.memory_space<vmem>>
          %dma_start3A_289 = tpu.memref_squeeze %dma_start3A_288 : memref<1x1x128xi32, #tpu.memory_space<vmem>> -> memref<1x128xi32, #tpu.memory_space<vmem>>
          %dma_start3A_290 = arith.constant 0 : i32
          %dma_start3A_291 = tpu.memref_slice %arg3[%dma_start3A_290, %mul3A_285] : memref<1x8192xi32, #tpu.memory_space<hbm>> -> memref<1x128xi32, #tpu.memory_space<hbm>>
          %dma_start3A_292 = tpu.memref_slice %run_scoped3A_9[%rem3A_283] : memref<2x!tpu.dma_semaphore, #tpu.memory_space<semaphore_mem>> -> memref<1x!tpu.dma_semaphore, #tpu.memory_space<semaphore_mem>>
          %dma_start3A_293 = tpu.memref_squeeze %dma_start3A_292 : memref<1x!tpu.dma_semaphore, #tpu.memory_space<semaphore_mem>> -> memref<!tpu.dma_semaphore, #tpu.memory_space<semaphore_mem>>
          %dma_start3A_294 = arith.constant 0 : i32
          %dma_start3A_295 = arith.constant 0 : i32
          %dma_start3A_296 = tpu.memref_slice %run_scoped3A_8[%rem3A_283, %dma_start3A_294, %dma_start3A_295] : memref<2x1x128xi32, #tpu.memory_space<vmem>> -> memref<1x1x128xi32, #tpu.memory_space<vmem>>
          %dma_start3A_297 = tpu.memref_squeeze %dma_start3A_296 : memref<1x1x128xi32, #tpu.memory_space<vmem>> -> memref<1x128xi32, #tpu.memory_space<vmem>>
          %dma_start3A_298 = arith.constant 0 : i32
          %dma_start3A_299 = tpu.memref_slice %arg3[%dma_start3A_298, %mul3A_285] : memref<1x8192xi32, #tpu.memory_space<hbm>> -> memref<1x128xi32, #tpu.memory_space<hbm>>
          tpu.enqueue_dma source(%dma_start3A_299 : memref<1x128xi32, #tpu.memory_space<hbm>>) target(%dma_start3A_297 : memref<1x128xi32, #tpu.memory_space<vmem>>) target_semaphore(%dma_start3A_293 : memref<!tpu.dma_semaphore, #tpu.memory_space<semaphore_mem>>)
          "tpu.trace_stop"() : () -> ()
        } else {
        }
        %and3A_188 = arith.constant true
        %and3A_189 = arith.andi %and3A_184, %and3A_188 : i1
        %add3A_190 = arith.constant 1 : i32
        %add3A_191 = arith.addi %scan3A_131, %add3A_190 : i32
        %select_n3A_192 = arith.select %and3A_189, %add3A_191, %scan3A_131 : i32
        %ne3A_193 = arith.cmpi ne, %add3A_138, %add3A_147 : i32
        %or3A_194 = arith.constant false
        %or3A_195 = arith.ori %or3A_194, %ne3A_193 : i1
        %or3A_196 = arith.constant false
        %or3A_197 = arith.ori %or3A_195, %or3A_196 : i1
        %or3A_198 = arith.ori %or3A_197, %eq3A_135 : i1
        %convert_element_type3A_199 = arith.extui %or3A_198 : i1 to i32
        %cond3A_200 = arith.constant 0 : i32
        %cond3A_201 = arith.cmpi ne, %convert_element_type3A_199, %cond3A_200 : i32
        scf.if %cond3A_201 {
          "tpu.trace_start"() <{level = 10 : i32, message = "ep_wait_in"}> : () -> ()
          %mul3A_282 = arith.constant 128 : i32
          %mul3A_283 = arith.muli %mul3A_282, %add3A_138 : i32
          %rem3A_284 = arith.constant 2 : i32
          %rem3A_285 = arith.remui %scan3A_130, %rem3A_284 : i32
          %dma_wait3A = arith.constant 0 : i32
          %dma_wait3A_286 = arith.constant 0 : i32
          %dma_wait3A_287 = tpu.memref_slice %run_scoped3A[%rem3A_285, %dma_wait3A, %dma_wait3A_286] : memref<2x128x128xf32, #tpu.memory_space<vmem>> -> memref<1x128x128xf32, #tpu.memory_space<vmem>>
          %dma_wait3A_288 = tpu.memref_squeeze %dma_wait3A_287 : memref<1x128x128xf32, #tpu.memory_space<vmem>> -> memref<128x128xf32, #tpu.memory_space<vmem>>
          %dma_wait3A_289 = arith.constant 0 : i32
          %dma_wait3A_290 = tpu.memref_slice %arg2[%mul3A_283, %dma_wait3A_289] : memref<8192x128xf32, #tpu.memory_space<hbm>> -> memref<128x128xf32, #tpu.memory_space<hbm>>
          %dma_wait3A_291 = tpu.memref_slice %run_scoped3A_7[%rem3A_285] : memref<2x!tpu.dma_semaphore, #tpu.memory_space<semaphore_mem>> -> memref<1x!tpu.dma_semaphore, #tpu.memory_space<semaphore_mem>>
          %dma_wait3A_292 = tpu.memref_squeeze %dma_wait3A_291 : memref<1x!tpu.dma_semaphore, #tpu.memory_space<semaphore_mem>> -> memref<!tpu.dma_semaphore, #tpu.memory_space<semaphore_mem>>
          %dma_wait3A_293 = arith.constant 0 : i32
          %dma_wait3A_294 = arith.constant 0 : i32
          %dma_wait3A_295 = tpu.memref_slice %run_scoped3A[%rem3A_285, %dma_wait3A_293, %dma_wait3A_294] : memref<2x128x128xf32, #tpu.memory_space<vmem>> -> memref<1x128x128xf32, #tpu.memory_space<vmem>>
          %dma_wait3A_296 = tpu.memref_squeeze %dma_wait3A_295 : memref<1x128x128xf32, #tpu.memory_space<vmem>> -> memref<128x128xf32, #tpu.memory_space<vmem>>
          %dma_wait3A_297 = arith.constant 0 : i32
          %dma_wait3A_298 = tpu.memref_slice %arg2[%mul3A_283, %dma_wait3A_297] : memref<8192x128xf32, #tpu.memory_space<hbm>> -> memref<128x128xf32, #tpu.memory_space<hbm>>
          tpu.wait_dma2 semaphore(%dma_wait3A_292 : memref<!tpu.dma_semaphore, #tpu.memory_space<semaphore_mem>>) src(%dma_wait3A_298 : memref<128x128xf32, #tpu.memory_space<hbm>>) dst(%dma_wait3A_296 : memref<128x128xf32, #tpu.memory_space<vmem>>)
          "tpu.trace_stop"() : () -> ()
        } else {
        }
        %ne3A_202 = arith.cmpi ne, %add3A_138, %add3A_147 : i32
        %or3A_203 = arith.constant false
        %or3A_204 = arith.ori %or3A_203, %ne3A_202 : i1
        %or3A_205 = arith.ori %or3A_204, %eq3A_135 : i1
        %convert_element_type3A_206 = arith.extui %or3A_205 : i1 to i32
        %cond3A_207 = arith.constant 0 : i32
        %cond3A_208 = arith.cmpi ne, %convert_element_type3A_206, %cond3A_207 : i32
        scf.if %cond3A_208 {
          "tpu.trace_start"() <{level = 10 : i32, message = "ep_wait_in"}> : () -> ()
          %mul3A_282 = arith.constant 128 : i32
          %mul3A_283 = arith.muli %mul3A_282, %add3A_138 : i32
          %rem3A_284 = arith.constant 2 : i32
          %rem3A_285 = arith.remui %scan3A_132, %rem3A_284 : i32
          %dma_wait3A = arith.constant 0 : i32
          %dma_wait3A_286 = arith.constant 0 : i32
          %dma_wait3A_287 = tpu.memref_slice %run_scoped3A_8[%rem3A_285, %dma_wait3A, %dma_wait3A_286] : memref<2x1x128xi32, #tpu.memory_space<vmem>> -> memref<1x1x128xi32, #tpu.memory_space<vmem>>
          %dma_wait3A_288 = tpu.memref_squeeze %dma_wait3A_287 : memref<1x1x128xi32, #tpu.memory_space<vmem>> -> memref<1x128xi32, #tpu.memory_space<vmem>>
          %dma_wait3A_289 = arith.constant 0 : i32
          %dma_wait3A_290 = tpu.memref_slice %arg3[%dma_wait3A_289, %mul3A_283] : memref<1x8192xi32, #tpu.memory_space<hbm>> -> memref<1x128xi32, #tpu.memory_space<hbm>>
          %dma_wait3A_291 = tpu.memref_slice %run_scoped3A_9[%rem3A_285] : memref<2x!tpu.dma_semaphore, #tpu.memory_space<semaphore_mem>> -> memref<1x!tpu.dma_semaphore, #tpu.memory_space<semaphore_mem>>
          %dma_wait3A_292 = tpu.memref_squeeze %dma_wait3A_291 : memref<1x!tpu.dma_semaphore, #tpu.memory_space<semaphore_mem>> -> memref<!tpu.dma_semaphore, #tpu.memory_space<semaphore_mem>>
          %dma_wait3A_293 = arith.constant 0 : i32
          %dma_wait3A_294 = arith.constant 0 : i32
          %dma_wait3A_295 = tpu.memref_slice %run_scoped3A_8[%rem3A_285, %dma_wait3A_293, %dma_wait3A_294] : memref<2x1x128xi32, #tpu.memory_space<vmem>> -> memref<1x1x128xi32, #tpu.memory_space<vmem>>
          %dma_wait3A_296 = tpu.memref_squeeze %dma_wait3A_295 : memref<1x1x128xi32, #tpu.memory_space<vmem>> -> memref<1x128xi32, #tpu.memory_space<vmem>>
          %dma_wait3A_297 = arith.constant 0 : i32
          %dma_wait3A_298 = tpu.memref_slice %arg3[%dma_wait3A_297, %mul3A_283] : memref<1x8192xi32, #tpu.memory_space<hbm>> -> memref<1x128xi32, #tpu.memory_space<hbm>>
          tpu.wait_dma2 semaphore(%dma_wait3A_292 : memref<!tpu.dma_semaphore, #tpu.memory_space<semaphore_mem>>) src(%dma_wait3A_298 : memref<1x128xi32, #tpu.memory_space<hbm>>) dst(%dma_wait3A_296 : memref<1x128xi32, #tpu.memory_space<vmem>>)
          "tpu.trace_stop"() : () -> ()
        } else {
        }
        %rem3A_209 = arith.constant 2 : i32
        %rem3A_210 = arith.remui %scan3A_130, %rem3A_209 : i32
        %rem3A_211 = arith.constant 2 : i32
        %rem3A_212 = arith.remui %scan3A_132, %rem3A_211 : i32
        %run_scoped3A_213 = arith.constant 0 : i32
        "tpu.trace_start"() <{level = 10 : i32, message = "ep_run_kernel"}> : () -> ()
        "tpu.region"() ({
          %run_scoped3A_282 = tpu.sem_alloc : memref<!tpu.dma_semaphore, #tpu.memory_space<semaphore_mem>>
          %dma_start3A_283 = arith.constant 0 : i32
          %dma_start3A_284 = arith.constant 0 : i32
          %dma_start3A_285 = tpu.memref_slice %run_scoped3A[%rem3A_210, %dma_start3A_283, %dma_start3A_284] : memref<2x128x128xf32, #tpu.memory_space<vmem>> -> memref<1x128x128xf32, #tpu.memory_space<vmem>>
          %dma_start3A_286 = tpu.memref_squeeze %dma_start3A_285 : memref<1x128x128xf32, #tpu.memory_space<vmem>> -> memref<128x128xf32, #tpu.memory_space<vmem>>
          %dma_start3A_287 = arith.constant 0 : i32
          %dma_start3A_288 = arith.constant 0 : i32
          %dma_start3A_289 = tpu.memref_slice %run_scoped3A_8[%rem3A_212, %dma_start3A_287, %dma_start3A_288] : memref<2x1x128xi32, #tpu.memory_space<vmem>> -> memref<1x1x128xi32, #tpu.memory_space<vmem>>
          %dma_start3A_290 = tpu.memref_squeeze %dma_start3A_289 : memref<1x1x128xi32, #tpu.memory_space<vmem>> -> memref<1x128xi32, #tpu.memory_space<vmem>>
          %dma_start3A_291 = arith.constant 0 : i32
          %dma_start3A_292 = tpu.memref_slice %dma_start3A_290[%run_scoped3A_213, %dma_start3A_291] : memref<1x128xi32, #tpu.memory_space<vmem>> -> memref<1x128xi32, #tpu.memory_space<vmem>>
          %dma_start3A_293 = tpu.memref_squeeze %dma_start3A_292 : memref<1x128xi32, #tpu.memory_space<vmem>> -> memref<128xi32, #tpu.memory_space<vmem>>
          %dma_start3A_294 = arith.constant 0 : i32
          %dma_start3A_295 = arith.constant 0 : i32
          %dma_start3A_296 = tpu.memref_slice %arg4[%dma_start3A_294, %dma_start3A_295] : memref<8192x128xf32, #tpu.memory_space<hbm>> -> memref<8192x128xf32, #tpu.memory_space<hbm>>
          tpu.enqueue_indirect_dma source(%dma_start3A_286 : memref<128x128xf32, #tpu.memory_space<vmem>>) target(%dma_start3A_296 : memref<8192x128xf32, #tpu.memory_space<hbm>>) offsets(%dma_start3A_293 : memref<128xi32, #tpu.memory_space<vmem>>) semaphore(%run_scoped3A_282 : memref<!tpu.dma_semaphore, #tpu.memory_space<semaphore_mem>>)
          %dma_wait3A = arith.constant 0 : i32
          %dma_wait3A_297 = arith.constant 0 : i32
          %dma_wait3A_298 = tpu.memref_slice %run_scoped3A[%rem3A_210, %dma_wait3A, %dma_wait3A_297] : memref<2x128x128xf32, #tpu.memory_space<vmem>> -> memref<1x128x128xf32, #tpu.memory_space<vmem>>
          %dma_wait3A_299 = tpu.memref_squeeze %dma_wait3A_298 : memref<1x128x128xf32, #tpu.memory_space<vmem>> -> memref<128x128xf32, #tpu.memory_space<vmem>>
          %dma_wait3A_300 = arith.constant 0 : i32
          %dma_wait3A_301 = arith.constant 0 : i32
          %dma_wait3A_302 = tpu.memref_slice %run_scoped3A_8[%rem3A_212, %dma_wait3A_300, %dma_wait3A_301] : memref<2x1x128xi32, #tpu.memory_space<vmem>> -> memref<1x1x128xi32, #tpu.memory_space<vmem>>
          %dma_wait3A_303 = tpu.memref_squeeze %dma_wait3A_302 : memref<1x1x128xi32, #tpu.memory_space<vmem>> -> memref<1x128xi32, #tpu.memory_space<vmem>>
          %dma_wait3A_304 = arith.constant 0 : i32
          %dma_wait3A_305 = tpu.memref_slice %dma_wait3A_303[%run_scoped3A_213, %dma_wait3A_304] : memref<1x128xi32, #tpu.memory_space<vmem>> -> memref<1x128xi32, #tpu.memory_space<vmem>>
          %dma_wait3A_306 = tpu.memref_squeeze %dma_wait3A_305 : memref<1x128xi32, #tpu.memory_space<vmem>> -> memref<128xi32, #tpu.memory_space<vmem>>
          %dma_wait3A_307 = arith.constant 0 : i32
          %dma_wait3A_308 = arith.constant 0 : i32
          %dma_wait3A_309 = tpu.memref_slice %arg4[%dma_wait3A_307, %dma_wait3A_308] : memref<8192x128xf32, #tpu.memory_space<hbm>> -> memref<8192x128xf32, #tpu.memory_space<hbm>>
          tpu.wait_indirect_dma semaphore(%run_scoped3A_282 : memref<!tpu.dma_semaphore, #tpu.memory_space<semaphore_mem>>) src(%dma_wait3A_299 : memref<128x128xf32, #tpu.memory_space<vmem>>) dst(%dma_wait3A_309 : memref<8192x128xf32, #tpu.memory_space<hbm>>)
          tpu.yield
        }) : () -> ()
        "tpu.trace_stop"() : () -> ()
        %ne3A_214 = arith.cmpi ne, %add3A_138, %add3A_156 : i32
        %or3A_215 = arith.constant false
        %or3A_216 = arith.ori %or3A_215, %ne3A_214 : i1
        %or3A_217 = arith.constant false
        %or3A_218 = arith.ori %or3A_216, %or3A_217 : i1
        %or3A_219 = arith.ori %or3A_218, %eq3A_137 : i1
        %convert_element_type3A_220 = arith.extui %or3A_219 : i1 to i32
        %cond3A_221 = arith.constant 0 : i32
        %cond3A_222 = arith.cmpi ne, %convert_element_type3A_220, %cond3A_221 : i32
        scf.if %cond3A_222 {
        } else {
        }
        %and3A_223 = arith.constant false
        %and3A_224 = arith.andi %or3A_219, %and3A_223 : i1
        %ne3A_225 = arith.cmpi ne, %add3A_138, %add3A_156 : i32
        %or3A_226 = arith.constant false
        %or3A_227 = arith.ori %or3A_226, %ne3A_225 : i1
        %or3A_228 = arith.ori %or3A_227, %eq3A_137 : i1
        %convert_element_type3A_229 = arith.extui %or3A_228 : i1 to i32
        %cond3A_230 = arith.constant 0 : i32
        %cond3A_231 = arith.cmpi ne, %convert_element_type3A_229, %cond3A_230 : i32
        scf.if %cond3A_231 {
        } else {
        }
        %and3A_232 = arith.constant false
        %and3A_233 = arith.andi %or3A_228, %and3A_232 : i1
        %ne3A_234 = arith.cmpi ne, %add3A_138, %add3A_147 : i32
        %or3A_235 = arith.constant false
        %or3A_236 = arith.ori %or3A_235, %ne3A_234 : i1
        %or3A_237 = arith.constant false
        %or3A_238 = arith.ori %or3A_236, %or3A_237 : i1
        %not3A_239 = arith.constant true
        %not3A_240 = arith.xori %eq3A_135, %not3A_239 : i1
        %and3A_241 = arith.andi %or3A_238, %not3A_240 : i1
        %convert_element_type3A_242 = arith.extui %and3A_241 : i1 to i32
        %cond3A_243 = arith.constant 0 : i32
        %cond3A_244 = arith.cmpi ne, %convert_element_type3A_242, %cond3A_243 : i32
        scf.if %cond3A_244 {
        } else {
        }
        %and3A_245 = arith.constant false
        %and3A_246 = arith.andi %and3A_241, %and3A_245 : i1
        %ne3A_247 = arith.cmpi ne, %add3A_138, %add3A_147 : i32
        %or3A_248 = arith.constant false
        %or3A_249 = arith.ori %or3A_248, %ne3A_247 : i1
        %not3A_250 = arith.constant true
        %not3A_251 = arith.xori %eq3A_135, %not3A_250 : i1
        %and3A_252 = arith.andi %or3A_249, %not3A_251 : i1
        %convert_element_type3A_253 = arith.extui %and3A_252 : i1 to i32
        %cond3A_254 = arith.constant 0 : i32
        %cond3A_255 = arith.cmpi ne, %convert_element_type3A_253, %cond3A_254 : i32
        scf.if %cond3A_255 {
        } else {
        }
        %and3A_256 = arith.constant false
        %and3A_257 = arith.andi %and3A_252, %and3A_256 : i1
        %ne3A_258 = arith.cmpi ne, %add3A_138, %add3A_156 : i32
        %or3A_259 = arith.constant false
        %or3A_260 = arith.ori %or3A_259, %ne3A_258 : i1
        %or3A_261 = arith.constant false
        %or3A_262 = arith.ori %or3A_260, %or3A_261 : i1
        %or3A_263 = arith.ori %or3A_262, %eq3A_137 : i1
        %add3A_264 = arith.constant 1 : i32
        %add3A_265 = arith.addi %scan3A_130, %add3A_264 : i32
        %select_n3A_266 = arith.select %or3A_263, %add3A_265, %scan3A_130 : i32
        %ne3A_267 = arith.cmpi ne, %add3A_138, %add3A_156 : i32
        %or3A_268 = arith.constant false
        %or3A_269 = arith.ori %or3A_268, %ne3A_267 : i1
        %or3A_270 = arith.ori %or3A_269, %eq3A_137 : i1
        %add3A_271 = arith.constant 1 : i32
        %add3A_272 = arith.addi %scan3A_132, %add3A_271 : i32
        %select_n3A_273 = arith.select %or3A_270, %add3A_272, %scan3A_132 : i32
        %add3A_274 = arith.constant 1 : i32
        %add3A_275 = arith.addi %scan3A_133, %add3A_274 : i32
        %select_n3A_276 = arith.constant true
        %select_n3A_277 = arith.select %select_n3A_276, %add3A_275, %scan3A_133 : i32
        %eq3A_278 = arith.constant 2 : i32
        %eq3A_279 = arith.cmpi eq, %select_n3A_277, %eq3A_278 : i32
        %select_n3A_280 = arith.constant 0 : i32
        %select_n3A_281 = arith.select %eq3A_279, %select_n3A_280, %select_n3A_277 : i32
        scf.yield %select_n3A_176, %select_n3A_266, %select_n3A_192, %select_n3A_273, %select_n3A_281 : i32, i32, i32, i32, i32
      }
      %scan3A_92 = arith.constant 2 : i32
      %sub3A = arith.constant 1 : i32
      %sub3A_93 = arith.subi %scan3A_91#4, %sub3A : i32
      %select_n3A_94 = arith.constant true
      %select_n3A_95 = arith.select %select_n3A_94, %sub3A_93, %scan3A_91#4 : i32
      %eq3A_96 = arith.constant -1 : i32
      %eq3A_97 = arith.cmpi eq, %select_n3A_95, %eq3A_96 : i32
      %select_n3A_98 = arith.constant 1 : i32
      %select_n3A_99 = arith.select %eq3A_97, %select_n3A_98, %select_n3A_95 : i32
      %add3A_100 = arith.addi %select_n3A_99, %mul3A_6 : i32
      %sub3A_101 = arith.constant 1 : i32
      %sub3A_102 = arith.subi %select_n3A_99, %sub3A_101 : i32
      %select_n3A_103 = arith.constant true
      %select_n3A_104 = arith.select %select_n3A_103, %sub3A_102, %select_n3A_99 : i32
      %eq3A_105 = arith.constant -1 : i32
      %eq3A_106 = arith.cmpi eq, %select_n3A_104, %eq3A_105 : i32
      %select_n3A_107 = arith.constant 1 : i32
      %select_n3A_108 = arith.select %eq3A_106, %select_n3A_107, %select_n3A_104 : i32
      %add3A_109 = arith.addi %select_n3A_108, %mul3A_6 : i32
      %add3A_110 = arith.constant 1 : i32
      %add3A_111 = arith.addi %select_n3A_99, %add3A_110 : i32
      %select_n3A_112 = arith.constant true
      %select_n3A_113 = arith.select %select_n3A_112, %add3A_111, %select_n3A_99 : i32
      %eq3A_114 = arith.constant 2 : i32
      %eq3A_115 = arith.cmpi eq, %select_n3A_113, %eq3A_114 : i32
      %select_n3A_116 = arith.constant 0 : i32
      %select_n3A_117 = arith.select %eq3A_115, %select_n3A_116, %select_n3A_113 : i32
      %add3A_118 = arith.addi %select_n3A_117, %mul3A_6 : i32
      %add3A_119 = arith.constant 1 : i32
      %add3A_120 = arith.addi %select_n3A_117, %add3A_119 : i32
      %select_n3A_121 = arith.constant true
      %select_n3A_122 = arith.select %select_n3A_121, %add3A_120, %select_n3A_117 : i32
      %eq3A_123 = arith.constant 2 : i32
      %eq3A_124 = arith.cmpi eq, %select_n3A_122, %eq3A_123 : i32
      %select_n3A_125 = arith.constant 0 : i32
      %select_n3A_126 = arith.select %eq3A_124, %select_n3A_125, %select_n3A_122 : i32
      %add3A_127 = arith.addi %select_n3A_126, %mul3A_6 : i32
      tpu.yield
    }) : () -> ()
    return
  }
}

module attributes {stable_mosaic.version = 14 : i64} {
  func.func @_gate_kernel(%arg0: i32, %arg1: i32, %arg2: memref<512x16xf32, #tpu.memory_space<vmem>>, %arg3: memref<512x1xi32, #tpu.memory_space<vmem>>, %arg4: memref<512x8xf32, #tpu.memory_space<vmem>>, %arg5: memref<8x16x8xf32, #tpu.memory_space<vmem>>, %arg6: memref<512x512xf32, #tpu.memory_space<vmem>>, %arg7: memref<2x512x128xf32, #tpu.memory_space<vmem>>, %arg8: memref<2x512x1xi32, #tpu.memory_space<vmem>>, %arg9: memref<2x512x4xi32, #tpu.memory_space<vmem>>, %arg10: memref<1x16xi32, #tpu.memory_space<vmem>>, %arg11: memref<128x1xi32, #tpu.memory_space<vmem>>, %arg12: memref<128x1xi32, #tpu.memory_space<vmem>>, %arg13: memref<1x8xf32, #tpu.memory_space<vmem>>, %arg14: memref<1x8xf32, #tpu.memory_space<vmem>>) attributes {dimension_semantics = [#tpu.dimension_semantics<arbitrary>, #tpu.dimension_semantics<arbitrary>], iteration_bounds = array<i64: 2, 8>, scalar_prefetch = 0 : i64, scratch_operands = 2 : i64, tpu.core_type = #tpu.core_type<tc>, window_params = [{transform_indices = @transform_0, window_bounds = array<i64: 512, 16>}, {transform_indices = @transform_1, window_bounds = array<i64: 512, 1>}, {transform_indices = @transform_2, window_bounds = array<i64: 512, 8>}, {pipeline_mode = #tpu.pipeline_mode<synchronous>, transform_indices = @transform_3, window_bounds = array<i64: 8, 16, 8>}, {pipeline_mode = #tpu.pipeline_mode<synchronous>, transform_indices = @transform_4, window_bounds = array<i64: 512, 512>}, {transform_indices = @transform_5, window_bounds = array<i64: 2, 512, 128>}, {transform_indices = @transform_6, window_bounds = array<i64: 2, 512, 1>}, {transform_indices = @transform_7, window_bounds = array<i64: 2, 512, 4>}, {pipeline_mode = #tpu.pipeline_mode<synchronous>, transform_indices = @transform_8, window_bounds = array<i64: 1, 16>}, {pipeline_mode = #tpu.pipeline_mode<synchronous>, transform_indices = @transform_9, window_bounds = array<i64: 128, 1>}, {pipeline_mode = #tpu.pipeline_mode<synchronous>, transform_indices = @transform_10, window_bounds = array<i64: 128, 1>}]} {
    %get3A = arith.constant 0 : index
    %get3A_0 = arith.constant 0 : index
    %get3A_1 = vector.load %arg2[%get3A, %get3A_0] : memref<512x16xf32, #tpu.memory_space<vmem>>, vector<512x16xf32>
    %get3A_2 = arith.constant 0 : index
    %get3A_3 = arith.constant 0 : index
    %get3A_4 = vector.load %arg3[%get3A_2, %get3A_3] : memref<512x1xi32, #tpu.memory_space<vmem>>, vector<512x1xi32>
    %iota3A = tpu.iota {dimensions = array<i32: 1>} : vector<512x8xi32>
    %eq3A = vector.broadcast %get3A_4 : vector<512x1xi32> to vector<512x8xi32>
    %eq3A_5 = arith.cmpi eq, %eq3A, %iota3A : vector<512x8xi32>
    %convert_element_type3A = arith.extui %eq3A_5 : vector<512x8xi1> to vector<512x8xi32>
    %convert_element_type3A_6 = arith.sitofp %convert_element_type3A : vector<512x8xi32> to vector<512x8xf32>
    %broadcast_in_dim3A = arith.constant 0.000000e+00 : f32
    %broadcast_in_dim3A_7 = vector.broadcast %broadcast_in_dim3A : f32 to vector<512x8xf32>
    %get3A_8 = arith.constant 0 : index
    %get3A_9 = arith.constant 0 : index
    %get3A_10 = arith.constant 0 : index
    %get3A_11 = vector.load %arg5[%get3A_8, %get3A_9, %get3A_10] : memref<8x16x8xf32, #tpu.memory_space<vmem>>, vector<1x16x8xf32>
    %get3A_12 = vector.shape_cast %get3A_11 : vector<1x16x8xf32> to vector<16x8xf32>
    %dot_general3A = arith.constant dense<0.000000e+00> : vector<512x8xf32>
    %dot_general3A_13 = tpu.matmul %get3A_1, %get3A_12, %dot_general3A {dimension_numbers = #tpu.dot_dimension_numbers<[1], [0], [0], [1], [0, 0, 1, 1], [], []>, precision = #tpu.contract_precision<fp32>, transpose_lhs_hint = false} : vector<512x16xf32>, vector<16x8xf32>, vector<512x8xf32> -> vector<512x8xf32>
    %slice3A = vector.extract_strided_slice %convert_element_type3A_6 {offsets = [0, 0], sizes = [512, 1], strides = [1, 1]} : vector<512x8xf32> to vector<512x1xf32>
    %mul3A = vector.broadcast %slice3A : vector<512x1xf32> to vector<512x8xf32>
    %mul3A_14 = arith.mulf %mul3A, %dot_general3A_13 : vector<512x8xf32>
    %add3A = arith.addf %broadcast_in_dim3A_7, %mul3A_14 : vector<512x8xf32>
    %get3A_15 = arith.constant 1 : index
    %get3A_16 = arith.constant 0 : index
    %get3A_17 = arith.constant 0 : index
    %get3A_18 = vector.load %arg5[%get3A_15, %get3A_16, %get3A_17] : memref<8x16x8xf32, #tpu.memory_space<vmem>>, vector<1x16x8xf32>
    %get3A_19 = vector.shape_cast %get3A_18 : vector<1x16x8xf32> to vector<16x8xf32>
    %dot_general3A_20 = arith.constant dense<0.000000e+00> : vector<512x8xf32>
    %dot_general3A_21 = tpu.matmul %get3A_1, %get3A_19, %dot_general3A_20 {dimension_numbers = #tpu.dot_dimension_numbers<[1], [0], [0], [1], [0, 0, 1, 1], [], []>, precision = #tpu.contract_precision<fp32>, transpose_lhs_hint = false} : vector<512x16xf32>, vector<16x8xf32>, vector<512x8xf32> -> vector<512x8xf32>
    %slice3A_22 = vector.extract_strided_slice %convert_element_type3A_6 {offsets = [0, 1], sizes = [512, 1], strides = [1, 1]} : vector<512x8xf32> to vector<512x1xf32>
    %mul3A_23 = vector.broadcast %slice3A_22 : vector<512x1xf32> to vector<512x8xf32>
    %mul3A_24 = arith.mulf %mul3A_23, %dot_general3A_21 : vector<512x8xf32>
    %add3A_25 = arith.addf %add3A, %mul3A_24 : vector<512x8xf32>
    %get3A_26 = arith.constant 2 : index
    %get3A_27 = arith.constant 0 : index
    %get3A_28 = arith.constant 0 : index
    %get3A_29 = vector.load %arg5[%get3A_26, %get3A_27, %get3A_28] : memref<8x16x8xf32, #tpu.memory_space<vmem>>, vector<1x16x8xf32>
    %get3A_30 = vector.shape_cast %get3A_29 : vector<1x16x8xf32> to vector<16x8xf32>
    %dot_general3A_31 = arith.constant dense<0.000000e+00> : vector<512x8xf32>
    %dot_general3A_32 = tpu.matmul %get3A_1, %get3A_30, %dot_general3A_31 {dimension_numbers = #tpu.dot_dimension_numbers<[1], [0], [0], [1], [0, 0, 1, 1], [], []>, precision = #tpu.contract_precision<fp32>, transpose_lhs_hint = false} : vector<512x16xf32>, vector<16x8xf32>, vector<512x8xf32> -> vector<512x8xf32>
    %slice3A_33 = vector.extract_strided_slice %convert_element_type3A_6 {offsets = [0, 2], sizes = [512, 1], strides = [1, 1]} : vector<512x8xf32> to vector<512x1xf32>
    %mul3A_34 = vector.broadcast %slice3A_33 : vector<512x1xf32> to vector<512x8xf32>
    %mul3A_35 = arith.mulf %mul3A_34, %dot_general3A_32 : vector<512x8xf32>
    %add3A_36 = arith.addf %add3A_25, %mul3A_35 : vector<512x8xf32>
    %get3A_37 = arith.constant 3 : index
    %get3A_38 = arith.constant 0 : index
    %get3A_39 = arith.constant 0 : index
    %get3A_40 = vector.load %arg5[%get3A_37, %get3A_38, %get3A_39] : memref<8x16x8xf32, #tpu.memory_space<vmem>>, vector<1x16x8xf32>
    %get3A_41 = vector.shape_cast %get3A_40 : vector<1x16x8xf32> to vector<16x8xf32>
    %dot_general3A_42 = arith.constant dense<0.000000e+00> : vector<512x8xf32>
    %dot_general3A_43 = tpu.matmul %get3A_1, %get3A_41, %dot_general3A_42 {dimension_numbers = #tpu.dot_dimension_numbers<[1], [0], [0], [1], [0, 0, 1, 1], [], []>, precision = #tpu.contract_precision<fp32>, transpose_lhs_hint = false} : vector<512x16xf32>, vector<16x8xf32>, vector<512x8xf32> -> vector<512x8xf32>
    %slice3A_44 = vector.extract_strided_slice %convert_element_type3A_6 {offsets = [0, 3], sizes = [512, 1], strides = [1, 1]} : vector<512x8xf32> to vector<512x1xf32>
    %mul3A_45 = vector.broadcast %slice3A_44 : vector<512x1xf32> to vector<512x8xf32>
    %mul3A_46 = arith.mulf %mul3A_45, %dot_general3A_43 : vector<512x8xf32>
    %add3A_47 = arith.addf %add3A_36, %mul3A_46 : vector<512x8xf32>
    %get3A_48 = arith.constant 4 : index
    %get3A_49 = arith.constant 0 : index
    %get3A_50 = arith.constant 0 : index
    %get3A_51 = vector.load %arg5[%get3A_48, %get3A_49, %get3A_50] : memref<8x16x8xf32, #tpu.memory_space<vmem>>, vector<1x16x8xf32>
    %get3A_52 = vector.shape_cast %get3A_51 : vector<1x16x8xf32> to vector<16x8xf32>
    %dot_general3A_53 = arith.constant dense<0.000000e+00> : vector<512x8xf32>
    %dot_general3A_54 = tpu.matmul %get3A_1, %get3A_52, %dot_general3A_53 {dimension_numbers = #tpu.dot_dimension_numbers<[1], [0], [0], [1], [0, 0, 1, 1], [], []>, precision = #tpu.contract_precision<fp32>, transpose_lhs_hint = false} : vector<512x16xf32>, vector<16x8xf32>, vector<512x8xf32> -> vector<512x8xf32>
    %slice3A_55 = vector.extract_strided_slice %convert_element_type3A_6 {offsets = [0, 4], sizes = [512, 1], strides = [1, 1]} : vector<512x8xf32> to vector<512x1xf32>
    %mul3A_56 = vector.broadcast %slice3A_55 : vector<512x1xf32> to vector<512x8xf32>
    %mul3A_57 = arith.mulf %mul3A_56, %dot_general3A_54 : vector<512x8xf32>
    %add3A_58 = arith.addf %add3A_47, %mul3A_57 : vector<512x8xf32>
    %get3A_59 = arith.constant 5 : index
    %get3A_60 = arith.constant 0 : index
    %get3A_61 = arith.constant 0 : index
    %get3A_62 = vector.load %arg5[%get3A_59, %get3A_60, %get3A_61] : memref<8x16x8xf32, #tpu.memory_space<vmem>>, vector<1x16x8xf32>
    %get3A_63 = vector.shape_cast %get3A_62 : vector<1x16x8xf32> to vector<16x8xf32>
    %dot_general3A_64 = arith.constant dense<0.000000e+00> : vector<512x8xf32>
    %dot_general3A_65 = tpu.matmul %get3A_1, %get3A_63, %dot_general3A_64 {dimension_numbers = #tpu.dot_dimension_numbers<[1], [0], [0], [1], [0, 0, 1, 1], [], []>, precision = #tpu.contract_precision<fp32>, transpose_lhs_hint = false} : vector<512x16xf32>, vector<16x8xf32>, vector<512x8xf32> -> vector<512x8xf32>
    %slice3A_66 = vector.extract_strided_slice %convert_element_type3A_6 {offsets = [0, 5], sizes = [512, 1], strides = [1, 1]} : vector<512x8xf32> to vector<512x1xf32>
    %mul3A_67 = vector.broadcast %slice3A_66 : vector<512x1xf32> to vector<512x8xf32>
    %mul3A_68 = arith.mulf %mul3A_67, %dot_general3A_65 : vector<512x8xf32>
    %add3A_69 = arith.addf %add3A_58, %mul3A_68 : vector<512x8xf32>
    %get3A_70 = arith.constant 6 : index
    %get3A_71 = arith.constant 0 : index
    %get3A_72 = arith.constant 0 : index
    %get3A_73 = vector.load %arg5[%get3A_70, %get3A_71, %get3A_72] : memref<8x16x8xf32, #tpu.memory_space<vmem>>, vector<1x16x8xf32>
    %get3A_74 = vector.shape_cast %get3A_73 : vector<1x16x8xf32> to vector<16x8xf32>
    %dot_general3A_75 = arith.constant dense<0.000000e+00> : vector<512x8xf32>
    %dot_general3A_76 = tpu.matmul %get3A_1, %get3A_74, %dot_general3A_75 {dimension_numbers = #tpu.dot_dimension_numbers<[1], [0], [0], [1], [0, 0, 1, 1], [], []>, precision = #tpu.contract_precision<fp32>, transpose_lhs_hint = false} : vector<512x16xf32>, vector<16x8xf32>, vector<512x8xf32> -> vector<512x8xf32>
    %slice3A_77 = vector.extract_strided_slice %convert_element_type3A_6 {offsets = [0, 6], sizes = [512, 1], strides = [1, 1]} : vector<512x8xf32> to vector<512x1xf32>
    %mul3A_78 = vector.broadcast %slice3A_77 : vector<512x1xf32> to vector<512x8xf32>
    %mul3A_79 = arith.mulf %mul3A_78, %dot_general3A_76 : vector<512x8xf32>
    %add3A_80 = arith.addf %add3A_69, %mul3A_79 : vector<512x8xf32>
    %get3A_81 = arith.constant 7 : index
    %get3A_82 = arith.constant 0 : index
    %get3A_83 = arith.constant 0 : index
    %get3A_84 = vector.load %arg5[%get3A_81, %get3A_82, %get3A_83] : memref<8x16x8xf32, #tpu.memory_space<vmem>>, vector<1x16x8xf32>
    %get3A_85 = vector.shape_cast %get3A_84 : vector<1x16x8xf32> to vector<16x8xf32>
    %dot_general3A_86 = arith.constant dense<0.000000e+00> : vector<512x8xf32>
    %dot_general3A_87 = tpu.matmul %get3A_1, %get3A_85, %dot_general3A_86 {dimension_numbers = #tpu.dot_dimension_numbers<[1], [0], [0], [1], [0, 0, 1, 1], [], []>, precision = #tpu.contract_precision<fp32>, transpose_lhs_hint = false} : vector<512x16xf32>, vector<16x8xf32>, vector<512x8xf32> -> vector<512x8xf32>
    %slice3A_88 = vector.extract_strided_slice %convert_element_type3A_6 {offsets = [0, 7], sizes = [512, 1], strides = [1, 1]} : vector<512x8xf32> to vector<512x1xf32>
    %mul3A_89 = vector.broadcast %slice3A_88 : vector<512x1xf32> to vector<512x8xf32>
    %mul3A_90 = arith.mulf %mul3A_89, %dot_general3A_87 : vector<512x8xf32>
    %add3A_91 = arith.addf %add3A_80, %mul3A_90 : vector<512x8xf32>
    %iota3A_92 = tpu.iota {dimensions = array<i32: 1>} : vector<512x8xi32>
    %reduce_max3A = arith.constant dense<0xFF800000> : vector<512xf32>
    %reduce_max3A_93 = vector.multi_reduction <maximumf>, %add3A_91, %reduce_max3A [1] : vector<512x8xf32> to vector<512xf32>
    %broadcast_in_dim3A_94 = vector.shape_cast %reduce_max3A_93 : vector<512xf32> to vector<512x1xf32>
    %eq3A_95 = vector.broadcast %broadcast_in_dim3A_94 : vector<512x1xf32> to vector<512x8xf32>
    %eq3A_96 = arith.cmpf oeq, %add3A_91, %eq3A_95 : vector<512x8xf32>
    %jit3A = arith.constant 8 : i32
    %broadcast_in_dim3A_97 = vector.broadcast %jit3A : i32 to vector<512x8xi32>
    %select_n3A = arith.select %eq3A_96, %iota3A_92, %broadcast_in_dim3A_97 : vector<512x8xi1>, vector<512x8xi32>
    %reduce_min3A = arith.constant dense<2147483647> : vector<512xi32>
    %reduce_min3A_98 = vector.multi_reduction <minsi>, %select_n3A, %reduce_min3A [1] : vector<512x8xi32> to vector<512xi32>
    %broadcast_in_dim3A_99 = vector.shape_cast %reduce_min3A_98 : vector<512xi32> to vector<512x1xi32>
    %eq3A_100 = vector.broadcast %broadcast_in_dim3A_99 : vector<512x1xi32> to vector<512x8xi32>
    %eq3A_101 = arith.cmpi eq, %iota3A_92, %eq3A_100 : vector<512x8xi32>
    %jit3A_102 = arith.constant 0xFF800000 : f32
    %broadcast_in_dim3A_103 = vector.broadcast %jit3A_102 : f32 to vector<512x8xf32>
    %select_n3A_104 = arith.select %eq3A_101, %broadcast_in_dim3A_103, %add3A_91 : vector<512x8xi1>, vector<512x8xf32>
    %reduce_max3A_105 = arith.constant dense<0xFF800000> : vector<512xf32>
    %reduce_max3A_106 = vector.multi_reduction <maximumf>, %select_n3A_104, %reduce_max3A_105 [1] : vector<512x8xf32> to vector<512xf32>
    %broadcast_in_dim3A_107 = vector.shape_cast %reduce_max3A_106 : vector<512xf32> to vector<512x1xf32>
    %eq3A_108 = vector.broadcast %broadcast_in_dim3A_107 : vector<512x1xf32> to vector<512x8xf32>
    %eq3A_109 = arith.cmpf oeq, %select_n3A_104, %eq3A_108 : vector<512x8xf32>
    %jit3A_110 = arith.constant 8 : i32
    %broadcast_in_dim3A_111 = vector.broadcast %jit3A_110 : i32 to vector<512x8xi32>
    %select_n3A_112 = arith.select %eq3A_109, %iota3A_92, %broadcast_in_dim3A_111 : vector<512x8xi1>, vector<512x8xi32>
    %reduce_min3A_113 = arith.constant dense<2147483647> : vector<512xi32>
    %reduce_min3A_114 = vector.multi_reduction <minsi>, %select_n3A_112, %reduce_min3A_113 [1] : vector<512x8xi32> to vector<512xi32>
    %broadcast_in_dim3A_115 = vector.shape_cast %reduce_min3A_114 : vector<512xi32> to vector<512x1xi32>
    %sub3A = arith.subf %broadcast_in_dim3A_107, %broadcast_in_dim3A_94 : vector<512x1xf32>
    %exp3A = math.exp %sub3A : vector<512x1xf32>
    %add3A_116 = arith.constant 1.000000e+00 : f32
    %add3A_117 = vector.broadcast %add3A_116 : f32 to vector<512x1xf32>
    %add3A_118 = arith.addf %add3A_117, %exp3A : vector<512x1xf32>
    %div3A = arith.constant 1.000000e+00 : f32
    %div3A_119 = vector.broadcast %div3A : f32 to vector<512x1xf32>
    %div3A_120 = arith.divf %div3A_119, %add3A_118 : vector<512x1xf32>
    %add3A_121 = arith.constant 1.000000e+00 : f32
    %add3A_122 = vector.broadcast %add3A_121 : f32 to vector<512x1xf32>
    %add3A_123 = arith.addf %add3A_122, %exp3A : vector<512x1xf32>
    %div3A_124 = arith.divf %exp3A, %add3A_123 : vector<512x1xf32>
    %eq3A_125 = vector.broadcast %broadcast_in_dim3A_99 : vector<512x1xi32> to vector<512x8xi32>
    %eq3A_126 = arith.cmpi eq, %iota3A_92, %eq3A_125 : vector<512x8xi32>
    %convert_element_type3A_127 = arith.extui %eq3A_126 : vector<512x8xi1> to vector<512x8xi32>
    %convert_element_type3A_128 = arith.sitofp %convert_element_type3A_127 : vector<512x8xi32> to vector<512x8xf32>
    %eq3A_129 = vector.broadcast %broadcast_in_dim3A_115 : vector<512x1xi32> to vector<512x8xi32>
    %eq3A_130 = arith.cmpi eq, %iota3A_92, %eq3A_129 : vector<512x8xi32>
    %convert_element_type3A_131 = arith.extui %eq3A_130 : vector<512x8xi1> to vector<512x8xi32>
    %convert_element_type3A_132 = arith.sitofp %convert_element_type3A_131 : vector<512x8xi32> to vector<512x8xf32>
    %add3A_133 = arith.addf %convert_element_type3A_128, %convert_element_type3A_132 : vector<512x8xf32>
    %eq3A_134 = arith.constant 0 : i32
    %eq3A_135 = arith.cmpi eq, %arg0, %eq3A_134 : i32
    %eq3A_136 = arith.constant 0 : i32
    %eq3A_137 = arith.cmpi eq, %arg1, %eq3A_136 : i32
    %and3A = arith.andi %eq3A_135, %eq3A_137 : i1
    %convert_element_type3A_138 = arith.extui %and3A : i1 to i32
    %cond3A = arith.constant 0 : i32
    %cond3A_139 = arith.cmpi ne, %convert_element_type3A_138, %cond3A : i32
    scf.if %cond3A_139 {
      %broadcast_in_dim3A_150 = arith.constant 0.000000e+00 : f32
      %broadcast_in_dim3A_151 = vector.broadcast %broadcast_in_dim3A_150 : f32 to vector<1x8xf32>
      %swap3A = arith.constant 0 : index
      %swap3A_152 = arith.constant 0 : index
      %swap3A_153 = vector.load %arg13[%swap3A, %swap3A_152] : memref<1x8xf32, #tpu.memory_space<vmem>>, vector<1x8xf32>
      tpu.vector_store %arg13[%swap3A, %swap3A_152], %broadcast_in_dim3A_151 {strides = array<i32>} : memref<1x8xf32, #tpu.memory_space<vmem>>, vector<1x8xf32>,
    } else {
    }
    %eq3A_140 = arith.constant 0 : i32
    %eq3A_141 = arith.cmpi eq, %arg0, %eq3A_140 : i32
    %convert_element_type3A_142 = arith.extui %eq3A_141 : i1 to i32
    %cond3A_143 = arith.constant 0 : i32
    %cond3A_144 = arith.cmpi ne, %convert_element_type3A_142, %cond3A_143 : i32
    scf.if %cond3A_144 {
      %get3A_150 = arith.constant 0 : index
      %get3A_151 = arith.constant 0 : index
      %get3A_152 = vector.load %arg13[%get3A_150, %get3A_151] : memref<1x8xf32, #tpu.memory_space<vmem>>, vector<1x8xf32>
      %reduce_sum3A = arith.constant dense<0.000000e+00> : vector<8xf32>
      %reduce_sum3A_153 = vector.multi_reduction <add>, %add3A_133, %reduce_sum3A [0] : vector<512x8xf32> to vector<8xf32>
      %broadcast_in_dim3A_154 = vector.shape_cast %reduce_sum3A_153 : vector<8xf32> to vector<1x8xf32>
      %add3A_155 = arith.addf %get3A_152, %broadcast_in_dim3A_154 : vector<1x8xf32>
      %swap3A = arith.constant 0 : index
      %swap3A_156 = arith.constant 0 : index
      %swap3A_157 = vector.load %arg13[%swap3A, %swap3A_156] : memref<1x8xf32, #tpu.memory_space<vmem>>, vector<1x8xf32>
      tpu.vector_store %arg13[%swap3A, %swap3A_156], %add3A_155 {strides = array<i32>} : memref<1x8xf32, #tpu.memory_space<vmem>>, vector<1x8xf32>,
    } else {
    }
    %eq3A_145 = arith.constant 1 : i32
    %eq3A_146 = arith.cmpi eq, %arg0, %eq3A_145 : i32
    %convert_element_type3A_147 = arith.extui %eq3A_146 : i1 to i32
    %cond3A_148 = arith.constant 0 : i32
    %cond3A_149 = arith.cmpi ne, %convert_element_type3A_147, %cond3A_148 : i32
    scf.if %cond3A_149 {
      %eq3A_150 = arith.constant 0 : i32
      %eq3A_151 = arith.cmpi eq, %arg1, %eq3A_150 : i32
      %convert_element_type3A_152 = arith.extui %eq3A_151 : i1 to i32
      %cond3A_153 = arith.constant 0 : i32
      %cond3A_154 = arith.cmpi ne, %convert_element_type3A_152, %cond3A_153 : i32
      scf.if %cond3A_154 {
        %broadcast_in_dim3A_282 = arith.constant 0.000000e+00 : f32
        %broadcast_in_dim3A_283 = vector.broadcast %broadcast_in_dim3A_282 : f32 to vector<1x8xf32>
        %swap3A_284 = arith.constant 0 : index
        %swap3A_285 = arith.constant 0 : index
        %swap3A_286 = vector.load %arg14[%swap3A_284, %swap3A_285] : memref<1x8xf32, #tpu.memory_space<vmem>>, vector<1x8xf32>
        tpu.vector_store %arg14[%swap3A_284, %swap3A_285], %broadcast_in_dim3A_283 {strides = array<i32>} : memref<1x8xf32, #tpu.memory_space<vmem>>, vector<1x8xf32>,
      } else {
      }
      %get3A_155 = arith.constant 0 : index
      %get3A_156 = arith.constant 0 : index
      %get3A_157 = vector.load %arg13[%get3A_155, %get3A_156] : memref<1x8xf32, #tpu.memory_space<vmem>>, vector<1x8xf32>
      %iota3A_158 = tpu.iota {dimensions = array<i32: 0>} : vector<8x8xi32>
      %iota3A_159 = tpu.iota {dimensions = array<i32: 1>} : vector<8x8xi32>
      %lt3A = arith.cmpi slt, %iota3A_158, %iota3A_159 : vector<8x8xi32>
      %convert_element_type3A_160 = arith.extui %lt3A : vector<8x8xi1> to vector<8x8xi32>
      %convert_element_type3A_161 = arith.sitofp %convert_element_type3A_160 : vector<8x8xi32> to vector<8x8xf32>
      %dot_general3A_162 = arith.constant dense<0.000000e+00> : vector<1x8xf32>
      %dot_general3A_163 = tpu.matmul %get3A_157, %convert_element_type3A_161, %dot_general3A_162 {dimension_numbers = #tpu.dot_dimension_numbers<[1], [0], [0], [1], [0, 0, 1, 1], [], []>, precision = #tpu.contract_precision<fp32>, transpose_lhs_hint = false} : vector<1x8xf32>, vector<8x8xf32>, vector<1x8xf32> -> vector<1x8xf32>
      %add3A_164 = arith.addf %dot_general3A_163, %get3A_157 : vector<1x8xf32>
      %get3A_165 = arith.constant 0 : index
      %get3A_166 = arith.constant 0 : index
      %get3A_167 = vector.load %arg6[%get3A_165, %get3A_166] : memref<512x512xf32, #tpu.memory_space<vmem>>, vector<512x512xf32>
      %dot_general3A_168 = arith.constant dense<0.000000e+00> : vector<512x8xf32>
      %dot_general3A_169 = tpu.matmul %get3A_167, %add3A_133, %dot_general3A_168 {dimension_numbers = #tpu.dot_dimension_numbers<[1], [0], [0], [1], [0, 0, 1, 1], [], []>, transpose_lhs_hint = false} : vector<512x512xf32>, vector<512x8xf32>, vector<512x8xf32> -> vector<512x8xf32>
      %get3A_170 = arith.constant 0 : index
      %get3A_171 = arith.constant 0 : index
      %get3A_172 = vector.load %arg14[%get3A_170, %get3A_171] : memref<1x8xf32, #tpu.memory_space<vmem>>, vector<1x8xf32>
      %add3A_173 = arith.addf %dot_general3A_163, %get3A_172 : vector<1x8xf32>
      %add3A_174 = vector.broadcast %add3A_173 : vector<1x8xf32> to vector<512x8xf32>
      %add3A_175 = arith.addf %add3A_174, %dot_general3A_169 : vector<512x8xf32>
      %get3A_176 = arith.constant 0 : index
      %get3A_177 = arith.constant 0 : index
      %get3A_178 = vector.load %arg14[%get3A_176, %get3A_177] : memref<1x8xf32, #tpu.memory_space<vmem>>, vector<1x8xf32>
      %reduce_sum3A = arith.constant dense<0.000000e+00> : vector<8xf32>
      %reduce_sum3A_179 = vector.multi_reduction <add>, %add3A_133, %reduce_sum3A [0] : vector<512x8xf32> to vector<8xf32>
      %broadcast_in_dim3A_180 = vector.shape_cast %reduce_sum3A_179 : vector<8xf32> to vector<1x8xf32>
      %add3A_181 = arith.addf %get3A_178, %broadcast_in_dim3A_180 : vector<1x8xf32>
      %swap3A = arith.constant 0 : index
      %swap3A_182 = arith.constant 0 : index
      %swap3A_183 = vector.load %arg14[%swap3A, %swap3A_182] : memref<1x8xf32, #tpu.memory_space<vmem>>, vector<1x8xf32>
      tpu.vector_store %arg14[%swap3A, %swap3A_182], %add3A_181 {strides = array<i32>} : memref<1x8xf32, #tpu.memory_space<vmem>>, vector<1x8xf32>,
      %mul3A_184 = arith.mulf %convert_element_type3A_128, %add3A_175 : vector<512x8xf32>
      %reduce_sum3A_185 = arith.constant dense<0.000000e+00> : vector<512xf32>
      %reduce_sum3A_186 = vector.multi_reduction <add>, %mul3A_184, %reduce_sum3A_185 [1] : vector<512x8xf32> to vector<512xf32>
      %broadcast_in_dim3A_187 = vector.shape_cast %reduce_sum3A_186 : vector<512xf32> to vector<512x1xf32>
      %mul3A_188 = arith.mulf %convert_element_type3A_132, %add3A_175 : vector<512x8xf32>
      %reduce_sum3A_189 = arith.constant dense<0.000000e+00> : vector<512xf32>
      %reduce_sum3A_190 = vector.multi_reduction <add>, %mul3A_188, %reduce_sum3A_189 [1] : vector<512x8xf32> to vector<512xf32>
      %broadcast_in_dim3A_191 = vector.shape_cast %reduce_sum3A_190 : vector<512xf32> to vector<512x1xf32>
      %convert_element_type3A_192 = arith.fptosi %broadcast_in_dim3A_187 : vector<512x1xf32> to vector<512x1xi32>
      %swap3A_193 = arith.constant 0 : index
      %swap3A_194 = arith.constant 0 : index
      %swap3A_195 = arith.constant 0 : index
      %swap3A_196 = vector.load %arg8[%swap3A_193, %swap3A_194, %swap3A_195] : memref<2x512x1xi32, #tpu.memory_space<vmem>>, vector<1x512x1xi32>
      %swap3A_197 = vector.shape_cast %swap3A_196 : vector<1x512x1xi32> to vector<512x1xi32>
      %swap3A_198 = vector.shape_cast %convert_element_type3A_192 : vector<512x1xi32> to vector<1x512x1xi32>
      tpu.vector_store %arg8[%swap3A_193, %swap3A_194, %swap3A_195], %swap3A_198 {strides = array<i32>} : memref<2x512x1xi32, #tpu.memory_space<vmem>>, vector<1x512x1xi32>,
      %convert_element_type3A_199 = arith.fptosi %broadcast_in_dim3A_191 : vector<512x1xf32> to vector<512x1xi32>
      %swap3A_200 = arith.constant 1 : index
      %swap3A_201 = arith.constant 0 : index
      %swap3A_202 = arith.constant 0 : index
      %swap3A_203 = vector.load %arg8[%swap3A_200, %swap3A_201, %swap3A_202] : memref<2x512x1xi32, #tpu.memory_space<vmem>>, vector<1x512x1xi32>
      %swap3A_204 = vector.shape_cast %swap3A_203 : vector<1x512x1xi32> to vector<512x1xi32>
      %swap3A_205 = vector.shape_cast %convert_element_type3A_199 : vector<512x1xi32> to vector<1x512x1xi32>
      tpu.vector_store %arg8[%swap3A_200, %swap3A_201, %swap3A_202], %swap3A_205 {strides = array<i32>} : memref<2x512x1xi32, #tpu.memory_space<vmem>>, vector<1x512x1xi32>,
      %iota3A_206 = tpu.iota {dimensions = array<i32: 1>} : vector<512x4xi32>
      %convert_element_type3A_207 = arith.sitofp %iota3A_206 : vector<512x4xi32> to vector<512x4xf32>
      %mul3A_208 = arith.constant 4.000000e+00 : f32
      %mul3A_209 = vector.broadcast %mul3A_208 : f32 to vector<512x1xf32>
      %mul3A_210 = arith.mulf %broadcast_in_dim3A_187, %mul3A_209 : vector<512x1xf32>
      %add3A_211 = vector.broadcast %mul3A_210 : vector<512x1xf32> to vector<512x4xf32>
      %add3A_212 = arith.addf %add3A_211, %convert_element_type3A_207 : vector<512x4xf32>
      %convert_element_type3A_213 = arith.fptosi %add3A_212 : vector<512x4xf32> to vector<512x4xi32>
      %swap3A_214 = arith.constant 0 : index
      %swap3A_215 = arith.constant 0 : index
      %swap3A_216 = arith.constant 0 : index
      %swap3A_217 = vector.load %arg9[%swap3A_214, %swap3A_215, %swap3A_216] : memref<2x512x4xi32, #tpu.memory_space<vmem>>, vector<1x512x4xi32>
      %swap3A_218 = vector.shape_cast %swap3A_217 : vector<1x512x4xi32> to vector<512x4xi32>
      %swap3A_219 = vector.shape_cast %convert_element_type3A_213 : vector<512x4xi32> to vector<1x512x4xi32>
      tpu.vector_store %arg9[%swap3A_214, %swap3A_215, %swap3A_216], %swap3A_219 {strides = array<i32>} : memref<2x512x4xi32, #tpu.memory_space<vmem>>, vector<1x512x4xi32>,
      %mul3A_220 = arith.constant 4.000000e+00 : f32
      %mul3A_221 = vector.broadcast %mul3A_220 : f32 to vector<512x1xf32>
      %mul3A_222 = arith.mulf %broadcast_in_dim3A_191, %mul3A_221 : vector<512x1xf32>
      %add3A_223 = vector.broadcast %mul3A_222 : vector<512x1xf32> to vector<512x4xf32>
      %add3A_224 = arith.addf %add3A_223, %convert_element_type3A_207 : vector<512x4xf32>
      %convert_element_type3A_225 = arith.fptosi %add3A_224 : vector<512x4xf32> to vector<512x4xi32>
      %swap3A_226 = arith.constant 1 : index
      %swap3A_227 = arith.constant 0 : index
      %swap3A_228 = arith.constant 0 : index
      %swap3A_229 = vector.load %arg9[%swap3A_226, %swap3A_227, %swap3A_228] : memref<2x512x4xi32, #tpu.memory_space<vmem>>, vector<1x512x4xi32>
      %swap3A_230 = vector.shape_cast %swap3A_229 : vector<1x512x4xi32> to vector<512x4xi32>
      %swap3A_231 = vector.shape_cast %convert_element_type3A_225 : vector<512x4xi32> to vector<1x512x4xi32>
      tpu.vector_store %arg9[%swap3A_226, %swap3A_227, %swap3A_228], %swap3A_231 {strides = array<i32>} : memref<2x512x4xi32, #tpu.memory_space<vmem>>, vector<1x512x4xi32>,
      %get3A_232 = arith.constant 0 : index
      %get3A_233 = arith.constant 0 : index
      %get3A_234 = vector.load %arg4[%get3A_232, %get3A_233] : memref<512x8xf32, #tpu.memory_space<vmem>>, vector<512x8xf32>
      %broadcast_in_dim3A_235 = arith.constant 0.000000e+00 : f32
      %broadcast_in_dim3A_236 = vector.broadcast %broadcast_in_dim3A_235 : f32 to vector<512x119xf32>
      %concatenate3A = tpu.concatenate %get3A_234, %div3A_120, %broadcast_in_dim3A_236 in 1 : vector<512x8xf32>, vector<512x1xf32>, vector<512x119xf32> -> vector<512x128xf32>
      %swap3A_237 = arith.constant 0 : index
      %swap3A_238 = arith.constant 0 : index
      %swap3A_239 = arith.constant 0 : index
      %swap3A_240 = vector.load %arg7[%swap3A_237, %swap3A_238, %swap3A_239] : memref<2x512x128xf32, #tpu.memory_space<vmem>>, vector<1x512x128xf32>
      %swap3A_241 = vector.shape_cast %swap3A_240 : vector<1x512x128xf32> to vector<512x128xf32>
      %swap3A_242 = vector.shape_cast %concatenate3A : vector<512x128xf32> to vector<1x512x128xf32>
      tpu.vector_store %arg7[%swap3A_237, %swap3A_238, %swap3A_239], %swap3A_242 {strides = array<i32>} : memref<2x512x128xf32, #tpu.memory_space<vmem>>, vector<1x512x128xf32>,
      %concatenate3A_243 = tpu.concatenate %get3A_234, %div3A_124, %broadcast_in_dim3A_236 in 1 : vector<512x8xf32>, vector<512x1xf32>, vector<512x119xf32> -> vector<512x128xf32>
      %swap3A_244 = arith.constant 1 : index
      %swap3A_245 = arith.constant 0 : index
      %swap3A_246 = arith.constant 0 : index
      %swap3A_247 = vector.load %arg7[%swap3A_244, %swap3A_245, %swap3A_246] : memref<2x512x128xf32, #tpu.memory_space<vmem>>, vector<1x512x128xf32>
      %swap3A_248 = vector.shape_cast %swap3A_247 : vector<1x512x128xf32> to vector<512x128xf32>
      %swap3A_249 = vector.shape_cast %concatenate3A_243 : vector<512x128xf32> to vector<1x512x128xf32>
      tpu.vector_store %arg7[%swap3A_244, %swap3A_245, %swap3A_246], %swap3A_249 {strides = array<i32>} : memref<2x512x128xf32, #tpu.memory_space<vmem>>, vector<1x512x128xf32>,
      %concatenate3A_250 = tpu.concatenate %dot_general3A_163, %add3A_164 in 1 : vector<1x8xf32>, vector<1x8xf32> -> vector<1x16xf32>
      %convert_element_type3A_251 = arith.fptosi %concatenate3A_250 : vector<1x16xf32> to vector<1x16xi32>
      %swap3A_252 = arith.constant 0 : index
      %swap3A_253 = arith.constant 0 : index
      %swap3A_254 = vector.load %arg10[%swap3A_252, %swap3A_253] : memref<1x16xi32, #tpu.memory_space<vmem>>, vector<1x16xi32>
      tpu.vector_store %arg10[%swap3A_252, %swap3A_253], %convert_element_type3A_251 {strides = array<i32>} : memref<1x16xi32, #tpu.memory_space<vmem>>, vector<1x16xi32>,
      %iota3A_255 = tpu.iota {dimensions = array<i32: 0>} : vector<128x1xi32>
      %mul3A_256 = arith.constant 64 : i32
      %mul3A_257 = vector.broadcast %mul3A_256 : i32 to vector<128x1xi32>
      %mul3A_258 = arith.muli %iota3A_255, %mul3A_257 : vector<128x1xi32>
      %convert_element_type3A_259 = arith.sitofp %mul3A_258 : vector<128x1xi32> to vector<128x1xf32>
      %le3A = vector.broadcast %add3A_164 : vector<1x8xf32> to vector<128x8xf32>
      %le3A_260 = vector.broadcast %convert_element_type3A_259 : vector<128x1xf32> to vector<128x8xf32>
      %le3A_261 = arith.cmpf ole, %le3A, %le3A_260 : vector<128x8xf32>
      %convert_element_type3A_262 = arith.extui %le3A_261 : vector<128x8xi1> to vector<128x8xi32>
      %reduce_sum3A_263 = arith.constant dense<0> : vector<128xi32>
      %reduce_sum3A_264 = vector.multi_reduction <add>, %convert_element_type3A_262, %reduce_sum3A_263 [1] : vector<128x8xi32> to vector<128xi32>
      %broadcast_in_dim3A_265 = vector.shape_cast %reduce_sum3A_264 : vector<128xi32> to vector<128x1xi32>
      %swap3A_266 = arith.constant 0 : index
      %swap3A_267 = arith.constant 0 : index
      %swap3A_268 = vector.load %arg11[%swap3A_266, %swap3A_267] : memref<128x1xi32, #tpu.memory_space<vmem>>, vector<128x1xi32>
      tpu.vector_store %arg11[%swap3A_266, %swap3A_267], %broadcast_in_dim3A_265 {strides = array<i32>} : memref<128x1xi32, #tpu.memory_space<vmem>>, vector<128x1xi32>,
      %add3A_269 = arith.constant 6.300000e+01 : f32
      %add3A_270 = vector.broadcast %add3A_269 : f32 to vector<128x1xf32>
      %add3A_271 = arith.addf %convert_element_type3A_259, %add3A_270 : vector<128x1xf32>
      %le3A_272 = vector.broadcast %add3A_164 : vector<1x8xf32> to vector<128x8xf32>
      %le3A_273 = vector.broadcast %add3A_271 : vector<128x1xf32> to vector<128x8xf32>
      %le3A_274 = arith.cmpf ole, %le3A_272, %le3A_273 : vector<128x8xf32>
      %convert_element_type3A_275 = arith.extui %le3A_274 : vector<128x8xi1> to vector<128x8xi32>
      %reduce_sum3A_276 = arith.constant dense<0> : vector<128xi32>
      %reduce_sum3A_277 = vector.multi_reduction <add>, %convert_element_type3A_275, %reduce_sum3A_276 [1] : vector<128x8xi32> to vector<128xi32>
      %broadcast_in_dim3A_278 = vector.shape_cast %reduce_sum3A_277 : vector<128xi32> to vector<128x1xi32>
      %swap3A_279 = arith.constant 0 : index
      %swap3A_280 = arith.constant 0 : index
      %swap3A_281 = vector.load %arg12[%swap3A_279, %swap3A_280] : memref<128x1xi32, #tpu.memory_space<vmem>>, vector<128x1xi32>
      tpu.vector_store %arg12[%swap3A_279, %swap3A_280], %broadcast_in_dim3A_278 {strides = array<i32>} : memref<128x1xi32, #tpu.memory_space<vmem>>, vector<128x1xi32>,
    } else {
    }
    return
  }
  func.func @transform_0(%arg0: i32, %arg1: i32) -> (i32, i32) {
    %c0_i32 = arith.constant 0 : i32
    %c0_i32_0 = arith.constant 0 : i32
    return %arg1, %c0_i32 : i32, i32
  }
  func.func @transform_1(%arg0: i32, %arg1: i32) -> (i32, i32) {
    %c0_i32 = arith.constant 0 : i32
    %c0_i32_0 = arith.constant 0 : i32
    return %arg1, %c0_i32 : i32, i32
  }
  func.func @transform_2(%arg0: i32, %arg1: i32) -> (i32, i32) {
    %c0_i32 = arith.constant 0 : i32
    %c0_i32_0 = arith.constant 0 : i32
    return %arg1, %c0_i32 : i32, i32
  }
  func.func @transform_3(%arg0: i32, %arg1: i32) -> (i32, i32, i32) {
    %c0_i32 = arith.constant 0 : i32
    %c0_i32_0 = arith.constant 0 : i32
    %c0_i32_1 = arith.constant 0 : i32
    %c0_i32_2 = arith.constant 0 : i32
    return %c0_i32, %c0_i32_0, %c0_i32_1 : i32, i32, i32
  }
  func.func @transform_4(%arg0: i32, %arg1: i32) -> (i32, i32) {
    %c0_i32 = arith.constant 0 : i32
    %c0_i32_0 = arith.constant 0 : i32
    %c0_i32_1 = arith.constant 0 : i32
    return %c0_i32, %c0_i32_0 : i32, i32
  }
  func.func @transform_5(%arg0: i32, %arg1: i32) -> (i32, i32, i32) {
    %c0_i32 = arith.constant 0 : i32
    %c0_i32_0 = arith.constant 0 : i32
    %c0_i32_1 = arith.constant 0 : i32
    return %c0_i32, %arg1, %c0_i32_0 : i32, i32, i32
  }
  func.func @transform_6(%arg0: i32, %arg1: i32) -> (i32, i32, i32) {
    %c0_i32 = arith.constant 0 : i32
    %c0_i32_0 = arith.constant 0 : i32
    %c0_i32_1 = arith.constant 0 : i32
    return %c0_i32, %arg1, %c0_i32_0 : i32, i32, i32
  }
  func.func @transform_7(%arg0: i32, %arg1: i32) -> (i32, i32, i32) {
    %c0_i32 = arith.constant 0 : i32
    %c0_i32_0 = arith.constant 0 : i32
    %c0_i32_1 = arith.constant 0 : i32
    return %c0_i32, %arg1, %c0_i32_0 : i32, i32, i32
  }
  func.func @transform_8(%arg0: i32, %arg1: i32) -> (i32, i32) {
    %c0_i32 = arith.constant 0 : i32
    %c0_i32_0 = arith.constant 0 : i32
    %c0_i32_1 = arith.constant 0 : i32
    return %c0_i32, %c0_i32_0 : i32, i32
  }
  func.func @transform_9(%arg0: i32, %arg1: i32) -> (i32, i32) {
    %c0_i32 = arith.constant 0 : i32
    %c0_i32_0 = arith.constant 0 : i32
    %c0_i32_1 = arith.constant 0 : i32
    return %c0_i32, %c0_i32_0 : i32, i32
  }
  func.func @transform_10(%arg0: i32, %arg1: i32) -> (i32, i32) {
    %c0_i32 = arith.constant 0 : i32
    %c0_i32_0 = arith.constant 0 : i32
    %c0_i32_1 = arith.constant 0 : i32
    return %c0_i32, %c0_i32_0 : i32, i32
  }
}

module attributes {stable_mosaic.version = 14 : i64} {
  func.func @_expert_kernel(%arg0: i32, %arg1: memref<16xi32, #tpu.memory_space<smem>>, %arg2: memref<128xi32, #tpu.memory_space<smem>>, %arg3: memref<128xi32, #tpu.memory_space<smem>>, %arg4: memref<64x128xf32, #tpu.memory_space<vmem>>, %arg5: memref<8x8x16xf32, #tpu.memory_space<vmem>>, %arg6: memref<8x8x33x512xf32, #tpu.memory_space<vmem>>, %arg7: memref<8x8x512xf32, #tpu.memory_space<vmem>>, %arg8: memref<8x8x512xf32, #tpu.memory_space<vmem>>, %arg9: memref<8x8x512xf32, #tpu.memory_space<vmem>>, %arg10: memref<8x512x512xf32, #tpu.memory_space<vmem>>, %arg11: memref<8x512xf32, #tpu.memory_space<vmem>>, %arg12: memref<64x512xf32, #tpu.memory_space<vmem>>) attributes {dimension_semantics = [#tpu.dimension_semantics<arbitrary>], iteration_bounds = array<i64: 128>, scalar_prefetch = 3 : i64, scratch_operands = 0 : i64, tpu.core_type = #tpu.core_type<tc>, window_params = [{transform_indices = @transform_0, window_bounds = array<i64: 64, 128>}, {pipeline_mode = #tpu.pipeline_mode<synchronous>, transform_indices = @transform_1, window_bounds = array<i64: 8, 8, 16>}, {pipeline_mode = #tpu.pipeline_mode<synchronous>, transform_indices = @transform_2, window_bounds = array<i64: 8, 8, 33, 512>}, {pipeline_mode = #tpu.pipeline_mode<synchronous>, transform_indices = @transform_3, window_bounds = array<i64: 8, 8, 512>}, {pipeline_mode = #tpu.pipeline_mode<synchronous>, transform_indices = @transform_4, window_bounds = array<i64: 8, 8, 512>}, {pipeline_mode = #tpu.pipeline_mode<synchronous>, transform_indices = @transform_5, window_bounds = array<i64: 8, 8, 512>}, {pipeline_mode = #tpu.pipeline_mode<synchronous>, transform_indices = @transform_6, window_bounds = array<i64: 8, 512, 512>}, {pipeline_mode = #tpu.pipeline_mode<synchronous>, transform_indices = @transform_7, window_bounds = array<i64: 8, 512>}, {transform_indices = @transform_8, window_bounds = array<i64: 64, 512>}]} {
    %get3A = arith.constant 0 : index
    %get3A_0 = arith.constant 0 : index
    %get3A_1 = vector.load %arg4[%get3A, %get3A_0] : memref<64x128xf32, #tpu.memory_space<vmem>>, vector<64x8xf32>
    %get3A_2 = arith.constant 0 : index
    %get3A_3 = arith.constant 8 : index
    %get3A_4 = vector.load %arg4[%get3A_2, %get3A_3] : memref<64x128xf32, #tpu.memory_space<vmem>>, vector<64x1xf32>
    %iota3A = tpu.iota {dimensions = array<i32: 0>} : vector<64x1xi32>
    %mul3A = arith.constant 64 : i32
    %mul3A_5 = arith.muli %arg0, %mul3A : i32
    %add3A = vector.broadcast %mul3A_5 : i32 to vector<64x1xi32>
    %add3A_6 = arith.addi %iota3A, %add3A : vector<64x1xi32>
    %get3A_7 = arith.index_cast %arg0 : i32 to index
    %get3A_8 = memref.load %arg2[%get3A_7] : memref<128xi32, #tpu.memory_space<smem>>
    %get3A_9 = arith.index_cast %arg0 : i32 to index
    %get3A_10 = memref.load %arg3[%get3A_9] : memref<128xi32, #tpu.memory_space<smem>>
    %add3A_11 = arith.constant 1 : i32
    %add3A_12 = arith.addi %get3A_10, %add3A_11 : i32
    %broadcast_in_dim3A = arith.constant 0.000000e+00 : f32
    %broadcast_in_dim3A_13 = vector.broadcast %broadcast_in_dim3A : f32 to vector<64x512xf32>
    %while3A = arith.subi %add3A_12, %get3A_8 : i32
    %while3A_14 = arith.addi %get3A_8, %while3A : i32
    %while3A_15 = arith.constant 1 : i32
    %while3A_16 = arith.divsi %while3A, %while3A_15 : i32
    %while3A_17 = arith.muli %while3A_16, %while3A_15 : i32
    %while3A_18 = arith.addi %get3A_8, %while3A_17 : i32
    %while3A_19 = arith.constant 1 : i32
    %while3A_20 = scf.for %while3A_25 = %get3A_8 to %while3A_18 step %while3A_19 iter_args(%while3A_26 = %broadcast_in_dim3A_13) -> (vector<64x512xf32>)  : i32 {
      %get3A_27 = arith.index_cast %while3A_25 : i32 to index
      %get3A_28 = memref.load %arg1[%get3A_27] : memref<16xi32, #tpu.memory_space<smem>>
      %add3A_29 = arith.constant 8 : i32
      %add3A_30 = arith.addi %while3A_25, %add3A_29 : i32
      %get3A_31 = arith.index_cast %add3A_30 : i32 to index
      %get3A_32 = memref.load %arg1[%get3A_31] : memref<16xi32, #tpu.memory_space<smem>>
      %ge3A = vector.broadcast %get3A_28 : i32 to vector<64x1xi32>
      %ge3A_33 = arith.cmpi sge, %add3A_6, %ge3A : vector<64x1xi32>
      %lt3A = vector.broadcast %get3A_32 : i32 to vector<64x1xi32>
      %lt3A_34 = arith.cmpi slt, %add3A_6, %lt3A : vector<64x1xi32>
      %and3A = arith.andi %ge3A_33, %lt3A_34 : vector<64x1xi1>
      %broadcast_in_dim3A_35 = arith.constant 0.000000e+00 : f32
      %broadcast_in_dim3A_36 = vector.broadcast %broadcast_in_dim3A_35 : f32 to vector<64x512xf32>
      %slice3A = vector.extract_strided_slice %get3A_1 {offsets = [0, 0], sizes = [64, 1], strides = [1, 1]} : vector<64x8xf32> to vector<64x1xf32>
      %get3A_37 = arith.index_cast %while3A_25 : i32 to index
      %get3A_38 = arith.constant 0 : index
      %get3A_39 = arith.constant 0 : index
      %get3A_40 = vector.load %arg5[%get3A_37, %get3A_38, %get3A_39] : memref<8x8x16xf32, #tpu.memory_space<vmem>>, vector<1x1x16xf32>
      %get3A_41 = vector.shape_cast %get3A_40 : vector<1x1x16xf32> to vector<16xf32>
      %broadcast_in_dim3A_42 = vector.shape_cast %get3A_41 : vector<16xf32> to vector<1x16xf32>
      %mul3A_43 = vector.broadcast %slice3A : vector<64x1xf32> to vector<64x16xf32>
      %mul3A_44 = vector.broadcast %broadcast_in_dim3A_42 : vector<1x16xf32> to vector<64x16xf32>
      %mul3A_45 = arith.mulf %mul3A_43, %mul3A_44 : vector<64x16xf32>
      %add3A_46 = arith.constant 5.000000e-01 : f32
      %add3A_47 = vector.broadcast %add3A_46 : f32 to vector<64x16xf32>
      %add3A_48 = arith.addf %mul3A_45, %add3A_47 : vector<64x16xf32>
      %floor3A = math.floor %add3A_48 : vector<64x16xf32>
      %sub3A = arith.subf %mul3A_45, %floor3A : vector<64x16xf32>
      %mul3A_49 = arith.mulf %sub3A, %sub3A : vector<64x16xf32>
      %mul3A_50 = arith.constant 6.57561159 : f32
      %mul3A_51 = vector.broadcast %mul3A_50 : f32 to vector<64x16xf32>
      %mul3A_52 = arith.mulf %mul3A_51, %mul3A_49 : vector<64x16xf32>
      %add3A_53 = arith.constant -26.0005283 : f32
      %add3A_54 = vector.broadcast %add3A_53 : f32 to vector<64x16xf32>
      %add3A_55 = arith.addf %mul3A_52, %add3A_54 : vector<64x16xf32>
      %mul3A_56 = arith.constant 3.21916986 : f32
      %mul3A_57 = vector.broadcast %mul3A_56 : f32 to vector<64x16xf32>
      %mul3A_58 = arith.mulf %mul3A_57, %mul3A_49 : vector<64x16xf32>
      %add3A_59 = arith.constant -14.8834724 : f32
      %add3A_60 = vector.broadcast %add3A_59 : f32 to vector<64x16xf32>
      %add3A_61 = arith.addf %mul3A_58, %add3A_60 : vector<64x16xf32>
      %mul3A_62 = arith.mulf %add3A_55, %mul3A_49 : vector<64x16xf32>
      %add3A_63 = arith.constant 60.1762314 : f32
      %add3A_64 = vector.broadcast %add3A_63 : f32 to vector<64x16xf32>
      %add3A_65 = arith.addf %mul3A_62, %add3A_64 : vector<64x16xf32>
      %mul3A_66 = arith.mulf %add3A_61, %mul3A_49 : vector<64x16xf32>
      %add3A_67 = arith.constant 4.202050e+01 : f32
      %add3A_68 = vector.broadcast %add3A_67 : f32 to vector<64x16xf32>
      %add3A_69 = arith.addf %mul3A_66, %add3A_68 : vector<64x16xf32>
      %mul3A_70 = arith.mulf %add3A_65, %mul3A_49 : vector<64x16xf32>
      %add3A_71 = arith.constant -85.4511642 : f32
      %add3A_72 = vector.broadcast %add3A_71 : f32 to vector<64x16xf32>
      %add3A_73 = arith.addf %mul3A_70, %add3A_72 : vector<64x16xf32>
      %mul3A_74 = arith.mulf %add3A_69, %mul3A_49 : vector<64x16xf32>
      %add3A_75 = arith.constant -76.7021561 : f32
      %add3A_76 = vector.broadcast %add3A_75 : f32 to vector<64x16xf32>
      %add3A_77 = arith.addf %mul3A_74, %add3A_76 : vector<64x16xf32>
      %mul3A_78 = arith.mulf %add3A_73, %mul3A_49 : vector<64x16xf32>
      %add3A_79 = arith.constant 64.9391708 : f32
      %add3A_80 = vector.broadcast %add3A_79 : f32 to vector<64x16xf32>
      %add3A_81 = arith.addf %mul3A_78, %add3A_80 : vector<64x16xf32>
      %mul3A_82 = arith.mulf %add3A_77, %mul3A_49 : vector<64x16xf32>
      %add3A_83 = arith.constant 81.6050644 : f32
      %add3A_84 = vector.broadcast %add3A_83 : f32 to vector<64x16xf32>
      %add3A_85 = arith.addf %mul3A_82, %add3A_84 : vector<64x16xf32>
      %mul3A_86 = arith.mulf %add3A_81, %mul3A_49 : vector<64x16xf32>
      %add3A_87 = arith.constant -19.7392063 : f32
      %add3A_88 = vector.broadcast %add3A_87 : f32 to vector<64x16xf32>
      %add3A_89 = arith.addf %mul3A_86, %add3A_88 : vector<64x16xf32>
      %mul3A_90 = arith.mulf %add3A_85, %mul3A_49 : vector<64x16xf32>
      %add3A_91 = arith.constant -41.3416977 : f32
      %add3A_92 = vector.broadcast %add3A_91 : f32 to vector<64x16xf32>
      %add3A_93 = arith.addf %mul3A_90, %add3A_92 : vector<64x16xf32>
      %mul3A_94 = arith.mulf %add3A_89, %mul3A_49 : vector<64x16xf32>
      %add3A_95 = arith.constant 1.000000e+00 : f32
      %add3A_96 = vector.broadcast %add3A_95 : f32 to vector<64x16xf32>
      %add3A_97 = arith.addf %mul3A_94, %add3A_96 : vector<64x16xf32>
      %mul3A_98 = arith.mulf %add3A_93, %mul3A_49 : vector<64x16xf32>
      %add3A_99 = arith.constant 6.28318548 : f32
      %add3A_100 = vector.broadcast %add3A_99 : f32 to vector<64x16xf32>
      %add3A_101 = arith.addf %mul3A_98, %add3A_100 : vector<64x16xf32>
      %mul3A_102 = arith.mulf %add3A_101, %sub3A : vector<64x16xf32>
      %concatenate3A = tpu.concatenate %add3A_97, %mul3A_102, %slice3A in 1 : vector<64x16xf32>, vector<64x16xf32>, vector<64x1xf32> -> vector<64x33xf32>
      %get3A_103 = arith.index_cast %while3A_25 : i32 to index
      %get3A_104 = arith.constant 0 : index
      %get3A_105 = arith.constant 0 : index
      %get3A_106 = arith.constant 0 : index
      %get3A_107 = vector.load %arg6[%get3A_103, %get3A_104, %get3A_105, %get3A_106] : memref<8x8x33x512xf32, #tpu.memory_space<vmem>>, vector<1x1x33x512xf32>
      %get3A_108 = vector.shape_cast %get3A_107 : vector<1x1x33x512xf32> to vector<33x512xf32>
      %dot_general3A = arith.constant dense<0.000000e+00> : vector<64x512xf32>
      %dot_general3A_109 = tpu.matmul %concatenate3A, %get3A_108, %dot_general3A {dimension_numbers = #tpu.dot_dimension_numbers<[1], [0], [0], [1], [0, 0, 1, 1], [], []>, transpose_lhs_hint = false} : vector<64x33xf32>, vector<33x512xf32>, vector<64x512xf32> -> vector<64x512xf32>
      %get3A_110 = arith.index_cast %while3A_25 : i32 to index
      %get3A_111 = arith.constant 0 : index
      %get3A_112 = arith.constant 0 : index
      %get3A_113 = vector.load %arg7[%get3A_110, %get3A_111, %get3A_112] : memref<8x8x512xf32, #tpu.memory_space<vmem>>, vector<1x1x512xf32>
      %get3A_114 = vector.shape_cast %get3A_113 : vector<1x1x512xf32> to vector<512xf32>
      %broadcast_in_dim3A_115 = vector.shape_cast %get3A_114 : vector<512xf32> to vector<1x512xf32>
      %add3A_116 = vector.broadcast %broadcast_in_dim3A_115 : vector<1x512xf32> to vector<64x512xf32>
      %add3A_117 = arith.addf %dot_general3A_109, %add3A_116 : vector<64x512xf32>
      %reduce_sum3A = arith.constant dense<0.000000e+00> : vector<64xf32>
      %reduce_sum3A_118 = vector.multi_reduction <add>, %add3A_117, %reduce_sum3A [1] : vector<64x512xf32> to vector<64xf32>
      %broadcast_in_dim3A_119 = vector.shape_cast %reduce_sum3A_118 : vector<64xf32> to vector<64x1xf32>
      %div3A = arith.constant 5.120000e+02 : f32
      %div3A_120 = vector.broadcast %div3A : f32 to vector<64x1xf32>
      %div3A_121 = arith.divf %broadcast_in_dim3A_119, %div3A_120 : vector<64x1xf32>
      %mul3A_122 = arith.mulf %add3A_117, %add3A_117 : vector<64x512xf32>
      %reduce_sum3A_123 = arith.constant dense<0.000000e+00> : vector<64xf32>
      %reduce_sum3A_124 = vector.multi_reduction <add>, %mul3A_122, %reduce_sum3A_123 [1] : vector<64x512xf32> to vector<64xf32>
      %broadcast_in_dim3A_125 = vector.shape_cast %reduce_sum3A_124 : vector<64xf32> to vector<64x1xf32>
      %div3A_126 = arith.constant 5.120000e+02 : f32
      %div3A_127 = vector.broadcast %div3A_126 : f32 to vector<64x1xf32>
      %div3A_128 = arith.divf %broadcast_in_dim3A_125, %div3A_127 : vector<64x1xf32>
      %mul3A_129 = arith.mulf %div3A_121, %div3A_121 : vector<64x1xf32>
      %sub3A_130 = arith.subf %div3A_128, %mul3A_129 : vector<64x1xf32>
      %sub3A_131 = vector.broadcast %div3A_121 : vector<64x1xf32> to vector<64x512xf32>
      %sub3A_132 = arith.subf %add3A_117, %sub3A_131 : vector<64x512xf32>
      %add3A_133 = arith.constant 9.99999974E-6 : f32
      %add3A_134 = vector.broadcast %add3A_133 : f32 to vector<64x1xf32>
      %add3A_135 = arith.addf %sub3A_130, %add3A_134 : vector<64x1xf32>
      %rsqrt3A = math.rsqrt %add3A_135 : vector<64x1xf32>
      %mul3A_136 = vector.broadcast %rsqrt3A : vector<64x1xf32> to vector<64x512xf32>
      %mul3A_137 = arith.mulf %sub3A_132, %mul3A_136 : vector<64x512xf32>
      %get3A_138 = arith.index_cast %while3A_25 : i32 to index
      %get3A_139 = arith.constant 0 : index
      %get3A_140 = arith.constant 0 : index
      %get3A_141 = vector.load %arg8[%get3A_138, %get3A_139, %get3A_140] : memref<8x8x512xf32, #tpu.memory_space<vmem>>, vector<1x1x512xf32>
      %get3A_142 = vector.shape_cast %get3A_141 : vector<1x1x512xf32> to vector<512xf32>
      %broadcast_in_dim3A_143 = vector.shape_cast %get3A_142 : vector<512xf32> to vector<1x512xf32>
      %mul3A_144 = vector.broadcast %broadcast_in_dim3A_143 : vector<1x512xf32> to vector<64x512xf32>
      %mul3A_145 = arith.mulf %mul3A_137, %mul3A_144 : vector<64x512xf32>
      %get3A_146 = arith.index_cast %while3A_25 : i32 to index
      %get3A_147 = arith.constant 0 : index
      %get3A_148 = arith.constant 0 : index
      %get3A_149 = vector.load %arg9[%get3A_146, %get3A_147, %get3A_148] : memref<8x8x512xf32, #tpu.memory_space<vmem>>, vector<1x1x512xf32>
      %get3A_150 = vector.shape_cast %get3A_149 : vector<1x1x512xf32> to vector<512xf32>
      %broadcast_in_dim3A_151 = vector.shape_cast %get3A_150 : vector<512xf32> to vector<1x512xf32>
      %add3A_152 = vector.broadcast %broadcast_in_dim3A_151 : vector<1x512xf32> to vector<64x512xf32>
      %add3A_153 = arith.addf %mul3A_145, %add3A_152 : vector<64x512xf32>
      %mul3A_154 = arith.constant 5.000000e-01 : f32
      %mul3A_155 = vector.broadcast %mul3A_154 : f32 to vector<64x512xf32>
      %mul3A_156 = arith.mulf %mul3A_155, %add3A_153 : vector<64x512xf32>
      %mul3A_157 = arith.constant 0.707106769 : f32
      %mul3A_158 = vector.broadcast %mul3A_157 : f32 to vector<64x512xf32>
      %mul3A_159 = arith.mulf %add3A_153, %mul3A_158 : vector<64x512xf32>
      %erf3A = math.erf %mul3A_159 : vector<64x512xf32>
      %add3A_160 = arith.constant 1.000000e+00 : f32
      %add3A_161 = vector.broadcast %add3A_160 : f32 to vector<64x512xf32>
      %add3A_162 = arith.addf %add3A_161, %erf3A : vector<64x512xf32>
      %mul3A_163 = arith.mulf %mul3A_156, %add3A_162 : vector<64x512xf32>
      %add3A_164 = arith.addf %broadcast_in_dim3A_36, %mul3A_163 : vector<64x512xf32>
      %slice3A_165 = vector.extract_strided_slice %get3A_1 {offsets = [0, 1], sizes = [64, 1], strides = [1, 1]} : vector<64x8xf32> to vector<64x1xf32>
      %get3A_166 = arith.index_cast %while3A_25 : i32 to index
      %get3A_167 = arith.constant 1 : index
      %get3A_168 = arith.constant 0 : index
      %get3A_169 = vector.load %arg5[%get3A_166, %get3A_167, %get3A_168] : memref<8x8x16xf32, #tpu.memory_space<vmem>>, vector<1x1x16xf32>
      %get3A_170 = vector.shape_cast %get3A_169 : vector<1x1x16xf32> to vector<16xf32>
      %broadcast_in_dim3A_171 = vector.shape_cast %get3A_170 : vector<16xf32> to vector<1x16xf32>
      %mul3A_172 = vector.broadcast %slice3A_165 : vector<64x1xf32> to vector<64x16xf32>
      %mul3A_173 = vector.broadcast %broadcast_in_dim3A_171 : vector<1x16xf32> to vector<64x16xf32>
      %mul3A_174 = arith.mulf %mul3A_172, %mul3A_173 : vector<64x16xf32>
      %add3A_175 = arith.constant 5.000000e-01 : f32
      %add3A_176 = vector.broadcast %add3A_175 : f32 to vector<64x16xf32>
      %add3A_177 = arith.addf %mul3A_174, %add3A_176 : vector<64x16xf32>
      %floor3A_178 = math.floor %add3A_177 : vector<64x16xf32>
      %sub3A_179 = arith.subf %mul3A_174, %floor3A_178 : vector<64x16xf32>
      %mul3A_180 = arith.mulf %sub3A_179, %sub3A_179 : vector<64x16xf32>
      %mul3A_181 = arith.constant 6.57561159 : f32
      %mul3A_182 = vector.broadcast %mul3A_181 : f32 to vector<64x16xf32>
      %mul3A_183 = arith.mulf %mul3A_182, %mul3A_180 : vector<64x16xf32>
      %add3A_184 = arith.constant -26.0005283 : f32
      %add3A_185 = vector.broadcast %add3A_184 : f32 to vector<64x16xf32>
      %add3A_186 = arith.addf %mul3A_183, %add3A_185 : vector<64x16xf32>
      %mul3A_187 = arith.constant 3.21916986 : f32
      %mul3A_188 = vector.broadcast %mul3A_187 : f32 to vector<64x16xf32>
      %mul3A_189 = arith.mulf %mul3A_188, %mul3A_180 : vector<64x16xf32>
      %add3A_190 = arith.constant -14.8834724 : f32
      %add3A_191 = vector.broadcast %add3A_190 : f32 to vector<64x16xf32>
      %add3A_192 = arith.addf %mul3A_189, %add3A_191 : vector<64x16xf32>
      %mul3A_193 = arith.mulf %add3A_186, %mul3A_180 : vector<64x16xf32>
      %add3A_194 = arith.constant 60.1762314 : f32
      %add3A_195 = vector.broadcast %add3A_194 : f32 to vector<64x16xf32>
      %add3A_196 = arith.addf %mul3A_193, %add3A_195 : vector<64x16xf32>
      %mul3A_197 = arith.mulf %add3A_192, %mul3A_180 : vector<64x16xf32>
      %add3A_198 = arith.constant 4.202050e+01 : f32
      %add3A_199 = vector.broadcast %add3A_198 : f32 to vector<64x16xf32>
      %add3A_200 = arith.addf %mul3A_197, %add3A_199 : vector<64x16xf32>
      %mul3A_201 = arith.mulf %add3A_196, %mul3A_180 : vector<64x16xf32>
      %add3A_202 = arith.constant -85.4511642 : f32
      %add3A_203 = vector.broadcast %add3A_202 : f32 to vector<64x16xf32>
      %add3A_204 = arith.addf %mul3A_201, %add3A_203 : vector<64x16xf32>
      %mul3A_205 = arith.mulf %add3A_200, %mul3A_180 : vector<64x16xf32>
      %add3A_206 = arith.constant -76.7021561 : f32
      %add3A_207 = vector.broadcast %add3A_206 : f32 to vector<64x16xf32>
      %add3A_208 = arith.addf %mul3A_205, %add3A_207 : vector<64x16xf32>
      %mul3A_209 = arith.mulf %add3A_204, %mul3A_180 : vector<64x16xf32>
      %add3A_210 = arith.constant 64.9391708 : f32
      %add3A_211 = vector.broadcast %add3A_210 : f32 to vector<64x16xf32>
      %add3A_212 = arith.addf %mul3A_209, %add3A_211 : vector<64x16xf32>
      %mul3A_213 = arith.mulf %add3A_208, %mul3A_180 : vector<64x16xf32>
      %add3A_214 = arith.constant 81.6050644 : f32
      %add3A_215 = vector.broadcast %add3A_214 : f32 to vector<64x16xf32>
      %add3A_216 = arith.addf %mul3A_213, %add3A_215 : vector<64x16xf32>
      %mul3A_217 = arith.mulf %add3A_212, %mul3A_180 : vector<64x16xf32>
      %add3A_218 = arith.constant -19.7392063 : f32
      %add3A_219 = vector.broadcast %add3A_218 : f32 to vector<64x16xf32>
      %add3A_220 = arith.addf %mul3A_217, %add3A_219 : vector<64x16xf32>
      %mul3A_221 = arith.mulf %add3A_216, %mul3A_180 : vector<64x16xf32>
      %add3A_222 = arith.constant -41.3416977 : f32
      %add3A_223 = vector.broadcast %add3A_222 : f32 to vector<64x16xf32>
      %add3A_224 = arith.addf %mul3A_221, %add3A_223 : vector<64x16xf32>
      %mul3A_225 = arith.mulf %add3A_220, %mul3A_180 : vector<64x16xf32>
      %add3A_226 = arith.constant 1.000000e+00 : f32
      %add3A_227 = vector.broadcast %add3A_226 : f32 to vector<64x16xf32>
      %add3A_228 = arith.addf %mul3A_225, %add3A_227 : vector<64x16xf32>
      %mul3A_229 = arith.mulf %add3A_224, %mul3A_180 : vector<64x16xf32>
      %add3A_230 = arith.constant 6.28318548 : f32
      %add3A_231 = vector.broadcast %add3A_230 : f32 to vector<64x16xf32>
      %add3A_232 = arith.addf %mul3A_229, %add3A_231 : vector<64x16xf32>
      %mul3A_233 = arith.mulf %add3A_232, %sub3A_179 : vector<64x16xf32>
      %concatenate3A_234 = tpu.concatenate %add3A_228, %mul3A_233, %slice3A_165 in 1 : vector<64x16xf32>, vector<64x16xf32>, vector<64x1xf32> -> vector<64x33xf32>
      %get3A_235 = arith.index_cast %while3A_25 : i32 to index
      %get3A_236 = arith.constant 1 : index
      %get3A_237 = arith.constant 0 : index
      %get3A_238 = arith.constant 0 : index
      %get3A_239 = vector.load %arg6[%get3A_235, %get3A_236, %get3A_237, %get3A_238] : memref<8x8x33x512xf32, #tpu.memory_space<vmem>>, vector<1x1x33x512xf32>
      %get3A_240 = vector.shape_cast %get3A_239 : vector<1x1x33x512xf32> to vector<33x512xf32>
      %dot_general3A_241 = arith.constant dense<0.000000e+00> : vector<64x512xf32>
      %dot_general3A_242 = tpu.matmul %concatenate3A_234, %get3A_240, %dot_general3A_241 {dimension_numbers = #tpu.dot_dimension_numbers<[1], [0], [0], [1], [0, 0, 1, 1], [], []>, transpose_lhs_hint = false} : vector<64x33xf32>, vector<33x512xf32>, vector<64x512xf32> -> vector<64x512xf32>
      %get3A_243 = arith.index_cast %while3A_25 : i32 to index
      %get3A_244 = arith.constant 1 : index
      %get3A_245 = arith.constant 0 : index
      %get3A_246 = vector.load %arg7[%get3A_243, %get3A_244, %get3A_245] : memref<8x8x512xf32, #tpu.memory_space<vmem>>, vector<1x1x512xf32>
      %get3A_247 = vector.shape_cast %get3A_246 : vector<1x1x512xf32> to vector<512xf32>
      %broadcast_in_dim3A_248 = vector.shape_cast %get3A_247 : vector<512xf32> to vector<1x512xf32>
      %add3A_249 = vector.broadcast %broadcast_in_dim3A_248 : vector<1x512xf32> to vector<64x512xf32>
      %add3A_250 = arith.addf %dot_general3A_242, %add3A_249 : vector<64x512xf32>
      %reduce_sum3A_251 = arith.constant dense<0.000000e+00> : vector<64xf32>
      %reduce_sum3A_252 = vector.multi_reduction <add>, %add3A_250, %reduce_sum3A_251 [1] : vector<64x512xf32> to vector<64xf32>
      %broadcast_in_dim3A_253 = vector.shape_cast %reduce_sum3A_252 : vector<64xf32> to vector<64x1xf32>
      %div3A_254 = arith.constant 5.120000e+02 : f32
      %div3A_255 = vector.broadcast %div3A_254 : f32 to vector<64x1xf32>
      %div3A_256 = arith.divf %broadcast_in_dim3A_253, %div3A_255 : vector<64x1xf32>
      %mul3A_257 = arith.mulf %add3A_250, %add3A_250 : vector<64x512xf32>
      %reduce_sum3A_258 = arith.constant dense<0.000000e+00> : vector<64xf32>
      %reduce_sum3A_259 = vector.multi_reduction <add>, %mul3A_257, %reduce_sum3A_258 [1] : vector<64x512xf32> to vector<64xf32>
      %broadcast_in_dim3A_260 = vector.shape_cast %reduce_sum3A_259 : vector<64xf32> to vector<64x1xf32>
      %div3A_261 = arith.constant 5.120000e+02 : f32
      %div3A_262 = vector.broadcast %div3A_261 : f32 to vector<64x1xf32>
      %div3A_263 = arith.divf %broadcast_in_dim3A_260, %div3A_262 : vector<64x1xf32>
      %mul3A_264 = arith.mulf %div3A_256, %div3A_256 : vector<64x1xf32>
      %sub3A_265 = arith.subf %div3A_263, %mul3A_264 : vector<64x1xf32>
      %sub3A_266 = vector.broadcast %div3A_256 : vector<64x1xf32> to vector<64x512xf32>
      %sub3A_267 = arith.subf %add3A_250, %sub3A_266 : vector<64x512xf32>
      %add3A_268 = arith.constant 9.99999974E-6 : f32
      %add3A_269 = vector.broadcast %add3A_268 : f32 to vector<64x1xf32>
      %add3A_270 = arith.addf %sub3A_265, %add3A_269 : vector<64x1xf32>
      %rsqrt3A_271 = math.rsqrt %add3A_270 : vector<64x1xf32>
      %mul3A_272 = vector.broadcast %rsqrt3A_271 : vector<64x1xf32> to vector<64x512xf32>
      %mul3A_273 = arith.mulf %sub3A_267, %mul3A_272 : vector<64x512xf32>
      %get3A_274 = arith.index_cast %while3A_25 : i32 to index
      %get3A_275 = arith.constant 1 : index
      %get3A_276 = arith.constant 0 : index
      %get3A_277 = vector.load %arg8[%get3A_274, %get3A_275, %get3A_276] : memref<8x8x512xf32, #tpu.memory_space<vmem>>, vector<1x1x512xf32>
      %get3A_278 = vector.shape_cast %get3A_277 : vector<1x1x512xf32> to vector<512xf32>
      %broadcast_in_dim3A_279 = vector.shape_cast %get3A_278 : vector<512xf32> to vector<1x512xf32>
      %mul3A_280 = vector.broadcast %broadcast_in_dim3A_279 : vector<1x512xf32> to vector<64x512xf32>
      %mul3A_281 = arith.mulf %mul3A_273, %mul3A_280 : vector<64x512xf32>
      %get3A_282 = arith.index_cast %while3A_25 : i32 to index
      %get3A_283 = arith.constant 1 : index
      %get3A_284 = arith.constant 0 : index
      %get3A_285 = vector.load %arg9[%get3A_282, %get3A_283, %get3A_284] : memref<8x8x512xf32, #tpu.memory_space<vmem>>, vector<1x1x512xf32>
      %get3A_286 = vector.shape_cast %get3A_285 : vector<1x1x512xf32> to vector<512xf32>
      %broadcast_in_dim3A_287 = vector.shape_cast %get3A_286 : vector<512xf32> to vector<1x512xf32>
      %add3A_288 = vector.broadcast %broadcast_in_dim3A_287 : vector<1x512xf32> to vector<64x512xf32>
      %add3A_289 = arith.addf %mul3A_281, %add3A_288 : vector<64x512xf32>
      %mul3A_290 = arith.constant 5.000000e-01 : f32
      %mul3A_291 = vector.broadcast %mul3A_290 : f32 to vector<64x512xf32>
      %mul3A_292 = arith.mulf %mul3A_291, %add3A_289 : vector<64x512xf32>
      %mul3A_293 = arith.constant 0.707106769 : f32
      %mul3A_294 = vector.broadcast %mul3A_293 : f32 to vector<64x512xf32>
      %mul3A_295 = arith.mulf %add3A_289, %mul3A_294 : vector<64x512xf32>
      %erf3A_296 = math.erf %mul3A_295 : vector<64x512xf32>
      %add3A_297 = arith.constant 1.000000e+00 : f32
      %add3A_298 = vector.broadcast %add3A_297 : f32 to vector<64x512xf32>
      %add3A_299 = arith.addf %add3A_298, %erf3A_296 : vector<64x512xf32>
      %mul3A_300 = arith.mulf %mul3A_292, %add3A_299 : vector<64x512xf32>
      %add3A_301 = arith.addf %add3A_164, %mul3A_300 : vector<64x512xf32>
      %slice3A_302 = vector.extract_strided_slice %get3A_1 {offsets = [0, 2], sizes = [64, 1], strides = [1, 1]} : vector<64x8xf32> to vector<64x1xf32>
      %get3A_303 = arith.index_cast %while3A_25 : i32 to index
      %get3A_304 = arith.constant 2 : index
      %get3A_305 = arith.constant 0 : index
      %get3A_306 = vector.load %arg5[%get3A_303, %get3A_304, %get3A_305] : memref<8x8x16xf32, #tpu.memory_space<vmem>>, vector<1x1x16xf32>
      %get3A_307 = vector.shape_cast %get3A_306 : vector<1x1x16xf32> to vector<16xf32>
      %broadcast_in_dim3A_308 = vector.shape_cast %get3A_307 : vector<16xf32> to vector<1x16xf32>
      %mul3A_309 = vector.broadcast %slice3A_302 : vector<64x1xf32> to vector<64x16xf32>
      %mul3A_310 = vector.broadcast %broadcast_in_dim3A_308 : vector<1x16xf32> to vector<64x16xf32>
      %mul3A_311 = arith.mulf %mul3A_309, %mul3A_310 : vector<64x16xf32>
      %add3A_312 = arith.constant 5.000000e-01 : f32
      %add3A_313 = vector.broadcast %add3A_312 : f32 to vector<64x16xf32>
      %add3A_314 = arith.addf %mul3A_311, %add3A_313 : vector<64x16xf32>
      %floor3A_315 = math.floor %add3A_314 : vector<64x16xf32>
      %sub3A_316 = arith.subf %mul3A_311, %floor3A_315 : vector<64x16xf32>
      %mul3A_317 = arith.mulf %sub3A_316, %sub3A_316 : vector<64x16xf32>
      %mul3A_318 = arith.constant 6.57561159 : f32
      %mul3A_319 = vector.broadcast %mul3A_318 : f32 to vector<64x16xf32>
      %mul3A_320 = arith.mulf %mul3A_319, %mul3A_317 : vector<64x16xf32>
      %add3A_321 = arith.constant -26.0005283 : f32
      %add3A_322 = vector.broadcast %add3A_321 : f32 to vector<64x16xf32>
      %add3A_323 = arith.addf %mul3A_320, %add3A_322 : vector<64x16xf32>
      %mul3A_324 = arith.constant 3.21916986 : f32
      %mul3A_325 = vector.broadcast %mul3A_324 : f32 to vector<64x16xf32>
      %mul3A_326 = arith.mulf %mul3A_325, %mul3A_317 : vector<64x16xf32>
      %add3A_327 = arith.constant -14.8834724 : f32
      %add3A_328 = vector.broadcast %add3A_327 : f32 to vector<64x16xf32>
      %add3A_329 = arith.addf %mul3A_326, %add3A_328 : vector<64x16xf32>
      %mul3A_330 = arith.mulf %add3A_323, %mul3A_317 : vector<64x16xf32>
      %add3A_331 = arith.constant 60.1762314 : f32
      %add3A_332 = vector.broadcast %add3A_331 : f32 to vector<64x16xf32>
      %add3A_333 = arith.addf %mul3A_330, %add3A_332 : vector<64x16xf32>
      %mul3A_334 = arith.mulf %add3A_329, %mul3A_317 : vector<64x16xf32>
      %add3A_335 = arith.constant 4.202050e+01 : f32
      %add3A_336 = vector.broadcast %add3A_335 : f32 to vector<64x16xf32>
      %add3A_337 = arith.addf %mul3A_334, %add3A_336 : vector<64x16xf32>
      %mul3A_338 = arith.mulf %add3A_333, %mul3A_317 : vector<64x16xf32>
      %add3A_339 = arith.constant -85.4511642 : f32
      %add3A_340 = vector.broadcast %add3A_339 : f32 to vector<64x16xf32>
      %add3A_341 = arith.addf %mul3A_338, %add3A_340 : vector<64x16xf32>
      %mul3A_342 = arith.mulf %add3A_337, %mul3A_317 : vector<64x16xf32>
      %add3A_343 = arith.constant -76.7021561 : f32
      %add3A_344 = vector.broadcast %add3A_343 : f32 to vector<64x16xf32>
      %add3A_345 = arith.addf %mul3A_342, %add3A_344 : vector<64x16xf32>
      %mul3A_346 = arith.mulf %add3A_341, %mul3A_317 : vector<64x16xf32>
      %add3A_347 = arith.constant 64.9391708 : f32
      %add3A_348 = vector.broadcast %add3A_347 : f32 to vector<64x16xf32>
      %add3A_349 = arith.addf %mul3A_346, %add3A_348 : vector<64x16xf32>
      %mul3A_350 = arith.mulf %add3A_345, %mul3A_317 : vector<64x16xf32>
      %add3A_351 = arith.constant 81.6050644 : f32
      %add3A_352 = vector.broadcast %add3A_351 : f32 to vector<64x16xf32>
      %add3A_353 = arith.addf %mul3A_350, %add3A_352 : vector<64x16xf32>
      %mul3A_354 = arith.mulf %add3A_349, %mul3A_317 : vector<64x16xf32>
      %add3A_355 = arith.constant -19.7392063 : f32
      %add3A_356 = vector.broadcast %add3A_355 : f32 to vector<64x16xf32>
      %add3A_357 = arith.addf %mul3A_354, %add3A_356 : vector<64x16xf32>
      %mul3A_358 = arith.mulf %add3A_353, %mul3A_317 : vector<64x16xf32>
      %add3A_359 = arith.constant -41.3416977 : f32
      %add3A_360 = vector.broadcast %add3A_359 : f32 to vector<64x16xf32>
      %add3A_361 = arith.addf %mul3A_358, %add3A_360 : vector<64x16xf32>
      %mul3A_362 = arith.mulf %add3A_357, %mul3A_317 : vector<64x16xf32>
      %add3A_363 = arith.constant 1.000000e+00 : f32
      %add3A_364 = vector.broadcast %add3A_363 : f32 to vector<64x16xf32>
      %add3A_365 = arith.addf %mul3A_362, %add3A_364 : vector<64x16xf32>
      %mul3A_366 = arith.mulf %add3A_361, %mul3A_317 : vector<64x16xf32>
      %add3A_367 = arith.constant 6.28318548 : f32
      %add3A_368 = vector.broadcast %add3A_367 : f32 to vector<64x16xf32>
      %add3A_369 = arith.addf %mul3A_366, %add3A_368 : vector<64x16xf32>
      %mul3A_370 = arith.mulf %add3A_369, %sub3A_316 : vector<64x16xf32>
      %concatenate3A_371 = tpu.concatenate %add3A_365, %mul3A_370, %slice3A_302 in 1 : vector<64x16xf32>, vector<64x16xf32>, vector<64x1xf32> -> vector<64x33xf32>
      %get3A_372 = arith.index_cast %while3A_25 : i32 to index
      %get3A_373 = arith.constant 2 : index
      %get3A_374 = arith.constant 0 : index
      %get3A_375 = arith.constant 0 : index
      %get3A_376 = vector.load %arg6[%get3A_372, %get3A_373, %get3A_374, %get3A_375] : memref<8x8x33x512xf32, #tpu.memory_space<vmem>>, vector<1x1x33x512xf32>
      %get3A_377 = vector.shape_cast %get3A_376 : vector<1x1x33x512xf32> to vector<33x512xf32>
      %dot_general3A_378 = arith.constant dense<0.000000e+00> : vector<64x512xf32>
      %dot_general3A_379 = tpu.matmul %concatenate3A_371, %get3A_377, %dot_general3A_378 {dimension_numbers = #tpu.dot_dimension_numbers<[1], [0], [0], [1], [0, 0, 1, 1], [], []>, transpose_lhs_hint = false} : vector<64x33xf32>, vector<33x512xf32>, vector<64x512xf32> -> vector<64x512xf32>
      %get3A_380 = arith.index_cast %while3A_25 : i32 to index
      %get3A_381 = arith.constant 2 : index
      %get3A_382 = arith.constant 0 : index
      %get3A_383 = vector.load %arg7[%get3A_380, %get3A_381, %get3A_382] : memref<8x8x512xf32, #tpu.memory_space<vmem>>, vector<1x1x512xf32>
      %get3A_384 = vector.shape_cast %get3A_383 : vector<1x1x512xf32> to vector<512xf32>
      %broadcast_in_dim3A_385 = vector.shape_cast %get3A_384 : vector<512xf32> to vector<1x512xf32>
      %add3A_386 = vector.broadcast %broadcast_in_dim3A_385 : vector<1x512xf32> to vector<64x512xf32>
      %add3A_387 = arith.addf %dot_general3A_379, %add3A_386 : vector<64x512xf32>
      %reduce_sum3A_388 = arith.constant dense<0.000000e+00> : vector<64xf32>
      %reduce_sum3A_389 = vector.multi_reduction <add>, %add3A_387, %reduce_sum3A_388 [1] : vector<64x512xf32> to vector<64xf32>
      %broadcast_in_dim3A_390 = vector.shape_cast %reduce_sum3A_389 : vector<64xf32> to vector<64x1xf32>
      %div3A_391 = arith.constant 5.120000e+02 : f32
      %div3A_392 = vector.broadcast %div3A_391 : f32 to vector<64x1xf32>
      %div3A_393 = arith.divf %broadcast_in_dim3A_390, %div3A_392 : vector<64x1xf32>
      %mul3A_394 = arith.mulf %add3A_387, %add3A_387 : vector<64x512xf32>
      %reduce_sum3A_395 = arith.constant dense<0.000000e+00> : vector<64xf32>
      %reduce_sum3A_396 = vector.multi_reduction <add>, %mul3A_394, %reduce_sum3A_395 [1] : vector<64x512xf32> to vector<64xf32>
      %broadcast_in_dim3A_397 = vector.shape_cast %reduce_sum3A_396 : vector<64xf32> to vector<64x1xf32>
      %div3A_398 = arith.constant 5.120000e+02 : f32
      %div3A_399 = vector.broadcast %div3A_398 : f32 to vector<64x1xf32>
      %div3A_400 = arith.divf %broadcast_in_dim3A_397, %div3A_399 : vector<64x1xf32>
      %mul3A_401 = arith.mulf %div3A_393, %div3A_393 : vector<64x1xf32>
      %sub3A_402 = arith.subf %div3A_400, %mul3A_401 : vector<64x1xf32>
      %sub3A_403 = vector.broadcast %div3A_393 : vector<64x1xf32> to vector<64x512xf32>
      %sub3A_404 = arith.subf %add3A_387, %sub3A_403 : vector<64x512xf32>
      %add3A_405 = arith.constant 9.99999974E-6 : f32
      %add3A_406 = vector.broadcast %add3A_405 : f32 to vector<64x1xf32>
      %add3A_407 = arith.addf %sub3A_402, %add3A_406 : vector<64x1xf32>
      %rsqrt3A_408 = math.rsqrt %add3A_407 : vector<64x1xf32>
      %mul3A_409 = vector.broadcast %rsqrt3A_408 : vector<64x1xf32> to vector<64x512xf32>
      %mul3A_410 = arith.mulf %sub3A_404, %mul3A_409 : vector<64x512xf32>
      %get3A_411 = arith.index_cast %while3A_25 : i32 to index
      %get3A_412 = arith.constant 2 : index
      %get3A_413 = arith.constant 0 : index
      %get3A_414 = vector.load %arg8[%get3A_411, %get3A_412, %get3A_413] : memref<8x8x512xf32, #tpu.memory_space<vmem>>, vector<1x1x512xf32>
      %get3A_415 = vector.shape_cast %get3A_414 : vector<1x1x512xf32> to vector<512xf32>
      %broadcast_in_dim3A_416 = vector.shape_cast %get3A_415 : vector<512xf32> to vector<1x512xf32>
      %mul3A_417 = vector.broadcast %broadcast_in_dim3A_416 : vector<1x512xf32> to vector<64x512xf32>
      %mul3A_418 = arith.mulf %mul3A_410, %mul3A_417 : vector<64x512xf32>
      %get3A_419 = arith.index_cast %while3A_25 : i32 to index
      %get3A_420 = arith.constant 2 : index
      %get3A_421 = arith.constant 0 : index
      %get3A_422 = vector.load %arg9[%get3A_419, %get3A_420, %get3A_421] : memref<8x8x512xf32, #tpu.memory_space<vmem>>, vector<1x1x512xf32>
      %get3A_423 = vector.shape_cast %get3A_422 : vector<1x1x512xf32> to vector<512xf32>
      %broadcast_in_dim3A_424 = vector.shape_cast %get3A_423 : vector<512xf32> to vector<1x512xf32>
      %add3A_425 = vector.broadcast %broadcast_in_dim3A_424 : vector<1x512xf32> to vector<64x512xf32>
      %add3A_426 = arith.addf %mul3A_418, %add3A_425 : vector<64x512xf32>
      %mul3A_427 = arith.constant 5.000000e-01 : f32
      %mul3A_428 = vector.broadcast %mul3A_427 : f32 to vector<64x512xf32>
      %mul3A_429 = arith.mulf %mul3A_428, %add3A_426 : vector<64x512xf32>
      %mul3A_430 = arith.constant 0.707106769 : f32
      %mul3A_431 = vector.broadcast %mul3A_430 : f32 to vector<64x512xf32>
      %mul3A_432 = arith.mulf %add3A_426, %mul3A_431 : vector<64x512xf32>
      %erf3A_433 = math.erf %mul3A_432 : vector<64x512xf32>
      %add3A_434 = arith.constant 1.000000e+00 : f32
      %add3A_435 = vector.broadcast %add3A_434 : f32 to vector<64x512xf32>
      %add3A_436 = arith.addf %add3A_435, %erf3A_433 : vector<64x512xf32>
      %mul3A_437 = arith.mulf %mul3A_429, %add3A_436 : vector<64x512xf32>
      %add3A_438 = arith.addf %add3A_301, %mul3A_437 : vector<64x512xf32>
      %slice3A_439 = vector.extract_strided_slice %get3A_1 {offsets = [0, 3], sizes = [64, 1], strides = [1, 1]} : vector<64x8xf32> to vector<64x1xf32>
      %get3A_440 = arith.index_cast %while3A_25 : i32 to index
      %get3A_441 = arith.constant 3 : index
      %get3A_442 = arith.constant 0 : index
      %get3A_443 = vector.load %arg5[%get3A_440, %get3A_441, %get3A_442] : memref<8x8x16xf32, #tpu.memory_space<vmem>>, vector<1x1x16xf32>
      %get3A_444 = vector.shape_cast %get3A_443 : vector<1x1x16xf32> to vector<16xf32>
      %broadcast_in_dim3A_445 = vector.shape_cast %get3A_444 : vector<16xf32> to vector<1x16xf32>
      %mul3A_446 = vector.broadcast %slice3A_439 : vector<64x1xf32> to vector<64x16xf32>
      %mul3A_447 = vector.broadcast %broadcast_in_dim3A_445 : vector<1x16xf32> to vector<64x16xf32>
      %mul3A_448 = arith.mulf %mul3A_446, %mul3A_447 : vector<64x16xf32>
      %add3A_449 = arith.constant 5.000000e-01 : f32
      %add3A_450 = vector.broadcast %add3A_449 : f32 to vector<64x16xf32>
      %add3A_451 = arith.addf %mul3A_448, %add3A_450 : vector<64x16xf32>
      %floor3A_452 = math.floor %add3A_451 : vector<64x16xf32>
      %sub3A_453 = arith.subf %mul3A_448, %floor3A_452 : vector<64x16xf32>
      %mul3A_454 = arith.mulf %sub3A_453, %sub3A_453 : vector<64x16xf32>
      %mul3A_455 = arith.constant 6.57561159 : f32
      %mul3A_456 = vector.broadcast %mul3A_455 : f32 to vector<64x16xf32>
      %mul3A_457 = arith.mulf %mul3A_456, %mul3A_454 : vector<64x16xf32>
      %add3A_458 = arith.constant -26.0005283 : f32
      %add3A_459 = vector.broadcast %add3A_458 : f32 to vector<64x16xf32>
      %add3A_460 = arith.addf %mul3A_457, %add3A_459 : vector<64x16xf32>
      %mul3A_461 = arith.constant 3.21916986 : f32
      %mul3A_462 = vector.broadcast %mul3A_461 : f32 to vector<64x16xf32>
      %mul3A_463 = arith.mulf %mul3A_462, %mul3A_454 : vector<64x16xf32>
      %add3A_464 = arith.constant -14.8834724 : f32
      %add3A_465 = vector.broadcast %add3A_464 : f32 to vector<64x16xf32>
      %add3A_466 = arith.addf %mul3A_463, %add3A_465 : vector<64x16xf32>
      %mul3A_467 = arith.mulf %add3A_460, %mul3A_454 : vector<64x16xf32>
      %add3A_468 = arith.constant 60.1762314 : f32
      %add3A_469 = vector.broadcast %add3A_468 : f32 to vector<64x16xf32>
      %add3A_470 = arith.addf %mul3A_467, %add3A_469 : vector<64x16xf32>
      %mul3A_471 = arith.mulf %add3A_466, %mul3A_454 : vector<64x16xf32>
      %add3A_472 = arith.constant 4.202050e+01 : f32
      %add3A_473 = vector.broadcast %add3A_472 : f32 to vector<64x16xf32>
      %add3A_474 = arith.addf %mul3A_471, %add3A_473 : vector<64x16xf32>
      %mul3A_475 = arith.mulf %add3A_470, %mul3A_454 : vector<64x16xf32>
      %add3A_476 = arith.constant -85.4511642 : f32
      %add3A_477 = vector.broadcast %add3A_476 : f32 to vector<64x16xf32>
      %add3A_478 = arith.addf %mul3A_475, %add3A_477 : vector<64x16xf32>
      %mul3A_479 = arith.mulf %add3A_474, %mul3A_454 : vector<64x16xf32>
      %add3A_480 = arith.constant -76.7021561 : f32
      %add3A_481 = vector.broadcast %add3A_480 : f32 to vector<64x16xf32>
      %add3A_482 = arith.addf %mul3A_479, %add3A_481 : vector<64x16xf32>
      %mul3A_483 = arith.mulf %add3A_478, %mul3A_454 : vector<64x16xf32>
      %add3A_484 = arith.constant 64.9391708 : f32
      %add3A_485 = vector.broadcast %add3A_484 : f32 to vector<64x16xf32>
      %add3A_486 = arith.addf %mul3A_483, %add3A_485 : vector<64x16xf32>
      %mul3A_487 = arith.mulf %add3A_482, %mul3A_454 : vector<64x16xf32>
      %add3A_488 = arith.constant 81.6050644 : f32
      %add3A_489 = vector.broadcast %add3A_488 : f32 to vector<64x16xf32>
      %add3A_490 = arith.addf %mul3A_487, %add3A_489 : vector<64x16xf32>
      %mul3A_491 = arith.mulf %add3A_486, %mul3A_454 : vector<64x16xf32>
      %add3A_492 = arith.constant -19.7392063 : f32
      %add3A_493 = vector.broadcast %add3A_492 : f32 to vector<64x16xf32>
      %add3A_494 = arith.addf %mul3A_491, %add3A_493 : vector<64x16xf32>
      %mul3A_495 = arith.mulf %add3A_490, %mul3A_454 : vector<64x16xf32>
      %add3A_496 = arith.constant -41.3416977 : f32
      %add3A_497 = vector.broadcast %add3A_496 : f32 to vector<64x16xf32>
      %add3A_498 = arith.addf %mul3A_495, %add3A_497 : vector<64x16xf32>
      %mul3A_499 = arith.mulf %add3A_494, %mul3A_454 : vector<64x16xf32>
      %add3A_500 = arith.constant 1.000000e+00 : f32
      %add3A_501 = vector.broadcast %add3A_500 : f32 to vector<64x16xf32>
      %add3A_502 = arith.addf %mul3A_499, %add3A_501 : vector<64x16xf32>
      %mul3A_503 = arith.mulf %add3A_498, %mul3A_454 : vector<64x16xf32>
      %add3A_504 = arith.constant 6.28318548 : f32
      %add3A_505 = vector.broadcast %add3A_504 : f32 to vector<64x16xf32>
      %add3A_506 = arith.addf %mul3A_503, %add3A_505 : vector<64x16xf32>
      %mul3A_507 = arith.mulf %add3A_506, %sub3A_453 : vector<64x16xf32>
      %concatenate3A_508 = tpu.concatenate %add3A_502, %mul3A_507, %slice3A_439 in 1 : vector<64x16xf32>, vector<64x16xf32>, vector<64x1xf32> -> vector<64x33xf32>
      %get3A_509 = arith.index_cast %while3A_25 : i32 to index
      %get3A_510 = arith.constant 3 : index
      %get3A_511 = arith.constant 0 : index
      %get3A_512 = arith.constant 0 : index
      %get3A_513 = vector.load %arg6[%get3A_509, %get3A_510, %get3A_511, %get3A_512] : memref<8x8x33x512xf32, #tpu.memory_space<vmem>>, vector<1x1x33x512xf32>
      %get3A_514 = vector.shape_cast %get3A_513 : vector<1x1x33x512xf32> to vector<33x512xf32>
      %dot_general3A_515 = arith.constant dense<0.000000e+00> : vector<64x512xf32>
      %dot_general3A_516 = tpu.matmul %concatenate3A_508, %get3A_514, %dot_general3A_515 {dimension_numbers = #tpu.dot_dimension_numbers<[1], [0], [0], [1], [0, 0, 1, 1], [], []>, transpose_lhs_hint = false} : vector<64x33xf32>, vector<33x512xf32>, vector<64x512xf32> -> vector<64x512xf32>
      %get3A_517 = arith.index_cast %while3A_25 : i32 to index
      %get3A_518 = arith.constant 3 : index
      %get3A_519 = arith.constant 0 : index
      %get3A_520 = vector.load %arg7[%get3A_517, %get3A_518, %get3A_519] : memref<8x8x512xf32, #tpu.memory_space<vmem>>, vector<1x1x512xf32>
      %get3A_521 = vector.shape_cast %get3A_520 : vector<1x1x512xf32> to vector<512xf32>
      %broadcast_in_dim3A_522 = vector.shape_cast %get3A_521 : vector<512xf32> to vector<1x512xf32>
      %add3A_523 = vector.broadcast %broadcast_in_dim3A_522 : vector<1x512xf32> to vector<64x512xf32>
      %add3A_524 = arith.addf %dot_general3A_516, %add3A_523 : vector<64x512xf32>
      %reduce_sum3A_525 = arith.constant dense<0.000000e+00> : vector<64xf32>
      %reduce_sum3A_526 = vector.multi_reduction <add>, %add3A_524, %reduce_sum3A_525 [1] : vector<64x512xf32> to vector<64xf32>
      %broadcast_in_dim3A_527 = vector.shape_cast %reduce_sum3A_526 : vector<64xf32> to vector<64x1xf32>
      %div3A_528 = arith.constant 5.120000e+02 : f32
      %div3A_529 = vector.broadcast %div3A_528 : f32 to vector<64x1xf32>
      %div3A_530 = arith.divf %broadcast_in_dim3A_527, %div3A_529 : vector<64x1xf32>
      %mul3A_531 = arith.mulf %add3A_524, %add3A_524 : vector<64x512xf32>
      %reduce_sum3A_532 = arith.constant dense<0.000000e+00> : vector<64xf32>
      %reduce_sum3A_533 = vector.multi_reduction <add>, %mul3A_531, %reduce_sum3A_532 [1] : vector<64x512xf32> to vector<64xf32>
      %broadcast_in_dim3A_534 = vector.shape_cast %reduce_sum3A_533 : vector<64xf32> to vector<64x1xf32>
      %div3A_535 = arith.constant 5.120000e+02 : f32
      %div3A_536 = vector.broadcast %div3A_535 : f32 to vector<64x1xf32>
      %div3A_537 = arith.divf %broadcast_in_dim3A_534, %div3A_536 : vector<64x1xf32>
      %mul3A_538 = arith.mulf %div3A_530, %div3A_530 : vector<64x1xf32>
      %sub3A_539 = arith.subf %div3A_537, %mul3A_538 : vector<64x1xf32>
      %sub3A_540 = vector.broadcast %div3A_530 : vector<64x1xf32> to vector<64x512xf32>
      %sub3A_541 = arith.subf %add3A_524, %sub3A_540 : vector<64x512xf32>
      %add3A_542 = arith.constant 9.99999974E-6 : f32
      %add3A_543 = vector.broadcast %add3A_542 : f32 to vector<64x1xf32>
      %add3A_544 = arith.addf %sub3A_539, %add3A_543 : vector<64x1xf32>
      %rsqrt3A_545 = math.rsqrt %add3A_544 : vector<64x1xf32>
      %mul3A_546 = vector.broadcast %rsqrt3A_545 : vector<64x1xf32> to vector<64x512xf32>
      %mul3A_547 = arith.mulf %sub3A_541, %mul3A_546 : vector<64x512xf32>
      %get3A_548 = arith.index_cast %while3A_25 : i32 to index
      %get3A_549 = arith.constant 3 : index
      %get3A_550 = arith.constant 0 : index
      %get3A_551 = vector.load %arg8[%get3A_548, %get3A_549, %get3A_550] : memref<8x8x512xf32, #tpu.memory_space<vmem>>, vector<1x1x512xf32>
      %get3A_552 = vector.shape_cast %get3A_551 : vector<1x1x512xf32> to vector<512xf32>
      %broadcast_in_dim3A_553 = vector.shape_cast %get3A_552 : vector<512xf32> to vector<1x512xf32>
      %mul3A_554 = vector.broadcast %broadcast_in_dim3A_553 : vector<1x512xf32> to vector<64x512xf32>
      %mul3A_555 = arith.mulf %mul3A_547, %mul3A_554 : vector<64x512xf32>
      %get3A_556 = arith.index_cast %while3A_25 : i32 to index
      %get3A_557 = arith.constant 3 : index
      %get3A_558 = arith.constant 0 : index
      %get3A_559 = vector.load %arg9[%get3A_556, %get3A_557, %get3A_558] : memref<8x8x512xf32, #tpu.memory_space<vmem>>, vector<1x1x512xf32>
      %get3A_560 = vector.shape_cast %get3A_559 : vector<1x1x512xf32> to vector<512xf32>
      %broadcast_in_dim3A_561 = vector.shape_cast %get3A_560 : vector<512xf32> to vector<1x512xf32>
      %add3A_562 = vector.broadcast %broadcast_in_dim3A_561 : vector<1x512xf32> to vector<64x512xf32>
      %add3A_563 = arith.addf %mul3A_555, %add3A_562 : vector<64x512xf32>
      %mul3A_564 = arith.constant 5.000000e-01 : f32
      %mul3A_565 = vector.broadcast %mul3A_564 : f32 to vector<64x512xf32>
      %mul3A_566 = arith.mulf %mul3A_565, %add3A_563 : vector<64x512xf32>
      %mul3A_567 = arith.constant 0.707106769 : f32
      %mul3A_568 = vector.broadcast %mul3A_567 : f32 to vector<64x512xf32>
      %mul3A_569 = arith.mulf %add3A_563, %mul3A_568 : vector<64x512xf32>
      %erf3A_570 = math.erf %mul3A_569 : vector<64x512xf32>
      %add3A_571 = arith.constant 1.000000e+00 : f32
      %add3A_572 = vector.broadcast %add3A_571 : f32 to vector<64x512xf32>
      %add3A_573 = arith.addf %add3A_572, %erf3A_570 : vector<64x512xf32>
      %mul3A_574 = arith.mulf %mul3A_566, %add3A_573 : vector<64x512xf32>
      %add3A_575 = arith.addf %add3A_438, %mul3A_574 : vector<64x512xf32>
      %slice3A_576 = vector.extract_strided_slice %get3A_1 {offsets = [0, 4], sizes = [64, 1], strides = [1, 1]} : vector<64x8xf32> to vector<64x1xf32>
      %get3A_577 = arith.index_cast %while3A_25 : i32 to index
      %get3A_578 = arith.constant 4 : index
      %get3A_579 = arith.constant 0 : index
      %get3A_580 = vector.load %arg5[%get3A_577, %get3A_578, %get3A_579] : memref<8x8x16xf32, #tpu.memory_space<vmem>>, vector<1x1x16xf32>
      %get3A_581 = vector.shape_cast %get3A_580 : vector<1x1x16xf32> to vector<16xf32>
      %broadcast_in_dim3A_582 = vector.shape_cast %get3A_581 : vector<16xf32> to vector<1x16xf32>
      %mul3A_583 = vector.broadcast %slice3A_576 : vector<64x1xf32> to vector<64x16xf32>
      %mul3A_584 = vector.broadcast %broadcast_in_dim3A_582 : vector<1x16xf32> to vector<64x16xf32>
      %mul3A_585 = arith.mulf %mul3A_583, %mul3A_584 : vector<64x16xf32>
      %add3A_586 = arith.constant 5.000000e-01 : f32
      %add3A_587 = vector.broadcast %add3A_586 : f32 to vector<64x16xf32>
      %add3A_588 = arith.addf %mul3A_585, %add3A_587 : vector<64x16xf32>
      %floor3A_589 = math.floor %add3A_588 : vector<64x16xf32>
      %sub3A_590 = arith.subf %mul3A_585, %floor3A_589 : vector<64x16xf32>
      %mul3A_591 = arith.mulf %sub3A_590, %sub3A_590 : vector<64x16xf32>
      %mul3A_592 = arith.constant 6.57561159 : f32
      %mul3A_593 = vector.broadcast %mul3A_592 : f32 to vector<64x16xf32>
      %mul3A_594 = arith.mulf %mul3A_593, %mul3A_591 : vector<64x16xf32>
      %add3A_595 = arith.constant -26.0005283 : f32
      %add3A_596 = vector.broadcast %add3A_595 : f32 to vector<64x16xf32>
      %add3A_597 = arith.addf %mul3A_594, %add3A_596 : vector<64x16xf32>
      %mul3A_598 = arith.constant 3.21916986 : f32
      %mul3A_599 = vector.broadcast %mul3A_598 : f32 to vector<64x16xf32>
      %mul3A_600 = arith.mulf %mul3A_599, %mul3A_591 : vector<64x16xf32>
      %add3A_601 = arith.constant -14.8834724 : f32
      %add3A_602 = vector.broadcast %add3A_601 : f32 to vector<64x16xf32>
      %add3A_603 = arith.addf %mul3A_600, %add3A_602 : vector<64x16xf32>
      %mul3A_604 = arith.mulf %add3A_597, %mul3A_591 : vector<64x16xf32>
      %add3A_605 = arith.constant 60.1762314 : f32
      %add3A_606 = vector.broadcast %add3A_605 : f32 to vector<64x16xf32>
      %add3A_607 = arith.addf %mul3A_604, %add3A_606 : vector<64x16xf32>
      %mul3A_608 = arith.mulf %add3A_603, %mul3A_591 : vector<64x16xf32>
      %add3A_609 = arith.constant 4.202050e+01 : f32
      %add3A_610 = vector.broadcast %add3A_609 : f32 to vector<64x16xf32>
      %add3A_611 = arith.addf %mul3A_608, %add3A_610 : vector<64x16xf32>
      %mul3A_612 = arith.mulf %add3A_607, %mul3A_591 : vector<64x16xf32>
      %add3A_613 = arith.constant -85.4511642 : f32
      %add3A_614 = vector.broadcast %add3A_613 : f32 to vector<64x16xf32>
      %add3A_615 = arith.addf %mul3A_612, %add3A_614 : vector<64x16xf32>
      %mul3A_616 = arith.mulf %add3A_611, %mul3A_591 : vector<64x16xf32>
      %add3A_617 = arith.constant -76.7021561 : f32
      %add3A_618 = vector.broadcast %add3A_617 : f32 to vector<64x16xf32>
      %add3A_619 = arith.addf %mul3A_616, %add3A_618 : vector<64x16xf32>
      %mul3A_620 = arith.mulf %add3A_615, %mul3A_591 : vector<64x16xf32>
      %add3A_621 = arith.constant 64.9391708 : f32
      %add3A_622 = vector.broadcast %add3A_621 : f32 to vector<64x16xf32>
      %add3A_623 = arith.addf %mul3A_620, %add3A_622 : vector<64x16xf32>
      %mul3A_624 = arith.mulf %add3A_619, %mul3A_591 : vector<64x16xf32>
      %add3A_625 = arith.constant 81.6050644 : f32
      %add3A_626 = vector.broadcast %add3A_625 : f32 to vector<64x16xf32>
      %add3A_627 = arith.addf %mul3A_624, %add3A_626 : vector<64x16xf32>
      %mul3A_628 = arith.mulf %add3A_623, %mul3A_591 : vector<64x16xf32>
      %add3A_629 = arith.constant -19.7392063 : f32
      %add3A_630 = vector.broadcast %add3A_629 : f32 to vector<64x16xf32>
      %add3A_631 = arith.addf %mul3A_628, %add3A_630 : vector<64x16xf32>
      %mul3A_632 = arith.mulf %add3A_627, %mul3A_591 : vector<64x16xf32>
      %add3A_633 = arith.constant -41.3416977 : f32
      %add3A_634 = vector.broadcast %add3A_633 : f32 to vector<64x16xf32>
      %add3A_635 = arith.addf %mul3A_632, %add3A_634 : vector<64x16xf32>
      %mul3A_636 = arith.mulf %add3A_631, %mul3A_591 : vector<64x16xf32>
      %add3A_637 = arith.constant 1.000000e+00 : f32
      %add3A_638 = vector.broadcast %add3A_637 : f32 to vector<64x16xf32>
      %add3A_639 = arith.addf %mul3A_636, %add3A_638 : vector<64x16xf32>
      %mul3A_640 = arith.mulf %add3A_635, %mul3A_591 : vector<64x16xf32>
      %add3A_641 = arith.constant 6.28318548 : f32
      %add3A_642 = vector.broadcast %add3A_641 : f32 to vector<64x16xf32>
      %add3A_643 = arith.addf %mul3A_640, %add3A_642 : vector<64x16xf32>
      %mul3A_644 = arith.mulf %add3A_643, %sub3A_590 : vector<64x16xf32>
      %concatenate3A_645 = tpu.concatenate %add3A_639, %mul3A_644, %slice3A_576 in 1 : vector<64x16xf32>, vector<64x16xf32>, vector<64x1xf32> -> vector<64x33xf32>
      %get3A_646 = arith.index_cast %while3A_25 : i32 to index
      %get3A_647 = arith.constant 4 : index
      %get3A_648 = arith.constant 0 : index
      %get3A_649 = arith.constant 0 : index
      %get3A_650 = vector.load %arg6[%get3A_646, %get3A_647, %get3A_648, %get3A_649] : memref<8x8x33x512xf32, #tpu.memory_space<vmem>>, vector<1x1x33x512xf32>
      %get3A_651 = vector.shape_cast %get3A_650 : vector<1x1x33x512xf32> to vector<33x512xf32>
      %dot_general3A_652 = arith.constant dense<0.000000e+00> : vector<64x512xf32>
      %dot_general3A_653 = tpu.matmul %concatenate3A_645, %get3A_651, %dot_general3A_652 {dimension_numbers = #tpu.dot_dimension_numbers<[1], [0], [0], [1], [0, 0, 1, 1], [], []>, transpose_lhs_hint = false} : vector<64x33xf32>, vector<33x512xf32>, vector<64x512xf32> -> vector<64x512xf32>
      %get3A_654 = arith.index_cast %while3A_25 : i32 to index
      %get3A_655 = arith.constant 4 : index
      %get3A_656 = arith.constant 0 : index
      %get3A_657 = vector.load %arg7[%get3A_654, %get3A_655, %get3A_656] : memref<8x8x512xf32, #tpu.memory_space<vmem>>, vector<1x1x512xf32>
      %get3A_658 = vector.shape_cast %get3A_657 : vector<1x1x512xf32> to vector<512xf32>
      %broadcast_in_dim3A_659 = vector.shape_cast %get3A_658 : vector<512xf32> to vector<1x512xf32>
      %add3A_660 = vector.broadcast %broadcast_in_dim3A_659 : vector<1x512xf32> to vector<64x512xf32>
      %add3A_661 = arith.addf %dot_general3A_653, %add3A_660 : vector<64x512xf32>
      %reduce_sum3A_662 = arith.constant dense<0.000000e+00> : vector<64xf32>
      %reduce_sum3A_663 = vector.multi_reduction <add>, %add3A_661, %reduce_sum3A_662 [1] : vector<64x512xf32> to vector<64xf32>
      %broadcast_in_dim3A_664 = vector.shape_cast %reduce_sum3A_663 : vector<64xf32> to vector<64x1xf32>
      %div3A_665 = arith.constant 5.120000e+02 : f32
      %div3A_666 = vector.broadcast %div3A_665 : f32 to vector<64x1xf32>
      %div3A_667 = arith.divf %broadcast_in_dim3A_664, %div3A_666 : vector<64x1xf32>
      %mul3A_668 = arith.mulf %add3A_661, %add3A_661 : vector<64x512xf32>
      %reduce_sum3A_669 = arith.constant dense<0.000000e+00> : vector<64xf32>
      %reduce_sum3A_670 = vector.multi_reduction <add>, %mul3A_668, %reduce_sum3A_669 [1] : vector<64x512xf32> to vector<64xf32>
      %broadcast_in_dim3A_671 = vector.shape_cast %reduce_sum3A_670 : vector<64xf32> to vector<64x1xf32>
      %div3A_672 = arith.constant 5.120000e+02 : f32
      %div3A_673 = vector.broadcast %div3A_672 : f32 to vector<64x1xf32>
      %div3A_674 = arith.divf %broadcast_in_dim3A_671, %div3A_673 : vector<64x1xf32>
      %mul3A_675 = arith.mulf %div3A_667, %div3A_667 : vector<64x1xf32>
      %sub3A_676 = arith.subf %div3A_674, %mul3A_675 : vector<64x1xf32>
      %sub3A_677 = vector.broadcast %div3A_667 : vector<64x1xf32> to vector<64x512xf32>
      %sub3A_678 = arith.subf %add3A_661, %sub3A_677 : vector<64x512xf32>
      %add3A_679 = arith.constant 9.99999974E-6 : f32
      %add3A_680 = vector.broadcast %add3A_679 : f32 to vector<64x1xf32>
      %add3A_681 = arith.addf %sub3A_676, %add3A_680 : vector<64x1xf32>
      %rsqrt3A_682 = math.rsqrt %add3A_681 : vector<64x1xf32>
      %mul3A_683 = vector.broadcast %rsqrt3A_682 : vector<64x1xf32> to vector<64x512xf32>
      %mul3A_684 = arith.mulf %sub3A_678, %mul3A_683 : vector<64x512xf32>
      %get3A_685 = arith.index_cast %while3A_25 : i32 to index
      %get3A_686 = arith.constant 4 : index
      %get3A_687 = arith.constant 0 : index
      %get3A_688 = vector.load %arg8[%get3A_685, %get3A_686, %get3A_687] : memref<8x8x512xf32, #tpu.memory_space<vmem>>, vector<1x1x512xf32>
      %get3A_689 = vector.shape_cast %get3A_688 : vector<1x1x512xf32> to vector<512xf32>
      %broadcast_in_dim3A_690 = vector.shape_cast %get3A_689 : vector<512xf32> to vector<1x512xf32>
      %mul3A_691 = vector.broadcast %broadcast_in_dim3A_690 : vector<1x512xf32> to vector<64x512xf32>
      %mul3A_692 = arith.mulf %mul3A_684, %mul3A_691 : vector<64x512xf32>
      %get3A_693 = arith.index_cast %while3A_25 : i32 to index
      %get3A_694 = arith.constant 4 : index
      %get3A_695 = arith.constant 0 : index
      %get3A_696 = vector.load %arg9[%get3A_693, %get3A_694, %get3A_695] : memref<8x8x512xf32, #tpu.memory_space<vmem>>, vector<1x1x512xf32>
      %get3A_697 = vector.shape_cast %get3A_696 : vector<1x1x512xf32> to vector<512xf32>
      %broadcast_in_dim3A_698 = vector.shape_cast %get3A_697 : vector<512xf32> to vector<1x512xf32>
      %add3A_699 = vector.broadcast %broadcast_in_dim3A_698 : vector<1x512xf32> to vector<64x512xf32>
      %add3A_700 = arith.addf %mul3A_692, %add3A_699 : vector<64x512xf32>
      %mul3A_701 = arith.constant 5.000000e-01 : f32
      %mul3A_702 = vector.broadcast %mul3A_701 : f32 to vector<64x512xf32>
      %mul3A_703 = arith.mulf %mul3A_702, %add3A_700 : vector<64x512xf32>
      %mul3A_704 = arith.constant 0.707106769 : f32
      %mul3A_705 = vector.broadcast %mul3A_704 : f32 to vector<64x512xf32>
      %mul3A_706 = arith.mulf %add3A_700, %mul3A_705 : vector<64x512xf32>
      %erf3A_707 = math.erf %mul3A_706 : vector<64x512xf32>
      %add3A_708 = arith.constant 1.000000e+00 : f32
      %add3A_709 = vector.broadcast %add3A_708 : f32 to vector<64x512xf32>
      %add3A_710 = arith.addf %add3A_709, %erf3A_707 : vector<64x512xf32>
      %mul3A_711 = arith.mulf %mul3A_703, %add3A_710 : vector<64x512xf32>
      %add3A_712 = arith.addf %add3A_575, %mul3A_711 : vector<64x512xf32>
      %slice3A_713 = vector.extract_strided_slice %get3A_1 {offsets = [0, 5], sizes = [64, 1], strides = [1, 1]} : vector<64x8xf32> to vector<64x1xf32>
      %get3A_714 = arith.index_cast %while3A_25 : i32 to index
      %get3A_715 = arith.constant 5 : index
      %get3A_716 = arith.constant 0 : index
      %get3A_717 = vector.load %arg5[%get3A_714, %get3A_715, %get3A_716] : memref<8x8x16xf32, #tpu.memory_space<vmem>>, vector<1x1x16xf32>
      %get3A_718 = vector.shape_cast %get3A_717 : vector<1x1x16xf32> to vector<16xf32>
      %broadcast_in_dim3A_719 = vector.shape_cast %get3A_718 : vector<16xf32> to vector<1x16xf32>
      %mul3A_720 = vector.broadcast %slice3A_713 : vector<64x1xf32> to vector<64x16xf32>
      %mul3A_721 = vector.broadcast %broadcast_in_dim3A_719 : vector<1x16xf32> to vector<64x16xf32>
      %mul3A_722 = arith.mulf %mul3A_720, %mul3A_721 : vector<64x16xf32>
      %add3A_723 = arith.constant 5.000000e-01 : f32
      %add3A_724 = vector.broadcast %add3A_723 : f32 to vector<64x16xf32>
      %add3A_725 = arith.addf %mul3A_722, %add3A_724 : vector<64x16xf32>
      %floor3A_726 = math.floor %add3A_725 : vector<64x16xf32>
      %sub3A_727 = arith.subf %mul3A_722, %floor3A_726 : vector<64x16xf32>
      %mul3A_728 = arith.mulf %sub3A_727, %sub3A_727 : vector<64x16xf32>
      %mul3A_729 = arith.constant 6.57561159 : f32
      %mul3A_730 = vector.broadcast %mul3A_729 : f32 to vector<64x16xf32>
      %mul3A_731 = arith.mulf %mul3A_730, %mul3A_728 : vector<64x16xf32>
      %add3A_732 = arith.constant -26.0005283 : f32
      %add3A_733 = vector.broadcast %add3A_732 : f32 to vector<64x16xf32>
      %add3A_734 = arith.addf %mul3A_731, %add3A_733 : vector<64x16xf32>
      %mul3A_735 = arith.constant 3.21916986 : f32
      %mul3A_736 = vector.broadcast %mul3A_735 : f32 to vector<64x16xf32>
      %mul3A_737 = arith.mulf %mul3A_736, %mul3A_728 : vector<64x16xf32>
      %add3A_738 = arith.constant -14.8834724 : f32
      %add3A_739 = vector.broadcast %add3A_738 : f32 to vector<64x16xf32>
      %add3A_740 = arith.addf %mul3A_737, %add3A_739 : vector<64x16xf32>
      %mul3A_741 = arith.mulf %add3A_734, %mul3A_728 : vector<64x16xf32>
      %add3A_742 = arith.constant 60.1762314 : f32
      %add3A_743 = vector.broadcast %add3A_742 : f32 to vector<64x16xf32>
      %add3A_744 = arith.addf %mul3A_741, %add3A_743 : vector<64x16xf32>
      %mul3A_745 = arith.mulf %add3A_740, %mul3A_728 : vector<64x16xf32>
      %add3A_746 = arith.constant 4.202050e+01 : f32
      %add3A_747 = vector.broadcast %add3A_746 : f32 to vector<64x16xf32>
      %add3A_748 = arith.addf %mul3A_745, %add3A_747 : vector<64x16xf32>
      %mul3A_749 = arith.mulf %add3A_744, %mul3A_728 : vector<64x16xf32>
      %add3A_750 = arith.constant -85.4511642 : f32
      %add3A_751 = vector.broadcast %add3A_750 : f32 to vector<64x16xf32>
      %add3A_752 = arith.addf %mul3A_749, %add3A_751 : vector<64x16xf32>
      %mul3A_753 = arith.mulf %add3A_748, %mul3A_728 : vector<64x16xf32>
      %add3A_754 = arith.constant -76.7021561 : f32
      %add3A_755 = vector.broadcast %add3A_754 : f32 to vector<64x16xf32>
      %add3A_756 = arith.addf %mul3A_753, %add3A_755 : vector<64x16xf32>
      %mul3A_757 = arith.mulf %add3A_752, %mul3A_728 : vector<64x16xf32>
      %add3A_758 = arith.constant 64.9391708 : f32
      %add3A_759 = vector.broadcast %add3A_758 : f32 to vector<64x16xf32>
      %add3A_760 = arith.addf %mul3A_757, %add3A_759 : vector<64x16xf32>
      %mul3A_761 = arith.mulf %add3A_756, %mul3A_728 : vector<64x16xf32>
      %add3A_762 = arith.constant 81.6050644 : f32
      %add3A_763 = vector.broadcast %add3A_762 : f32 to vector<64x16xf32>
      %add3A_764 = arith.addf %mul3A_761, %add3A_763 : vector<64x16xf32>
      %mul3A_765 = arith.mulf %add3A_760, %mul3A_728 : vector<64x16xf32>
      %add3A_766 = arith.constant -19.7392063 : f32
      %add3A_767 = vector.broadcast %add3A_766 : f32 to vector<64x16xf32>
      %add3A_768 = arith.addf %mul3A_765, %add3A_767 : vector<64x16xf32>
      %mul3A_769 = arith.mulf %add3A_764, %mul3A_728 : vector<64x16xf32>
      %add3A_770 = arith.constant -41.3416977 : f32
      %add3A_771 = vector.broadcast %add3A_770 : f32 to vector<64x16xf32>
      %add3A_772 = arith.addf %mul3A_769, %add3A_771 : vector<64x16xf32>
      %mul3A_773 = arith.mulf %add3A_768, %mul3A_728 : vector<64x16xf32>
      %add3A_774 = arith.constant 1.000000e+00 : f32
      %add3A_775 = vector.broadcast %add3A_774 : f32 to vector<64x16xf32>
      %add3A_776 = arith.addf %mul3A_773, %add3A_775 : vector<64x16xf32>
      %mul3A_777 = arith.mulf %add3A_772, %mul3A_728 : vector<64x16xf32>
      %add3A_778 = arith.constant 6.28318548 : f32
      %add3A_779 = vector.broadcast %add3A_778 : f32 to vector<64x16xf32>
      %add3A_780 = arith.addf %mul3A_777, %add3A_779 : vector<64x16xf32>
      %mul3A_781 = arith.mulf %add3A_780, %sub3A_727 : vector<64x16xf32>
      %concatenate3A_782 = tpu.concatenate %add3A_776, %mul3A_781, %slice3A_713 in 1 : vector<64x16xf32>, vector<64x16xf32>, vector<64x1xf32> -> vector<64x33xf32>
      %get3A_783 = arith.index_cast %while3A_25 : i32 to index
      %get3A_784 = arith.constant 5 : index
      %get3A_785 = arith.constant 0 : index
      %get3A_786 = arith.constant 0 : index
      %get3A_787 = vector.load %arg6[%get3A_783, %get3A_784, %get3A_785, %get3A_786] : memref<8x8x33x512xf32, #tpu.memory_space<vmem>>, vector<1x1x33x512xf32>
      %get3A_788 = vector.shape_cast %get3A_787 : vector<1x1x33x512xf32> to vector<33x512xf32>
      %dot_general3A_789 = arith.constant dense<0.000000e+00> : vector<64x512xf32>
      %dot_general3A_790 = tpu.matmul %concatenate3A_782, %get3A_788, %dot_general3A_789 {dimension_numbers = #tpu.dot_dimension_numbers<[1], [0], [0], [1], [0, 0, 1, 1], [], []>, transpose_lhs_hint = false} : vector<64x33xf32>, vector<33x512xf32>, vector<64x512xf32> -> vector<64x512xf32>
      %get3A_791 = arith.index_cast %while3A_25 : i32 to index
      %get3A_792 = arith.constant 5 : index
      %get3A_793 = arith.constant 0 : index
      %get3A_794 = vector.load %arg7[%get3A_791, %get3A_792, %get3A_793] : memref<8x8x512xf32, #tpu.memory_space<vmem>>, vector<1x1x512xf32>
      %get3A_795 = vector.shape_cast %get3A_794 : vector<1x1x512xf32> to vector<512xf32>
      %broadcast_in_dim3A_796 = vector.shape_cast %get3A_795 : vector<512xf32> to vector<1x512xf32>
      %add3A_797 = vector.broadcast %broadcast_in_dim3A_796 : vector<1x512xf32> to vector<64x512xf32>
      %add3A_798 = arith.addf %dot_general3A_790, %add3A_797 : vector<64x512xf32>
      %reduce_sum3A_799 = arith.constant dense<0.000000e+00> : vector<64xf32>
      %reduce_sum3A_800 = vector.multi_reduction <add>, %add3A_798, %reduce_sum3A_799 [1] : vector<64x512xf32> to vector<64xf32>
      %broadcast_in_dim3A_801 = vector.shape_cast %reduce_sum3A_800 : vector<64xf32> to vector<64x1xf32>
      %div3A_802 = arith.constant 5.120000e+02 : f32
      %div3A_803 = vector.broadcast %div3A_802 : f32 to vector<64x1xf32>
      %div3A_804 = arith.divf %broadcast_in_dim3A_801, %div3A_803 : vector<64x1xf32>
      %mul3A_805 = arith.mulf %add3A_798, %add3A_798 : vector<64x512xf32>
      %reduce_sum3A_806 = arith.constant dense<0.000000e+00> : vector<64xf32>
      %reduce_sum3A_807 = vector.multi_reduction <add>, %mul3A_805, %reduce_sum3A_806 [1] : vector<64x512xf32> to vector<64xf32>
      %broadcast_in_dim3A_808 = vector.shape_cast %reduce_sum3A_807 : vector<64xf32> to vector<64x1xf32>
      %div3A_809 = arith.constant 5.120000e+02 : f32
      %div3A_810 = vector.broadcast %div3A_809 : f32 to vector<64x1xf32>
      %div3A_811 = arith.divf %broadcast_in_dim3A_808, %div3A_810 : vector<64x1xf32>
      %mul3A_812 = arith.mulf %div3A_804, %div3A_804 : vector<64x1xf32>
      %sub3A_813 = arith.subf %div3A_811, %mul3A_812 : vector<64x1xf32>
      %sub3A_814 = vector.broadcast %div3A_804 : vector<64x1xf32> to vector<64x512xf32>
      %sub3A_815 = arith.subf %add3A_798, %sub3A_814 : vector<64x512xf32>
      %add3A_816 = arith.constant 9.99999974E-6 : f32
      %add3A_817 = vector.broadcast %add3A_816 : f32 to vector<64x1xf32>
      %add3A_818 = arith.addf %sub3A_813, %add3A_817 : vector<64x1xf32>
      %rsqrt3A_819 = math.rsqrt %add3A_818 : vector<64x1xf32>
      %mul3A_820 = vector.broadcast %rsqrt3A_819 : vector<64x1xf32> to vector<64x512xf32>
      %mul3A_821 = arith.mulf %sub3A_815, %mul3A_820 : vector<64x512xf32>
      %get3A_822 = arith.index_cast %while3A_25 : i32 to index
      %get3A_823 = arith.constant 5 : index
      %get3A_824 = arith.constant 0 : index
      %get3A_825 = vector.load %arg8[%get3A_822, %get3A_823, %get3A_824] : memref<8x8x512xf32, #tpu.memory_space<vmem>>, vector<1x1x512xf32>
      %get3A_826 = vector.shape_cast %get3A_825 : vector<1x1x512xf32> to vector<512xf32>
      %broadcast_in_dim3A_827 = vector.shape_cast %get3A_826 : vector<512xf32> to vector<1x512xf32>
      %mul3A_828 = vector.broadcast %broadcast_in_dim3A_827 : vector<1x512xf32> to vector<64x512xf32>
      %mul3A_829 = arith.mulf %mul3A_821, %mul3A_828 : vector<64x512xf32>
      %get3A_830 = arith.index_cast %while3A_25 : i32 to index
      %get3A_831 = arith.constant 5 : index
      %get3A_832 = arith.constant 0 : index
      %get3A_833 = vector.load %arg9[%get3A_830, %get3A_831, %get3A_832] : memref<8x8x512xf32, #tpu.memory_space<vmem>>, vector<1x1x512xf32>
      %get3A_834 = vector.shape_cast %get3A_833 : vector<1x1x512xf32> to vector<512xf32>
      %broadcast_in_dim3A_835 = vector.shape_cast %get3A_834 : vector<512xf32> to vector<1x512xf32>
      %add3A_836 = vector.broadcast %broadcast_in_dim3A_835 : vector<1x512xf32> to vector<64x512xf32>
      %add3A_837 = arith.addf %mul3A_829, %add3A_836 : vector<64x512xf32>
      %mul3A_838 = arith.constant 5.000000e-01 : f32
      %mul3A_839 = vector.broadcast %mul3A_838 : f32 to vector<64x512xf32>
      %mul3A_840 = arith.mulf %mul3A_839, %add3A_837 : vector<64x512xf32>
      %mul3A_841 = arith.constant 0.707106769 : f32
      %mul3A_842 = vector.broadcast %mul3A_841 : f32 to vector<64x512xf32>
      %mul3A_843 = arith.mulf %add3A_837, %mul3A_842 : vector<64x512xf32>
      %erf3A_844 = math.erf %mul3A_843 : vector<64x512xf32>
      %add3A_845 = arith.constant 1.000000e+00 : f32
      %add3A_846 = vector.broadcast %add3A_845 : f32 to vector<64x512xf32>
      %add3A_847 = arith.addf %add3A_846, %erf3A_844 : vector<64x512xf32>
      %mul3A_848 = arith.mulf %mul3A_840, %add3A_847 : vector<64x512xf32>
      %add3A_849 = arith.addf %add3A_712, %mul3A_848 : vector<64x512xf32>
      %slice3A_850 = vector.extract_strided_slice %get3A_1 {offsets = [0, 6], sizes = [64, 1], strides = [1, 1]} : vector<64x8xf32> to vector<64x1xf32>
      %get3A_851 = arith.index_cast %while3A_25 : i32 to index
      %get3A_852 = arith.constant 6 : index
      %get3A_853 = arith.constant 0 : index
      %get3A_854 = vector.load %arg5[%get3A_851, %get3A_852, %get3A_853] : memref<8x8x16xf32, #tpu.memory_space<vmem>>, vector<1x1x16xf32>
      %get3A_855 = vector.shape_cast %get3A_854 : vector<1x1x16xf32> to vector<16xf32>
      %broadcast_in_dim3A_856 = vector.shape_cast %get3A_855 : vector<16xf32> to vector<1x16xf32>
      %mul3A_857 = vector.broadcast %slice3A_850 : vector<64x1xf32> to vector<64x16xf32>
      %mul3A_858 = vector.broadcast %broadcast_in_dim3A_856 : vector<1x16xf32> to vector<64x16xf32>
      %mul3A_859 = arith.mulf %mul3A_857, %mul3A_858 : vector<64x16xf32>
      %add3A_860 = arith.constant 5.000000e-01 : f32
      %add3A_861 = vector.broadcast %add3A_860 : f32 to vector<64x16xf32>
      %add3A_862 = arith.addf %mul3A_859, %add3A_861 : vector<64x16xf32>
      %floor3A_863 = math.floor %add3A_862 : vector<64x16xf32>
      %sub3A_864 = arith.subf %mul3A_859, %floor3A_863 : vector<64x16xf32>
      %mul3A_865 = arith.mulf %sub3A_864, %sub3A_864 : vector<64x16xf32>
      %mul3A_866 = arith.constant 6.57561159 : f32
      %mul3A_867 = vector.broadcast %mul3A_866 : f32 to vector<64x16xf32>
      %mul3A_868 = arith.mulf %mul3A_867, %mul3A_865 : vector<64x16xf32>
      %add3A_869 = arith.constant -26.0005283 : f32
      %add3A_870 = vector.broadcast %add3A_869 : f32 to vector<64x16xf32>
      %add3A_871 = arith.addf %mul3A_868, %add3A_870 : vector<64x16xf32>
      %mul3A_872 = arith.constant 3.21916986 : f32
      %mul3A_873 = vector.broadcast %mul3A_872 : f32 to vector<64x16xf32>
      %mul3A_874 = arith.mulf %mul3A_873, %mul3A_865 : vector<64x16xf32>
      %add3A_875 = arith.constant -14.8834724 : f32
      %add3A_876 = vector.broadcast %add3A_875 : f32 to vector<64x16xf32>
      %add3A_877 = arith.addf %mul3A_874, %add3A_876 : vector<64x16xf32>
      %mul3A_878 = arith.mulf %add3A_871, %mul3A_865 : vector<64x16xf32>
      %add3A_879 = arith.constant 60.1762314 : f32
      %add3A_880 = vector.broadcast %add3A_879 : f32 to vector<64x16xf32>
      %add3A_881 = arith.addf %mul3A_878, %add3A_880 : vector<64x16xf32>
      %mul3A_882 = arith.mulf %add3A_877, %mul3A_865 : vector<64x16xf32>
      %add3A_883 = arith.constant 4.202050e+01 : f32
      %add3A_884 = vector.broadcast %add3A_883 : f32 to vector<64x16xf32>
      %add3A_885 = arith.addf %mul3A_882, %add3A_884 : vector<64x16xf32>
      %mul3A_886 = arith.mulf %add3A_881, %mul3A_865 : vector<64x16xf32>
      %add3A_887 = arith.constant -85.4511642 : f32
      %add3A_888 = vector.broadcast %add3A_887 : f32 to vector<64x16xf32>
      %add3A_889 = arith.addf %mul3A_886, %add3A_888 : vector<64x16xf32>
      %mul3A_890 = arith.mulf %add3A_885, %mul3A_865 : vector<64x16xf32>
      %add3A_891 = arith.constant -76.7021561 : f32
      %add3A_892 = vector.broadcast %add3A_891 : f32 to vector<64x16xf32>
      %add3A_893 = arith.addf %mul3A_890, %add3A_892 : vector<64x16xf32>
      %mul3A_894 = arith.mulf %add3A_889, %mul3A_865 : vector<64x16xf32>
      %add3A_895 = arith.constant 64.9391708 : f32
      %add3A_896 = vector.broadcast %add3A_895 : f32 to vector<64x16xf32>
      %add3A_897 = arith.addf %mul3A_894, %add3A_896 : vector<64x16xf32>
      %mul3A_898 = arith.mulf %add3A_893, %mul3A_865 : vector<64x16xf32>
      %add3A_899 = arith.constant 81.6050644 : f32
      %add3A_900 = vector.broadcast %add3A_899 : f32 to vector<64x16xf32>
      %add3A_901 = arith.addf %mul3A_898, %add3A_900 : vector<64x16xf32>
      %mul3A_902 = arith.mulf %add3A_897, %mul3A_865 : vector<64x16xf32>
      %add3A_903 = arith.constant -19.7392063 : f32
      %add3A_904 = vector.broadcast %add3A_903 : f32 to vector<64x16xf32>
      %add3A_905 = arith.addf %mul3A_902, %add3A_904 : vector<64x16xf32>
      %mul3A_906 = arith.mulf %add3A_901, %mul3A_865 : vector<64x16xf32>
      %add3A_907 = arith.constant -41.3416977 : f32
      %add3A_908 = vector.broadcast %add3A_907 : f32 to vector<64x16xf32>
      %add3A_909 = arith.addf %mul3A_906, %add3A_908 : vector<64x16xf32>
      %mul3A_910 = arith.mulf %add3A_905, %mul3A_865 : vector<64x16xf32>
      %add3A_911 = arith.constant 1.000000e+00 : f32
      %add3A_912 = vector.broadcast %add3A_911 : f32 to vector<64x16xf32>
      %add3A_913 = arith.addf %mul3A_910, %add3A_912 : vector<64x16xf32>
      %mul3A_914 = arith.mulf %add3A_909, %mul3A_865 : vector<64x16xf32>
      %add3A_915 = arith.constant 6.28318548 : f32
      %add3A_916 = vector.broadcast %add3A_915 : f32 to vector<64x16xf32>
      %add3A_917 = arith.addf %mul3A_914, %add3A_916 : vector<64x16xf32>
      %mul3A_918 = arith.mulf %add3A_917, %sub3A_864 : vector<64x16xf32>
      %concatenate3A_919 = tpu.concatenate %add3A_913, %mul3A_918, %slice3A_850 in 1 : vector<64x16xf32>, vector<64x16xf32>, vector<64x1xf32> -> vector<64x33xf32>
      %get3A_920 = arith.index_cast %while3A_25 : i32 to index
      %get3A_921 = arith.constant 6 : index
      %get3A_922 = arith.constant 0 : index
      %get3A_923 = arith.constant 0 : index
      %get3A_924 = vector.load %arg6[%get3A_920, %get3A_921, %get3A_922, %get3A_923] : memref<8x8x33x512xf32, #tpu.memory_space<vmem>>, vector<1x1x33x512xf32>
      %get3A_925 = vector.shape_cast %get3A_924 : vector<1x1x33x512xf32> to vector<33x512xf32>
      %dot_general3A_926 = arith.constant dense<0.000000e+00> : vector<64x512xf32>
      %dot_general3A_927 = tpu.matmul %concatenate3A_919, %get3A_925, %dot_general3A_926 {dimension_numbers = #tpu.dot_dimension_numbers<[1], [0], [0], [1], [0, 0, 1, 1], [], []>, transpose_lhs_hint = false} : vector<64x33xf32>, vector<33x512xf32>, vector<64x512xf32> -> vector<64x512xf32>
      %get3A_928 = arith.index_cast %while3A_25 : i32 to index
      %get3A_929 = arith.constant 6 : index
      %get3A_930 = arith.constant 0 : index
      %get3A_931 = vector.load %arg7[%get3A_928, %get3A_929, %get3A_930] : memref<8x8x512xf32, #tpu.memory_space<vmem>>, vector<1x1x512xf32>
      %get3A_932 = vector.shape_cast %get3A_931 : vector<1x1x512xf32> to vector<512xf32>
      %broadcast_in_dim3A_933 = vector.shape_cast %get3A_932 : vector<512xf32> to vector<1x512xf32>
      %add3A_934 = vector.broadcast %broadcast_in_dim3A_933 : vector<1x512xf32> to vector<64x512xf32>
      %add3A_935 = arith.addf %dot_general3A_927, %add3A_934 : vector<64x512xf32>
      %reduce_sum3A_936 = arith.constant dense<0.000000e+00> : vector<64xf32>
      %reduce_sum3A_937 = vector.multi_reduction <add>, %add3A_935, %reduce_sum3A_936 [1] : vector<64x512xf32> to vector<64xf32>
      %broadcast_in_dim3A_938 = vector.shape_cast %reduce_sum3A_937 : vector<64xf32> to vector<64x1xf32>
      %div3A_939 = arith.constant 5.120000e+02 : f32
      %div3A_940 = vector.broadcast %div3A_939 : f32 to vector<64x1xf32>
      %div3A_941 = arith.divf %broadcast_in_dim3A_938, %div3A_940 : vector<64x1xf32>
      %mul3A_942 = arith.mulf %add3A_935, %add3A_935 : vector<64x512xf32>
      %reduce_sum3A_943 = arith.constant dense<0.000000e+00> : vector<64xf32>
      %reduce_sum3A_944 = vector.multi_reduction <add>, %mul3A_942, %reduce_sum3A_943 [1] : vector<64x512xf32> to vector<64xf32>
      %broadcast_in_dim3A_945 = vector.shape_cast %reduce_sum3A_944 : vector<64xf32> to vector<64x1xf32>
      %div3A_946 = arith.constant 5.120000e+02 : f32
      %div3A_947 = vector.broadcast %div3A_946 : f32 to vector<64x1xf32>
      %div3A_948 = arith.divf %broadcast_in_dim3A_945, %div3A_947 : vector<64x1xf32>
      %mul3A_949 = arith.mulf %div3A_941, %div3A_941 : vector<64x1xf32>
      %sub3A_950 = arith.subf %div3A_948, %mul3A_949 : vector<64x1xf32>
      %sub3A_951 = vector.broadcast %div3A_941 : vector<64x1xf32> to vector<64x512xf32>
      %sub3A_952 = arith.subf %add3A_935, %sub3A_951 : vector<64x512xf32>
      %add3A_953 = arith.constant 9.99999974E-6 : f32
      %add3A_954 = vector.broadcast %add3A_953 : f32 to vector<64x1xf32>
      %add3A_955 = arith.addf %sub3A_950, %add3A_954 : vector<64x1xf32>
      %rsqrt3A_956 = math.rsqrt %add3A_955 : vector<64x1xf32>
      %mul3A_957 = vector.broadcast %rsqrt3A_956 : vector<64x1xf32> to vector<64x512xf32>
      %mul3A_958 = arith.mulf %sub3A_952, %mul3A_957 : vector<64x512xf32>
      %get3A_959 = arith.index_cast %while3A_25 : i32 to index
      %get3A_960 = arith.constant 6 : index
      %get3A_961 = arith.constant 0 : index
      %get3A_962 = vector.load %arg8[%get3A_959, %get3A_960, %get3A_961] : memref<8x8x512xf32, #tpu.memory_space<vmem>>, vector<1x1x512xf32>
      %get3A_963 = vector.shape_cast %get3A_962 : vector<1x1x512xf32> to vector<512xf32>
      %broadcast_in_dim3A_964 = vector.shape_cast %get3A_963 : vector<512xf32> to vector<1x512xf32>
      %mul3A_965 = vector.broadcast %broadcast_in_dim3A_964 : vector<1x512xf32> to vector<64x512xf32>
      %mul3A_966 = arith.mulf %mul3A_958, %mul3A_965 : vector<64x512xf32>
      %get3A_967 = arith.index_cast %while3A_25 : i32 to index
      %get3A_968 = arith.constant 6 : index
      %get3A_969 = arith.constant 0 : index
      %get3A_970 = vector.load %arg9[%get3A_967, %get3A_968, %get3A_969] : memref<8x8x512xf32, #tpu.memory_space<vmem>>, vector<1x1x512xf32>
      %get3A_971 = vector.shape_cast %get3A_970 : vector<1x1x512xf32> to vector<512xf32>
      %broadcast_in_dim3A_972 = vector.shape_cast %get3A_971 : vector<512xf32> to vector<1x512xf32>
      %add3A_973 = vector.broadcast %broadcast_in_dim3A_972 : vector<1x512xf32> to vector<64x512xf32>
      %add3A_974 = arith.addf %mul3A_966, %add3A_973 : vector<64x512xf32>
      %mul3A_975 = arith.constant 5.000000e-01 : f32
      %mul3A_976 = vector.broadcast %mul3A_975 : f32 to vector<64x512xf32>
      %mul3A_977 = arith.mulf %mul3A_976, %add3A_974 : vector<64x512xf32>
      %mul3A_978 = arith.constant 0.707106769 : f32
      %mul3A_979 = vector.broadcast %mul3A_978 : f32 to vector<64x512xf32>
      %mul3A_980 = arith.mulf %add3A_974, %mul3A_979 : vector<64x512xf32>
      %erf3A_981 = math.erf %mul3A_980 : vector<64x512xf32>
      %add3A_982 = arith.constant 1.000000e+00 : f32
      %add3A_983 = vector.broadcast %add3A_982 : f32 to vector<64x512xf32>
      %add3A_984 = arith.addf %add3A_983, %erf3A_981 : vector<64x512xf32>
      %mul3A_985 = arith.mulf %mul3A_977, %add3A_984 : vector<64x512xf32>
      %add3A_986 = arith.addf %add3A_849, %mul3A_985 : vector<64x512xf32>
      %slice3A_987 = vector.extract_strided_slice %get3A_1 {offsets = [0, 7], sizes = [64, 1], strides = [1, 1]} : vector<64x8xf32> to vector<64x1xf32>
      %get3A_988 = arith.index_cast %while3A_25 : i32 to index
      %get3A_989 = arith.constant 7 : index
      %get3A_990 = arith.constant 0 : index
      %get3A_991 = vector.load %arg5[%get3A_988, %get3A_989, %get3A_990] : memref<8x8x16xf32, #tpu.memory_space<vmem>>, vector<1x1x16xf32>
      %get3A_992 = vector.shape_cast %get3A_991 : vector<1x1x16xf32> to vector<16xf32>
      %broadcast_in_dim3A_993 = vector.shape_cast %get3A_992 : vector<16xf32> to vector<1x16xf32>
      %mul3A_994 = vector.broadcast %slice3A_987 : vector<64x1xf32> to vector<64x16xf32>
      %mul3A_995 = vector.broadcast %broadcast_in_dim3A_993 : vector<1x16xf32> to vector<64x16xf32>
      %mul3A_996 = arith.mulf %mul3A_994, %mul3A_995 : vector<64x16xf32>
      %add3A_997 = arith.constant 5.000000e-01 : f32
      %add3A_998 = vector.broadcast %add3A_997 : f32 to vector<64x16xf32>
      %add3A_999 = arith.addf %mul3A_996, %add3A_998 : vector<64x16xf32>
      %floor3A_1000 = math.floor %add3A_999 : vector<64x16xf32>
      %sub3A_1001 = arith.subf %mul3A_996, %floor3A_1000 : vector<64x16xf32>
      %mul3A_1002 = arith.mulf %sub3A_1001, %sub3A_1001 : vector<64x16xf32>
      %mul3A_1003 = arith.constant 6.57561159 : f32
      %mul3A_1004 = vector.broadcast %mul3A_1003 : f32 to vector<64x16xf32>
      %mul3A_1005 = arith.mulf %mul3A_1004, %mul3A_1002 : vector<64x16xf32>
      %add3A_1006 = arith.constant -26.0005283 : f32
      %add3A_1007 = vector.broadcast %add3A_1006 : f32 to vector<64x16xf32>
      %add3A_1008 = arith.addf %mul3A_1005, %add3A_1007 : vector<64x16xf32>
      %mul3A_1009 = arith.constant 3.21916986 : f32
      %mul3A_1010 = vector.broadcast %mul3A_1009 : f32 to vector<64x16xf32>
      %mul3A_1011 = arith.mulf %mul3A_1010, %mul3A_1002 : vector<64x16xf32>
      %add3A_1012 = arith.constant -14.8834724 : f32
      %add3A_1013 = vector.broadcast %add3A_1012 : f32 to vector<64x16xf32>
      %add3A_1014 = arith.addf %mul3A_1011, %add3A_1013 : vector<64x16xf32>
      %mul3A_1015 = arith.mulf %add3A_1008, %mul3A_1002 : vector<64x16xf32>
      %add3A_1016 = arith.constant 60.1762314 : f32
      %add3A_1017 = vector.broadcast %add3A_1016 : f32 to vector<64x16xf32>
      %add3A_1018 = arith.addf %mul3A_1015, %add3A_1017 : vector<64x16xf32>
      %mul3A_1019 = arith.mulf %add3A_1014, %mul3A_1002 : vector<64x16xf32>
      %add3A_1020 = arith.constant 4.202050e+01 : f32
      %add3A_1021 = vector.broadcast %add3A_1020 : f32 to vector<64x16xf32>
      %add3A_1022 = arith.addf %mul3A_1019, %add3A_1021 : vector<64x16xf32>
      %mul3A_1023 = arith.mulf %add3A_1018, %mul3A_1002 : vector<64x16xf32>
      %add3A_1024 = arith.constant -85.4511642 : f32
      %add3A_1025 = vector.broadcast %add3A_1024 : f32 to vector<64x16xf32>
      %add3A_1026 = arith.addf %mul3A_1023, %add3A_1025 : vector<64x16xf32>
      %mul3A_1027 = arith.mulf %add3A_1022, %mul3A_1002 : vector<64x16xf32>
      %add3A_1028 = arith.constant -76.7021561 : f32
      %add3A_1029 = vector.broadcast %add3A_1028 : f32 to vector<64x16xf32>
      %add3A_1030 = arith.addf %mul3A_1027, %add3A_1029 : vector<64x16xf32>
      %mul3A_1031 = arith.mulf %add3A_1026, %mul3A_1002 : vector<64x16xf32>
      %add3A_1032 = arith.constant 64.9391708 : f32
      %add3A_1033 = vector.broadcast %add3A_1032 : f32 to vector<64x16xf32>
      %add3A_1034 = arith.addf %mul3A_1031, %add3A_1033 : vector<64x16xf32>
      %mul3A_1035 = arith.mulf %add3A_1030, %mul3A_1002 : vector<64x16xf32>
      %add3A_1036 = arith.constant 81.6050644 : f32
      %add3A_1037 = vector.broadcast %add3A_1036 : f32 to vector<64x16xf32>
      %add3A_1038 = arith.addf %mul3A_1035, %add3A_1037 : vector<64x16xf32>
      %mul3A_1039 = arith.mulf %add3A_1034, %mul3A_1002 : vector<64x16xf32>
      %add3A_1040 = arith.constant -19.7392063 : f32
      %add3A_1041 = vector.broadcast %add3A_1040 : f32 to vector<64x16xf32>
      %add3A_1042 = arith.addf %mul3A_1039, %add3A_1041 : vector<64x16xf32>
      %mul3A_1043 = arith.mulf %add3A_1038, %mul3A_1002 : vector<64x16xf32>
      %add3A_1044 = arith.constant -41.3416977 : f32
      %add3A_1045 = vector.broadcast %add3A_1044 : f32 to vector<64x16xf32>
      %add3A_1046 = arith.addf %mul3A_1043, %add3A_1045 : vector<64x16xf32>
      %mul3A_1047 = arith.mulf %add3A_1042, %mul3A_1002 : vector<64x16xf32>
      %add3A_1048 = arith.constant 1.000000e+00 : f32
      %add3A_1049 = vector.broadcast %add3A_1048 : f32 to vector<64x16xf32>
      %add3A_1050 = arith.addf %mul3A_1047, %add3A_1049 : vector<64x16xf32>
      %mul3A_1051 = arith.mulf %add3A_1046, %mul3A_1002 : vector<64x16xf32>
      %add3A_1052 = arith.constant 6.28318548 : f32
      %add3A_1053 = vector.broadcast %add3A_1052 : f32 to vector<64x16xf32>
      %add3A_1054 = arith.addf %mul3A_1051, %add3A_1053 : vector<64x16xf32>
      %mul3A_1055 = arith.mulf %add3A_1054, %sub3A_1001 : vector<64x16xf32>
      %concatenate3A_1056 = tpu.concatenate %add3A_1050, %mul3A_1055, %slice3A_987 in 1 : vector<64x16xf32>, vector<64x16xf32>, vector<64x1xf32> -> vector<64x33xf32>
      %get3A_1057 = arith.index_cast %while3A_25 : i32 to index
      %get3A_1058 = arith.constant 7 : index
      %get3A_1059 = arith.constant 0 : index
      %get3A_1060 = arith.constant 0 : index
      %get3A_1061 = vector.load %arg6[%get3A_1057, %get3A_1058, %get3A_1059, %get3A_1060] : memref<8x8x33x512xf32, #tpu.memory_space<vmem>>, vector<1x1x33x512xf32>
      %get3A_1062 = vector.shape_cast %get3A_1061 : vector<1x1x33x512xf32> to vector<33x512xf32>
      %dot_general3A_1063 = arith.constant dense<0.000000e+00> : vector<64x512xf32>
      %dot_general3A_1064 = tpu.matmul %concatenate3A_1056, %get3A_1062, %dot_general3A_1063 {dimension_numbers = #tpu.dot_dimension_numbers<[1], [0], [0], [1], [0, 0, 1, 1], [], []>, transpose_lhs_hint = false} : vector<64x33xf32>, vector<33x512xf32>, vector<64x512xf32> -> vector<64x512xf32>
      %get3A_1065 = arith.index_cast %while3A_25 : i32 to index
      %get3A_1066 = arith.constant 7 : index
      %get3A_1067 = arith.constant 0 : index
      %get3A_1068 = vector.load %arg7[%get3A_1065, %get3A_1066, %get3A_1067] : memref<8x8x512xf32, #tpu.memory_space<vmem>>, vector<1x1x512xf32>
      %get3A_1069 = vector.shape_cast %get3A_1068 : vector<1x1x512xf32> to vector<512xf32>
      %broadcast_in_dim3A_1070 = vector.shape_cast %get3A_1069 : vector<512xf32> to vector<1x512xf32>
      %add3A_1071 = vector.broadcast %broadcast_in_dim3A_1070 : vector<1x512xf32> to vector<64x512xf32>
      %add3A_1072 = arith.addf %dot_general3A_1064, %add3A_1071 : vector<64x512xf32>
      %reduce_sum3A_1073 = arith.constant dense<0.000000e+00> : vector<64xf32>
      %reduce_sum3A_1074 = vector.multi_reduction <add>, %add3A_1072, %reduce_sum3A_1073 [1] : vector<64x512xf32> to vector<64xf32>
      %broadcast_in_dim3A_1075 = vector.shape_cast %reduce_sum3A_1074 : vector<64xf32> to vector<64x1xf32>
      %div3A_1076 = arith.constant 5.120000e+02 : f32
      %div3A_1077 = vector.broadcast %div3A_1076 : f32 to vector<64x1xf32>
      %div3A_1078 = arith.divf %broadcast_in_dim3A_1075, %div3A_1077 : vector<64x1xf32>
      %mul3A_1079 = arith.mulf %add3A_1072, %add3A_1072 : vector<64x512xf32>
      %reduce_sum3A_1080 = arith.constant dense<0.000000e+00> : vector<64xf32>
      %reduce_sum3A_1081 = vector.multi_reduction <add>, %mul3A_1079, %reduce_sum3A_1080 [1] : vector<64x512xf32> to vector<64xf32>
      %broadcast_in_dim3A_1082 = vector.shape_cast %reduce_sum3A_1081 : vector<64xf32> to vector<64x1xf32>
      %div3A_1083 = arith.constant 5.120000e+02 : f32
      %div3A_1084 = vector.broadcast %div3A_1083 : f32 to vector<64x1xf32>
      %div3A_1085 = arith.divf %broadcast_in_dim3A_1082, %div3A_1084 : vector<64x1xf32>
      %mul3A_1086 = arith.mulf %div3A_1078, %div3A_1078 : vector<64x1xf32>
      %sub3A_1087 = arith.subf %div3A_1085, %mul3A_1086 : vector<64x1xf32>
      %sub3A_1088 = vector.broadcast %div3A_1078 : vector<64x1xf32> to vector<64x512xf32>
      %sub3A_1089 = arith.subf %add3A_1072, %sub3A_1088 : vector<64x512xf32>
      %add3A_1090 = arith.constant 9.99999974E-6 : f32
      %add3A_1091 = vector.broadcast %add3A_1090 : f32 to vector<64x1xf32>
      %add3A_1092 = arith.addf %sub3A_1087, %add3A_1091 : vector<64x1xf32>
      %rsqrt3A_1093 = math.rsqrt %add3A_1092 : vector<64x1xf32>
      %mul3A_1094 = vector.broadcast %rsqrt3A_1093 : vector<64x1xf32> to vector<64x512xf32>
      %mul3A_1095 = arith.mulf %sub3A_1089, %mul3A_1094 : vector<64x512xf32>
      %get3A_1096 = arith.index_cast %while3A_25 : i32 to index
      %get3A_1097 = arith.constant 7 : index
      %get3A_1098 = arith.constant 0 : index
      %get3A_1099 = vector.load %arg8[%get3A_1096, %get3A_1097, %get3A_1098] : memref<8x8x512xf32, #tpu.memory_space<vmem>>, vector<1x1x512xf32>
      %get3A_1100 = vector.shape_cast %get3A_1099 : vector<1x1x512xf32> to vector<512xf32>
      %broadcast_in_dim3A_1101 = vector.shape_cast %get3A_1100 : vector<512xf32> to vector<1x512xf32>
      %mul3A_1102 = vector.broadcast %broadcast_in_dim3A_1101 : vector<1x512xf32> to vector<64x512xf32>
      %mul3A_1103 = arith.mulf %mul3A_1095, %mul3A_1102 : vector<64x512xf32>
      %get3A_1104 = arith.index_cast %while3A_25 : i32 to index
      %get3A_1105 = arith.constant 7 : index
      %get3A_1106 = arith.constant 0 : index
      %get3A_1107 = vector.load %arg9[%get3A_1104, %get3A_1105, %get3A_1106] : memref<8x8x512xf32, #tpu.memory_space<vmem>>, vector<1x1x512xf32>
      %get3A_1108 = vector.shape_cast %get3A_1107 : vector<1x1x512xf32> to vector<512xf32>
      %broadcast_in_dim3A_1109 = vector.shape_cast %get3A_1108 : vector<512xf32> to vector<1x512xf32>
      %add3A_1110 = vector.broadcast %broadcast_in_dim3A_1109 : vector<1x512xf32> to vector<64x512xf32>
      %add3A_1111 = arith.addf %mul3A_1103, %add3A_1110 : vector<64x512xf32>
      %mul3A_1112 = arith.constant 5.000000e-01 : f32
      %mul3A_1113 = vector.broadcast %mul3A_1112 : f32 to vector<64x512xf32>
      %mul3A_1114 = arith.mulf %mul3A_1113, %add3A_1111 : vector<64x512xf32>
      %mul3A_1115 = arith.constant 0.707106769 : f32
      %mul3A_1116 = vector.broadcast %mul3A_1115 : f32 to vector<64x512xf32>
      %mul3A_1117 = arith.mulf %add3A_1111, %mul3A_1116 : vector<64x512xf32>
      %erf3A_1118 = math.erf %mul3A_1117 : vector<64x512xf32>
      %add3A_1119 = arith.constant 1.000000e+00 : f32
      %add3A_1120 = vector.broadcast %add3A_1119 : f32 to vector<64x512xf32>
      %add3A_1121 = arith.addf %add3A_1120, %erf3A_1118 : vector<64x512xf32>
      %mul3A_1122 = arith.mulf %mul3A_1114, %add3A_1121 : vector<64x512xf32>
      %add3A_1123 = arith.addf %add3A_986, %mul3A_1122 : vector<64x512xf32>
      %get3A_1124 = arith.index_cast %while3A_25 : i32 to index
      %get3A_1125 = arith.constant 0 : index
      %get3A_1126 = arith.constant 0 : index
      %get3A_1127 = vector.load %arg10[%get3A_1124, %get3A_1125, %get3A_1126] : memref<8x512x512xf32, #tpu.memory_space<vmem>>, vector<1x512x512xf32>
      %get3A_1128 = vector.shape_cast %get3A_1127 : vector<1x512x512xf32> to vector<512x512xf32>
      %dot_general3A_1129 = arith.constant dense<0.000000e+00> : vector<64x512xf32>
      %dot_general3A_1130 = tpu.matmul %add3A_1123, %get3A_1128, %dot_general3A_1129 {dimension_numbers = #tpu.dot_dimension_numbers<[1], [0], [0], [1], [0, 0, 1, 1], [], []>, transpose_lhs_hint = false} : vector<64x512xf32>, vector<512x512xf32>, vector<64x512xf32> -> vector<64x512xf32>
      %get3A_1131 = arith.index_cast %while3A_25 : i32 to index
      %get3A_1132 = arith.constant 0 : index
      %get3A_1133 = vector.load %arg11[%get3A_1131, %get3A_1132] : memref<8x512xf32, #tpu.memory_space<vmem>>, vector<1x512xf32>
      %get3A_1134 = vector.shape_cast %get3A_1133 : vector<1x512xf32> to vector<512xf32>
      %broadcast_in_dim3A_1135 = vector.shape_cast %get3A_1134 : vector<512xf32> to vector<1x512xf32>
      %add3A_1136 = vector.broadcast %broadcast_in_dim3A_1135 : vector<1x512xf32> to vector<64x512xf32>
      %add3A_1137 = arith.addf %dot_general3A_1130, %add3A_1136 : vector<64x512xf32>
      %mul3A_1138 = vector.broadcast %get3A_4 : vector<64x1xf32> to vector<64x512xf32>
      %mul3A_1139 = arith.mulf %mul3A_1138, %add3A_1137 : vector<64x512xf32>
      %jit3A = arith.constant 0.000000e+00 : f32
      %broadcast_in_dim3A_1140 = vector.shape_cast %and3A : vector<64x1xi1> to vector<64x1xi1>
      %broadcast_in_dim3A_1141 = vector.broadcast %broadcast_in_dim3A_1140 : vector<64x1xi1> to vector<64x512xi1>
      %broadcast_in_dim3A_1142 = vector.broadcast %jit3A : f32 to vector<64x512xf32>
      %select_n3A = arith.select %broadcast_in_dim3A_1141, %mul3A_1139, %broadcast_in_dim3A_1142 : vector<64x512xi1>, vector<64x512xf32>
      %add3A_1143 = arith.addf %while3A_26, %select_n3A : vector<64x512xf32>
      scf.yield %add3A_1143 : vector<64x512xf32>
    }
    %while3A_21 = arith.constant 1 : i32
    %while3A_22 = scf.for %while3A_25 = %while3A_18 to %while3A_14 step %while3A_21 iter_args(%while3A_26 = %while3A_20) -> (vector<64x512xf32>)  : i32 {
      %get3A_27 = arith.index_cast %while3A_25 : i32 to index
      %get3A_28 = memref.load %arg1[%get3A_27] : memref<16xi32, #tpu.memory_space<smem>>
      %add3A_29 = arith.constant 8 : i32
      %add3A_30 = arith.addi %while3A_25, %add3A_29 : i32
      %get3A_31 = arith.index_cast %add3A_30 : i32 to index
      %get3A_32 = memref.load %arg1[%get3A_31] : memref<16xi32, #tpu.memory_space<smem>>
      %ge3A = vector.broadcast %get3A_28 : i32 to vector<64x1xi32>
      %ge3A_33 = arith.cmpi sge, %add3A_6, %ge3A : vector<64x1xi32>
      %lt3A = vector.broadcast %get3A_32 : i32 to vector<64x1xi32>
      %lt3A_34 = arith.cmpi slt, %add3A_6, %lt3A : vector<64x1xi32>
      %and3A = arith.andi %ge3A_33, %lt3A_34 : vector<64x1xi1>
      %broadcast_in_dim3A_35 = arith.constant 0.000000e+00 : f32
      %broadcast_in_dim3A_36 = vector.broadcast %broadcast_in_dim3A_35 : f32 to vector<64x512xf32>
      %slice3A = vector.extract_strided_slice %get3A_1 {offsets = [0, 0], sizes = [64, 1], strides = [1, 1]} : vector<64x8xf32> to vector<64x1xf32>
      %get3A_37 = arith.index_cast %while3A_25 : i32 to index
      %get3A_38 = arith.constant 0 : index
      %get3A_39 = arith.constant 0 : index
      %get3A_40 = vector.load %arg5[%get3A_37, %get3A_38, %get3A_39] : memref<8x8x16xf32, #tpu.memory_space<vmem>>, vector<1x1x16xf32>
      %get3A_41 = vector.shape_cast %get3A_40 : vector<1x1x16xf32> to vector<16xf32>
      %broadcast_in_dim3A_42 = vector.shape_cast %get3A_41 : vector<16xf32> to vector<1x16xf32>
      %mul3A_43 = vector.broadcast %slice3A : vector<64x1xf32> to vector<64x16xf32>
      %mul3A_44 = vector.broadcast %broadcast_in_dim3A_42 : vector<1x16xf32> to vector<64x16xf32>
      %mul3A_45 = arith.mulf %mul3A_43, %mul3A_44 : vector<64x16xf32>
      %add3A_46 = arith.constant 5.000000e-01 : f32
      %add3A_47 = vector.broadcast %add3A_46 : f32 to vector<64x16xf32>
      %add3A_48 = arith.addf %mul3A_45, %add3A_47 : vector<64x16xf32>
      %floor3A = math.floor %add3A_48 : vector<64x16xf32>
      %sub3A = arith.subf %mul3A_45, %floor3A : vector<64x16xf32>
      %mul3A_49 = arith.mulf %sub3A, %sub3A : vector<64x16xf32>
      %mul3A_50 = arith.constant 6.57561159 : f32
      %mul3A_51 = vector.broadcast %mul3A_50 : f32 to vector<64x16xf32>
      %mul3A_52 = arith.mulf %mul3A_51, %mul3A_49 : vector<64x16xf32>
      %add3A_53 = arith.constant -26.0005283 : f32
      %add3A_54 = vector.broadcast %add3A_53 : f32 to vector<64x16xf32>
      %add3A_55 = arith.addf %mul3A_52, %add3A_54 : vector<64x16xf32>
      %mul3A_56 = arith.constant 3.21916986 : f32
      %mul3A_57 = vector.broadcast %mul3A_56 : f32 to vector<64x16xf32>
      %mul3A_58 = arith.mulf %mul3A_57, %mul3A_49 : vector<64x16xf32>
      %add3A_59 = arith.constant -14.8834724 : f32
      %add3A_60 = vector.broadcast %add3A_59 : f32 to vector<64x16xf32>
      %add3A_61 = arith.addf %mul3A_58, %add3A_60 : vector<64x16xf32>
      %mul3A_62 = arith.mulf %add3A_55, %mul3A_49 : vector<64x16xf32>
      %add3A_63 = arith.constant 60.1762314 : f32
      %add3A_64 = vector.broadcast %add3A_63 : f32 to vector<64x16xf32>
      %add3A_65 = arith.addf %mul3A_62, %add3A_64 : vector<64x16xf32>
      %mul3A_66 = arith.mulf %add3A_61, %mul3A_49 : vector<64x16xf32>
      %add3A_67 = arith.constant 4.202050e+01 : f32
      %add3A_68 = vector.broadcast %add3A_67 : f32 to vector<64x16xf32>
      %add3A_69 = arith.addf %mul3A_66, %add3A_68 : vector<64x16xf32>
      %mul3A_70 = arith.mulf %add3A_65, %mul3A_49 : vector<64x16xf32>
      %add3A_71 = arith.constant -85.4511642 : f32
      %add3A_72 = vector.broadcast %add3A_71 : f32 to vector<64x16xf32>
      %add3A_73 = arith.addf %mul3A_70, %add3A_72 : vector<64x16xf32>
      %mul3A_74 = arith.mulf %add3A_69, %mul3A_49 : vector<64x16xf32>
      %add3A_75 = arith.constant -76.7021561 : f32
      %add3A_76 = vector.broadcast %add3A_75 : f32 to vector<64x16xf32>
      %add3A_77 = arith.addf %mul3A_74, %add3A_76 : vector<64x16xf32>
      %mul3A_78 = arith.mulf %add3A_73, %mul3A_49 : vector<64x16xf32>
      %add3A_79 = arith.constant 64.9391708 : f32
      %add3A_80 = vector.broadcast %add3A_79 : f32 to vector<64x16xf32>
      %add3A_81 = arith.addf %mul3A_78, %add3A_80 : vector<64x16xf32>
      %mul3A_82 = arith.mulf %add3A_77, %mul3A_49 : vector<64x16xf32>
      %add3A_83 = arith.constant 81.6050644 : f32
      %add3A_84 = vector.broadcast %add3A_83 : f32 to vector<64x16xf32>
      %add3A_85 = arith.addf %mul3A_82, %add3A_84 : vector<64x16xf32>
      %mul3A_86 = arith.mulf %add3A_81, %mul3A_49 : vector<64x16xf32>
      %add3A_87 = arith.constant -19.7392063 : f32
      %add3A_88 = vector.broadcast %add3A_87 : f32 to vector<64x16xf32>
      %add3A_89 = arith.addf %mul3A_86, %add3A_88 : vector<64x16xf32>
      %mul3A_90 = arith.mulf %add3A_85, %mul3A_49 : vector<64x16xf32>
      %add3A_91 = arith.constant -41.3416977 : f32
      %add3A_92 = vector.broadcast %add3A_91 : f32 to vector<64x16xf32>
      %add3A_93 = arith.addf %mul3A_90, %add3A_92 : vector<64x16xf32>
      %mul3A_94 = arith.mulf %add3A_89, %mul3A_49 : vector<64x16xf32>
      %add3A_95 = arith.constant 1.000000e+00 : f32
      %add3A_96 = vector.broadcast %add3A_95 : f32 to vector<64x16xf32>
      %add3A_97 = arith.addf %mul3A_94, %add3A_96 : vector<64x16xf32>
      %mul3A_98 = arith.mulf %add3A_93, %mul3A_49 : vector<64x16xf32>
      %add3A_99 = arith.constant 6.28318548 : f32
      %add3A_100 = vector.broadcast %add3A_99 : f32 to vector<64x16xf32>
      %add3A_101 = arith.addf %mul3A_98, %add3A_100 : vector<64x16xf32>
      %mul3A_102 = arith.mulf %add3A_101, %sub3A : vector<64x16xf32>
      %concatenate3A = tpu.concatenate %add3A_97, %mul3A_102, %slice3A in 1 : vector<64x16xf32>, vector<64x16xf32>, vector<64x1xf32> -> vector<64x33xf32>
      %get3A_103 = arith.index_cast %while3A_25 : i32 to index
      %get3A_104 = arith.constant 0 : index
      %get3A_105 = arith.constant 0 : index
      %get3A_106 = arith.constant 0 : index
      %get3A_107 = vector.load %arg6[%get3A_103, %get3A_104, %get3A_105, %get3A_106] : memref<8x8x33x512xf32, #tpu.memory_space<vmem>>, vector<1x1x33x512xf32>
      %get3A_108 = vector.shape_cast %get3A_107 : vector<1x1x33x512xf32> to vector<33x512xf32>
      %dot_general3A = arith.constant dense<0.000000e+00> : vector<64x512xf32>
      %dot_general3A_109 = tpu.matmul %concatenate3A, %get3A_108, %dot_general3A {dimension_numbers = #tpu.dot_dimension_numbers<[1], [0], [0], [1], [0, 0, 1, 1], [], []>, transpose_lhs_hint = false} : vector<64x33xf32>, vector<33x512xf32>, vector<64x512xf32> -> vector<64x512xf32>
      %get3A_110 = arith.index_cast %while3A_25 : i32 to index
      %get3A_111 = arith.constant 0 : index
      %get3A_112 = arith.constant 0 : index
      %get3A_113 = vector.load %arg7[%get3A_110, %get3A_111, %get3A_112] : memref<8x8x512xf32, #tpu.memory_space<vmem>>, vector<1x1x512xf32>
      %get3A_114 = vector.shape_cast %get3A_113 : vector<1x1x512xf32> to vector<512xf32>
      %broadcast_in_dim3A_115 = vector.shape_cast %get3A_114 : vector<512xf32> to vector<1x512xf32>
      %add3A_116 = vector.broadcast %broadcast_in_dim3A_115 : vector<1x512xf32> to vector<64x512xf32>
      %add3A_117 = arith.addf %dot_general3A_109, %add3A_116 : vector<64x512xf32>
      %reduce_sum3A = arith.constant dense<0.000000e+00> : vector<64xf32>
      %reduce_sum3A_118 = vector.multi_reduction <add>, %add3A_117, %reduce_sum3A [1] : vector<64x512xf32> to vector<64xf32>
      %broadcast_in_dim3A_119 = vector.shape_cast %reduce_sum3A_118 : vector<64xf32> to vector<64x1xf32>
      %div3A = arith.constant 5.120000e+02 : f32
      %div3A_120 = vector.broadcast %div3A : f32 to vector<64x1xf32>
      %div3A_121 = arith.divf %broadcast_in_dim3A_119, %div3A_120 : vector<64x1xf32>
      %mul3A_122 = arith.mulf %add3A_117, %add3A_117 : vector<64x512xf32>
      %reduce_sum3A_123 = arith.constant dense<0.000000e+00> : vector<64xf32>
      %reduce_sum3A_124 = vector.multi_reduction <add>, %mul3A_122, %reduce_sum3A_123 [1] : vector<64x512xf32> to vector<64xf32>
      %broadcast_in_dim3A_125 = vector.shape_cast %reduce_sum3A_124 : vector<64xf32> to vector<64x1xf32>
      %div3A_126 = arith.constant 5.120000e+02 : f32
      %div3A_127 = vector.broadcast %div3A_126 : f32 to vector<64x1xf32>
      %div3A_128 = arith.divf %broadcast_in_dim3A_125, %div3A_127 : vector<64x1xf32>
      %mul3A_129 = arith.mulf %div3A_121, %div3A_121 : vector<64x1xf32>
      %sub3A_130 = arith.subf %div3A_128, %mul3A_129 : vector<64x1xf32>
      %sub3A_131 = vector.broadcast %div3A_121 : vector<64x1xf32> to vector<64x512xf32>
      %sub3A_132 = arith.subf %add3A_117, %sub3A_131 : vector<64x512xf32>
      %add3A_133 = arith.constant 9.99999974E-6 : f32
      %add3A_134 = vector.broadcast %add3A_133 : f32 to vector<64x1xf32>
      %add3A_135 = arith.addf %sub3A_130, %add3A_134 : vector<64x1xf32>
      %rsqrt3A = math.rsqrt %add3A_135 : vector<64x1xf32>
      %mul3A_136 = vector.broadcast %rsqrt3A : vector<64x1xf32> to vector<64x512xf32>
      %mul3A_137 = arith.mulf %sub3A_132, %mul3A_136 : vector<64x512xf32>
      %get3A_138 = arith.index_cast %while3A_25 : i32 to index
      %get3A_139 = arith.constant 0 : index
      %get3A_140 = arith.constant 0 : index
      %get3A_141 = vector.load %arg8[%get3A_138, %get3A_139, %get3A_140] : memref<8x8x512xf32, #tpu.memory_space<vmem>>, vector<1x1x512xf32>
      %get3A_142 = vector.shape_cast %get3A_141 : vector<1x1x512xf32> to vector<512xf32>
      %broadcast_in_dim3A_143 = vector.shape_cast %get3A_142 : vector<512xf32> to vector<1x512xf32>
      %mul3A_144 = vector.broadcast %broadcast_in_dim3A_143 : vector<1x512xf32> to vector<64x512xf32>
      %mul3A_145 = arith.mulf %mul3A_137, %mul3A_144 : vector<64x512xf32>
      %get3A_146 = arith.index_cast %while3A_25 : i32 to index
      %get3A_147 = arith.constant 0 : index
      %get3A_148 = arith.constant 0 : index
      %get3A_149 = vector.load %arg9[%get3A_146, %get3A_147, %get3A_148] : memref<8x8x512xf32, #tpu.memory_space<vmem>>, vector<1x1x512xf32>
      %get3A_150 = vector.shape_cast %get3A_149 : vector<1x1x512xf32> to vector<512xf32>
      %broadcast_in_dim3A_151 = vector.shape_cast %get3A_150 : vector<512xf32> to vector<1x512xf32>
      %add3A_152 = vector.broadcast %broadcast_in_dim3A_151 : vector<1x512xf32> to vector<64x512xf32>
      %add3A_153 = arith.addf %mul3A_145, %add3A_152 : vector<64x512xf32>
      %mul3A_154 = arith.constant 5.000000e-01 : f32
      %mul3A_155 = vector.broadcast %mul3A_154 : f32 to vector<64x512xf32>
      %mul3A_156 = arith.mulf %mul3A_155, %add3A_153 : vector<64x512xf32>
      %mul3A_157 = arith.constant 0.707106769 : f32
      %mul3A_158 = vector.broadcast %mul3A_157 : f32 to vector<64x512xf32>
      %mul3A_159 = arith.mulf %add3A_153, %mul3A_158 : vector<64x512xf32>
      %erf3A = math.erf %mul3A_159 : vector<64x512xf32>
      %add3A_160 = arith.constant 1.000000e+00 : f32
      %add3A_161 = vector.broadcast %add3A_160 : f32 to vector<64x512xf32>
      %add3A_162 = arith.addf %add3A_161, %erf3A : vector<64x512xf32>
      %mul3A_163 = arith.mulf %mul3A_156, %add3A_162 : vector<64x512xf32>
      %add3A_164 = arith.addf %broadcast_in_dim3A_36, %mul3A_163 : vector<64x512xf32>
      %slice3A_165 = vector.extract_strided_slice %get3A_1 {offsets = [0, 1], sizes = [64, 1], strides = [1, 1]} : vector<64x8xf32> to vector<64x1xf32>
      %get3A_166 = arith.index_cast %while3A_25 : i32 to index
      %get3A_167 = arith.constant 1 : index
      %get3A_168 = arith.constant 0 : index
      %get3A_169 = vector.load %arg5[%get3A_166, %get3A_167, %get3A_168] : memref<8x8x16xf32, #tpu.memory_space<vmem>>, vector<1x1x16xf32>
      %get3A_170 = vector.shape_cast %get3A_169 : vector<1x1x16xf32> to vector<16xf32>
      %broadcast_in_dim3A_171 = vector.shape_cast %get3A_170 : vector<16xf32> to vector<1x16xf32>
      %mul3A_172 = vector.broadcast %slice3A_165 : vector<64x1xf32> to vector<64x16xf32>
      %mul3A_173 = vector.broadcast %broadcast_in_dim3A_171 : vector<1x16xf32> to vector<64x16xf32>
      %mul3A_174 = arith.mulf %mul3A_172, %mul3A_173 : vector<64x16xf32>
      %add3A_175 = arith.constant 5.000000e-01 : f32
      %add3A_176 = vector.broadcast %add3A_175 : f32 to vector<64x16xf32>
      %add3A_177 = arith.addf %mul3A_174, %add3A_176 : vector<64x16xf32>
      %floor3A_178 = math.floor %add3A_177 : vector<64x16xf32>
      %sub3A_179 = arith.subf %mul3A_174, %floor3A_178 : vector<64x16xf32>
      %mul3A_180 = arith.mulf %sub3A_179, %sub3A_179 : vector<64x16xf32>
      %mul3A_181 = arith.constant 6.57561159 : f32
      %mul3A_182 = vector.broadcast %mul3A_181 : f32 to vector<64x16xf32>
      %mul3A_183 = arith.mulf %mul3A_182, %mul3A_180 : vector<64x16xf32>
      %add3A_184 = arith.constant -26.0005283 : f32
      %add3A_185 = vector.broadcast %add3A_184 : f32 to vector<64x16xf32>
      %add3A_186 = arith.addf %mul3A_183, %add3A_185 : vector<64x16xf32>
      %mul3A_187 = arith.constant 3.21916986 : f32
      %mul3A_188 = vector.broadcast %mul3A_187 : f32 to vector<64x16xf32>
      %mul3A_189 = arith.mulf %mul3A_188, %mul3A_180 : vector<64x16xf32>
      %add3A_190 = arith.constant -14.8834724 : f32
      %add3A_191 = vector.broadcast %add3A_190 : f32 to vector<64x16xf32>
      %add3A_192 = arith.addf %mul3A_189, %add3A_191 : vector<64x16xf32>
      %mul3A_193 = arith.mulf %add3A_186, %mul3A_180 : vector<64x16xf32>
      %add3A_194 = arith.constant 60.1762314 : f32
      %add3A_195 = vector.broadcast %add3A_194 : f32 to vector<64x16xf32>
      %add3A_196 = arith.addf %mul3A_193, %add3A_195 : vector<64x16xf32>
      %mul3A_197 = arith.mulf %add3A_192, %mul3A_180 : vector<64x16xf32>
      %add3A_198 = arith.constant 4.202050e+01 : f32
      %add3A_199 = vector.broadcast %add3A_198 : f32 to vector<64x16xf32>
      %add3A_200 = arith.addf %mul3A_197, %add3A_199 : vector<64x16xf32>
      %mul3A_201 = arith.mulf %add3A_196, %mul3A_180 : vector<64x16xf32>
      %add3A_202 = arith.constant -85.4511642 : f32
      %add3A_203 = vector.broadcast %add3A_202 : f32 to vector<64x16xf32>
      %add3A_204 = arith.addf %mul3A_201, %add3A_203 : vector<64x16xf32>
      %mul3A_205 = arith.mulf %add3A_200, %mul3A_180 : vector<64x16xf32>
      %add3A_206 = arith.constant -76.7021561 : f32
      %add3A_207 = vector.broadcast %add3A_206 : f32 to vector<64x16xf32>
      %add3A_208 = arith.addf %mul3A_205, %add3A_207 : vector<64x16xf32>
      %mul3A_209 = arith.mulf %add3A_204, %mul3A_180 : vector<64x16xf32>
      %add3A_210 = arith.constant 64.9391708 : f32
      %add3A_211 = vector.broadcast %add3A_210 : f32 to vector<64x16xf32>
      %add3A_212 = arith.addf %mul3A_209, %add3A_211 : vector<64x16xf32>
      %mul3A_213 = arith.mulf %add3A_208, %mul3A_180 : vector<64x16xf32>
      %add3A_214 = arith.constant 81.6050644 : f32
      %add3A_215 = vector.broadcast %add3A_214 : f32 to vector<64x16xf32>
      %add3A_216 = arith.addf %mul3A_213, %add3A_215 : vector<64x16xf32>
      %mul3A_217 = arith.mulf %add3A_212, %mul3A_180 : vector<64x16xf32>
      %add3A_218 = arith.constant -19.7392063 : f32
      %add3A_219 = vector.broadcast %add3A_218 : f32 to vector<64x16xf32>
      %add3A_220 = arith.addf %mul3A_217, %add3A_219 : vector<64x16xf32>
      %mul3A_221 = arith.mulf %add3A_216, %mul3A_180 : vector<64x16xf32>
      %add3A_222 = arith.constant -41.3416977 : f32
      %add3A_223 = vector.broadcast %add3A_222 : f32 to vector<64x16xf32>
      %add3A_224 = arith.addf %mul3A_221, %add3A_223 : vector<64x16xf32>
      %mul3A_225 = arith.mulf %add3A_220, %mul3A_180 : vector<64x16xf32>
      %add3A_226 = arith.constant 1.000000e+00 : f32
      %add3A_227 = vector.broadcast %add3A_226 : f32 to vector<64x16xf32>
      %add3A_228 = arith.addf %mul3A_225, %add3A_227 : vector<64x16xf32>
      %mul3A_229 = arith.mulf %add3A_224, %mul3A_180 : vector<64x16xf32>
      %add3A_230 = arith.constant 6.28318548 : f32
      %add3A_231 = vector.broadcast %add3A_230 : f32 to vector<64x16xf32>
      %add3A_232 = arith.addf %mul3A_229, %add3A_231 : vector<64x16xf32>
      %mul3A_233 = arith.mulf %add3A_232, %sub3A_179 : vector<64x16xf32>
      %concatenate3A_234 = tpu.concatenate %add3A_228, %mul3A_233, %slice3A_165 in 1 : vector<64x16xf32>, vector<64x16xf32>, vector<64x1xf32> -> vector<64x33xf32>
      %get3A_235 = arith.index_cast %while3A_25 : i32 to index
      %get3A_236 = arith.constant 1 : index
      %get3A_237 = arith.constant 0 : index
      %get3A_238 = arith.constant 0 : index
      %get3A_239 = vector.load %arg6[%get3A_235, %get3A_236, %get3A_237, %get3A_238] : memref<8x8x33x512xf32, #tpu.memory_space<vmem>>, vector<1x1x33x512xf32>
      %get3A_240 = vector.shape_cast %get3A_239 : vector<1x1x33x512xf32> to vector<33x512xf32>
      %dot_general3A_241 = arith.constant dense<0.000000e+00> : vector<64x512xf32>
      %dot_general3A_242 = tpu.matmul %concatenate3A_234, %get3A_240, %dot_general3A_241 {dimension_numbers = #tpu.dot_dimension_numbers<[1], [0], [0], [1], [0, 0, 1, 1], [], []>, transpose_lhs_hint = false} : vector<64x33xf32>, vector<33x512xf32>, vector<64x512xf32> -> vector<64x512xf32>
      %get3A_243 = arith.index_cast %while3A_25 : i32 to index
      %get3A_244 = arith.constant 1 : index
      %get3A_245 = arith.constant 0 : index
      %get3A_246 = vector.load %arg7[%get3A_243, %get3A_244, %get3A_245] : memref<8x8x512xf32, #tpu.memory_space<vmem>>, vector<1x1x512xf32>
      %get3A_247 = vector.shape_cast %get3A_246 : vector<1x1x512xf32> to vector<512xf32>
      %broadcast_in_dim3A_248 = vector.shape_cast %get3A_247 : vector<512xf32> to vector<1x512xf32>
      %add3A_249 = vector.broadcast %broadcast_in_dim3A_248 : vector<1x512xf32> to vector<64x512xf32>
      %add3A_250 = arith.addf %dot_general3A_242, %add3A_249 : vector<64x512xf32>
      %reduce_sum3A_251 = arith.constant dense<0.000000e+00> : vector<64xf32>
      %reduce_sum3A_252 = vector.multi_reduction <add>, %add3A_250, %reduce_sum3A_251 [1] : vector<64x512xf32> to vector<64xf32>
      %broadcast_in_dim3A_253 = vector.shape_cast %reduce_sum3A_252 : vector<64xf32> to vector<64x1xf32>
      %div3A_254 = arith.constant 5.120000e+02 : f32
      %div3A_255 = vector.broadcast %div3A_254 : f32 to vector<64x1xf32>
      %div3A_256 = arith.divf %broadcast_in_dim3A_253, %div3A_255 : vector<64x1xf32>
      %mul3A_257 = arith.mulf %add3A_250, %add3A_250 : vector<64x512xf32>
      %reduce_sum3A_258 = arith.constant dense<0.000000e+00> : vector<64xf32>
      %reduce_sum3A_259 = vector.multi_reduction <add>, %mul3A_257, %reduce_sum3A_258 [1] : vector<64x512xf32> to vector<64xf32>
      %broadcast_in_dim3A_260 = vector.shape_cast %reduce_sum3A_259 : vector<64xf32> to vector<64x1xf32>
      %div3A_261 = arith.constant 5.120000e+02 : f32
      %div3A_262 = vector.broadcast %div3A_261 : f32 to vector<64x1xf32>
      %div3A_263 = arith.divf %broadcast_in_dim3A_260, %div3A_262 : vector<64x1xf32>
      %mul3A_264 = arith.mulf %div3A_256, %div3A_256 : vector<64x1xf32>
      %sub3A_265 = arith.subf %div3A_263, %mul3A_264 : vector<64x1xf32>
      %sub3A_266 = vector.broadcast %div3A_256 : vector<64x1xf32> to vector<64x512xf32>
      %sub3A_267 = arith.subf %add3A_250, %sub3A_266 : vector<64x512xf32>
      %add3A_268 = arith.constant 9.99999974E-6 : f32
      %add3A_269 = vector.broadcast %add3A_268 : f32 to vector<64x1xf32>
      %add3A_270 = arith.addf %sub3A_265, %add3A_269 : vector<64x1xf32>
      %rsqrt3A_271 = math.rsqrt %add3A_270 : vector<64x1xf32>
      %mul3A_272 = vector.broadcast %rsqrt3A_271 : vector<64x1xf32> to vector<64x512xf32>
      %mul3A_273 = arith.mulf %sub3A_267, %mul3A_272 : vector<64x512xf32>
      %get3A_274 = arith.index_cast %while3A_25 : i32 to index
      %get3A_275 = arith.constant 1 : index
      %get3A_276 = arith.constant 0 : index
      %get3A_277 = vector.load %arg8[%get3A_274, %get3A_275, %get3A_276] : memref<8x8x512xf32, #tpu.memory_space<vmem>>, vector<1x1x512xf32>
      %get3A_278 = vector.shape_cast %get3A_277 : vector<1x1x512xf32> to vector<512xf32>
      %broadcast_in_dim3A_279 = vector.shape_cast %get3A_278 : vector<512xf32> to vector<1x512xf32>
      %mul3A_280 = vector.broadcast %broadcast_in_dim3A_279 : vector<1x512xf32> to vector<64x512xf32>
      %mul3A_281 = arith.mulf %mul3A_273, %mul3A_280 : vector<64x512xf32>
      %get3A_282 = arith.index_cast %while3A_25 : i32 to index
      %get3A_283 = arith.constant 1 : index
      %get3A_284 = arith.constant 0 : index
      %get3A_285 = vector.load %arg9[%get3A_282, %get3A_283, %get3A_284] : memref<8x8x512xf32, #tpu.memory_space<vmem>>, vector<1x1x512xf32>
      %get3A_286 = vector.shape_cast %get3A_285 : vector<1x1x512xf32> to vector<512xf32>
      %broadcast_in_dim3A_287 = vector.shape_cast %get3A_286 : vector<512xf32> to vector<1x512xf32>
      %add3A_288 = vector.broadcast %broadcast_in_dim3A_287 : vector<1x512xf32> to vector<64x512xf32>
      %add3A_289 = arith.addf %mul3A_281, %add3A_288 : vector<64x512xf32>
      %mul3A_290 = arith.constant 5.000000e-01 : f32
      %mul3A_291 = vector.broadcast %mul3A_290 : f32 to vector<64x512xf32>
      %mul3A_292 = arith.mulf %mul3A_291, %add3A_289 : vector<64x512xf32>
      %mul3A_293 = arith.constant 0.707106769 : f32
      %mul3A_294 = vector.broadcast %mul3A_293 : f32 to vector<64x512xf32>
      %mul3A_295 = arith.mulf %add3A_289, %mul3A_294 : vector<64x512xf32>
      %erf3A_296 = math.erf %mul3A_295 : vector<64x512xf32>
      %add3A_297 = arith.constant 1.000000e+00 : f32
      %add3A_298 = vector.broadcast %add3A_297 : f32 to vector<64x512xf32>
      %add3A_299 = arith.addf %add3A_298, %erf3A_296 : vector<64x512xf32>
      %mul3A_300 = arith.mulf %mul3A_292, %add3A_299 : vector<64x512xf32>
      %add3A_301 = arith.addf %add3A_164, %mul3A_300 : vector<64x512xf32>
      %slice3A_302 = vector.extract_strided_slice %get3A_1 {offsets = [0, 2], sizes = [64, 1], strides = [1, 1]} : vector<64x8xf32> to vector<64x1xf32>
      %get3A_303 = arith.index_cast %while3A_25 : i32 to index
      %get3A_304 = arith.constant 2 : index
      %get3A_305 = arith.constant 0 : index
      %get3A_306 = vector.load %arg5[%get3A_303, %get3A_304, %get3A_305] : memref<8x8x16xf32, #tpu.memory_space<vmem>>, vector<1x1x16xf32>
      %get3A_307 = vector.shape_cast %get3A_306 : vector<1x1x16xf32> to vector<16xf32>
      %broadcast_in_dim3A_308 = vector.shape_cast %get3A_307 : vector<16xf32> to vector<1x16xf32>
      %mul3A_309 = vector.broadcast %slice3A_302 : vector<64x1xf32> to vector<64x16xf32>
      %mul3A_310 = vector.broadcast %broadcast_in_dim3A_308 : vector<1x16xf32> to vector<64x16xf32>
      %mul3A_311 = arith.mulf %mul3A_309, %mul3A_310 : vector<64x16xf32>
      %add3A_312 = arith.constant 5.000000e-01 : f32
      %add3A_313 = vector.broadcast %add3A_312 : f32 to vector<64x16xf32>
      %add3A_314 = arith.addf %mul3A_311, %add3A_313 : vector<64x16xf32>
      %floor3A_315 = math.floor %add3A_314 : vector<64x16xf32>
      %sub3A_316 = arith.subf %mul3A_311, %floor3A_315 : vector<64x16xf32>
      %mul3A_317 = arith.mulf %sub3A_316, %sub3A_316 : vector<64x16xf32>
      %mul3A_318 = arith.constant 6.57561159 : f32
      %mul3A_319 = vector.broadcast %mul3A_318 : f32 to vector<64x16xf32>
      %mul3A_320 = arith.mulf %mul3A_319, %mul3A_317 : vector<64x16xf32>
      %add3A_321 = arith.constant -26.0005283 : f32
      %add3A_322 = vector.broadcast %add3A_321 : f32 to vector<64x16xf32>
      %add3A_323 = arith.addf %mul3A_320, %add3A_322 : vector<64x16xf32>
      %mul3A_324 = arith.constant 3.21916986 : f32
      %mul3A_325 = vector.broadcast %mul3A_324 : f32 to vector<64x16xf32>
      %mul3A_326 = arith.mulf %mul3A_325, %mul3A_317 : vector<64x16xf32>
      %add3A_327 = arith.constant -14.8834724 : f32
      %add3A_328 = vector.broadcast %add3A_327 : f32 to vector<64x16xf32>
      %add3A_329 = arith.addf %mul3A_326, %add3A_328 : vector<64x16xf32>
      %mul3A_330 = arith.mulf %add3A_323, %mul3A_317 : vector<64x16xf32>
      %add3A_331 = arith.constant 60.1762314 : f32
      %add3A_332 = vector.broadcast %add3A_331 : f32 to vector<64x16xf32>
      %add3A_333 = arith.addf %mul3A_330, %add3A_332 : vector<64x16xf32>
      %mul3A_334 = arith.mulf %add3A_329, %mul3A_317 : vector<64x16xf32>
      %add3A_335 = arith.constant 4.202050e+01 : f32
      %add3A_336 = vector.broadcast %add3A_335 : f32 to vector<64x16xf32>
      %add3A_337 = arith.addf %mul3A_334, %add3A_336 : vector<64x16xf32>
      %mul3A_338 = arith.mulf %add3A_333, %mul3A_317 : vector<64x16xf32>
      %add3A_339 = arith.constant -85.4511642 : f32
      %add3A_340 = vector.broadcast %add3A_339 : f32 to vector<64x16xf32>
      %add3A_341 = arith.addf %mul3A_338, %add3A_340 : vector<64x16xf32>
      %mul3A_342 = arith.mulf %add3A_337, %mul3A_317 : vector<64x16xf32>
      %add3A_343 = arith.constant -76.7021561 : f32
      %add3A_344 = vector.broadcast %add3A_343 : f32 to vector<64x16xf32>
      %add3A_345 = arith.addf %mul3A_342, %add3A_344 : vector<64x16xf32>
      %mul3A_346 = arith.mulf %add3A_341, %mul3A_317 : vector<64x16xf32>
      %add3A_347 = arith.constant 64.9391708 : f32
      %add3A_348 = vector.broadcast %add3A_347 : f32 to vector<64x16xf32>
      %add3A_349 = arith.addf %mul3A_346, %add3A_348 : vector<64x16xf32>
      %mul3A_350 = arith.mulf %add3A_345, %mul3A_317 : vector<64x16xf32>
      %add3A_351 = arith.constant 81.6050644 : f32
      %add3A_352 = vector.broadcast %add3A_351 : f32 to vector<64x16xf32>
      %add3A_353 = arith.addf %mul3A_350, %add3A_352 : vector<64x16xf32>
      %mul3A_354 = arith.mulf %add3A_349, %mul3A_317 : vector<64x16xf32>
      %add3A_355 = arith.constant -19.7392063 : f32
      %add3A_356 = vector.broadcast %add3A_355 : f32 to vector<64x16xf32>
      %add3A_357 = arith.addf %mul3A_354, %add3A_356 : vector<64x16xf32>
      %mul3A_358 = arith.mulf %add3A_353, %mul3A_317 : vector<64x16xf32>
      %add3A_359 = arith.constant -41.3416977 : f32
      %add3A_360 = vector.broadcast %add3A_359 : f32 to vector<64x16xf32>
      %add3A_361 = arith.addf %mul3A_358, %add3A_360 : vector<64x16xf32>
      %mul3A_362 = arith.mulf %add3A_357, %mul3A_317 : vector<64x16xf32>
      %add3A_363 = arith.constant 1.000000e+00 : f32
      %add3A_364 = vector.broadcast %add3A_363 : f32 to vector<64x16xf32>
      %add3A_365 = arith.addf %mul3A_362, %add3A_364 : vector<64x16xf32>
      %mul3A_366 = arith.mulf %add3A_361, %mul3A_317 : vector<64x16xf32>
      %add3A_367 = arith.constant 6.28318548 : f32
      %add3A_368 = vector.broadcast %add3A_367 : f32 to vector<64x16xf32>
      %add3A_369 = arith.addf %mul3A_366, %add3A_368 : vector<64x16xf32>
      %mul3A_370 = arith.mulf %add3A_369, %sub3A_316 : vector<64x16xf32>
      %concatenate3A_371 = tpu.concatenate %add3A_365, %mul3A_370, %slice3A_302 in 1 : vector<64x16xf32>, vector<64x16xf32>, vector<64x1xf32> -> vector<64x33xf32>
      %get3A_372 = arith.index_cast %while3A_25 : i32 to index
      %get3A_373 = arith.constant 2 : index
      %get3A_374 = arith.constant 0 : index
      %get3A_375 = arith.constant 0 : index
      %get3A_376 = vector.load %arg6[%get3A_372, %get3A_373, %get3A_374, %get3A_375] : memref<8x8x33x512xf32, #tpu.memory_space<vmem>>, vector<1x1x33x512xf32>
      %get3A_377 = vector.shape_cast %get3A_376 : vector<1x1x33x512xf32> to vector<33x512xf32>
      %dot_general3A_378 = arith.constant dense<0.000000e+00> : vector<64x512xf32>
      %dot_general3A_379 = tpu.matmul %concatenate3A_371, %get3A_377, %dot_general3A_378 {dimension_numbers = #tpu.dot_dimension_numbers<[1], [0], [0], [1], [0, 0, 1, 1], [], []>, transpose_lhs_hint = false} : vector<64x33xf32>, vector<33x512xf32>, vector<64x512xf32> -> vector<64x512xf32>
      %get3A_380 = arith.index_cast %while3A_25 : i32 to index
      %get3A_381 = arith.constant 2 : index
      %get3A_382 = arith.constant 0 : index
      %get3A_383 = vector.load %arg7[%get3A_380, %get3A_381, %get3A_382] : memref<8x8x512xf32, #tpu.memory_space<vmem>>, vector<1x1x512xf32>
      %get3A_384 = vector.shape_cast %get3A_383 : vector<1x1x512xf32> to vector<512xf32>
      %broadcast_in_dim3A_385 = vector.shape_cast %get3A_384 : vector<512xf32> to vector<1x512xf32>
      %add3A_386 = vector.broadcast %broadcast_in_dim3A_385 : vector<1x512xf32> to vector<64x512xf32>
      %add3A_387 = arith.addf %dot_general3A_379, %add3A_386 : vector<64x512xf32>
      %reduce_sum3A_388 = arith.constant dense<0.000000e+00> : vector<64xf32>
      %reduce_sum3A_389 = vector.multi_reduction <add>, %add3A_387, %reduce_sum3A_388 [1] : vector<64x512xf32> to vector<64xf32>
      %broadcast_in_dim3A_390 = vector.shape_cast %reduce_sum3A_389 : vector<64xf32> to vector<64x1xf32>
      %div3A_391 = arith.constant 5.120000e+02 : f32
      %div3A_392 = vector.broadcast %div3A_391 : f32 to vector<64x1xf32>
      %div3A_393 = arith.divf %broadcast_in_dim3A_390, %div3A_392 : vector<64x1xf32>
      %mul3A_394 = arith.mulf %add3A_387, %add3A_387 : vector<64x512xf32>
      %reduce_sum3A_395 = arith.constant dense<0.000000e+00> : vector<64xf32>
      %reduce_sum3A_396 = vector.multi_reduction <add>, %mul3A_394, %reduce_sum3A_395 [1] : vector<64x512xf32> to vector<64xf32>
      %broadcast_in_dim3A_397 = vector.shape_cast %reduce_sum3A_396 : vector<64xf32> to vector<64x1xf32>
      %div3A_398 = arith.constant 5.120000e+02 : f32
      %div3A_399 = vector.broadcast %div3A_398 : f32 to vector<64x1xf32>
      %div3A_400 = arith.divf %broadcast_in_dim3A_397, %div3A_399 : vector<64x1xf32>
      %mul3A_401 = arith.mulf %div3A_393, %div3A_393 : vector<64x1xf32>
      %sub3A_402 = arith.subf %div3A_400, %mul3A_401 : vector<64x1xf32>
      %sub3A_403 = vector.broadcast %div3A_393 : vector<64x1xf32> to vector<64x512xf32>
      %sub3A_404 = arith.subf %add3A_387, %sub3A_403 : vector<64x512xf32>
      %add3A_405 = arith.constant 9.99999974E-6 : f32
      %add3A_406 = vector.broadcast %add3A_405 : f32 to vector<64x1xf32>
      %add3A_407 = arith.addf %sub3A_402, %add3A_406 : vector<64x1xf32>
      %rsqrt3A_408 = math.rsqrt %add3A_407 : vector<64x1xf32>
      %mul3A_409 = vector.broadcast %rsqrt3A_408 : vector<64x1xf32> to vector<64x512xf32>
      %mul3A_410 = arith.mulf %sub3A_404, %mul3A_409 : vector<64x512xf32>
      %get3A_411 = arith.index_cast %while3A_25 : i32 to index
      %get3A_412 = arith.constant 2 : index
      %get3A_413 = arith.constant 0 : index
      %get3A_414 = vector.load %arg8[%get3A_411, %get3A_412, %get3A_413] : memref<8x8x512xf32, #tpu.memory_space<vmem>>, vector<1x1x512xf32>
      %get3A_415 = vector.shape_cast %get3A_414 : vector<1x1x512xf32> to vector<512xf32>
      %broadcast_in_dim3A_416 = vector.shape_cast %get3A_415 : vector<512xf32> to vector<1x512xf32>
      %mul3A_417 = vector.broadcast %broadcast_in_dim3A_416 : vector<1x512xf32> to vector<64x512xf32>
      %mul3A_418 = arith.mulf %mul3A_410, %mul3A_417 : vector<64x512xf32>
      %get3A_419 = arith.index_cast %while3A_25 : i32 to index
      %get3A_420 = arith.constant 2 : index
      %get3A_421 = arith.constant 0 : index
      %get3A_422 = vector.load %arg9[%get3A_419, %get3A_420, %get3A_421] : memref<8x8x512xf32, #tpu.memory_space<vmem>>, vector<1x1x512xf32>
      %get3A_423 = vector.shape_cast %get3A_422 : vector<1x1x512xf32> to vector<512xf32>
      %broadcast_in_dim3A_424 = vector.shape_cast %get3A_423 : vector<512xf32> to vector<1x512xf32>
      %add3A_425 = vector.broadcast %broadcast_in_dim3A_424 : vector<1x512xf32> to vector<64x512xf32>
      %add3A_426 = arith.addf %mul3A_418, %add3A_425 : vector<64x512xf32>
      %mul3A_427 = arith.constant 5.000000e-01 : f32
      %mul3A_428 = vector.broadcast %mul3A_427 : f32 to vector<64x512xf32>
      %mul3A_429 = arith.mulf %mul3A_428, %add3A_426 : vector<64x512xf32>
      %mul3A_430 = arith.constant 0.707106769 : f32
      %mul3A_431 = vector.broadcast %mul3A_430 : f32 to vector<64x512xf32>
      %mul3A_432 = arith.mulf %add3A_426, %mul3A_431 : vector<64x512xf32>
      %erf3A_433 = math.erf %mul3A_432 : vector<64x512xf32>
      %add3A_434 = arith.constant 1.000000e+00 : f32
      %add3A_435 = vector.broadcast %add3A_434 : f32 to vector<64x512xf32>
      %add3A_436 = arith.addf %add3A_435, %erf3A_433 : vector<64x512xf32>
      %mul3A_437 = arith.mulf %mul3A_429, %add3A_436 : vector<64x512xf32>
      %add3A_438 = arith.addf %add3A_301, %mul3A_437 : vector<64x512xf32>
      %slice3A_439 = vector.extract_strided_slice %get3A_1 {offsets = [0, 3], sizes = [64, 1], strides = [1, 1]} : vector<64x8xf32> to vector<64x1xf32>
      %get3A_440 = arith.index_cast %while3A_25 : i32 to index
      %get3A_441 = arith.constant 3 : index
      %get3A_442 = arith.constant 0 : index
      %get3A_443 = vector.load %arg5[%get3A_440, %get3A_441, %get3A_442] : memref<8x8x16xf32, #tpu.memory_space<vmem>>, vector<1x1x16xf32>
      %get3A_444 = vector.shape_cast %get3A_443 : vector<1x1x16xf32> to vector<16xf32>
      %broadcast_in_dim3A_445 = vector.shape_cast %get3A_444 : vector<16xf32> to vector<1x16xf32>
      %mul3A_446 = vector.broadcast %slice3A_439 : vector<64x1xf32> to vector<64x16xf32>
      %mul3A_447 = vector.broadcast %broadcast_in_dim3A_445 : vector<1x16xf32> to vector<64x16xf32>
      %mul3A_448 = arith.mulf %mul3A_446, %mul3A_447 : vector<64x16xf32>
      %add3A_449 = arith.constant 5.000000e-01 : f32
      %add3A_450 = vector.broadcast %add3A_449 : f32 to vector<64x16xf32>
      %add3A_451 = arith.addf %mul3A_448, %add3A_450 : vector<64x16xf32>
      %floor3A_452 = math.floor %add3A_451 : vector<64x16xf32>
      %sub3A_453 = arith.subf %mul3A_448, %floor3A_452 : vector<64x16xf32>
      %mul3A_454 = arith.mulf %sub3A_453, %sub3A_453 : vector<64x16xf32>
      %mul3A_455 = arith.constant 6.57561159 : f32
      %mul3A_456 = vector.broadcast %mul3A_455 : f32 to vector<64x16xf32>
      %mul3A_457 = arith.mulf %mul3A_456, %mul3A_454 : vector<64x16xf32>
      %add3A_458 = arith.constant -26.0005283 : f32
      %add3A_459 = vector.broadcast %add3A_458 : f32 to vector<64x16xf32>
      %add3A_460 = arith.addf %mul3A_457, %add3A_459 : vector<64x16xf32>
      %mul3A_461 = arith.constant 3.21916986 : f32
      %mul3A_462 = vector.broadcast %mul3A_461 : f32 to vector<64x16xf32>
      %mul3A_463 = arith.mulf %mul3A_462, %mul3A_454 : vector<64x16xf32>
      %add3A_464 = arith.constant -14.8834724 : f32
      %add3A_465 = vector.broadcast %add3A_464 : f32 to vector<64x16xf32>
      %add3A_466 = arith.addf %mul3A_463, %add3A_465 : vector<64x16xf32>
      %mul3A_467 = arith.mulf %add3A_460, %mul3A_454 : vector<64x16xf32>
      %add3A_468 = arith.constant 60.1762314 : f32
      %add3A_469 = vector.broadcast %add3A_468 : f32 to vector<64x16xf32>
      %add3A_470 = arith.addf %mul3A_467, %add3A_469 : vector<64x16xf32>
      %mul3A_471 = arith.mulf %add3A_466, %mul3A_454 : vector<64x16xf32>
      %add3A_472 = arith.constant 4.202050e+01 : f32
      %add3A_473 = vector.broadcast %add3A_472 : f32 to vector<64x16xf32>
      %add3A_474 = arith.addf %mul3A_471, %add3A_473 : vector<64x16xf32>
      %mul3A_475 = arith.mulf %add3A_470, %mul3A_454 : vector<64x16xf32>
      %add3A_476 = arith.constant -85.4511642 : f32
      %add3A_477 = vector.broadcast %add3A_476 : f32 to vector<64x16xf32>
      %add3A_478 = arith.addf %mul3A_475, %add3A_477 : vector<64x16xf32>
      %mul3A_479 = arith.mulf %add3A_474, %mul3A_454 : vector<64x16xf32>
      %add3A_480 = arith.constant -76.7021561 : f32
      %add3A_481 = vector.broadcast %add3A_480 : f32 to vector<64x16xf32>
      %add3A_482 = arith.addf %mul3A_479, %add3A_481 : vector<64x16xf32>
      %mul3A_483 = arith.mulf %add3A_478, %mul3A_454 : vector<64x16xf32>
      %add3A_484 = arith.constant 64.9391708 : f32
      %add3A_485 = vector.broadcast %add3A_484 : f32 to vector<64x16xf32>
      %add3A_486 = arith.addf %mul3A_483, %add3A_485 : vector<64x16xf32>
      %mul3A_487 = arith.mulf %add3A_482, %mul3A_454 : vector<64x16xf32>
      %add3A_488 = arith.constant 81.6050644 : f32
      %add3A_489 = vector.broadcast %add3A_488 : f32 to vector<64x16xf32>
      %add3A_490 = arith.addf %mul3A_487, %add3A_489 : vector<64x16xf32>
      %mul3A_491 = arith.mulf %add3A_486, %mul3A_454 : vector<64x16xf32>
      %add3A_492 = arith.constant -19.7392063 : f32
      %add3A_493 = vector.broadcast %add3A_492 : f32 to vector<64x16xf32>
      %add3A_494 = arith.addf %mul3A_491, %add3A_493 : vector<64x16xf32>
      %mul3A_495 = arith.mulf %add3A_490, %mul3A_454 : vector<64x16xf32>
      %add3A_496 = arith.constant -41.3416977 : f32
      %add3A_497 = vector.broadcast %add3A_496 : f32 to vector<64x16xf32>
      %add3A_498 = arith.addf %mul3A_495, %add3A_497 : vector<64x16xf32>
      %mul3A_499 = arith.mulf %add3A_494, %mul3A_454 : vector<64x16xf32>
      %add3A_500 = arith.constant 1.000000e+00 : f32
      %add3A_501 = vector.broadcast %add3A_500 : f32 to vector<64x16xf32>
      %add3A_502 = arith.addf %mul3A_499, %add3A_501 : vector<64x16xf32>
      %mul3A_503 = arith.mulf %add3A_498, %mul3A_454 : vector<64x16xf32>
      %add3A_504 = arith.constant 6.28318548 : f32
      %add3A_505 = vector.broadcast %add3A_504 : f32 to vector<64x16xf32>
      %add3A_506 = arith.addf %mul3A_503, %add3A_505 : vector<64x16xf32>
      %mul3A_507 = arith.mulf %add3A_506, %sub3A_453 : vector<64x16xf32>
      %concatenate3A_508 = tpu.concatenate %add3A_502, %mul3A_507, %slice3A_439 in 1 : vector<64x16xf32>, vector<64x16xf32>, vector<64x1xf32> -> vector<64x33xf32>
      %get3A_509 = arith.index_cast %while3A_25 : i32 to index
      %get3A_510 = arith.constant 3 : index
      %get3A_511 = arith.constant 0 : index
      %get3A_512 = arith.constant 0 : index
      %get3A_513 = vector.load %arg6[%get3A_509, %get3A_510, %get3A_511, %get3A_512] : memref<8x8x33x512xf32, #tpu.memory_space<vmem>>, vector<1x1x33x512xf32>
      %get3A_514 = vector.shape_cast %get3A_513 : vector<1x1x33x512xf32> to vector<33x512xf32>
      %dot_general3A_515 = arith.constant dense<0.000000e+00> : vector<64x512xf32>
      %dot_general3A_516 = tpu.matmul %concatenate3A_508, %get3A_514, %dot_general3A_515 {dimension_numbers = #tpu.dot_dimension_numbers<[1], [0], [0], [1], [0, 0, 1, 1], [], []>, transpose_lhs_hint = false} : vector<64x33xf32>, vector<33x512xf32>, vector<64x512xf32> -> vector<64x512xf32>
      %get3A_517 = arith.index_cast %while3A_25 : i32 to index
      %get3A_518 = arith.constant 3 : index
      %get3A_519 = arith.constant 0 : index
      %get3A_520 = vector.load %arg7[%get3A_517, %get3A_518, %get3A_519] : memref<8x8x512xf32, #tpu.memory_space<vmem>>, vector<1x1x512xf32>
      %get3A_521 = vector.shape_cast %get3A_520 : vector<1x1x512xf32> to vector<512xf32>
      %broadcast_in_dim3A_522 = vector.shape_cast %get3A_521 : vector<512xf32> to vector<1x512xf32>
      %add3A_523 = vector.broadcast %broadcast_in_dim3A_522 : vector<1x512xf32> to vector<64x512xf32>
      %add3A_524 = arith.addf %dot_general3A_516, %add3A_523 : vector<64x512xf32>
      %reduce_sum3A_525 = arith.constant dense<0.000000e+00> : vector<64xf32>
      %reduce_sum3A_526 = vector.multi_reduction <add>, %add3A_524, %reduce_sum3A_525 [1] : vector<64x512xf32> to vector<64xf32>
      %broadcast_in_dim3A_527 = vector.shape_cast %reduce_sum3A_526 : vector<64xf32> to vector<64x1xf32>
      %div3A_528 = arith.constant 5.120000e+02 : f32
      %div3A_529 = vector.broadcast %div3A_528 : f32 to vector<64x1xf32>
      %div3A_530 = arith.divf %broadcast_in_dim3A_527, %div3A_529 : vector<64x1xf32>
      %mul3A_531 = arith.mulf %add3A_524, %add3A_524 : vector<64x512xf32>
      %reduce_sum3A_532 = arith.constant dense<0.000000e+00> : vector<64xf32>
      %reduce_sum3A_533 = vector.multi_reduction <add>, %mul3A_531, %reduce_sum3A_532 [1] : vector<64x512xf32> to vector<64xf32>
      %broadcast_in_dim3A_534 = vector.shape_cast %reduce_sum3A_533 : vector<64xf32> to vector<64x1xf32>
      %div3A_535 = arith.constant 5.120000e+02 : f32
      %div3A_536 = vector.broadcast %div3A_535 : f32 to vector<64x1xf32>
      %div3A_537 = arith.divf %broadcast_in_dim3A_534, %div3A_536 : vector<64x1xf32>
      %mul3A_538 = arith.mulf %div3A_530, %div3A_530 : vector<64x1xf32>
      %sub3A_539 = arith.subf %div3A_537, %mul3A_538 : vector<64x1xf32>
      %sub3A_540 = vector.broadcast %div3A_530 : vector<64x1xf32> to vector<64x512xf32>
      %sub3A_541 = arith.subf %add3A_524, %sub3A_540 : vector<64x512xf32>
      %add3A_542 = arith.constant 9.99999974E-6 : f32
      %add3A_543 = vector.broadcast %add3A_542 : f32 to vector<64x1xf32>
      %add3A_544 = arith.addf %sub3A_539, %add3A_543 : vector<64x1xf32>
      %rsqrt3A_545 = math.rsqrt %add3A_544 : vector<64x1xf32>
      %mul3A_546 = vector.broadcast %rsqrt3A_545 : vector<64x1xf32> to vector<64x512xf32>
      %mul3A_547 = arith.mulf %sub3A_541, %mul3A_546 : vector<64x512xf32>
      %get3A_548 = arith.index_cast %while3A_25 : i32 to index
      %get3A_549 = arith.constant 3 : index
      %get3A_550 = arith.constant 0 : index
      %get3A_551 = vector.load %arg8[%get3A_548, %get3A_549, %get3A_550] : memref<8x8x512xf32, #tpu.memory_space<vmem>>, vector<1x1x512xf32>
      %get3A_552 = vector.shape_cast %get3A_551 : vector<1x1x512xf32> to vector<512xf32>
      %broadcast_in_dim3A_553 = vector.shape_cast %get3A_552 : vector<512xf32> to vector<1x512xf32>
      %mul3A_554 = vector.broadcast %broadcast_in_dim3A_553 : vector<1x512xf32> to vector<64x512xf32>
      %mul3A_555 = arith.mulf %mul3A_547, %mul3A_554 : vector<64x512xf32>
      %get3A_556 = arith.index_cast %while3A_25 : i32 to index
      %get3A_557 = arith.constant 3 : index
      %get3A_558 = arith.constant 0 : index
      %get3A_559 = vector.load %arg9[%get3A_556, %get3A_557, %get3A_558] : memref<8x8x512xf32, #tpu.memory_space<vmem>>, vector<1x1x512xf32>
      %get3A_560 = vector.shape_cast %get3A_559 : vector<1x1x512xf32> to vector<512xf32>
      %broadcast_in_dim3A_561 = vector.shape_cast %get3A_560 : vector<512xf32> to vector<1x512xf32>
      %add3A_562 = vector.broadcast %broadcast_in_dim3A_561 : vector<1x512xf32> to vector<64x512xf32>
      %add3A_563 = arith.addf %mul3A_555, %add3A_562 : vector<64x512xf32>
      %mul3A_564 = arith.constant 5.000000e-01 : f32
      %mul3A_565 = vector.broadcast %mul3A_564 : f32 to vector<64x512xf32>
      %mul3A_566 = arith.mulf %mul3A_565, %add3A_563 : vector<64x512xf32>
      %mul3A_567 = arith.constant 0.707106769 : f32
      %mul3A_568 = vector.broadcast %mul3A_567 : f32 to vector<64x512xf32>
      %mul3A_569 = arith.mulf %add3A_563, %mul3A_568 : vector<64x512xf32>
      %erf3A_570 = math.erf %mul3A_569 : vector<64x512xf32>
      %add3A_571 = arith.constant 1.000000e+00 : f32
      %add3A_572 = vector.broadcast %add3A_571 : f32 to vector<64x512xf32>
      %add3A_573 = arith.addf %add3A_572, %erf3A_570 : vector<64x512xf32>
      %mul3A_574 = arith.mulf %mul3A_566, %add3A_573 : vector<64x512xf32>
      %add3A_575 = arith.addf %add3A_438, %mul3A_574 : vector<64x512xf32>
      %slice3A_576 = vector.extract_strided_slice %get3A_1 {offsets = [0, 4], sizes = [64, 1], strides = [1, 1]} : vector<64x8xf32> to vector<64x1xf32>
      %get3A_577 = arith.index_cast %while3A_25 : i32 to index
      %get3A_578 = arith.constant 4 : index
      %get3A_579 = arith.constant 0 : index
      %get3A_580 = vector.load %arg5[%get3A_577, %get3A_578, %get3A_579] : memref<8x8x16xf32, #tpu.memory_space<vmem>>, vector<1x1x16xf32>
      %get3A_581 = vector.shape_cast %get3A_580 : vector<1x1x16xf32> to vector<16xf32>
      %broadcast_in_dim3A_582 = vector.shape_cast %get3A_581 : vector<16xf32> to vector<1x16xf32>
      %mul3A_583 = vector.broadcast %slice3A_576 : vector<64x1xf32> to vector<64x16xf32>
      %mul3A_584 = vector.broadcast %broadcast_in_dim3A_582 : vector<1x16xf32> to vector<64x16xf32>
      %mul3A_585 = arith.mulf %mul3A_583, %mul3A_584 : vector<64x16xf32>
      %add3A_586 = arith.constant 5.000000e-01 : f32
      %add3A_587 = vector.broadcast %add3A_586 : f32 to vector<64x16xf32>
      %add3A_588 = arith.addf %mul3A_585, %add3A_587 : vector<64x16xf32>
      %floor3A_589 = math.floor %add3A_588 : vector<64x16xf32>
      %sub3A_590 = arith.subf %mul3A_585, %floor3A_589 : vector<64x16xf32>
      %mul3A_591 = arith.mulf %sub3A_590, %sub3A_590 : vector<64x16xf32>
      %mul3A_592 = arith.constant 6.57561159 : f32
      %mul3A_593 = vector.broadcast %mul3A_592 : f32 to vector<64x16xf32>
      %mul3A_594 = arith.mulf %mul3A_593, %mul3A_591 : vector<64x16xf32>
      %add3A_595 = arith.constant -26.0005283 : f32
      %add3A_596 = vector.broadcast %add3A_595 : f32 to vector<64x16xf32>
      %add3A_597 = arith.addf %mul3A_594, %add3A_596 : vector<64x16xf32>
      %mul3A_598 = arith.constant 3.21916986 : f32
      %mul3A_599 = vector.broadcast %mul3A_598 : f32 to vector<64x16xf32>
      %mul3A_600 = arith.mulf %mul3A_599, %mul3A_591 : vector<64x16xf32>
      %add3A_601 = arith.constant -14.8834724 : f32
      %add3A_602 = vector.broadcast %add3A_601 : f32 to vector<64x16xf32>
      %add3A_603 = arith.addf %mul3A_600, %add3A_602 : vector<64x16xf32>
      %mul3A_604 = arith.mulf %add3A_597, %mul3A_591 : vector<64x16xf32>
      %add3A_605 = arith.constant 60.1762314 : f32
      %add3A_606 = vector.broadcast %add3A_605 : f32 to vector<64x16xf32>
      %add3A_607 = arith.addf %mul3A_604, %add3A_606 : vector<64x16xf32>
      %mul3A_608 = arith.mulf %add3A_603, %mul3A_591 : vector<64x16xf32>
      %add3A_609 = arith.constant 4.202050e+01 : f32
      %add3A_610 = vector.broadcast %add3A_609 : f32 to vector<64x16xf32>
      %add3A_611 = arith.addf %mul3A_608, %add3A_610 : vector<64x16xf32>
      %mul3A_612 = arith.mulf %add3A_607, %mul3A_591 : vector<64x16xf32>
      %add3A_613 = arith.constant -85.4511642 : f32
      %add3A_614 = vector.broadcast %add3A_613 : f32 to vector<64x16xf32>
      %add3A_615 = arith.addf %mul3A_612, %add3A_614 : vector<64x16xf32>
      %mul3A_616 = arith.mulf %add3A_611, %mul3A_591 : vector<64x16xf32>
      %add3A_617 = arith.constant -76.7021561 : f32
      %add3A_618 = vector.broadcast %add3A_617 : f32 to vector<64x16xf32>
      %add3A_619 = arith.addf %mul3A_616, %add3A_618 : vector<64x16xf32>
      %mul3A_620 = arith.mulf %add3A_615, %mul3A_591 : vector<64x16xf32>
      %add3A_621 = arith.constant 64.9391708 : f32
      %add3A_622 = vector.broadcast %add3A_621 : f32 to vector<64x16xf32>
      %add3A_623 = arith.addf %mul3A_620, %add3A_622 : vector<64x16xf32>
      %mul3A_624 = arith.mulf %add3A_619, %mul3A_591 : vector<64x16xf32>
      %add3A_625 = arith.constant 81.6050644 : f32
      %add3A_626 = vector.broadcast %add3A_625 : f32 to vector<64x16xf32>
      %add3A_627 = arith.addf %mul3A_624, %add3A_626 : vector<64x16xf32>
      %mul3A_628 = arith.mulf %add3A_623, %mul3A_591 : vector<64x16xf32>
      %add3A_629 = arith.constant -19.7392063 : f32
      %add3A_630 = vector.broadcast %add3A_629 : f32 to vector<64x16xf32>
      %add3A_631 = arith.addf %mul3A_628, %add3A_630 : vector<64x16xf32>
      %mul3A_632 = arith.mulf %add3A_627, %mul3A_591 : vector<64x16xf32>
      %add3A_633 = arith.constant -41.3416977 : f32
      %add3A_634 = vector.broadcast %add3A_633 : f32 to vector<64x16xf32>
      %add3A_635 = arith.addf %mul3A_632, %add3A_634 : vector<64x16xf32>
      %mul3A_636 = arith.mulf %add3A_631, %mul3A_591 : vector<64x16xf32>
      %add3A_637 = arith.constant 1.000000e+00 : f32
      %add3A_638 = vector.broadcast %add3A_637 : f32 to vector<64x16xf32>
      %add3A_639 = arith.addf %mul3A_636, %add3A_638 : vector<64x16xf32>
      %mul3A_640 = arith.mulf %add3A_635, %mul3A_591 : vector<64x16xf32>
      %add3A_641 = arith.constant 6.28318548 : f32
      %add3A_642 = vector.broadcast %add3A_641 : f32 to vector<64x16xf32>
      %add3A_643 = arith.addf %mul3A_640, %add3A_642 : vector<64x16xf32>
      %mul3A_644 = arith.mulf %add3A_643, %sub3A_590 : vector<64x16xf32>
      %concatenate3A_645 = tpu.concatenate %add3A_639, %mul3A_644, %slice3A_576 in 1 : vector<64x16xf32>, vector<64x16xf32>, vector<64x1xf32> -> vector<64x33xf32>
      %get3A_646 = arith.index_cast %while3A_25 : i32 to index
      %get3A_647 = arith.constant 4 : index
      %get3A_648 = arith.constant 0 : index
      %get3A_649 = arith.constant 0 : index
      %get3A_650 = vector.load %arg6[%get3A_646, %get3A_647, %get3A_648, %get3A_649] : memref<8x8x33x512xf32, #tpu.memory_space<vmem>>, vector<1x1x33x512xf32>
      %get3A_651 = vector.shape_cast %get3A_650 : vector<1x1x33x512xf32> to vector<33x512xf32>
      %dot_general3A_652 = arith.constant dense<0.000000e+00> : vector<64x512xf32>
      %dot_general3A_653 = tpu.matmul %concatenate3A_645, %get3A_651, %dot_general3A_652 {dimension_numbers = #tpu.dot_dimension_numbers<[1], [0], [0], [1], [0, 0, 1, 1], [], []>, transpose_lhs_hint = false} : vector<64x33xf32>, vector<33x512xf32>, vector<64x512xf32> -> vector<64x512xf32>
      %get3A_654 = arith.index_cast %while3A_25 : i32 to index
      %get3A_655 = arith.constant 4 : index
      %get3A_656 = arith.constant 0 : index
      %get3A_657 = vector.load %arg7[%get3A_654, %get3A_655, %get3A_656] : memref<8x8x512xf32, #tpu.memory_space<vmem>>, vector<1x1x512xf32>
      %get3A_658 = vector.shape_cast %get3A_657 : vector<1x1x512xf32> to vector<512xf32>
      %broadcast_in_dim3A_659 = vector.shape_cast %get3A_658 : vector<512xf32> to vector<1x512xf32>
      %add3A_660 = vector.broadcast %broadcast_in_dim3A_659 : vector<1x512xf32> to vector<64x512xf32>
      %add3A_661 = arith.addf %dot_general3A_653, %add3A_660 : vector<64x512xf32>
      %reduce_sum3A_662 = arith.constant dense<0.000000e+00> : vector<64xf32>
      %reduce_sum3A_663 = vector.multi_reduction <add>, %add3A_661, %reduce_sum3A_662 [1] : vector<64x512xf32> to vector<64xf32>
      %broadcast_in_dim3A_664 = vector.shape_cast %reduce_sum3A_663 : vector<64xf32> to vector<64x1xf32>
      %div3A_665 = arith.constant 5.120000e+02 : f32
      %div3A_666 = vector.broadcast %div3A_665 : f32 to vector<64x1xf32>
      %div3A_667 = arith.divf %broadcast_in_dim3A_664, %div3A_666 : vector<64x1xf32>
      %mul3A_668 = arith.mulf %add3A_661, %add3A_661 : vector<64x512xf32>
      %reduce_sum3A_669 = arith.constant dense<0.000000e+00> : vector<64xf32>
      %reduce_sum3A_670 = vector.multi_reduction <add>, %mul3A_668, %reduce_sum3A_669 [1] : vector<64x512xf32> to vector<64xf32>
      %broadcast_in_dim3A_671 = vector.shape_cast %reduce_sum3A_670 : vector<64xf32> to vector<64x1xf32>
      %div3A_672 = arith.constant 5.120000e+02 : f32
      %div3A_673 = vector.broadcast %div3A_672 : f32 to vector<64x1xf32>
      %div3A_674 = arith.divf %broadcast_in_dim3A_671, %div3A_673 : vector<64x1xf32>
      %mul3A_675 = arith.mulf %div3A_667, %div3A_667 : vector<64x1xf32>
      %sub3A_676 = arith.subf %div3A_674, %mul3A_675 : vector<64x1xf32>
      %sub3A_677 = vector.broadcast %div3A_667 : vector<64x1xf32> to vector<64x512xf32>
      %sub3A_678 = arith.subf %add3A_661, %sub3A_677 : vector<64x512xf32>
      %add3A_679 = arith.constant 9.99999974E-6 : f32
      %add3A_680 = vector.broadcast %add3A_679 : f32 to vector<64x1xf32>
      %add3A_681 = arith.addf %sub3A_676, %add3A_680 : vector<64x1xf32>
      %rsqrt3A_682 = math.rsqrt %add3A_681 : vector<64x1xf32>
      %mul3A_683 = vector.broadcast %rsqrt3A_682 : vector<64x1xf32> to vector<64x512xf32>
      %mul3A_684 = arith.mulf %sub3A_678, %mul3A_683 : vector<64x512xf32>
      %get3A_685 = arith.index_cast %while3A_25 : i32 to index
      %get3A_686 = arith.constant 4 : index
      %get3A_687 = arith.constant 0 : index
      %get3A_688 = vector.load %arg8[%get3A_685, %get3A_686, %get3A_687] : memref<8x8x512xf32, #tpu.memory_space<vmem>>, vector<1x1x512xf32>
      %get3A_689 = vector.shape_cast %get3A_688 : vector<1x1x512xf32> to vector<512xf32>
      %broadcast_in_dim3A_690 = vector.shape_cast %get3A_689 : vector<512xf32> to vector<1x512xf32>
      %mul3A_691 = vector.broadcast %broadcast_in_dim3A_690 : vector<1x512xf32> to vector<64x512xf32>
      %mul3A_692 = arith.mulf %mul3A_684, %mul3A_691 : vector<64x512xf32>
      %get3A_693 = arith.index_cast %while3A_25 : i32 to index
      %get3A_694 = arith.constant 4 : index
      %get3A_695 = arith.constant 0 : index
      %get3A_696 = vector.load %arg9[%get3A_693, %get3A_694, %get3A_695] : memref<8x8x512xf32, #tpu.memory_space<vmem>>, vector<1x1x512xf32>
      %get3A_697 = vector.shape_cast %get3A_696 : vector<1x1x512xf32> to vector<512xf32>
      %broadcast_in_dim3A_698 = vector.shape_cast %get3A_697 : vector<512xf32> to vector<1x512xf32>
      %add3A_699 = vector.broadcast %broadcast_in_dim3A_698 : vector<1x512xf32> to vector<64x512xf32>
      %add3A_700 = arith.addf %mul3A_692, %add3A_699 : vector<64x512xf32>
      %mul3A_701 = arith.constant 5.000000e-01 : f32
      %mul3A_702 = vector.broadcast %mul3A_701 : f32 to vector<64x512xf32>
      %mul3A_703 = arith.mulf %mul3A_702, %add3A_700 : vector<64x512xf32>
      %mul3A_704 = arith.constant 0.707106769 : f32
      %mul3A_705 = vector.broadcast %mul3A_704 : f32 to vector<64x512xf32>
      %mul3A_706 = arith.mulf %add3A_700, %mul3A_705 : vector<64x512xf32>
      %erf3A_707 = math.erf %mul3A_706 : vector<64x512xf32>
      %add3A_708 = arith.constant 1.000000e+00 : f32
      %add3A_709 = vector.broadcast %add3A_708 : f32 to vector<64x512xf32>
      %add3A_710 = arith.addf %add3A_709, %erf3A_707 : vector<64x512xf32>
      %mul3A_711 = arith.mulf %mul3A_703, %add3A_710 : vector<64x512xf32>
      %add3A_712 = arith.addf %add3A_575, %mul3A_711 : vector<64x512xf32>
      %slice3A_713 = vector.extract_strided_slice %get3A_1 {offsets = [0, 5], sizes = [64, 1], strides = [1, 1]} : vector<64x8xf32> to vector<64x1xf32>
      %get3A_714 = arith.index_cast %while3A_25 : i32 to index
      %get3A_715 = arith.constant 5 : index
      %get3A_716 = arith.constant 0 : index
      %get3A_717 = vector.load %arg5[%get3A_714, %get3A_715, %get3A_716] : memref<8x8x16xf32, #tpu.memory_space<vmem>>, vector<1x1x16xf32>
      %get3A_718 = vector.shape_cast %get3A_717 : vector<1x1x16xf32> to vector<16xf32>
      %broadcast_in_dim3A_719 = vector.shape_cast %get3A_718 : vector<16xf32> to vector<1x16xf32>
      %mul3A_720 = vector.broadcast %slice3A_713 : vector<64x1xf32> to vector<64x16xf32>
      %mul3A_721 = vector.broadcast %broadcast_in_dim3A_719 : vector<1x16xf32> to vector<64x16xf32>
      %mul3A_722 = arith.mulf %mul3A_720, %mul3A_721 : vector<64x16xf32>
      %add3A_723 = arith.constant 5.000000e-01 : f32
      %add3A_724 = vector.broadcast %add3A_723 : f32 to vector<64x16xf32>
      %add3A_725 = arith.addf %mul3A_722, %add3A_724 : vector<64x16xf32>
      %floor3A_726 = math.floor %add3A_725 : vector<64x16xf32>
      %sub3A_727 = arith.subf %mul3A_722, %floor3A_726 : vector<64x16xf32>
      %mul3A_728 = arith.mulf %sub3A_727, %sub3A_727 : vector<64x16xf32>
      %mul3A_729 = arith.constant 6.57561159 : f32
      %mul3A_730 = vector.broadcast %mul3A_729 : f32 to vector<64x16xf32>
      %mul3A_731 = arith.mulf %mul3A_730, %mul3A_728 : vector<64x16xf32>
      %add3A_732 = arith.constant -26.0005283 : f32
      %add3A_733 = vector.broadcast %add3A_732 : f32 to vector<64x16xf32>
      %add3A_734 = arith.addf %mul3A_731, %add3A_733 : vector<64x16xf32>
      %mul3A_735 = arith.constant 3.21916986 : f32
      %mul3A_736 = vector.broadcast %mul3A_735 : f32 to vector<64x16xf32>
      %mul3A_737 = arith.mulf %mul3A_736, %mul3A_728 : vector<64x16xf32>
      %add3A_738 = arith.constant -14.8834724 : f32
      %add3A_739 = vector.broadcast %add3A_738 : f32 to vector<64x16xf32>
      %add3A_740 = arith.addf %mul3A_737, %add3A_739 : vector<64x16xf32>
      %mul3A_741 = arith.mulf %add3A_734, %mul3A_728 : vector<64x16xf32>
      %add3A_742 = arith.constant 60.1762314 : f32
      %add3A_743 = vector.broadcast %add3A_742 : f32 to vector<64x16xf32>
      %add3A_744 = arith.addf %mul3A_741, %add3A_743 : vector<64x16xf32>
      %mul3A_745 = arith.mulf %add3A_740, %mul3A_728 : vector<64x16xf32>
      %add3A_746 = arith.constant 4.202050e+01 : f32
      %add3A_747 = vector.broadcast %add3A_746 : f32 to vector<64x16xf32>
      %add3A_748 = arith.addf %mul3A_745, %add3A_747 : vector<64x16xf32>
      %mul3A_749 = arith.mulf %add3A_744, %mul3A_728 : vector<64x16xf32>
      %add3A_750 = arith.constant -85.4511642 : f32
      %add3A_751 = vector.broadcast %add3A_750 : f32 to vector<64x16xf32>
      %add3A_752 = arith.addf %mul3A_749, %add3A_751 : vector<64x16xf32>
      %mul3A_753 = arith.mulf %add3A_748, %mul3A_728 : vector<64x16xf32>
      %add3A_754 = arith.constant -76.7021561 : f32
      %add3A_755 = vector.broadcast %add3A_754 : f32 to vector<64x16xf32>
      %add3A_756 = arith.addf %mul3A_753, %add3A_755 : vector<64x16xf32>
      %mul3A_757 = arith.mulf %add3A_752, %mul3A_728 : vector<64x16xf32>
      %add3A_758 = arith.constant 64.9391708 : f32
      %add3A_759 = vector.broadcast %add3A_758 : f32 to vector<64x16xf32>
      %add3A_760 = arith.addf %mul3A_757, %add3A_759 : vector<64x16xf32>
      %mul3A_761 = arith.mulf %add3A_756, %mul3A_728 : vector<64x16xf32>
      %add3A_762 = arith.constant 81.6050644 : f32
      %add3A_763 = vector.broadcast %add3A_762 : f32 to vector<64x16xf32>
      %add3A_764 = arith.addf %mul3A_761, %add3A_763 : vector<64x16xf32>
      %mul3A_765 = arith.mulf %add3A_760, %mul3A_728 : vector<64x16xf32>
      %add3A_766 = arith.constant -19.7392063 : f32
      %add3A_767 = vector.broadcast %add3A_766 : f32 to vector<64x16xf32>
      %add3A_768 = arith.addf %mul3A_765, %add3A_767 : vector<64x16xf32>
      %mul3A_769 = arith.mulf %add3A_764, %mul3A_728 : vector<64x16xf32>
      %add3A_770 = arith.constant -41.3416977 : f32
      %add3A_771 = vector.broadcast %add3A_770 : f32 to vector<64x16xf32>
      %add3A_772 = arith.addf %mul3A_769, %add3A_771 : vector<64x16xf32>
      %mul3A_773 = arith.mulf %add3A_768, %mul3A_728 : vector<64x16xf32>
      %add3A_774 = arith.constant 1.000000e+00 : f32
      %add3A_775 = vector.broadcast %add3A_774 : f32 to vector<64x16xf32>
      %add3A_776 = arith.addf %mul3A_773, %add3A_775 : vector<64x16xf32>
      %mul3A_777 = arith.mulf %add3A_772, %mul3A_728 : vector<64x16xf32>
      %add3A_778 = arith.constant 6.28318548 : f32
      %add3A_779 = vector.broadcast %add3A_778 : f32 to vector<64x16xf32>
      %add3A_780 = arith.addf %mul3A_777, %add3A_779 : vector<64x16xf32>
      %mul3A_781 = arith.mulf %add3A_780, %sub3A_727 : vector<64x16xf32>
      %concatenate3A_782 = tpu.concatenate %add3A_776, %mul3A_781, %slice3A_713 in 1 : vector<64x16xf32>, vector<64x16xf32>, vector<64x1xf32> -> vector<64x33xf32>
      %get3A_783 = arith.index_cast %while3A_25 : i32 to index
      %get3A_784 = arith.constant 5 : index
      %get3A_785 = arith.constant 0 : index
      %get3A_786 = arith.constant 0 : index
      %get3A_787 = vector.load %arg6[%get3A_783, %get3A_784, %get3A_785, %get3A_786] : memref<8x8x33x512xf32, #tpu.memory_space<vmem>>, vector<1x1x33x512xf32>
      %get3A_788 = vector.shape_cast %get3A_787 : vector<1x1x33x512xf32> to vector<33x512xf32>
      %dot_general3A_789 = arith.constant dense<0.000000e+00> : vector<64x512xf32>
      %dot_general3A_790 = tpu.matmul %concatenate3A_782, %get3A_788, %dot_general3A_789 {dimension_numbers = #tpu.dot_dimension_numbers<[1], [0], [0], [1], [0, 0, 1, 1], [], []>, transpose_lhs_hint = false} : vector<64x33xf32>, vector<33x512xf32>, vector<64x512xf32> -> vector<64x512xf32>
      %get3A_791 = arith.index_cast %while3A_25 : i32 to index
      %get3A_792 = arith.constant 5 : index
      %get3A_793 = arith.constant 0 : index
      %get3A_794 = vector.load %arg7[%get3A_791, %get3A_792, %get3A_793] : memref<8x8x512xf32, #tpu.memory_space<vmem>>, vector<1x1x512xf32>
      %get3A_795 = vector.shape_cast %get3A_794 : vector<1x1x512xf32> to vector<512xf32>
      %broadcast_in_dim3A_796 = vector.shape_cast %get3A_795 : vector<512xf32> to vector<1x512xf32>
      %add3A_797 = vector.broadcast %broadcast_in_dim3A_796 : vector<1x512xf32> to vector<64x512xf32>
      %add3A_798 = arith.addf %dot_general3A_790, %add3A_797 : vector<64x512xf32>
      %reduce_sum3A_799 = arith.constant dense<0.000000e+00> : vector<64xf32>
      %reduce_sum3A_800 = vector.multi_reduction <add>, %add3A_798, %reduce_sum3A_799 [1] : vector<64x512xf32> to vector<64xf32>
      %broadcast_in_dim3A_801 = vector.shape_cast %reduce_sum3A_800 : vector<64xf32> to vector<64x1xf32>
      %div3A_802 = arith.constant 5.120000e+02 : f32
      %div3A_803 = vector.broadcast %div3A_802 : f32 to vector<64x1xf32>
      %div3A_804 = arith.divf %broadcast_in_dim3A_801, %div3A_803 : vector<64x1xf32>
      %mul3A_805 = arith.mulf %add3A_798, %add3A_798 : vector<64x512xf32>
      %reduce_sum3A_806 = arith.constant dense<0.000000e+00> : vector<64xf32>
      %reduce_sum3A_807 = vector.multi_reduction <add>, %mul3A_805, %reduce_sum3A_806 [1] : vector<64x512xf32> to vector<64xf32>
      %broadcast_in_dim3A_808 = vector.shape_cast %reduce_sum3A_807 : vector<64xf32> to vector<64x1xf32>
      %div3A_809 = arith.constant 5.120000e+02 : f32
      %div3A_810 = vector.broadcast %div3A_809 : f32 to vector<64x1xf32>
      %div3A_811 = arith.divf %broadcast_in_dim3A_808, %div3A_810 : vector<64x1xf32>
      %mul3A_812 = arith.mulf %div3A_804, %div3A_804 : vector<64x1xf32>
      %sub3A_813 = arith.subf %div3A_811, %mul3A_812 : vector<64x1xf32>
      %sub3A_814 = vector.broadcast %div3A_804 : vector<64x1xf32> to vector<64x512xf32>
      %sub3A_815 = arith.subf %add3A_798, %sub3A_814 : vector<64x512xf32>
      %add3A_816 = arith.constant 9.99999974E-6 : f32
      %add3A_817 = vector.broadcast %add3A_816 : f32 to vector<64x1xf32>
      %add3A_818 = arith.addf %sub3A_813, %add3A_817 : vector<64x1xf32>
      %rsqrt3A_819 = math.rsqrt %add3A_818 : vector<64x1xf32>
      %mul3A_820 = vector.broadcast %rsqrt3A_819 : vector<64x1xf32> to vector<64x512xf32>
      %mul3A_821 = arith.mulf %sub3A_815, %mul3A_820 : vector<64x512xf32>
      %get3A_822 = arith.index_cast %while3A_25 : i32 to index
      %get3A_823 = arith.constant 5 : index
      %get3A_824 = arith.constant 0 : index
      %get3A_825 = vector.load %arg8[%get3A_822, %get3A_823, %get3A_824] : memref<8x8x512xf32, #tpu.memory_space<vmem>>, vector<1x1x512xf32>
      %get3A_826 = vector.shape_cast %get3A_825 : vector<1x1x512xf32> to vector<512xf32>
      %broadcast_in_dim3A_827 = vector.shape_cast %get3A_826 : vector<512xf32> to vector<1x512xf32>
      %mul3A_828 = vector.broadcast %broadcast_in_dim3A_827 : vector<1x512xf32> to vector<64x512xf32>
      %mul3A_829 = arith.mulf %mul3A_821, %mul3A_828 : vector<64x512xf32>
      %get3A_830 = arith.index_cast %while3A_25 : i32 to index
      %get3A_831 = arith.constant 5 : index
      %get3A_832 = arith.constant 0 : index
      %get3A_833 = vector.load %arg9[%get3A_830, %get3A_831, %get3A_832] : memref<8x8x512xf32, #tpu.memory_space<vmem>>, vector<1x1x512xf32>
      %get3A_834 = vector.shape_cast %get3A_833 : vector<1x1x512xf32> to vector<512xf32>
      %broadcast_in_dim3A_835 = vector.shape_cast %get3A_834 : vector<512xf32> to vector<1x512xf32>
      %add3A_836 = vector.broadcast %broadcast_in_dim3A_835 : vector<1x512xf32> to vector<64x512xf32>
      %add3A_837 = arith.addf %mul3A_829, %add3A_836 : vector<64x512xf32>
      %mul3A_838 = arith.constant 5.000000e-01 : f32
      %mul3A_839 = vector.broadcast %mul3A_838 : f32 to vector<64x512xf32>
      %mul3A_840 = arith.mulf %mul3A_839, %add3A_837 : vector<64x512xf32>
      %mul3A_841 = arith.constant 0.707106769 : f32
      %mul3A_842 = vector.broadcast %mul3A_841 : f32 to vector<64x512xf32>
      %mul3A_843 = arith.mulf %add3A_837, %mul3A_842 : vector<64x512xf32>
      %erf3A_844 = math.erf %mul3A_843 : vector<64x512xf32>
      %add3A_845 = arith.constant 1.000000e+00 : f32
      %add3A_846 = vector.broadcast %add3A_845 : f32 to vector<64x512xf32>
      %add3A_847 = arith.addf %add3A_846, %erf3A_844 : vector<64x512xf32>
      %mul3A_848 = arith.mulf %mul3A_840, %add3A_847 : vector<64x512xf32>
      %add3A_849 = arith.addf %add3A_712, %mul3A_848 : vector<64x512xf32>
      %slice3A_850 = vector.extract_strided_slice %get3A_1 {offsets = [0, 6], sizes = [64, 1], strides = [1, 1]} : vector<64x8xf32> to vector<64x1xf32>
      %get3A_851 = arith.index_cast %while3A_25 : i32 to index
      %get3A_852 = arith.constant 6 : index
      %get3A_853 = arith.constant 0 : index
      %get3A_854 = vector.load %arg5[%get3A_851, %get3A_852, %get3A_853] : memref<8x8x16xf32, #tpu.memory_space<vmem>>, vector<1x1x16xf32>
      %get3A_855 = vector.shape_cast %get3A_854 : vector<1x1x16xf32> to vector<16xf32>
      %broadcast_in_dim3A_856 = vector.shape_cast %get3A_855 : vector<16xf32> to vector<1x16xf32>
      %mul3A_857 = vector.broadcast %slice3A_850 : vector<64x1xf32> to vector<64x16xf32>
      %mul3A_858 = vector.broadcast %broadcast_in_dim3A_856 : vector<1x16xf32> to vector<64x16xf32>
      %mul3A_859 = arith.mulf %mul3A_857, %mul3A_858 : vector<64x16xf32>
      %add3A_860 = arith.constant 5.000000e-01 : f32
      %add3A_861 = vector.broadcast %add3A_860 : f32 to vector<64x16xf32>
      %add3A_862 = arith.addf %mul3A_859, %add3A_861 : vector<64x16xf32>
      %floor3A_863 = math.floor %add3A_862 : vector<64x16xf32>
      %sub3A_864 = arith.subf %mul3A_859, %floor3A_863 : vector<64x16xf32>
      %mul3A_865 = arith.mulf %sub3A_864, %sub3A_864 : vector<64x16xf32>
      %mul3A_866 = arith.constant 6.57561159 : f32
      %mul3A_867 = vector.broadcast %mul3A_866 : f32 to vector<64x16xf32>
      %mul3A_868 = arith.mulf %mul3A_867, %mul3A_865 : vector<64x16xf32>
      %add3A_869 = arith.constant -26.0005283 : f32
      %add3A_870 = vector.broadcast %add3A_869 : f32 to vector<64x16xf32>
      %add3A_871 = arith.addf %mul3A_868, %add3A_870 : vector<64x16xf32>
      %mul3A_872 = arith.constant 3.21916986 : f32
      %mul3A_873 = vector.broadcast %mul3A_872 : f32 to vector<64x16xf32>
      %mul3A_874 = arith.mulf %mul3A_873, %mul3A_865 : vector<64x16xf32>
      %add3A_875 = arith.constant -14.8834724 : f32
      %add3A_876 = vector.broadcast %add3A_875 : f32 to vector<64x16xf32>
      %add3A_877 = arith.addf %mul3A_874, %add3A_876 : vector<64x16xf32>
      %mul3A_878 = arith.mulf %add3A_871, %mul3A_865 : vector<64x16xf32>
      %add3A_879 = arith.constant 60.1762314 : f32
      %add3A_880 = vector.broadcast %add3A_879 : f32 to vector<64x16xf32>
      %add3A_881 = arith.addf %mul3A_878, %add3A_880 : vector<64x16xf32>
      %mul3A_882 = arith.mulf %add3A_877, %mul3A_865 : vector<64x16xf32>
      %add3A_883 = arith.constant 4.202050e+01 : f32
      %add3A_884 = vector.broadcast %add3A_883 : f32 to vector<64x16xf32>
      %add3A_885 = arith.addf %mul3A_882, %add3A_884 : vector<64x16xf32>
      %mul3A_886 = arith.mulf %add3A_881, %mul3A_865 : vector<64x16xf32>
      %add3A_887 = arith.constant -85.4511642 : f32
      %add3A_888 = vector.broadcast %add3A_887 : f32 to vector<64x16xf32>
      %add3A_889 = arith.addf %mul3A_886, %add3A_888 : vector<64x16xf32>
      %mul3A_890 = arith.mulf %add3A_885, %mul3A_865 : vector<64x16xf32>
      %add3A_891 = arith.constant -76.7021561 : f32
      %add3A_892 = vector.broadcast %add3A_891 : f32 to vector<64x16xf32>
      %add3A_893 = arith.addf %mul3A_890, %add3A_892 : vector<64x16xf32>
      %mul3A_894 = arith.mulf %add3A_889, %mul3A_865 : vector<64x16xf32>
      %add3A_895 = arith.constant 64.9391708 : f32
      %add3A_896 = vector.broadcast %add3A_895 : f32 to vector<64x16xf32>
      %add3A_897 = arith.addf %mul3A_894, %add3A_896 : vector<64x16xf32>
      %mul3A_898 = arith.mulf %add3A_893, %mul3A_865 : vector<64x16xf32>
      %add3A_899 = arith.constant 81.6050644 : f32
      %add3A_900 = vector.broadcast %add3A_899 : f32 to vector<64x16xf32>
      %add3A_901 = arith.addf %mul3A_898, %add3A_900 : vector<64x16xf32>
      %mul3A_902 = arith.mulf %add3A_897, %mul3A_865 : vector<64x16xf32>
      %add3A_903 = arith.constant -19.7392063 : f32
      %add3A_904 = vector.broadcast %add3A_903 : f32 to vector<64x16xf32>
      %add3A_905 = arith.addf %mul3A_902, %add3A_904 : vector<64x16xf32>
      %mul3A_906 = arith.mulf %add3A_901, %mul3A_865 : vector<64x16xf32>
      %add3A_907 = arith.constant -41.3416977 : f32
      %add3A_908 = vector.broadcast %add3A_907 : f32 to vector<64x16xf32>
      %add3A_909 = arith.addf %mul3A_906, %add3A_908 : vector<64x16xf32>
      %mul3A_910 = arith.mulf %add3A_905, %mul3A_865 : vector<64x16xf32>
      %add3A_911 = arith.constant 1.000000e+00 : f32
      %add3A_912 = vector.broadcast %add3A_911 : f32 to vector<64x16xf32>
      %add3A_913 = arith.addf %mul3A_910, %add3A_912 : vector<64x16xf32>
      %mul3A_914 = arith.mulf %add3A_909, %mul3A_865 : vector<64x16xf32>
      %add3A_915 = arith.constant 6.28318548 : f32
      %add3A_916 = vector.broadcast %add3A_915 : f32 to vector<64x16xf32>
      %add3A_917 = arith.addf %mul3A_914, %add3A_916 : vector<64x16xf32>
      %mul3A_918 = arith.mulf %add3A_917, %sub3A_864 : vector<64x16xf32>
      %concatenate3A_919 = tpu.concatenate %add3A_913, %mul3A_918, %slice3A_850 in 1 : vector<64x16xf32>, vector<64x16xf32>, vector<64x1xf32> -> vector<64x33xf32>
      %get3A_920 = arith.index_cast %while3A_25 : i32 to index
      %get3A_921 = arith.constant 6 : index
      %get3A_922 = arith.constant 0 : index
      %get3A_923 = arith.constant 0 : index
      %get3A_924 = vector.load %arg6[%get3A_920, %get3A_921, %get3A_922, %get3A_923] : memref<8x8x33x512xf32, #tpu.memory_space<vmem>>, vector<1x1x33x512xf32>
      %get3A_925 = vector.shape_cast %get3A_924 : vector<1x1x33x512xf32> to vector<33x512xf32>
      %dot_general3A_926 = arith.constant dense<0.000000e+00> : vector<64x512xf32>
      %dot_general3A_927 = tpu.matmul %concatenate3A_919, %get3A_925, %dot_general3A_926 {dimension_numbers = #tpu.dot_dimension_numbers<[1], [0], [0], [1], [0, 0, 1, 1], [], []>, transpose_lhs_hint = false} : vector<64x33xf32>, vector<33x512xf32>, vector<64x512xf32> -> vector<64x512xf32>
      %get3A_928 = arith.index_cast %while3A_25 : i32 to index
      %get3A_929 = arith.constant 6 : index
      %get3A_930 = arith.constant 0 : index
      %get3A_931 = vector.load %arg7[%get3A_928, %get3A_929, %get3A_930] : memref<8x8x512xf32, #tpu.memory_space<vmem>>, vector<1x1x512xf32>
      %get3A_932 = vector.shape_cast %get3A_931 : vector<1x1x512xf32> to vector<512xf32>
      %broadcast_in_dim3A_933 = vector.shape_cast %get3A_932 : vector<512xf32> to vector<1x512xf32>
      %add3A_934 = vector.broadcast %broadcast_in_dim3A_933 : vector<1x512xf32> to vector<64x512xf32>
      %add3A_935 = arith.addf %dot_general3A_927, %add3A_934 : vector<64x512xf32>
      %reduce_sum3A_936 = arith.constant dense<0.000000e+00> : vector<64xf32>
      %reduce_sum3A_937 = vector.multi_reduction <add>, %add3A_935, %reduce_sum3A_936 [1] : vector<64x512xf32> to vector<64xf32>
      %broadcast_in_dim3A_938 = vector.shape_cast %reduce_sum3A_937 : vector<64xf32> to vector<64x1xf32>
      %div3A_939 = arith.constant 5.120000e+02 : f32
      %div3A_940 = vector.broadcast %div3A_939 : f32 to vector<64x1xf32>
      %div3A_941 = arith.divf %broadcast_in_dim3A_938, %div3A_940 : vector<64x1xf32>
      %mul3A_942 = arith.mulf %add3A_935, %add3A_935 : vector<64x512xf32>
      %reduce_sum3A_943 = arith.constant dense<0.000000e+00> : vector<64xf32>
      %reduce_sum3A_944 = vector.multi_reduction <add>, %mul3A_942, %reduce_sum3A_943 [1] : vector<64x512xf32> to vector<64xf32>
      %broadcast_in_dim3A_945 = vector.shape_cast %reduce_sum3A_944 : vector<64xf32> to vector<64x1xf32>
      %div3A_946 = arith.constant 5.120000e+02 : f32
      %div3A_947 = vector.broadcast %div3A_946 : f32 to vector<64x1xf32>
      %div3A_948 = arith.divf %broadcast_in_dim3A_945, %div3A_947 : vector<64x1xf32>
      %mul3A_949 = arith.mulf %div3A_941, %div3A_941 : vector<64x1xf32>
      %sub3A_950 = arith.subf %div3A_948, %mul3A_949 : vector<64x1xf32>
      %sub3A_951 = vector.broadcast %div3A_941 : vector<64x1xf32> to vector<64x512xf32>
      %sub3A_952 = arith.subf %add3A_935, %sub3A_951 : vector<64x512xf32>
      %add3A_953 = arith.constant 9.99999974E-6 : f32
      %add3A_954 = vector.broadcast %add3A_953 : f32 to vector<64x1xf32>
      %add3A_955 = arith.addf %sub3A_950, %add3A_954 : vector<64x1xf32>
      %rsqrt3A_956 = math.rsqrt %add3A_955 : vector<64x1xf32>
      %mul3A_957 = vector.broadcast %rsqrt3A_956 : vector<64x1xf32> to vector<64x512xf32>
      %mul3A_958 = arith.mulf %sub3A_952, %mul3A_957 : vector<64x512xf32>
      %get3A_959 = arith.index_cast %while3A_25 : i32 to index
      %get3A_960 = arith.constant 6 : index
      %get3A_961 = arith.constant 0 : index
      %get3A_962 = vector.load %arg8[%get3A_959, %get3A_960, %get3A_961] : memref<8x8x512xf32, #tpu.memory_space<vmem>>, vector<1x1x512xf32>
      %get3A_963 = vector.shape_cast %get3A_962 : vector<1x1x512xf32> to vector<512xf32>
      %broadcast_in_dim3A_964 = vector.shape_cast %get3A_963 : vector<512xf32> to vector<1x512xf32>
      %mul3A_965 = vector.broadcast %broadcast_in_dim3A_964 : vector<1x512xf32> to vector<64x512xf32>
      %mul3A_966 = arith.mulf %mul3A_958, %mul3A_965 : vector<64x512xf32>
      %get3A_967 = arith.index_cast %while3A_25 : i32 to index
      %get3A_968 = arith.constant 6 : index
      %get3A_969 = arith.constant 0 : index
      %get3A_970 = vector.load %arg9[%get3A_967, %get3A_968, %get3A_969] : memref<8x8x512xf32, #tpu.memory_space<vmem>>, vector<1x1x512xf32>
      %get3A_971 = vector.shape_cast %get3A_970 : vector<1x1x512xf32> to vector<512xf32>
      %broadcast_in_dim3A_972 = vector.shape_cast %get3A_971 : vector<512xf32> to vector<1x512xf32>
      %add3A_973 = vector.broadcast %broadcast_in_dim3A_972 : vector<1x512xf32> to vector<64x512xf32>
      %add3A_974 = arith.addf %mul3A_966, %add3A_973 : vector<64x512xf32>
      %mul3A_975 = arith.constant 5.000000e-01 : f32
      %mul3A_976 = vector.broadcast %mul3A_975 : f32 to vector<64x512xf32>
      %mul3A_977 = arith.mulf %mul3A_976, %add3A_974 : vector<64x512xf32>
      %mul3A_978 = arith.constant 0.707106769 : f32
      %mul3A_979 = vector.broadcast %mul3A_978 : f32 to vector<64x512xf32>
      %mul3A_980 = arith.mulf %add3A_974, %mul3A_979 : vector<64x512xf32>
      %erf3A_981 = math.erf %mul3A_980 : vector<64x512xf32>
      %add3A_982 = arith.constant 1.000000e+00 : f32
      %add3A_983 = vector.broadcast %add3A_982 : f32 to vector<64x512xf32>
      %add3A_984 = arith.addf %add3A_983, %erf3A_981 : vector<64x512xf32>
      %mul3A_985 = arith.mulf %mul3A_977, %add3A_984 : vector<64x512xf32>
      %add3A_986 = arith.addf %add3A_849, %mul3A_985 : vector<64x512xf32>
      %slice3A_987 = vector.extract_strided_slice %get3A_1 {offsets = [0, 7], sizes = [64, 1], strides = [1, 1]} : vector<64x8xf32> to vector<64x1xf32>
      %get3A_988 = arith.index_cast %while3A_25 : i32 to index
      %get3A_989 = arith.constant 7 : index
      %get3A_990 = arith.constant 0 : index
      %get3A_991 = vector.load %arg5[%get3A_988, %get3A_989, %get3A_990] : memref<8x8x16xf32, #tpu.memory_space<vmem>>, vector<1x1x16xf32>
      %get3A_992 = vector.shape_cast %get3A_991 : vector<1x1x16xf32> to vector<16xf32>
      %broadcast_in_dim3A_993 = vector.shape_cast %get3A_992 : vector<16xf32> to vector<1x16xf32>
      %mul3A_994 = vector.broadcast %slice3A_987 : vector<64x1xf32> to vector<64x16xf32>
      %mul3A_995 = vector.broadcast %broadcast_in_dim3A_993 : vector<1x16xf32> to vector<64x16xf32>
      %mul3A_996 = arith.mulf %mul3A_994, %mul3A_995 : vector<64x16xf32>
      %add3A_997 = arith.constant 5.000000e-01 : f32
      %add3A_998 = vector.broadcast %add3A_997 : f32 to vector<64x16xf32>
      %add3A_999 = arith.addf %mul3A_996, %add3A_998 : vector<64x16xf32>
      %floor3A_1000 = math.floor %add3A_999 : vector<64x16xf32>
      %sub3A_1001 = arith.subf %mul3A_996, %floor3A_1000 : vector<64x16xf32>
      %mul3A_1002 = arith.mulf %sub3A_1001, %sub3A_1001 : vector<64x16xf32>
      %mul3A_1003 = arith.constant 6.57561159 : f32
      %mul3A_1004 = vector.broadcast %mul3A_1003 : f32 to vector<64x16xf32>
      %mul3A_1005 = arith.mulf %mul3A_1004, %mul3A_1002 : vector<64x16xf32>
      %add3A_1006 = arith.constant -26.0005283 : f32
      %add3A_1007 = vector.broadcast %add3A_1006 : f32 to vector<64x16xf32>
      %add3A_1008 = arith.addf %mul3A_1005, %add3A_1007 : vector<64x16xf32>
      %mul3A_1009 = arith.constant 3.21916986 : f32
      %mul3A_1010 = vector.broadcast %mul3A_1009 : f32 to vector<64x16xf32>
      %mul3A_1011 = arith.mulf %mul3A_1010, %mul3A_1002 : vector<64x16xf32>
      %add3A_1012 = arith.constant -14.8834724 : f32
      %add3A_1013 = vector.broadcast %add3A_1012 : f32 to vector<64x16xf32>
      %add3A_1014 = arith.addf %mul3A_1011, %add3A_1013 : vector<64x16xf32>
      %mul3A_1015 = arith.mulf %add3A_1008, %mul3A_1002 : vector<64x16xf32>
      %add3A_1016 = arith.constant 60.1762314 : f32
      %add3A_1017 = vector.broadcast %add3A_1016 : f32 to vector<64x16xf32>
      %add3A_1018 = arith.addf %mul3A_1015, %add3A_1017 : vector<64x16xf32>
      %mul3A_1019 = arith.mulf %add3A_1014, %mul3A_1002 : vector<64x16xf32>
      %add3A_1020 = arith.constant 4.202050e+01 : f32
      %add3A_1021 = vector.broadcast %add3A_1020 : f32 to vector<64x16xf32>
      %add3A_1022 = arith.addf %mul3A_1019, %add3A_1021 : vector<64x16xf32>
      %mul3A_1023 = arith.mulf %add3A_1018, %mul3A_1002 : vector<64x16xf32>
      %add3A_1024 = arith.constant -85.4511642 : f32
      %add3A_1025 = vector.broadcast %add3A_1024 : f32 to vector<64x16xf32>
      %add3A_1026 = arith.addf %mul3A_1023, %add3A_1025 : vector<64x16xf32>
      %mul3A_1027 = arith.mulf %add3A_1022, %mul3A_1002 : vector<64x16xf32>
      %add3A_1028 = arith.constant -76.7021561 : f32
      %add3A_1029 = vector.broadcast %add3A_1028 : f32 to vector<64x16xf32>
      %add3A_1030 = arith.addf %mul3A_1027, %add3A_1029 : vector<64x16xf32>
      %mul3A_1031 = arith.mulf %add3A_1026, %mul3A_1002 : vector<64x16xf32>
      %add3A_1032 = arith.constant 64.9391708 : f32
      %add3A_1033 = vector.broadcast %add3A_1032 : f32 to vector<64x16xf32>
      %add3A_1034 = arith.addf %mul3A_1031, %add3A_1033 : vector<64x16xf32>
      %mul3A_1035 = arith.mulf %add3A_1030, %mul3A_1002 : vector<64x16xf32>
      %add3A_1036 = arith.constant 81.6050644 : f32
      %add3A_1037 = vector.broadcast %add3A_1036 : f32 to vector<64x16xf32>
      %add3A_1038 = arith.addf %mul3A_1035, %add3A_1037 : vector<64x16xf32>
      %mul3A_1039 = arith.mulf %add3A_1034, %mul3A_1002 : vector<64x16xf32>
      %add3A_1040 = arith.constant -19.7392063 : f32
      %add3A_1041 = vector.broadcast %add3A_1040 : f32 to vector<64x16xf32>
      %add3A_1042 = arith.addf %mul3A_1039, %add3A_1041 : vector<64x16xf32>
      %mul3A_1043 = arith.mulf %add3A_1038, %mul3A_1002 : vector<64x16xf32>
      %add3A_1044 = arith.constant -41.3416977 : f32
      %add3A_1045 = vector.broadcast %add3A_1044 : f32 to vector<64x16xf32>
      %add3A_1046 = arith.addf %mul3A_1043, %add3A_1045 : vector<64x16xf32>
      %mul3A_1047 = arith.mulf %add3A_1042, %mul3A_1002 : vector<64x16xf32>
      %add3A_1048 = arith.constant 1.000000e+00 : f32
      %add3A_1049 = vector.broadcast %add3A_1048 : f32 to vector<64x16xf32>
      %add3A_1050 = arith.addf %mul3A_1047, %add3A_1049 : vector<64x16xf32>
      %mul3A_1051 = arith.mulf %add3A_1046, %mul3A_1002 : vector<64x16xf32>
      %add3A_1052 = arith.constant 6.28318548 : f32
      %add3A_1053 = vector.broadcast %add3A_1052 : f32 to vector<64x16xf32>
      %add3A_1054 = arith.addf %mul3A_1051, %add3A_1053 : vector<64x16xf32>
      %mul3A_1055 = arith.mulf %add3A_1054, %sub3A_1001 : vector<64x16xf32>
      %concatenate3A_1056 = tpu.concatenate %add3A_1050, %mul3A_1055, %slice3A_987 in 1 : vector<64x16xf32>, vector<64x16xf32>, vector<64x1xf32> -> vector<64x33xf32>
      %get3A_1057 = arith.index_cast %while3A_25 : i32 to index
      %get3A_1058 = arith.constant 7 : index
      %get3A_1059 = arith.constant 0 : index
      %get3A_1060 = arith.constant 0 : index
      %get3A_1061 = vector.load %arg6[%get3A_1057, %get3A_1058, %get3A_1059, %get3A_1060] : memref<8x8x33x512xf32, #tpu.memory_space<vmem>>, vector<1x1x33x512xf32>
      %get3A_1062 = vector.shape_cast %get3A_1061 : vector<1x1x33x512xf32> to vector<33x512xf32>
      %dot_general3A_1063 = arith.constant dense<0.000000e+00> : vector<64x512xf32>
      %dot_general3A_1064 = tpu.matmul %concatenate3A_1056, %get3A_1062, %dot_general3A_1063 {dimension_numbers = #tpu.dot_dimension_numbers<[1], [0], [0], [1], [0, 0, 1, 1], [], []>, transpose_lhs_hint = false} : vector<64x33xf32>, vector<33x512xf32>, vector<64x512xf32> -> vector<64x512xf32>
      %get3A_1065 = arith.index_cast %while3A_25 : i32 to index
      %get3A_1066 = arith.constant 7 : index
      %get3A_1067 = arith.constant 0 : index
      %get3A_1068 = vector.load %arg7[%get3A_1065, %get3A_1066, %get3A_1067] : memref<8x8x512xf32, #tpu.memory_space<vmem>>, vector<1x1x512xf32>
      %get3A_1069 = vector.shape_cast %get3A_1068 : vector<1x1x512xf32> to vector<512xf32>
      %broadcast_in_dim3A_1070 = vector.shape_cast %get3A_1069 : vector<512xf32> to vector<1x512xf32>
      %add3A_1071 = vector.broadcast %broadcast_in_dim3A_1070 : vector<1x512xf32> to vector<64x512xf32>
      %add3A_1072 = arith.addf %dot_general3A_1064, %add3A_1071 : vector<64x512xf32>
      %reduce_sum3A_1073 = arith.constant dense<0.000000e+00> : vector<64xf32>
      %reduce_sum3A_1074 = vector.multi_reduction <add>, %add3A_1072, %reduce_sum3A_1073 [1] : vector<64x512xf32> to vector<64xf32>
      %broadcast_in_dim3A_1075 = vector.shape_cast %reduce_sum3A_1074 : vector<64xf32> to vector<64x1xf32>
      %div3A_1076 = arith.constant 5.120000e+02 : f32
      %div3A_1077 = vector.broadcast %div3A_1076 : f32 to vector<64x1xf32>
      %div3A_1078 = arith.divf %broadcast_in_dim3A_1075, %div3A_1077 : vector<64x1xf32>
      %mul3A_1079 = arith.mulf %add3A_1072, %add3A_1072 : vector<64x512xf32>
      %reduce_sum3A_1080 = arith.constant dense<0.000000e+00> : vector<64xf32>
      %reduce_sum3A_1081 = vector.multi_reduction <add>, %mul3A_1079, %reduce_sum3A_1080 [1] : vector<64x512xf32> to vector<64xf32>
      %broadcast_in_dim3A_1082 = vector.shape_cast %reduce_sum3A_1081 : vector<64xf32> to vector<64x1xf32>
      %div3A_1083 = arith.constant 5.120000e+02 : f32
      %div3A_1084 = vector.broadcast %div3A_1083 : f32 to vector<64x1xf32>
      %div3A_1085 = arith.divf %broadcast_in_dim3A_1082, %div3A_1084 : vector<64x1xf32>
      %mul3A_1086 = arith.mulf %div3A_1078, %div3A_1078 : vector<64x1xf32>
      %sub3A_1087 = arith.subf %div3A_1085, %mul3A_1086 : vector<64x1xf32>
      %sub3A_1088 = vector.broadcast %div3A_1078 : vector<64x1xf32> to vector<64x512xf32>
      %sub3A_1089 = arith.subf %add3A_1072, %sub3A_1088 : vector<64x512xf32>
      %add3A_1090 = arith.constant 9.99999974E-6 : f32
      %add3A_1091 = vector.broadcast %add3A_1090 : f32 to vector<64x1xf32>
      %add3A_1092 = arith.addf %sub3A_1087, %add3A_1091 : vector<64x1xf32>
      %rsqrt3A_1093 = math.rsqrt %add3A_1092 : vector<64x1xf32>
      %mul3A_1094 = vector.broadcast %rsqrt3A_1093 : vector<64x1xf32> to vector<64x512xf32>
      %mul3A_1095 = arith.mulf %sub3A_1089, %mul3A_1094 : vector<64x512xf32>
      %get3A_1096 = arith.index_cast %while3A_25 : i32 to index
      %get3A_1097 = arith.constant 7 : index
      %get3A_1098 = arith.constant 0 : index
      %get3A_1099 = vector.load %arg8[%get3A_1096, %get3A_1097, %get3A_1098] : memref<8x8x512xf32, #tpu.memory_space<vmem>>, vector<1x1x512xf32>
      %get3A_1100 = vector.shape_cast %get3A_1099 : vector<1x1x512xf32> to vector<512xf32>
      %broadcast_in_dim3A_1101 = vector.shape_cast %get3A_1100 : vector<512xf32> to vector<1x512xf32>
      %mul3A_1102 = vector.broadcast %broadcast_in_dim3A_1101 : vector<1x512xf32> to vector<64x512xf32>
      %mul3A_1103 = arith.mulf %mul3A_1095, %mul3A_1102 : vector<64x512xf32>
      %get3A_1104 = arith.index_cast %while3A_25 : i32 to index
      %get3A_1105 = arith.constant 7 : index
      %get3A_1106 = arith.constant 0 : index
      %get3A_1107 = vector.load %arg9[%get3A_1104, %get3A_1105, %get3A_1106] : memref<8x8x512xf32, #tpu.memory_space<vmem>>, vector<1x1x512xf32>
      %get3A_1108 = vector.shape_cast %get3A_1107 : vector<1x1x512xf32> to vector<512xf32>
      %broadcast_in_dim3A_1109 = vector.shape_cast %get3A_1108 : vector<512xf32> to vector<1x512xf32>
      %add3A_1110 = vector.broadcast %broadcast_in_dim3A_1109 : vector<1x512xf32> to vector<64x512xf32>
      %add3A_1111 = arith.addf %mul3A_1103, %add3A_1110 : vector<64x512xf32>
      %mul3A_1112 = arith.constant 5.000000e-01 : f32
      %mul3A_1113 = vector.broadcast %mul3A_1112 : f32 to vector<64x512xf32>
      %mul3A_1114 = arith.mulf %mul3A_1113, %add3A_1111 : vector<64x512xf32>
      %mul3A_1115 = arith.constant 0.707106769 : f32
      %mul3A_1116 = vector.broadcast %mul3A_1115 : f32 to vector<64x512xf32>
      %mul3A_1117 = arith.mulf %add3A_1111, %mul3A_1116 : vector<64x512xf32>
      %erf3A_1118 = math.erf %mul3A_1117 : vector<64x512xf32>
      %add3A_1119 = arith.constant 1.000000e+00 : f32
      %add3A_1120 = vector.broadcast %add3A_1119 : f32 to vector<64x512xf32>
      %add3A_1121 = arith.addf %add3A_1120, %erf3A_1118 : vector<64x512xf32>
      %mul3A_1122 = arith.mulf %mul3A_1114, %add3A_1121 : vector<64x512xf32>
      %add3A_1123 = arith.addf %add3A_986, %mul3A_1122 : vector<64x512xf32>
      %get3A_1124 = arith.index_cast %while3A_25 : i32 to index
      %get3A_1125 = arith.constant 0 : index
      %get3A_1126 = arith.constant 0 : index
      %get3A_1127 = vector.load %arg10[%get3A_1124, %get3A_1125, %get3A_1126] : memref<8x512x512xf32, #tpu.memory_space<vmem>>, vector<1x512x512xf32>
      %get3A_1128 = vector.shape_cast %get3A_1127 : vector<1x512x512xf32> to vector<512x512xf32>
      %dot_general3A_1129 = arith.constant dense<0.000000e+00> : vector<64x512xf32>
      %dot_general3A_1130 = tpu.matmul %add3A_1123, %get3A_1128, %dot_general3A_1129 {dimension_numbers = #tpu.dot_dimension_numbers<[1], [0], [0], [1], [0, 0, 1, 1], [], []>, transpose_lhs_hint = false} : vector<64x512xf32>, vector<512x512xf32>, vector<64x512xf32> -> vector<64x512xf32>
      %get3A_1131 = arith.index_cast %while3A_25 : i32 to index
      %get3A_1132 = arith.constant 0 : index
      %get3A_1133 = vector.load %arg11[%get3A_1131, %get3A_1132] : memref<8x512xf32, #tpu.memory_space<vmem>>, vector<1x512xf32>
      %get3A_1134 = vector.shape_cast %get3A_1133 : vector<1x512xf32> to vector<512xf32>
      %broadcast_in_dim3A_1135 = vector.shape_cast %get3A_1134 : vector<512xf32> to vector<1x512xf32>
      %add3A_1136 = vector.broadcast %broadcast_in_dim3A_1135 : vector<1x512xf32> to vector<64x512xf32>
      %add3A_1137 = arith.addf %dot_general3A_1130, %add3A_1136 : vector<64x512xf32>
      %mul3A_1138 = vector.broadcast %get3A_4 : vector<64x1xf32> to vector<64x512xf32>
      %mul3A_1139 = arith.mulf %mul3A_1138, %add3A_1137 : vector<64x512xf32>
      %jit3A = arith.constant 0.000000e+00 : f32
      %broadcast_in_dim3A_1140 = vector.shape_cast %and3A : vector<64x1xi1> to vector<64x1xi1>
      %broadcast_in_dim3A_1141 = vector.broadcast %broadcast_in_dim3A_1140 : vector<64x1xi1> to vector<64x512xi1>
      %broadcast_in_dim3A_1142 = vector.broadcast %jit3A : f32 to vector<64x512xf32>
      %select_n3A = arith.select %broadcast_in_dim3A_1141, %mul3A_1139, %broadcast_in_dim3A_1142 : vector<64x512xi1>, vector<64x512xf32>
      %add3A_1143 = arith.addf %while3A_26, %select_n3A : vector<64x512xf32>
      scf.yield %add3A_1143 : vector<64x512xf32>
    }
    %swap3A = arith.constant 0 : index
    %swap3A_23 = arith.constant 0 : index
    %swap3A_24 = vector.load %arg12[%swap3A, %swap3A_23] : memref<64x512xf32, #tpu.memory_space<vmem>>, vector<64x512xf32>
    tpu.vector_store %arg12[%swap3A, %swap3A_23], %while3A_22 {strides = array<i32>} : memref<64x512xf32, #tpu.memory_space<vmem>>, vector<64x512xf32>,
    return
  }
  func.func @transform_0(%arg0: i32, %arg1: memref<16xi32, #tpu.memory_space<smem>>, %arg2: memref<128xi32, #tpu.memory_space<smem>>, %arg3: memref<128xi32, #tpu.memory_space<smem>>) -> (i32, i32) {
    %c0_i32 = arith.constant 0 : i32
    %c0_i32_0 = arith.constant 0 : i32
    return %arg0, %c0_i32 : i32, i32
  }
  func.func @transform_1(%arg0: i32, %arg1: memref<16xi32, #tpu.memory_space<smem>>, %arg2: memref<128xi32, #tpu.memory_space<smem>>, %arg3: memref<128xi32, #tpu.memory_space<smem>>) -> (i32, i32, i32) {
    %c0_i32 = arith.constant 0 : i32
    %c0_i32_0 = arith.constant 0 : i32
    %c0_i32_1 = arith.constant 0 : i32
    %c0_i32_2 = arith.constant 0 : i32
    return %c0_i32, %c0_i32_0, %c0_i32_1 : i32, i32, i32
  }
  func.func @transform_2(%arg0: i32, %arg1: memref<16xi32, #tpu.memory_space<smem>>, %arg2: memref<128xi32, #tpu.memory_space<smem>>, %arg3: memref<128xi32, #tpu.memory_space<smem>>) -> (i32, i32, i32, i32) {
    %c0_i32 = arith.constant 0 : i32
    %c0_i32_0 = arith.constant 0 : i32
    %c0_i32_1 = arith.constant 0 : i32
    %c0_i32_2 = arith.constant 0 : i32
    %c0_i32_3 = arith.constant 0 : i32
    return %c0_i32, %c0_i32_0, %c0_i32_1, %c0_i32_2 : i32, i32, i32, i32
  }
  func.func @transform_3(%arg0: i32, %arg1: memref<16xi32, #tpu.memory_space<smem>>, %arg2: memref<128xi32, #tpu.memory_space<smem>>, %arg3: memref<128xi32, #tpu.memory_space<smem>>) -> (i32, i32, i32) {
    %c0_i32 = arith.constant 0 : i32
    %c0_i32_0 = arith.constant 0 : i32
    %c0_i32_1 = arith.constant 0 : i32
    %c0_i32_2 = arith.constant 0 : i32
    return %c0_i32, %c0_i32_0, %c0_i32_1 : i32, i32, i32
  }
  func.func @transform_4(%arg0: i32, %arg1: memref<16xi32, #tpu.memory_space<smem>>, %arg2: memref<128xi32, #tpu.memory_space<smem>>, %arg3: memref<128xi32, #tpu.memory_space<smem>>) -> (i32, i32, i32) {
    %c0_i32 = arith.constant 0 : i32
    %c0_i32_0 = arith.constant 0 : i32
    %c0_i32_1 = arith.constant 0 : i32
    %c0_i32_2 = arith.constant 0 : i32
    return %c0_i32, %c0_i32_0, %c0_i32_1 : i32, i32, i32
  }
  func.func @transform_5(%arg0: i32, %arg1: memref<16xi32, #tpu.memory_space<smem>>, %arg2: memref<128xi32, #tpu.memory_space<smem>>, %arg3: memref<128xi32, #tpu.memory_space<smem>>) -> (i32, i32, i32) {
    %c0_i32 = arith.constant 0 : i32
    %c0_i32_0 = arith.constant 0 : i32
    %c0_i32_1 = arith.constant 0 : i32
    %c0_i32_2 = arith.constant 0 : i32
    return %c0_i32, %c0_i32_0, %c0_i32_1 : i32, i32, i32
  }
  func.func @transform_6(%arg0: i32, %arg1: memref<16xi32, #tpu.memory_space<smem>>, %arg2: memref<128xi32, #tpu.memory_space<smem>>, %arg3: memref<128xi32, #tpu.memory_space<smem>>) -> (i32, i32, i32) {
    %c0_i32 = arith.constant 0 : i32
    %c0_i32_0 = arith.constant 0 : i32
    %c0_i32_1 = arith.constant 0 : i32
    %c0_i32_2 = arith.constant 0 : i32
    return %c0_i32, %c0_i32_0, %c0_i32_1 : i32, i32, i32
  }
  func.func @transform_7(%arg0: i32, %arg1: memref<16xi32, #tpu.memory_space<smem>>, %arg2: memref<128xi32, #tpu.memory_space<smem>>, %arg3: memref<128xi32, #tpu.memory_space<smem>>) -> (i32, i32) {
    %c0_i32 = arith.constant 0 : i32
    %c0_i32_0 = arith.constant 0 : i32
    %c0_i32_1 = arith.constant 0 : i32
    return %c0_i32, %c0_i32_0 : i32, i32
  }
  func.func @transform_8(%arg0: i32, %arg1: memref<16xi32, #tpu.memory_space<smem>>, %arg2: memref<128xi32, #tpu.memory_space<smem>>, %arg3: memref<128xi32, #tpu.memory_space<smem>>) -> (i32, i32) {
    %c0_i32 = arith.constant 0 : i32
    %c0_i32_0 = arith.constant 0 : i32
    return %arg0, %c0_i32 : i32, i32
  }
}

</mosaic_0001>

<sc_bundles>
// kernel: kernel.6.cloned.1.call-start
scs
__scs_entry_jumppad:
0x0: {  	(pc) =	sbr.rel $0x88, $3  }
0x1: {  	(tag) =	ssettag $0x0;
	lr =	simm.s32 $0x1  }
0x2: {  	[smem:$0x3F96] =	sst lr;
	_ =	strace $0xD0000000  }
0x3: {  	_ = 	snop  }
0x4: {  	_ = 	snop  }
0x5: {  	_ = 	snop  }
0x6: {  	_ = 	snop  }
0x7: {  	_ = 	snop  }
__scs_overlays_trampoline_lowered:
0x8: {  	[smem:$0x3FA5] =	sst s0  }
0x9: {  	[smem:$0x3FA6] =	sst s1  }
0xa: {  	[smem:$0x3FA7] =	sst s2  }
0xb: {  	[smem:$0x3FA8] =	sst s3  }
0xc: {  	[smem:$0x3FA9] =	sst s4  }
0xd: {  	[smem:$0x3FAA] =	sst s5  }
0xe: {  	[smem:$0x3FAB] =	sst s6  }
0xf: {  	[smem:$0x3FAC] =	sst s7  }
0x10: {  	[smem:$0x3FAD] =	sst s8  }
0x11: {  	[smem:$0x3FAE] =	sst s9;
	s0 =	simm.s32 @!p0 $0x0  }
0x12: {  	s1 =	sld [smem:$0x3F94];
	s0 =	simm.s32 @p0 $0x1  }
0x13: {  	[smem:$0x3FAF] =	sst s0;
	s0 =	simm.s32 @!p1 $0x0  }
0x14: {  	s2 =	sld [smem:$0x3F93];
	s0 =	simm.s32 @p1 $0x1  }
0x15: {  	[smem:$0x3FB0] =	sst s0;
	s0 =	simm.s32 @!p2 $0x0  }
0x16: {  	s3 =	sld [smem:$0x3FDB];
	s0 =	simm.s32 @p2 $0x1  }
0x17: {  	s4 =	simm.s32 $0x1BF5;
	[smem:$0x3FB2] =	sst s0  }
0x18: {  	s0 =	sld [smem:$0x3F95];
	_ =	swait.ge [sflag:s4], $0x0  }
0x19: {  	s7 =	sld [smem:$0x3F96]  }
0x1a: {  	s8 =	sadd.s32 $0xFFFFE003, lr  }
0x1b: {  	s9 =	sadd.s32 $0xFFFFFEF7, lr;
	s5 =	simm.s32 $0xFFFFFFFF;
	p2 =	slt.u32 s8, $0xFFFFF086  }
0x1c: {  	p1 =	slt.u32 s9, $0xF7A;
	s5 =	simm.s32 @!p2 $0x0  }
0x1d: {  	s5 =	simm.s32 @p1 $0x1;
	p0 =	seq.s32 s7, s2  }
0x1e: {  	s7 =	smul.u32 @!p0 $0xF7A, s2;
	p2 =	seq.s32 @!p0 s5, $0x0  }
0x1f: {  	s9 =	smul.u32 $0xF7A, s1;
	s8 =	simm.s32 @!p0 $0x1BF5;
	p2 =	por !p2, p0  }
0x20: {  	[sflag:s8] =	ssyncset.s32 @!p0 $0xFFFFF086;
	s6 =	sadd.s32 @!p0 s3, s7;
	s7 =	simm.s32 @!p0 $0x108  }
0x21: {  	s3 =	sadd.s32 s3, s9;
	s6 =	sadd.s32 @!p0 $0x88, s6;
	s7 =	simm.s32 @p2 $0x1082  }
0x22: {  	[simem:s7], [sflag:s8] =	dma.local @!p0 [hbm:s6], $0xF7A  }
0x23: {  	s9 =	sor.u32 $0xD0000000, s2;
	s6 =	simm.s32 $0x108;
	_ =	swait.ge @!p0 [sflag:s8], $0x0  }
0x24: {  	s3 =	sadd.s32 $0x88, s3;
	s6 =	simm.s32 @!p1 $0x1082;
	[sflag:s4] =	ssyncset.s32 $0xFFFFF086  }
0x25: {  	[simem:s6], [sflag:s4] =	dma.local [hbm:s3], $0xF7A  }
0x26: {  	[smem:$0x3F96] =	sst s1;
	(tag) =	ssettag s2;
	_ =	strace s9  }
0x27: {  	s1 =	sld [smem:$0x3FA6]  }
0x28: {  	s2 =	sld [smem:$0x3FA7]  }
0x29: {  	s4 =	sld [smem:$0x3FA9]  }
0x2a: {  	p0 =	seq.s32 s5, $0x0;
	s5 =	sld [smem:$0x3FAA]  }
0x2b: {  	s6 =	sld [smem:$0x3FAB]  }
0x2c: {  	s7 =	sld [smem:$0x3FAC]  }
0x2d: {  	s3 =	simm.s32 $0x108;
	s8 =	sld [smem:$0x3FAD]  }
0x2e: {  	s3 =	simm.s32 @!p0 $0x1082;
	s9 =	sld [smem:$0x3FAE]  }
0x2f: {  	lr =	sadd.s32 s0, s3;
	s0 =	sld [smem:$0x3FA5]  }
0x30: {  	s3 =	sld [smem:$0x3FA8]  }
0x31: {  	[smem:$0x3FB1] =	sst s10  }
0x32: {  	s10 =	sld [smem:$0x3FAF];
	_ =	sdelay $0x3  }
0x33: {  	p0 =	seq.s32 s10, $0x1;
	s10 =	sld [smem:$0x3FB1];
	_ =	sdelay $0x3  }
0x34: {  	[smem:$0x3FB1] =	sst s10  }
0x35: {  	s10 =	sld [smem:$0x3FB0];
	_ =	sdelay $0x3  }
0x36: {  	p1 =	seq.s32 s10, $0x1;
	s10 =	sld [smem:$0x3FB1];
	_ =	sdelay $0x3  }
0x37: {  	[smem:$0x3FB1] =	sst s10  }
0x38: {  	s10 =	sld [smem:$0x3FB2]  }
0x39: {  	_ = 	snop;
	(pc) =	sbr.ind lr, $3  }
0x3a: {  	_ = 	snop  }
0x3b: {  	_ = 	snop  }
0x3c: {  	p2 =	seq.s32 s10, $0x1;
	s10 =	sld [smem:$0x3FB1]  }
0x3d: {  	_ =	shalt  }
0x3e: {  	_ =	shalt  }
0x3f: {  	_ =	shalt  }
0x40: {  	_ =	shalt  }
0x41: {  	_ =	shalt  }
0x42: {  	_ =	shalt  }
0x43: {  	_ =	shalt  }
0x44: {  	_ =	shalt  }
0x45: {  	_ =	shalt  }
0x46: {  	_ =	shalt  }
0x47: {  	_ =	shalt  }
0x48: {  	_ =	shalt  }
0x49: {  	_ =	shalt  }
0x4a: {  	_ =	shalt  }
0x4b: {  	_ =	shalt  }
0x4c: {  	_ =	shalt  }
0x4d: {  	_ =	shalt  }
0x4e: {  	_ =	shalt  }
0x4f: {  	_ =	shalt  }
0x50: {  	_ =	shalt  }
0x51: {  	_ =	shalt  }
0x52: {  	_ =	shalt  }
0x53: {  	_ =	shalt  }
0x54: {  	_ =	shalt  }
0x55: {  	_ =	shalt  }
0x56: {  	_ =	shalt  }
0x57: {  	_ =	shalt  }
0x58: {  	_ =	shalt  }
0x59: {  	_ =	shalt  }
0x5a: {  	_ =	shalt  }
0x5b: {  	_ =	shalt  }
0x5c: {  	_ =	shalt  }
0x5d: {  	_ =	shalt  }
0x5e: {  	_ =	shalt  }
0x5f: {  	_ =	shalt  }
0x60: {  	_ =	shalt  }
0x61: {  	_ =	shalt  }
0x62: {  	_ =	shalt  }
0x63: {  	_ =	shalt  }
0x64: {  	_ =	shalt  }
0x65: {  	_ =	shalt  }
0x66: {  	_ =	shalt  }
0x67: {  	_ =	shalt  }
0x68: {  	_ =	shalt  }
0x69: {  	_ =	shalt  }
0x6a: {  	_ =	shalt  }
0x6b: {  	_ =	shalt  }
0x6c: {  	_ =	shalt  }
0x6d: {  	_ =	shalt  }
0x6e: {  	_ =	shalt  }
0x6f: {  	_ =	shalt  }
0x70: {  	_ =	shalt  }
0x71: {  	_ =	shalt  }
0x72: {  	_ =	shalt  }
0x73: {  	_ =	shalt  }
0x74: {  	_ =	shalt  }
0x75: {  	_ =	shalt  }
0x76: {  	_ =	shalt  }
0x77: {  	_ =	shalt  }
0x78: {  	_ =	shalt  }
0x79: {  	_ =	shalt  }
0x7a: {  	_ =	shalt  }
0x7b: {  	_ =	shalt  }
0x7c: {  	_ =	shalt  }
0x7d: {  	_ =	shalt  }
0x7e: {  	_ =	shalt  }
0x7f: {  	_ =	shalt  }
0x80: {  	_ =	shalt  }
0x81: {  	_ =	shalt  }
0x82: {  	_ =	shalt  }
0x83: {  	_ =	shalt  }
0x84: {  	_ =	shalt  }
0x85: {  	_ =	shalt  }
0x86: {  	_ =	shalt  }
0x87: {  	_ =	shalt  }
.Lfunc_end0:
.L_simem_size_0:
called_computation_lowered:
.L_overlay_start_0:
0x88: {  	s2 =	sld [smem:$0x3FD9]  }
0x89: {  	s3 =	sld [smem:$0x3FFE];
	_ =	sdelay $0x1  }
0x8a: {  	s1 =	srdreg.scid  }
0x8b: {  	s0 =	sand.u32 $0x1, s1  }
0x8c: {  	s14 =	sshll.u32 s0, $0xA;
	s2 =	sadd.s32 s3, s2  }
0x8d: {  	s2 =	sadd.s32 s2, s14  }
0x8e: {  	[smem:$0x3FBD] =	sst s2  }
0x8f: {  	_ = 	snop  }
0x90: {  	s2 =	sld [smem:$0x3FD0];
	_ =	sdelay $0x2  }
0x91: {  	s15 =	simm.s32 $0xA;
	s4 =	simm.s32 $0x10  }
0x92: {  	[smem:s4], [sflag:s15] =	dma.local [hbm:s2], $0x1  }
0x93: {  	_ =	swait.eq [sflag:s15], $0x1  }
0x94: {  	[sflag:s15] =	ssyncset.done $0x0  }
0x95: {  	[sflag:s15] =	ssyncadd.s32 $0xFFFFFFFF  }
0x96: {  	s16 =	sld [smem:$0x10];
	(tm) =	ssettm $0x1  }
0x97: {  	s17 =	sld [smem:$0x3FFB];
	_ =	sdelay $0x3  }
0x98: {  	_ =	strace s17  }
0x99: {  	s3 =	sld [smem:$0x3FFC];
	_ =	sdelay $0x3  }
0x9a: {  	_ =	strace s3  }
0x9b: {  	s3 =	sld [smem:$0x3FFD];
	_ =	sdelay $0x3  }
0x9c: {  	_ =	strace s3  }
0x9d: {  	_ =	strace $0x8FFFFFFF  }
0x9e: {  	s18 =	sld [smem:$0x3FDB];
	_ =	sdelay $0x1  }
0x9f: {  	s19 =	simm.s32 $_scs_section_size  }
0xa0: {  	s5 =	simm.s32 $_size__tile_overlayer_lowered;
	s6 =	simm.s32 $_tile_overlayer_lowered  }
0xa1: {  	s22 =	simm.s32 $0x1BFF;
	s21 =	sshll.u32 s6, $0x1;
	s3 =	sadd.s32 s19, s18  }
0xa2: {  	s7 =	simm.s32 $0x0;
	s20 =	sshll.u32 s5, $0x1;
	s5 =	sadd.s32 s21, s3  }
0xa3: {  	[timem:s7], [sflag:s22] =	dma.local [hbm:s5], s20  }
0xa4: {  	_ =	swait.ge [sflag:s22], s20  }
0xa5: {  	s4 =	ssub.s32 $0x0, s20;
	[sflag:s22] =	ssyncset.done $0x0  }
0xa6: {  	[sflag:s22] =	ssyncadd.s32 s4;
	_ =	sdelay $0x1  }
0xa7: {  	s23 =	simm.s32 $0x1B8B  }
0xa8: {  	_ =	swait.ge [sflag:s23], $0x1  }
0xa9: {  	[sflag:s23] =	ssyncset.done $0x0  }
0xaa: {  	s25 =	simm.s32 $0x1B8E;
	s24 =	sld [smem:$0x3FFE];
	[sflag:s23] =	ssyncadd.s32 $0xFFFFFFFF  }
0xab: {  	s26 =	simm.s32 $execute0_lowered;
	[smem:$0x3FD2] =	sst s25  }
0xac: {  	s5 =	sshll.u32 s26, $0x1;
	_ =	strace $0x80000046;
	[dreg:$0x1] =	wrdreg $0xFFFFFFFF  }
0xad: {  	s28 =	simm.s32 $_size_execute0_lowered;
	s3 =	sadd.s32 s3, s5;
	[dreg:$0x0] =	wrdreg $0x0  }
0xae: {  	s5 =	sshll.u32 s28, $0x1;
	[dreg:$0x2] =	wrdreg s3  }
0xaf: {  	[dreg:$0x3] =	wrdreg s5  }
0xb0: {  	[dreg:$0x4] =	wrdreg $0xC0  }
0xb1: {  	_ =	task [dreg:s7], $0x5FFFF  }
0xb2: {  	[dreg:$0x1] =	wrdreg $0xFFFFFFFF  }
0xb3: {  	[dreg:$0x0] =	wrdreg $0x60  }
0xb4: {  	[dreg:$0x2] =	wrdreg s16  }
0xb5: {  	[dreg:$0x3] =	wrdreg s24  }
0xb6: {  	[dreg:$0x4] =	wrdreg $0x9  }
0xb7: {  	_ =	task.clear_ibuf [dreg:s7], $0x5FFFF;
	_ =	strace $0x90000046  }
0xb8: {  	s29 =	simm.s32 $0x9;
	_ =	strace $0x8000004E  }
0xb9: {  	_ =	swait.ge [sflag:s29], $0x1  }
0xba: {  	[sflag:s29] =	ssyncadd.s32 $0xFFFFFFFF  }
0xbb: {  	_ =	strace $0x9000004E  }
0xbc: {  	_ =	sfence  }
0xbd: {  	s30 =	sld [smem:$0x0];
	_ =	sdelay $0x2  }
0xbe: {  	s31 =	sshll.u32 s1, $0xD;
	s1 =	sshrl.u32 s1, $0x2  }
0xbf: {  	s3 =	sand.u32 $0x4000, s31;
	s1 =	sadd.s32 s1, s30  }
0xc0: {  	s0 =	sor.u32 s3, s0;
	s1 =	sshll.u32 s1, $0x11  }
0xc1: {  	s0 =	sor.u32 s1, s0  }
0xc2: {  	s0 =	sadd.s32 $0x8F2B, s0  }
0xc3: {  	[sflag:s0] =	ssyncadd.remote.s32 $0x1  }
0xc4: {  	_ =	sfence.sel $0xFFFF  }
0xc5: {  	[dreg:$0x0] =	wrdreg $0xFFFFFFFF;
	(pc) =	sbr.abs _section_cstart, $3  }
0xc6: {  	[dreg:$0x1] =	wrdreg $0xFFFFFFFF  }
0xc7: {  	_ =	task.clear_ibuf [dreg:s7], $0x2FFFF;
	_ =	strace $0x9FFFFFFF  }
0xc8: {  	(tm) =	ssettm $0x7FFFFFFF  }
0xc9: {  	_ =	shalt  }
tec
execute0_lowered:
.L_overlay_start_1:
0x0: {  	(tag) =	ssettag $0x1  }
0x1: {  	s6 =	rddreg [dreg:$0x0]  }
0x2: {  	s12 =	rddreg [dreg:$0x1];
	s1 =	srdreg.scid  }
0x3: {  	s0 =	rddreg [dreg:$0x2];
	s17 =	sand.u32 $0x1, s1  }
0x4: {  	s2 =	simm.s32 $0x0;
	s1 =	stileid.u32;
	s3 =	sshll.u32 s17, $0x4  }
0x5: {  	[smem:$0x7FF] =	sst s2;
	s5 =	sor.u32 s1, s3  }
0x6: {  	s8 =	sadd.s32 $0x1A00, s12;
	_ =	strace $0x80000047;
	s3 =	sshll.u32 s5, $0xC  }
0x7: {  	_ =	strace $0x80000048;
	s4 =	sshll.u32 s5, $0x5;
	s3 =	sadd.s32 s6, s3  }
0x8: {  	[tilespmem:s2], [sflag:$0x1] =	stream.linear.gather [hbm4b:s3+s2], $0x4000, $0x200038;
	[tilespmem:$0x8100] =	vst v63  }
0x9: {  	s9 =	sshllo.u32 s5, $0x1;
	s5 =	simm.s32 $0x8000;
	s4 =	sadd.s32 s8, s4  }
0xa: {  	[tilespmem:s5], [sflag:$0x3] =	stream.linear.gather [hbm4b:s4+s2], $0x80, $0x200038;
	[tilespmem:$0x8100] =	vst v63  }
0xb: {  	s7 =	sshll.u32 s9, $0xB;
	_ =	strace $0x90000048  }
0xc: {  	s6 =	sadd.s32 s6, s7;
	s7 =	simm.s32 $0x4000;
	_ =	strace $0x80000049  }
0xd: {  	[tilespmem:s7], [sflag:$0x2] =	stream.linear.gather [hbm4b:s6+s2], $0x4000, $0x200038;
	[tilespmem:$0x8100] =	vst v63  }
0xe: {  	s9 =	sshll.u32 s9, $0x4;
	_ =	strace $0x90000049  }
0xf: {  	s8 =	sadd.s32 s8, s9;
	s9 =	simm.s32 $0x8080;
	_ =	strace $0x8000004A  }
0x10: {  	[tilespmem:s9], [sflag:$0x4] =	stream.linear.gather [hbm4b:s8+s2], $0x80, $0x200038;
	[tilespmem:$0x8100] =	vst v63  }
0x11: {  	_ =	strace $0x9000004A  }
0x12: {  	s10 =	simm.s32 $0x1;
	_ =	strace $0x8000004B  }
0x13: {  	_ =	swait.ge [sflag:s10], $0x4000  }
0x14: {  	[sflag:s10] =	ssyncset.done $0x0  }
0x15: {  	[sflag:s10] =	ssyncadd.s32 $0xFFFFC000  }
0x16: {  	_ =	strace $0x9000004B  }
0x17: {  	s11 =	simm.s32 $0x3;
	_ =	strace $0x8000004C  }
0x18: {  	_ =	swait.ge [sflag:s11], $0x80  }
0x19: {  	[sflag:s11] =	ssyncset.done $0x0  }
0x1a: {  	[sflag:s11] =	ssyncadd.s32 $0xFFFFFF80  }
0x1b: {  	s13 =	simm.s32 $0x80;
	_ =	strace $0x9000004C  }
0x1c: {  	s14 =	simm.s32 $0x5;
	s12 =	sadd.s32 $0x1E00, s12;
	_ =	strace $0x8000004D  }
0x1d: {  	[hbm4b:s12+s13] =	stream.indirect.scatter [tilespmem:s2], [sflag:$0x5], $0x80, s5, s13, $0x2000b8;
	[tilespmem:$0x8100] =	vst v63  }
0x1e: {  	_ =	swait.ge [sflag:s14], $0x4000  }
0x1f: {  	[sflag:s14] =	ssyncset.done $0x0  }
0x20: {  	[sflag:s14] =	ssyncadd.s32 $0xFFFFC000  }
0x21: {  	_ =	strace $0x9000004D  }
0x22: {  	s15 =	simm.s32 $0x2;
	_ =	strace $0x8000004B  }
0x23: {  	_ =	swait.ge [sflag:s15], $0x4000  }
0x24: {  	[sflag:s15] =	ssyncset.done $0x0  }
0x25: {  	[sflag:s15] =	ssyncadd.s32 $0xFFFFC000  }
0x26: {  	_ =	strace $0x9000004B  }
0x27: {  	s16 =	simm.s32 $0x4;
	s17 =	ssub.s32 $0x2, s17;
	_ =	strace $0x8000004C  }
0x28: {  	s18 =	sshrl.u32 s17, $0x1;
	_ =	swait.ge [sflag:s16], $0x80  }
0x29: {  	s17 =	ssub.s32 s17, s18;
	[sflag:s16] =	ssyncset.done $0x0  }
0x2a: {  	s17 =	smax.u32 s17, $0x1;
	[sflag:s16] =	ssyncadd.s32 $0xFFFFFF80  }
0x2b: {  	p0 =	sne.s32 s17, $0x1;
	_ =	strace $0x9000004C  }
.Ltmp0:
0x2c: {  	_ =	strace $0x8000004D;
	(pc) =	sbr.rel @!p0 .LBB2_2-.Ltmp0, $4  }
0x2d: {  	[hbm4b:s12+s13] =	stream.indirect.scatter [tilespmem:s7], [sflag:$0x5], $0x80, s9, s13, $0x2000b8;
	[tilespmem:$0x8100] =	vst v63  }
0x2e: {  	_ =	swait.ge [sflag:s14], $0x4000  }
0x2f: {  	[sflag:s14] =	ssyncset.done $0x0  }
0x30: {  	s17 =	sadd.s32 $0xFFFFFFFF, s17;
	[sflag:s14] =	ssyncadd.s32 $0xFFFFC000  }
.LBB2_1:
0x31: {  	p0 =	sne.s32 s17, $0x1;
	s17 =	sadd.s32 $0xFFFFFFFF, s17;
	_ =	strace $0x9000004D  }
0x32: {  	_ =	strace $0x80000048  }
0x33: {  	[tilespmem:s2], [sflag:$0x1] =	stream.linear.gather [hbm4b:s3+s2], $0x4000, $0x200038;
	[tilespmem:$0x8100] =	vst v63  }
0x34: {  	_ = 	snop  }
0x35: {  	[tilespmem:s5], [sflag:$0x3] =	stream.linear.gather [hbm4b:s4+s2], $0x80, $0x200038;
	[tilespmem:$0x8100] =	vst v63  }
0x36: {  	_ =	strace $0x90000048  }
0x37: {  	_ =	strace $0x80000049  }
0x38: {  	[tilespmem:s7], [sflag:$0x2] =	stream.linear.gather [hbm4b:s6+s2], $0x4000, $0x200038;
	[tilespmem:$0x8100] =	vst v63  }
0x39: {  	_ =	strace $0x90000049  }
0x3a: {  	_ =	strace $0x8000004A  }
0x3b: {  	[tilespmem:s9], [sflag:$0x4] =	stream.linear.gather [hbm4b:s8+s2], $0x80, $0x200038;
	[tilespmem:$0x8100] =	vst v63  }
0x3c: {  	_ =	strace $0x9000004A  }
0x3d: {  	_ =	strace $0x8000004B  }
0x3e: {  	_ =	swait.ge [sflag:s10], $0x4000  }
0x3f: {  	[sflag:s10] =	ssyncset.done $0x0  }
0x40: {  	[sflag:s10] =	ssyncadd.s32 $0xFFFFC000  }
0x41: {  	_ =	strace $0x9000004B  }
0x42: {  	_ =	strace $0x8000004C  }
0x43: {  	_ =	swait.ge [sflag:s11], $0x80  }
0x44: {  	[sflag:s11] =	ssyncset.done $0x0  }
0x45: {  	[sflag:s11] =	ssyncadd.s32 $0xFFFFFF80  }
0x46: {  	_ =	strace $0x9000004C  }
0x47: {  	_ =	strace $0x8000004D  }
0x48: {  	[hbm4b:s12+s13] =	stream.indirect.scatter [tilespmem:s2], [sflag:$0x5], $0x80, s5, s13, $0x2000b8;
	[tilespmem:$0x8100] =	vst v63  }
0x49: {  	_ =	swait.ge [sflag:s14], $0x4000  }
0x4a: {  	[sflag:s14] =	ssyncset.done $0x0  }
0x4b: {  	[sflag:s14] =	ssyncadd.s32 $0xFFFFC000  }
0x4c: {  	_ =	strace $0x9000004D  }
0x4d: {  	_ =	strace $0x8000004B  }
0x4e: {  	_ =	swait.ge [sflag:s15], $0x4000  }
0x4f: {  	[sflag:s15] =	ssyncset.done $0x0  }
0x50: {  	[sflag:s15] =	ssyncadd.s32 $0xFFFFC000  }
0x51: {  	_ =	strace $0x9000004B  }
0x52: {  	_ =	strace $0x8000004C  }
0x53: {  	_ =	swait.ge [sflag:s16], $0x80  }
0x54: {  	[sflag:s16] =	ssyncset.done $0x0  }
0x55: {  	[sflag:s16] =	ssyncadd.s32 $0xFFFFFF80  }
0x56: {  	_ =	strace $0x9000004C  }
.Ltmp1:
0x57: {  	_ =	strace $0x8000004D;
	(pc) =	sbr.rel @p0 .LBB2_1-.Ltmp1, $4  }
0x58: {  	[hbm4b:s12+s13] =	stream.indirect.scatter [tilespmem:s7], [sflag:$0x5], $0x80, s9, s13, $0x2000b8;
	[tilespmem:$0x8100] =	vst v63  }
0x59: {  	_ =	swait.ge [sflag:s14], $0x4000  }
0x5a: {  	[sflag:s14] =	ssyncset.done $0x0  }
0x5b: {  	[sflag:s14] =	ssyncadd.s32 $0xFFFFC000  }
.LBB2_2:
0x5c: {  	_ =	strace $0x9000004D  }
0x5d: {  	_ =	sfence.sel $0x180000  }
0x5e: {  	[bflag:$0x0] =	sbarrier.arrive $0xFFFF  }
0x5f: {  	p0 =	sne.s32 s1, $0x0;
	_ =	strace $0x90000047  }
0x60: {  	s0 =	sadd.s32 @!p0 $0x100000, s0;
	[bflag:$0x2] =	sbarrier.arrive $0xFFFF  }
0x61: {  	[sflag:s0] =	ssyncadd.tile.s32 @!p0 $0x1;
	_ =	shalt  }
.Lfunc_end2:
_tile_overlayer_lowered:
.L_overlay_start_2:
0x62: {  	(tag) =	ssettag $0x2  }
0x63: {  	s0 =	rddreg [dreg:$0x0];
	s2 =	stileid.u32  }
0x64: {  	s1 =	rddreg [dreg:$0x1];
	p0 =	sne.s32 s2, $0x0  }
0x65: {  	s3 =	rddreg [dreg:$0x2];
	[bflag:$0x3] =	sbarrier.arrive $0xFFFF;
	s2 =	simm.s32 @!p0 $0x1C01  }
0x66: {  	[timem:s3], [sflag:s2] =	dma.local @!p0 [hbm:s0], s1  }
0x67: {  	s0 =	simm.s32 @!p0 $0x1  }
0x68: {  	_ =	swait.ge @!p0 [sflag:s0], s1  }
0x69: {  	s1 =	ssub.s32 @!p0 $0x0, s1;
	[sflag:s0] =	ssyncset.done @!p0 $0x0  }
0x6a: {  	[sflag:s0] =	ssyncadd.s32 @!p0 s1  }
0x6b: {  	[bflag:$0x3] =	sbarrier.arrive $0xFFFF  }
0x6c: {  	_ =	shalt  }

// kernel: kernel.9.cloned.1.call-start
scs
__scs_entry_jumppad:
0x0: {  	(pc) =	sbr.rel $0x88, $3  }
0x1: {  	(tag) =	ssettag $0x0;
	lr =	simm.s32 $0x1  }
0x2: {  	[smem:$0x3F96] =	sst lr;
	_ =	strace $0xD0000000  }
0x3: {  	_ = 	snop  }
0x4: {  	_ = 	snop  }
0x5: {  	_ = 	snop  }
0x6: {  	_ = 	snop  }
0x7: {  	_ = 	snop  }
__scs_overlays_trampoline_lowered:
0x8: {  	[smem:$0x3FA5] =	sst s0  }
0x9: {  	[smem:$0x3FA6] =	sst s1  }
0xa: {  	[smem:$0x3FA7] =	sst s2  }
0xb: {  	[smem:$0x3FA8] =	sst s3  }
0xc: {  	[smem:$0x3FA9] =	sst s4  }
0xd: {  	[smem:$0x3FAA] =	sst s5  }
0xe: {  	[smem:$0x3FAB] =	sst s6  }
0xf: {  	[smem:$0x3FAC] =	sst s7  }
0x10: {  	[smem:$0x3FAD] =	sst s8  }
0x11: {  	[smem:$0x3FAE] =	sst s9;
	s0 =	simm.s32 @!p0 $0x0  }
0x12: {  	s1 =	sld [smem:$0x3F94];
	s0 =	simm.s32 @p0 $0x1  }
0x13: {  	[smem:$0x3FAF] =	sst s0;
	s0 =	simm.s32 @!p1 $0x0  }
0x14: {  	s2 =	sld [smem:$0x3F93];
	s0 =	simm.s32 @p1 $0x1  }
0x15: {  	[smem:$0x3FB0] =	sst s0;
	s0 =	simm.s32 @!p2 $0x0  }
0x16: {  	s3 =	sld [smem:$0x3FDB];
	s0 =	simm.s32 @p2 $0x1  }
0x17: {  	s4 =	simm.s32 $0x1BF5;
	[smem:$0x3FB2] =	sst s0  }
0x18: {  	s0 =	sld [smem:$0x3F95];
	_ =	swait.ge [sflag:s4], $0x0  }
0x19: {  	s7 =	sld [smem:$0x3F96]  }
0x1a: {  	s8 =	sadd.s32 $0xFFFFE003, lr  }
0x1b: {  	s9 =	sadd.s32 $0xFFFFFEF7, lr;
	s5 =	simm.s32 $0xFFFFFFFF;
	p2 =	slt.u32 s8, $0xFFFFF086  }
0x1c: {  	p1 =	slt.u32 s9, $0xF7A;
	s5 =	simm.s32 @!p2 $0x0  }
0x1d: {  	s5 =	simm.s32 @p1 $0x1;
	p0 =	seq.s32 s7, s2  }
0x1e: {  	s7 =	smul.u32 @!p0 $0xF7A, s2;
	p2 =	seq.s32 @!p0 s5, $0x0  }
0x1f: {  	s9 =	smul.u32 $0xF7A, s1;
	s8 =	simm.s32 @!p0 $0x1BF5;
	p2 =	por !p2, p0  }
0x20: {  	[sflag:s8] =	ssyncset.s32 @!p0 $0xFFFFF086;
	s6 =	sadd.s32 @!p0 s3, s7;
	s7 =	simm.s32 @!p0 $0x108  }
0x21: {  	s3 =	sadd.s32 s3, s9;
	s6 =	sadd.s32 @!p0 $0x88, s6;
	s7 =	simm.s32 @p2 $0x1082  }
0x22: {  	[simem:s7], [sflag:s8] =	dma.local @!p0 [hbm:s6], $0xF7A  }
0x23: {  	s9 =	sor.u32 $0xD0000000, s2;
	s6 =	simm.s32 $0x108;
	_ =	swait.ge @!p0 [sflag:s8], $0x0  }
0x24: {  	s3 =	sadd.s32 $0x88, s3;
	s6 =	simm.s32 @!p1 $0x1082;
	[sflag:s4] =	ssyncset.s32 $0xFFFFF086  }
0x25: {  	[simem:s6], [sflag:s4] =	dma.local [hbm:s3], $0xF7A  }
0x26: {  	[smem:$0x3F96] =	sst s1;
	(tag) =	ssettag s2;
	_ =	strace s9  }
0x27: {  	s1 =	sld [smem:$0x3FA6]  }
0x28: {  	s2 =	sld [smem:$0x3FA7]  }
0x29: {  	s4 =	sld [smem:$0x3FA9]  }
0x2a: {  	p0 =	seq.s32 s5, $0x0;
	s5 =	sld [smem:$0x3FAA]  }
0x2b: {  	s6 =	sld [smem:$0x3FAB]  }
0x2c: {  	s7 =	sld [smem:$0x3FAC]  }
0x2d: {  	s3 =	simm.s32 $0x108;
	s8 =	sld [smem:$0x3FAD]  }
0x2e: {  	s3 =	simm.s32 @!p0 $0x1082;
	s9 =	sld [smem:$0x3FAE]  }
0x2f: {  	lr =	sadd.s32 s0, s3;
	s0 =	sld [smem:$0x3FA5]  }
0x30: {  	s3 =	sld [smem:$0x3FA8]  }
0x31: {  	[smem:$0x3FB1] =	sst s10  }
0x32: {  	s10 =	sld [smem:$0x3FAF];
	_ =	sdelay $0x3  }
0x33: {  	p0 =	seq.s32 s10, $0x1;
	s10 =	sld [smem:$0x3FB1];
	_ =	sdelay $0x3  }
0x34: {  	[smem:$0x3FB1] =	sst s10  }
0x35: {  	s10 =	sld [smem:$0x3FB0];
	_ =	sdelay $0x3  }
0x36: {  	p1 =	seq.s32 s10, $0x1;
	s10 =	sld [smem:$0x3FB1];
	_ =	sdelay $0x3  }
0x37: {  	[smem:$0x3FB1] =	sst s10  }
0x38: {  	s10 =	sld [smem:$0x3FB2]  }
0x39: {  	_ = 	snop;
	(pc) =	sbr.ind lr, $3  }
0x3a: {  	_ = 	snop  }
0x3b: {  	_ = 	snop  }
0x3c: {  	p2 =	seq.s32 s10, $0x1;
	s10 =	sld [smem:$0x3FB1]  }
0x3d: {  	_ =	shalt  }
0x3e: {  	_ =	shalt  }
0x3f: {  	_ =	shalt  }
0x40: {  	_ =	shalt  }
0x41: {  	_ =	shalt  }
0x42: {  	_ =	shalt  }
0x43: {  	_ =	shalt  }
0x44: {  	_ =	shalt  }
0x45: {  	_ =	shalt  }
0x46: {  	_ =	shalt  }
0x47: {  	_ =	shalt  }
0x48: {  	_ =	shalt  }
0x49: {  	_ =	shalt  }
0x4a: {  	_ =	shalt  }
0x4b: {  	_ =	shalt  }
0x4c: {  	_ =	shalt  }
0x4d: {  	_ =	shalt  }
0x4e: {  	_ =	shalt  }
0x4f: {  	_ =	shalt  }
0x50: {  	_ =	shalt  }
0x51: {  	_ =	shalt  }
0x52: {  	_ =	shalt  }
0x53: {  	_ =	shalt  }
0x54: {  	_ =	shalt  }
0x55: {  	_ =	shalt  }
0x56: {  	_ =	shalt  }
0x57: {  	_ =	shalt  }
0x58: {  	_ =	shalt  }
0x59: {  	_ =	shalt  }
0x5a: {  	_ =	shalt  }
0x5b: {  	_ =	shalt  }
0x5c: {  	_ =	shalt  }
0x5d: {  	_ =	shalt  }
0x5e: {  	_ =	shalt  }
0x5f: {  	_ =	shalt  }
0x60: {  	_ =	shalt  }
0x61: {  	_ =	shalt  }
0x62: {  	_ =	shalt  }
0x63: {  	_ =	shalt  }
0x64: {  	_ =	shalt  }
0x65: {  	_ =	shalt  }
0x66: {  	_ =	shalt  }
0x67: {  	_ =	shalt  }
0x68: {  	_ =	shalt  }
0x69: {  	_ =	shalt  }
0x6a: {  	_ =	shalt  }
0x6b: {  	_ =	shalt  }
0x6c: {  	_ =	shalt  }
0x6d: {  	_ =	shalt  }
0x6e: {  	_ =	shalt  }
0x6f: {  	_ =	shalt  }
0x70: {  	_ =	shalt  }
0x71: {  	_ =	shalt  }
0x72: {  	_ =	shalt  }
0x73: {  	_ =	shalt  }
0x74: {  	_ =	shalt  }
0x75: {  	_ =	shalt  }
0x76: {  	_ =	shalt  }
0x77: {  	_ =	shalt  }
0x78: {  	_ =	shalt  }
0x79: {  	_ =	shalt  }
0x7a: {  	_ =	shalt  }
0x7b: {  	_ =	shalt  }
0x7c: {  	_ =	shalt  }
0x7d: {  	_ =	shalt  }
0x7e: {  	_ =	shalt  }
0x7f: {  	_ =	shalt  }
0x80: {  	_ =	shalt  }
0x81: {  	_ =	shalt  }
0x82: {  	_ =	shalt  }
0x83: {  	_ =	shalt  }
0x84: {  	_ =	shalt  }
0x85: {  	_ =	shalt  }
0x86: {  	_ =	shalt  }
0x87: {  	_ =	shalt  }
.Lfunc_end0:
.L_simem_size_0:
called_computation.1_lowered:
.L_overlay_start_0:
0x88: {  	s2 =	sld [smem:$0x3FD9]  }
0x89: {  	s3 =	sld [smem:$0x3FFE];
	_ =	sdelay $0x1  }
0x8a: {  	s1 =	srdreg.scid  }
0x8b: {  	s0 =	sand.u32 $0x1, s1  }
0x8c: {  	s16 =	sshll.u32 s0, $0xA;
	s2 =	sadd.s32 s3, s2  }
0x8d: {  	s2 =	sadd.s32 s2, s16  }
0x8e: {  	[smem:$0x3FBD] =	sst s2  }
0x8f: {  	_ = 	snop  }
0x90: {  	(tm) =	ssettm $0x1  }
0x91: {  	s17 =	sld [smem:$0x3FFB];
	_ =	sdelay $0x3  }
0x92: {  	_ =	strace s17  }
0x93: {  	s2 =	sld [smem:$0x3FFC];
	_ =	sdelay $0x3  }
0x94: {  	_ =	strace s2  }
0x95: {  	s2 =	sld [smem:$0x3FFD];
	_ =	sdelay $0x3  }
0x96: {  	_ =	strace s2  }
0x97: {  	_ =	strace $0x8FFFFFFF  }
0x98: {  	s18 =	sld [smem:$0x3FDB];
	_ =	sdelay $0x1  }
0x99: {  	s19 =	simm.s32 $_scs_section_size  }
0x9a: {  	s4 =	simm.s32 $_size__tile_overlayer_lowered;
	s5 =	simm.s32 $_tile_overlayer_lowered  }
0x9b: {  	s22 =	simm.s32 $0x1BFF;
	s21 =	sshll.u32 s5, $0x1;
	s2 =	sadd.s32 s19, s18  }
0x9c: {  	s6 =	simm.s32 $0x0;
	s20 =	sshll.u32 s4, $0x1;
	s4 =	sadd.s32 s21, s2  }
0x9d: {  	[timem:s6], [sflag:s22] =	dma.local [hbm:s4], s20  }
0x9e: {  	_ =	swait.ge [sflag:s22], s20  }
0x9f: {  	s3 =	ssub.s32 $0x0, s20;
	[sflag:s22] =	ssyncset.done $0x0  }
0xa0: {  	[sflag:s22] =	ssyncadd.s32 s3;
	_ =	sdelay $0x1  }
0xa1: {  	s23 =	simm.s32 $0x1B8B  }
0xa2: {  	_ =	swait.ge [sflag:s23], $0x1  }
0xa3: {  	[sflag:s23] =	ssyncset.done $0x0  }
0xa4: {  	s25 =	simm.s32 $0x1B8E;
	s24 =	sld [smem:$0x3FFE];
	[sflag:s23] =	ssyncadd.s32 $0xFFFFFFFF  }
0xa5: {  	s26 =	simm.s32 $execute0_lowered;
	[smem:$0x3FD2] =	sst s25  }
0xa6: {  	s4 =	sshll.u32 s26, $0x1;
	_ =	strace $0x8000004F;
	[dreg:$0x1] =	wrdreg $0xFFFFFFFF  }
0xa7: {  	s28 =	simm.s32 $_size_execute0_lowered;
	s2 =	sadd.s32 s2, s4;
	[dreg:$0x0] =	wrdreg $0x0  }
0xa8: {  	s4 =	sshll.u32 s28, $0x1;
	[dreg:$0x2] =	wrdreg s2  }
0xa9: {  	[dreg:$0x3] =	wrdreg s4  }
0xaa: {  	[dreg:$0x4] =	wrdreg $0xC0  }
0xab: {  	_ =	task [dreg:s6], $0x5FFFF  }
0xac: {  	[dreg:$0x1] =	wrdreg $0xFFFFFFFF  }
0xad: {  	[dreg:$0x0] =	wrdreg $0x60  }
0xae: {  	[dreg:$0x2] =	wrdreg s24  }
0xaf: {  	[dreg:$0x3] =	wrdreg $0x9  }
0xb0: {  	_ =	task.clear_ibuf [dreg:s6], $0x4FFFF;
	_ =	strace $0x9000004F  }
0xb1: {  	s29 =	simm.s32 $0x9;
	_ =	strace $0x8000005A  }
0xb2: {  	_ =	swait.ge [sflag:s29], $0x1  }
0xb3: {  	[sflag:s29] =	ssyncadd.s32 $0xFFFFFFFF  }
0xb4: {  	_ =	strace $0x9000005A  }
0xb5: {  	_ =	sfence  }
0xb6: {  	s30 =	sld [smem:$0x0];
	_ =	sdelay $0x2  }
0xb7: {  	s31 =	sshll.u32 s1, $0xD;
	s1 =	sshrl.u32 s1, $0x2  }
0xb8: {  	s3 =	sand.u32 $0x4000, s31;
	s1 =	sadd.s32 s1, s30  }
0xb9: {  	s0 =	sor.u32 s3, s0;
	s1 =	sshll.u32 s1, $0x11  }
0xba: {  	s0 =	sor.u32 s1, s0  }
0xbb: {  	s0 =	sadd.s32 $0x8F2B, s0  }
0xbc: {  	[sflag:s0] =	ssyncadd.remote.s32 $0x1  }
0xbd: {  	_ =	sfence.sel $0xFFFF  }
0xbe: {  	[dreg:$0x0] =	wrdreg $0xFFFFFFFF;
	(pc) =	sbr.abs _section_cstart, $3  }
0xbf: {  	[dreg:$0x1] =	wrdreg $0xFFFFFFFF  }
0xc0: {  	_ =	task.clear_ibuf [dreg:s6], $0x2FFFF;
	_ =	strace $0x9FFFFFFF  }
0xc1: {  	(tm) =	ssettm $0x7FFFFFFF  }
tec
execute0_lowered:
.L_overlay_start_1:
0x0: {  	(tag) =	ssettag $0x1  }
0x1: {  	s0 =	rddreg [dreg:$0x0];
	s1 =	simm.s32 $0x0;
	s2 =	srdreg.scid  }
0x2: {  	s8 =	stileid.u32;
	s11 =	simm.s32 $0x4000;
	s12 =	simm.s32 $0x4100  }
0x3: {  	s13 =	simm.s32 $0x80;
	s14 =	simm.s32 $0x7;
	s15 =	simm.s32 $0x6  }
0x4: {  	s16 =	simm.s32 $0x0;
	[smem:$0x7FF] =	sst s1;
	s2 =	sand.u32 $0x1, s2  }
0x5: {  	s3 =	sadd.s32 $0xA2E00, s0;
	s4 =	sadd.s32 $0x21E00, s0;
	s6 =	ssub.s32 $0x2, s2  }
0x6: {  	s5 =	sadd.s32 $0x22E00, s0;
	s2 =	sshll.u32 s2, $0x4;
	s7 =	sshrl.u32 s6, $0x1  }
0x7: {  	_ =	strace $0x80000050;
	s2 =	sor.u32 s8, s2;
	s10 =	ssub.s32 s6, s7  }
0x8: {  	s6 =	sshll.u32 s2, $0x2;
	s2 =	sshll.u32 s2, $0x7;
	s7 =	sadd.s32 $0x21E10, s0  }
0x9: {  	s8 =	sadd.s32 s4, s2;
	s9 =	sadd.s32 s2, s7;
	s10 =	smax.u32 s10, $0x1  }
.LBB2_1:
0xa: {  	_ =	strace $0x80000051  }
0xb: {  	s25 =	simm.s32 $0x0;
	s17 =	simm.s32 $0x0;
	s18 =	simm.s32 $0x0  }
0xc: {  	[tilespmem:s11], [sflag:$0x1] =	stream.linear.gather [hbm4b:s8+s1], $0x80, $0x200038;
	[tilespmem:$0xC200] =	vst v63  }
0xd: {  	s19 =	simm.s32 $0x0;
	s20 =	simm.s32 $0x1;
	s21 =	simm.s32 $0x0  }
0xe: {  	[tilespmem:s12], [sflag:$0x3] =	stream.linear.gather [hbm4b:s9+s1], $0x80, $0x200038;
	[tilespmem:$0xC200] =	vst v63  }
0xf: {  	s22 =	simm.s32 $0x1;
	s23 =	simm.s32 $0x0;
	_ =	strace $0x90000051  }
.LBB2_2:
0x10: {  	s24 =	sadd.s32 $0x1, s25  }
0x11: {  	p0 =	seq.s32 s24, $0x4  }
0x12: {  	s24 =	simm.s32 @p0 $0x0;
	p0 =	seq.s32 s23, $0x3  }
0x13: {  	p1 =	seq.s32 @!p0 s25, s24  }
0x14: {  	p2 =	por p1, p0  }
0x15: {  	s2 =	sadd.s32 @!p2 s6, s24  }
0x16: {  	s26 =	sand.u32 @!p2 $0x1, s22;
	_ =	strace @!p2 $0x80000052;
	s2 =	sshll.u32 @!p2 s2, $0x5  }
0x17: {  	s30 =	simm.s32 @!p2 $0x0;
	s28 =	sshll.u32 @!p2 s26, $0x7;
	s2 =	sand.u32 @!p2 $0x1FFFFFE0, s2  }
0x18: {  	s26 =	sadd.s32 @!p2 $0x1, s26;
	s28 =	sor.u32 @!p2 $0x4000, s28;
	s29 =	sadd.s32 @!p2 s4, s2  }
0x19: {  	[tilespmem:s28], [sflag:s26] =	stream.linear.gather @!p2 [hbm4b:s29+s30], $0x80, $0x200038;
	[tilespmem:$0xC200] =	vst v63  }
0x1a: {  	s26 =	sand.u32 @!p2 $0x1, s20  }
0x1b: {  	s2 =	sadd.s32 @!p2 s2, s7;
	_ =	strace @!p2 $0x90000052;
	s28 =	sshll.u32 @!p2 s26, $0x7  }
0x1c: {  	s26 =	sadd.s32 @!p2 $0x3, s26;
	_ =	strace @!p2 $0x80000053;
	s28 =	sor.u32 @!p2 $0x4100, s28  }
0x1d: {  	[tilespmem:s28], [sflag:s26] =	stream.linear.gather @!p2 [hbm4b:s2+s30], $0x80, $0x200038;
	[tilespmem:$0xC200] =	vst v63  }
0x1e: {  	s26 =	sand.u32 $0x1, s21;
	_ =	strace @!p2 $0x90000053  }
0x1f: {  	s2 =	sadd.s32 $0x1, s26;
	_ =	strace $0x80000054  }
0x20: {  	_ =	swait.ge [sflag:s2], $0x80  }
0x21: {  	[sflag:s2] =	ssyncset.done $0x0  }
0x22: {  	[sflag:s2] =	ssyncadd.s32 $0xFFFFFF80  }
0x23: {  	s26 =	sand.u32 $0x1, s19;
	_ =	strace $0x90000054  }
0x24: {  	s2 =	sadd.s32 $0x3, s26;
	_ =	strace $0x80000055  }
0x25: {  	_ =	swait.ge [sflag:s2], $0x80  }
0x26: {  	[sflag:s2] =	ssyncset.done $0x0  }
0x27: {  	s26 =	sand.u32 $0x1, s18;
	[sflag:s2] =	ssyncadd.s32 $0xFFFFFF80;
	s2 =	sshll.u32 s21, $0x7  }
0x28: {  	s29 =	sshll.u32 s26, $0xE;
	_ =	strace $0x90000055;
	s2 =	sand.u32 $0x80, s2  }
0x29: {  	s28 =	sadd.s32 $0x4200, s29;
	_ =	strace $0x80000056;
	s2 =	sor.u32 $0x4000, s2  }
0x2a: {  	[tilespmem:s28], [sflag:$0x7] =	stream.indirect.gather [hbm4b:s3+s13], $0x80, s2, s13, $0x2000b8;
	[tilespmem:$0xC200] =	vst v63  }
0x2b: {  	s2 =	sshll.u32 s19, $0x7;
	_ =	swait.ge [sflag:s14], $0x4000  }
0x2c: {  	s29 =	sadd.s32 $0x4240, s29;
	s2 =	sand.u32 $0x80, s2;
	[sflag:s14] =	ssyncset.done $0x0  }
0x2d: {  	s30 =	simm.s32 $0x0;
	v0 =	vmov s29;
	s2 =	sor.u32 $0x4100, s2;
	[sflag:s14] =	ssyncadd.s32 $0xFFFFC000  }
0x2e: {  	[tilespmem:s30], [sflag:$0x7] =	stream.indirect.gather [hbm4b:s3+s13], $0x80, s2, s13, $0x2000b8;
	[tilespmem:$0xC200] =	vst v63  }
0x2f: {  	_ =	swait.ge [sflag:s14], $0x4000  }
0x30: {  	[sflag:s14] =	ssyncset.done $0x0  }
0x31: {  	s31 =	simm.s32 $0x0;
	[sflag:s14] =	ssyncadd.s32 $0xFFFFC000  }
0x32: {  	v1 =	vld.idx.msk [tilespmem:v0+s31+$0xFFFFFFC0 ss:$0x1], $0xffff  }
0x33: {  	v2 =	vld [tilespmem:s31+$0x0];
	_ =	sdelay $0x4  }
0x34: {  	v1 =	vadd.f32 v2, v1;
	_ =	sdelay $0x1  }
0x35: {  	[tilespmem:v0+s31+$0xFFFFFFC0 ss:$0x1] =	vst.idx.msk $0xffff, v1  }
0x36: {  	v1 =	vld.idx.msk [tilespmem:v0+s31+$0xFFFFFFD0 ss:$0x1], $0xffff  }
0x37: {  	v2 =	vld [tilespmem:s31+$0x10];
	_ =	sdelay $0x4  }
0x38: {  	v1 =	vadd.f32 v2, v1;
	_ =	sdelay $0x1  }
0x39: {  	[tilespmem:v0+s31+$0xFFFFFFD0 ss:$0x1] =	vst.idx.msk $0xffff, v1  }
0x3a: {  	v1 =	vld.idx.msk [tilespmem:v0+s31+$0xFFFFFFE0 ss:$0x1], $0xffff  }
0x3b: {  	v2 =	vld [tilespmem:s31+$0x20];
	_ =	sdelay $0x4  }
0x3c: {  	v1 =	vadd.f32 v2, v1;
	_ =	sdelay $0x1  }
0x3d: {  	[tilespmem:v0+s31+$0xFFFFFFE0 ss:$0x1] =	vst.idx.msk $0xffff, v1  }
0x3e: {  	v1 =	vld.idx.msk [tilespmem:v0+s31+$0xFFFFFFF0 ss:$0x1], $0xffff  }
0x3f: {  	v2 =	vld [tilespmem:s31+$0x30];
	_ =	sdelay $0x4  }
0x40: {  	v1 =	vadd.f32 v2, v1;
	_ =	sdelay $0x1  }
0x41: {  	[tilespmem:v0+s31+$0xFFFFFFF0 ss:$0x1] =	vst.idx.msk $0xffff, v1  }
0x42: {  	v1 =	vld.idx.msk [tilespmem:v0+s31+$0x0 ss:$0x1], $0xffff  }
0x43: {  	v2 =	vld [tilespmem:s31+$0x40];
	_ =	sdelay $0x4  }
0x44: {  	v1 =	vadd.f32 v2, v1;
	_ =	sdelay $0x1  }
0x45: {  	[tilespmem:v0+s31+$0x0 ss:$0x1] =	vst.idx.msk $0xffff, v1  }
0x46: {  	v1 =	vld.idx.msk [tilespmem:v0+s31+$0x10 ss:$0x1], $0xffff  }
0x47: {  	v2 =	vld [tilespmem:s31+$0x50];
	_ =	sdelay $0x4  }
0x48: {  	v1 =	vadd.f32 v2, v1;
	_ =	sdelay $0x1  }
0x49: {  	[tilespmem:v0+s31+$0x10 ss:$0x1] =	vst.idx.msk $0xffff, v1  }
0x4a: {  	v1 =	vld.idx.msk [tilespmem:v0+s31+$0x20 ss:$0x1], $0xffff  }
0x4b: {  	v2 =	vld [tilespmem:s31+$0x60];
	_ =	sdelay $0x4  }
0x4c: {  	v1 =	vadd.f32 v2, v1;
	_ =	sdelay $0x1  }
0x4d: {  	[tilespmem:v0+s31+$0x20 ss:$0x1] =	vst.idx.msk $0xffff, v1  }
0x4e: {  	v1 =	vld.idx.msk [tilespmem:v0+s31+$0x30 ss:$0x1], $0xffff  }
0x4f: {  	v2 =	vld [tilespmem:s31+$0x70];
	_ =	sdelay $0x1  }
0x50: {  	p1 =	por !p1, p0;
	s29 =	simm.s32 $0x0  }
0x51: {  	s0 =	smov.u32 s22;
	s29 =	simm.s32 @p1 $0x1;
	s2 =	sadd.s32 @!p2 $0x1, s22  }
0x52: {  	s29 =	simm.s32 @p0 $0x0;
	s30 =	sadd.s32 s6, s25;
	s22 =	smov.u32 @p1 s2  }
0x53: {  	s2 =	simm.s32 $0x400;
	s22 =	smov.u32 @p0 s0;
	s0 =	simm.s32 $0x200;
	v1 =	vadd.f32 v2, v1  }
.LBB2_3:
0x54: {  	p1 =	sne.s32 s2, $0xFE00  }
0x55: {  	[tilespmem:v0+s31+$0x30 ss:$0x1] =	vst.idx.msk $0xffff, v1;
	s31 =	sshra.s32 s0, $0x2;
	s0 =	smov.u32 s2;
	s2 =	sadd.s32 $0x200, s2  }
0x56: {  	v1 =	vld.idx.msk [tilespmem:v0+s31+$0xFFFFFFC0 ss:$0x1], $0xffff  }
0x57: {  	v2 =	vld [tilespmem:s31+$0x0];
	_ =	sdelay $0x4  }
0x58: {  	v1 =	vadd.f32 v2, v1;
	_ =	sdelay $0x1  }
0x59: {  	[tilespmem:v0+s31+$0xFFFFFFC0 ss:$0x1] =	vst.idx.msk $0xffff, v1  }
0x5a: {  	v1 =	vld.idx.msk [tilespmem:v0+s31+$0xFFFFFFD0 ss:$0x1], $0xffff  }
0x5b: {  	v2 =	vld [tilespmem:s31+$0x10];
	_ =	sdelay $0x4  }
0x5c: {  	v1 =	vadd.f32 v2, v1;
	_ =	sdelay $0x1  }
0x5d: {  	[tilespmem:v0+s31+$0xFFFFFFD0 ss:$0x1] =	vst.idx.msk $0xffff, v1  }
0x5e: {  	v1 =	vld.idx.msk [tilespmem:v0+s31+$0xFFFFFFE0 ss:$0x1], $0xffff  }
0x5f: {  	v2 =	vld [tilespmem:s31+$0x20];
	_ =	sdelay $0x4  }
0x60: {  	v1 =	vadd.f32 v2, v1;
	_ =	sdelay $0x1  }
0x61: {  	[tilespmem:v0+s31+$0xFFFFFFE0 ss:$0x1] =	vst.idx.msk $0xffff, v1  }
0x62: {  	v1 =	vld.idx.msk [tilespmem:v0+s31+$0xFFFFFFF0 ss:$0x1], $0xffff  }
0x63: {  	v2 =	vld [tilespmem:s31+$0x30];
	_ =	sdelay $0x4  }
0x64: {  	v1 =	vadd.f32 v2, v1;
	_ =	sdelay $0x1  }
0x65: {  	[tilespmem:v0+s31+$0xFFFFFFF0 ss:$0x1] =	vst.idx.msk $0xffff, v1  }
0x66: {  	v1 =	vld.idx.msk [tilespmem:v0+s31+$0x0 ss:$0x1], $0xffff  }
0x67: {  	v2 =	vld [tilespmem:s31+$0x40];
	_ =	sdelay $0x4  }
0x68: {  	v1 =	vadd.f32 v2, v1;
	_ =	sdelay $0x1  }
0x69: {  	[tilespmem:v0+s31+$0x0 ss:$0x1] =	vst.idx.msk $0xffff, v1  }
0x6a: {  	v1 =	vld.idx.msk [tilespmem:v0+s31+$0x10 ss:$0x1], $0xffff  }
0x6b: {  	v2 =	vld [tilespmem:s31+$0x50];
	_ =	sdelay $0x4  }
0x6c: {  	v1 =	vadd.f32 v2, v1;
	_ =	sdelay $0x1  }
0x6d: {  	[tilespmem:v0+s31+$0x10 ss:$0x1] =	vst.idx.msk $0xffff, v1  }
0x6e: {  	v1 =	vld.idx.msk [tilespmem:v0+s31+$0x20 ss:$0x1], $0xffff  }
0x6f: {  	v2 =	vld [tilespmem:s31+$0x60];
	_ =	sdelay $0x4  }
0x70: {  	v1 =	vadd.f32 v2, v1;
	_ =	sdelay $0x1  }
0x71: {  	[tilespmem:v0+s31+$0x20 ss:$0x1] =	vst.idx.msk $0xffff, v1  }
0x72: {  	v1 =	vld.idx.msk [tilespmem:v0+s31+$0x30 ss:$0x1], $0xffff  }
0x73: {  	v2 =	vld [tilespmem:s31+$0x70]  }
.Ltmp0:
0x74: {  	(pc) =	sbr.rel @p1 .LBB2_3-.Ltmp0, $2  }
0x75: {  	_ =	sdelay $0x2  }
0x76: {  	v1 =	vadd.f32 v2, v1  }
0x77: {  	_ =	sdelay $0x3  }
0x78: {  	s0 =	sshra.s32 s0, $0x2;
	[tilespmem:v0+s31+$0x30 ss:$0x1] =	vst.idx.msk $0xffff, v1  }
0x79: {  	v1 =	vld.idx.msk [tilespmem:v0+s0+$0xFFFFFFC0 ss:$0x1], $0xffff  }
0x7a: {  	v2 =	vld [tilespmem:s0+$0x0];
	_ =	sdelay $0x4  }
0x7b: {  	v1 =	vadd.f32 v2, v1;
	_ =	sdelay $0x1  }
0x7c: {  	[tilespmem:v0+s0+$0xFFFFFFC0 ss:$0x1] =	vst.idx.msk $0xffff, v1  }
0x7d: {  	v1 =	vld.idx.msk [tilespmem:v0+s0+$0xFFFFFFD0 ss:$0x1], $0xffff  }
0x7e: {  	v57 =	vld [tilespmem:s0+$0x10];
	_ =	sdelay $0x4  }
0x7f: {  	v1 =	vadd.f32 v57, v1;
	_ =	sdelay $0x1  }
0x80: {  	[tilespmem:v0+s0+$0xFFFFFFD0 ss:$0x1] =	vst.idx.msk $0xffff, v1  }
0x81: {  	v1 =	vld.idx.msk [tilespmem:v0+s0+$0xFFFFFFE0 ss:$0x1], $0xffff  }
0x82: {  	v58 =	vld [tilespmem:s0+$0x20];
	_ =	sdelay $0x4  }
0x83: {  	v1 =	vadd.f32 v58, v1;
	_ =	sdelay $0x1  }
0x84: {  	[tilespmem:v0+s0+$0xFFFFFFE0 ss:$0x1] =	vst.idx.msk $0xffff, v1  }
0x85: {  	v1 =	vld.idx.msk [tilespmem:v0+s0+$0xFFFFFFF0 ss:$0x1], $0xffff  }
0x86: {  	v59 =	vld [tilespmem:s0+$0x30];
	_ =	sdelay $0x4  }
0x87: {  	v1 =	vadd.f32 v59, v1;
	_ =	sdelay $0x1  }
0x88: {  	[tilespmem:v0+s0+$0xFFFFFFF0 ss:$0x1] =	vst.idx.msk $0xffff, v1  }
0x89: {  	v1 =	vld.idx.msk [tilespmem:v0+s0+$0x0 ss:$0x1], $0xffff  }
0x8a: {  	v60 =	vld [tilespmem:s0+$0x40];
	_ =	sdelay $0x4  }
0x8b: {  	v1 =	vadd.f32 v60, v1;
	_ =	sdelay $0x1  }
0x8c: {  	[tilespmem:v0+s0+$0x0 ss:$0x1] =	vst.idx.msk $0xffff, v1  }
0x8d: {  	v1 =	vld.idx.msk [tilespmem:v0+s0+$0x10 ss:$0x1], $0xffff  }
0x8e: {  	v61 =	vld [tilespmem:s0+$0x50];
	_ =	sdelay $0x4  }
0x8f: {  	v1 =	vadd.f32 v61, v1;
	_ =	sdelay $0x1  }
0x90: {  	[tilespmem:v0+s0+$0x10 ss:$0x1] =	vst.idx.msk $0xffff, v1  }
0x91: {  	v1 =	vld.idx.msk [tilespmem:v0+s0+$0x20 ss:$0x1], $0xffff  }
0x92: {  	v62 =	vld [tilespmem:s0+$0x60];
	_ =	sdelay $0x4  }
0x93: {  	v1 =	vadd.f32 v62, v1;
	_ =	sdelay $0x1  }
0x94: {  	[tilespmem:v0+s0+$0x20 ss:$0x1] =	vst.idx.msk $0xffff, v1  }
0x95: {  	v1 =	vld.idx.msk [tilespmem:v0+s0+$0x30 ss:$0x1], $0xffff  }
0x96: {  	v63 =	vld [tilespmem:s0+$0x70];
	_ =	sdelay $0x4  }
0x97: {  	p1 =	sne.s32 s25, s24;
	v1 =	vadd.f32 v63, v1  }
0x98: {  	p0 =	por p0, p1  }
0x99: {  	p1 =	seq.s32 s23, $0x0;
	[tilespmem:v0+s0+$0x30 ss:$0x1] =	vst.idx.msk $0xffff, v1;
	s0 =	sshll.u32 @p0 s30, $0xB  }
0x9a: {  	s2 =	sadd.s32 @p0 $0x5, s26;
	_ =	strace $0x90000056;
	s0 =	sand.u32 @p0 $0x1FFFF800, s0  }
0x9b: {  	s25 =	simm.s32 @p0 $0x0;
	_ =	strace @p0 $0x80000057;
	s0 =	sadd.s32 @p0 s5, s0  }
0x9c: {  	[hbm4b:s0+s25] =	stream.linear.scatter @p0 [tilespmem:s28], [sflag:s2], $0x4000, $0x200038;
	[tilespmem:$0xC200] =	vst v63  }
0x9d: {  	s0 =	sand.u32 @!p1 $0x1, s17;
	_ =	strace @p0 $0x90000057  }
0x9e: {  	s0 =	sadd.s32 @!p1 $0x5, s0;
	_ =	strace @!p1 $0x80000058  }
0x9f: {  	s2 =	simm.s32 $0x1;
	_ =	swait.ge @!p1 [sflag:s0], $0x4000  }
0xa0: {  	s2 =	simm.s32 @!p0 $0x0;
	p0 =	sne.s32 s23, $0x0;
	[sflag:s0] =	ssyncset.done @!p1 $0x0  }
0xa1: {  	s23 =	sadd.s32 $0x1, s23;
	[sflag:s0] =	ssyncadd.s32 @!p1 $0xFFFFC000;
	s0 =	simm.s32 $0x1  }
0xa2: {  	s0 =	simm.s32 @!p0 $0x0;
	p0 =	sne.s32 s23, $0x4  }
.Ltmp1:
0xa3: {  	_ = 	snop;
	(pc) =	sbr.rel @p0 .LBB2_2-.Ltmp1, $4  }
0xa4: {  	_ = 	snop  }
0xa5: {  	s20 =	sadd.s32 s20, s29  }
0xa6: {  	s25 =	smov.u32 s24;
	s18 =	sadd.s32 s2, s18;
	s21 =	sadd.s32 s2, s21  }
0xa7: {  	s19 =	sadd.s32 s2, s19;
	_ =	strace @!p1 $0x90000058;
	s17 =	sadd.s32 s0, s17  }
0xa8: {  	s16 =	sadd.s32 $0x1, s16  }
0xa9: {  	p0 =	sne.s32 s16, s10  }
.Ltmp2:
0xaa: {  	_ =	strace $0x80000059;
	(pc) =	sbr.rel @p0 .LBB2_1-.Ltmp2, $4  }
0xab: {  	_ =	swait.ge [sflag:s15], $0x4000  }
0xac: {  	[sflag:s15] =	ssyncset.done $0x0  }
0xad: {  	[sflag:s15] =	ssyncadd.s32 $0xFFFFC000  }
0xae: {  	_ =	strace $0x90000059  }
0xaf: {  	_ =	sfence.sel $0x180000  }
0xb0: {  	[bflag:$0x0] =	sbarrier.arrive $0xFFFF  }
0xb1: {  	_ =	strace $0x90000050  }
0xb2: {  	s0 =	stileid.u32;
	[bflag:$0x2] =	sbarrier.arrive $0xFFFF  }
0xb3: {  	p0 =	sne.s32 s0, $0x0;
	s0 =	rddreg [dreg:$0x1]  }
0xb4: {  	s0 =	sadd.s32 @!p0 $0x100000, s0  }
0xb5: {  	[sflag:s0] =	ssyncadd.tile.s32 @!p0 $0x1;
	_ =	shalt  }
.Lfunc_end2:
_tile_overlayer_lowered:
.L_overlay_start_2:
0xb6: {  	(tag) =	ssettag $0x2  }
0xb7: {  	s0 =	rddreg [dreg:$0x0];
	s2 =	stileid.u32  }
0xb8: {  	s1 =	rddreg [dreg:$0x1];
	p0 =	sne.s32 s2, $0x0  }
0xb9: {  	s3 =	rddreg [dreg:$0x2];
	[bflag:$0x3] =	sbarrier.arrive $0xFFFF;
	s2 =	simm.s32 @!p0 $0x1C01  }
0xba: {  	[timem:s3], [sflag:s2] =	dma.local @!p0 [hbm:s0], s1  }
0xbb: {  	s0 =	simm.s32 @!p0 $0x1  }
0xbc: {  	_ =	swait.ge @!p0 [sflag:s0], s1  }
0xbd: {  	s1 =	ssub.s32 @!p0 $0x0, s1;
	[sflag:s0] =	ssyncset.done @!p0 $0x0  }
0xbe: {  	[sflag:s0] =	ssyncadd.s32 @!p0 s1  }
0xbf: {  	[bflag:$0x3] =	sbarrier.arrive $0xFFFF  }
0xc0: {  	_ =	shalt  }

</sc_bundles>
